<compile_context>
chip_gen: v7x
topology: tpu7x:2x2x1
jax: 0.10.2.dev20260603
libtpu: 0.0.44.dev20260713+nightly
codegen_flags: <defaults>
</compile_context>

<pallas_src>
import jax
import jax.numpy as jnp
from jax import lax
from jax.experimental import pallas as pl
from jax.experimental.pallas import tpu as pltpu
from jax.experimental.pallas import tpu_sc as plsc

N = 160000
D = 256
YD = 128
L = 1024

K = 2
NC = N // K

B1 = 3200
NB1C = NC // B1
G = B1 // 128

NW = 32
T = 128
NTC = NC // T
BASE_Q, BASE_R = NTC // NW, NTC % NW
CW = 16
YROWS = 1152


def _stage1(x_ref, lab2_ref, lns_ref, lnb_ref, w1_ref, b1_ref, cumin_ref,
            a_ref, base_ref, cumout_ref, cum_ref):
    i = pl.program_id(0)

    @pl.when(i == 0)
    def _init():
        cum_ref[0] = cumin_ref[0, 0]

    x = x_ref[...]
    mu = jnp.mean(x, axis=1, keepdims=True)
    var = jnp.mean((x - mu) * (x - mu), axis=1, keepdims=True)
    xn = (x - mu) * lax.rsqrt(var + 1e-5)
    xn = xn * lns_ref[...] + lnb_ref[...]
    g = jax.nn.sigmoid(lax.dot(xn, w1_ref[...],
                               preferred_element_type=jnp.float32)
                       + b1_ref[...])
    a_ref[...] = g * xn

    msk = lab2_ref[0]
    gs = jnp.sum(msk, axis=1, keepdims=True).astype(jnp.float32)
    rio = lax.broadcasted_iota(jnp.int32, (G, G), 0)
    cio = lax.broadcasted_iota(jnp.int32, (G, G), 1)
    tri = (cio < rio).astype(jnp.float32)
    excl = lax.dot(tri, gs, preferred_element_type=jnp.float32)
    cum = cum_ref[0]
    base_ref[...] = (cum + excl.astype(jnp.int32)).reshape(1, G, 1)
    cum_ref[0] = cum + jnp.sum(msk)

    @pl.when(i == NB1C - 1)
    def _fin():
        cumout_ref[...] = cum_ref[0] * jnp.ones((1, 1), jnp.int32)


def _gather16(v, idx):
    return lax.gather(
        v, idx.reshape(16, 1),
        dimension_numbers=lax.GatherDimensionNumbers(
            offset_dims=(), collapsed_slice_dims=(0,), start_index_map=(0,)),
        slice_sizes=(1,),
        mode=lax.GatherScatterMode.PROMISE_IN_BOUNDS)


def _make_stage2(roff):
    def _stage2(zacc_hbm, zcnt_hbm, ones_hbm, a_hbm, lab_hbm, lab2_hbm,
                y_hbm, base_hbm,
                acc1_out, acc2_out, yacc_out, cnt_out,
                a1_t, a2_t, y_t, lab_t, lab2_t, seg_t, seg2_t, yidx_t, bvec,
                ones_t, acc1_sh, acc2_sh, yacc_sh, cnt_sh,
                sem_a, sem_a2, sem_y, sem_l, sem_l2, sem_b,
                sem_s1, sem_s2, sem_s3, sem_s4):
        cid = lax.axis_index("c")
        sid = lax.axis_index("s")
        wid = cid * 16 + sid

        pltpu.sync_copy(zacc_hbm.at[pl.ds(sid * 128, 128), :],
                        acc1_sh.at[pl.ds(sid * 128, 128), :])
        pltpu.sync_copy(zacc_hbm.at[pl.ds(sid * 128, 128), :],
                        acc2_sh.at[pl.ds(sid * 128, 128), :])
        pltpu.sync_copy(zacc_hbm.at[pl.ds(sid * 72, 72), :],
                        yacc_sh.at[pl.ds(sid * 72, 72), :])
        pltpu.sync_copy(zcnt_hbm.at[pl.ds(sid * 128, 128), :],
                        cnt_sh.at[pl.ds(sid * 128, 128), :])
        pltpu.sync_copy(ones_hbm, ones_t)

        extra = jnp.minimum(wid, BASE_R)
        tile0 = BASE_Q * wid + extra
        nt = BASE_Q + (wid < BASE_R).astype(jnp.int32)

        bidx = tile0
        aligned = pl.multiple_of(bidx - lax.rem(bidx, 8), 8)
        pltpu.async_copy(base_hbm.at[pl.ds(aligned, 16)], bvec, sem_b).wait()
        idxv = jnp.full((16,), bidx - aligned, jnp.int32)
        cum0v = _gather16(bvec[...], idxv)

        plsc.subcore_barrier()

        iota16 = lax.broadcasted_iota(jnp.int32, (16,), 0)
        lane15 = jnp.full((16,), 15, jnp.int32)

        def tile_body(t, cumv):
            row0 = pl.multiple_of((tile0 + t) * T, T)
            cp_a = pltpu.async_copy(a_hbm.at[pl.ds(row0, T), pl.ds(0, 128)],
                                    a1_t, sem_a)
            cp_a2 = pltpu.async_copy(a_hbm.at[pl.ds(row0, T),
                                              pl.ds(128, 128)],
                                     a2_t, sem_a2)
            grow0 = pl.multiple_of(row0 + roff, T)
            cp_l = pltpu.async_copy(lab_hbm.at[pl.ds(grow0, T)], lab_t,
                                    sem_l)
            cp_l2 = pltpu.async_copy(lab2_hbm.at[pl.ds(grow0, T)], lab2_t,
                                     sem_l2)
            cp_l.wait()
            cp_l2.wait()
            posv = jnp.zeros((16,), jnp.int32)
            for k in range(T // 16):
                sl = pl.ds(k * 16, 16)
                lv = lab_t[sl]
                l2v = lab2_t[sl]
                seg_t[sl] = lv + l2v * L
                seg2_t[sl] = lv * l2v + (1 - l2v) * L
                inc = l2v
                for s in (1, 2, 4, 8):
                    shifted = _gather16(inc, jnp.maximum(iota16 - s, 0))
                    valid = jnp.minimum(jnp.maximum(iota16 - (s - 1), 0), 1)
                    inc = inc + shifted * valid
                rnk = cumv + posv + inc - l2v
                yidx_t[sl] = rnk * l2v + (1 - l2v) * N
                posv = posv + _gather16(inc, lane15)
            cp_y = pltpu.async_copy(
                y_hbm.at[plsc.Indices(yidx_t, ignored_value=N)], y_t, sem_y)
            cp_a.wait()
            s1 = pltpu.async_copy(a1_t, acc1_sh.at[seg_t], sem_s1,
                                  add=True)
            cp_a2.wait()
            s2 = pltpu.async_copy(a2_t, acc2_sh.at[seg_t], sem_s2,
                                  add=True)
            s3 = pltpu.async_copy(ones_t, cnt_sh.at[seg_t], sem_s3,
                                  add=True)
            cp_y.wait()
            s4 = pltpu.async_copy(
                y_t, yacc_sh.at[plsc.Indices(seg2_t, ignored_value=L)],
                sem_s4, add=True)
            s1.wait()
            s2.wait()
            s3.wait()
            s4.wait()
            return cumv + posv

        lax.fori_loop(0, nt, tile_body, cum0v)

        plsc.subcore_barrier()
        pltpu.sync_copy(acc1_sh.at[pl.ds(sid * 128, 128), :],
                        acc1_out.at[cid, pl.ds(sid * 128, 128), :])
        pltpu.sync_copy(acc2_sh.at[pl.ds(sid * 128, 128), :],
                        acc2_out.at[cid, pl.ds(sid * 128, 128), :])
        pltpu.sync_copy(yacc_sh.at[pl.ds(sid * 72, 72), :],
                        yacc_out.at[cid, pl.ds(sid * 72, 72), :])
        pltpu.sync_copy(cnt_sh.at[pl.ds(sid * 128, 128), :],
                        cnt_out.at[cid, pl.ds(sid * 128, 128), :])

    return _stage2


def _stage3(acc1a_ref, acc1b_ref, acc2a_ref, acc2b_ref, yacca_ref, yaccb_ref,
            cnta_ref, cntb_ref, w2_ref, b2_ref, out_ref):
    acc1 = (acc1a_ref[:2 * L, :] + acc1a_ref[2 * L:, :]
            + acc1b_ref[:2 * L, :] + acc1b_ref[2 * L:, :])
    acc2 = (acc2a_ref[:2 * L, :] + acc2a_ref[2 * L:, :]
            + acc2b_ref[:2 * L, :] + acc2b_ref[2 * L:, :])
    cnt = (cnta_ref[:2 * L, :1] + cnta_ref[2 * L:, :1]
           + cntb_ref[:2 * L, :1] + cntb_ref[2 * L:, :1])
    c0 = cnt[:L, :]
    c1 = cnt[L:, :]
    diff1 = acc1[L:, :] / c1 - acc1[:L, :] / c0
    diff2 = acc2[L:, :] / c1 - acc2[:L, :] / c0
    logits = (lax.dot(diff1, w2_ref[:128, :],
                      preferred_element_type=jnp.float32)
              + lax.dot(diff2, w2_ref[128:, :],
                        preferred_element_type=jnp.float32) + b2_ref[...])
    mx = jnp.max(logits, axis=1, keepdims=True)
    e = jnp.exp(logits - mx)
    pred = e / jnp.sum(e, axis=1, keepdims=True)
    lse = jnp.log(jnp.sum(jnp.exp(pred), axis=1, keepdims=True))
    logp = pred - lse
    ymean = (yacca_ref[:L, :] + yacca_ref[YROWS:YROWS + L, :]
             + yaccb_ref[:L, :] + yaccb_ref[YROWS:YROWS + L, :]) / c1
    out_ref[...] = (-jnp.sum(ymean * logp) / L) * jnp.ones((1, 1),
                                                           jnp.float32)


@jax.jit
def kernel(x, labels, labels2, y, ln_scale, ln_bias, W1, b1, W2, b2):
    lab = labels.astype(jnp.int32)
    lab2 = labels2.astype(jnp.int32)
    lab2_3d = lab2.reshape(K * NB1C, G, 128)

    zacc = jnp.zeros((2 * L, 128), jnp.float32)
    zcnt = jnp.zeros((2 * L, CW), jnp.float32)
    onesr = jnp.ones((T, CW), jnp.float32)

    def stage1(c, cum_in):
        return pl.pallas_call(
            _stage1,
            grid=(NB1C,),
            in_specs=[
                pl.BlockSpec((B1, D), lambda i, c=c: (i + c * NB1C, 0)),
                pl.BlockSpec((1, G, 128),
                             lambda i, c=c: (i + c * NB1C, 0, 0)),
                pl.BlockSpec((1, D), lambda i: (0, 0)),
                pl.BlockSpec((1, D), lambda i: (0, 0)),
                pl.BlockSpec((D, 1), lambda i: (0, 0)),
                pl.BlockSpec((1, 1), lambda i: (0, 0)),
                pl.BlockSpec((1, 1), lambda i: (0, 0)),
            ],
            out_specs=[
                pl.BlockSpec((B1, D), lambda i: (i, 0)),
                pl.BlockSpec((1, G, 1), lambda i: (i, 0, 0)),
                pl.BlockSpec((1, 1), lambda i: (0, 0)),
            ],
            out_shape=[
                jax.ShapeDtypeStruct((NC, D), jnp.float32),
                jax.ShapeDtypeStruct((NB1C, G, 1), jnp.int32),
                jax.ShapeDtypeStruct((1, 1), jnp.int32),
            ],
            scratch_shapes=[pltpu.SMEM((1,), jnp.int32)],
        )(x, lab2_3d, ln_scale.reshape(1, D), ln_bias.reshape(1, D), W1,
          b1.reshape(1, 1), cum_in)

    def stage2(c, a_c, base_c):
        base_pad = jnp.concatenate(
            [base_c.reshape(NTC), jnp.zeros(16, jnp.int32)])
        f = pl.kernel(
            _make_stage2(c * NC),
            out_type=[
                jax.ShapeDtypeStruct((2, 2 * L, 128), jnp.float32),
                jax.ShapeDtypeStruct((2, 2 * L, 128), jnp.float32),
                jax.ShapeDtypeStruct((2, YROWS, YD), jnp.float32),
                jax.ShapeDtypeStruct((2, 2 * L, CW), jnp.float32),
            ],
            mesh=plsc.VectorSubcoreMesh(core_axis_name="c",
                                        subcore_axis_name="s"),
            scratch_types=[
                pltpu.VMEM((T, 128), jnp.float32),
                pltpu.VMEM((T, 128), jnp.float32),
                pltpu.VMEM((T, YD), jnp.float32),
                pltpu.VMEM((T,), jnp.int32),
                pltpu.VMEM((T,), jnp.int32),
                pltpu.VMEM((T,), jnp.int32),
                pltpu.VMEM((T,), jnp.int32),
                pltpu.VMEM((T,), jnp.int32),
                pltpu.VMEM((16,), jnp.int32),
                pltpu.VMEM((T, CW), jnp.float32),
                pltpu.VMEM_SHARED((2 * L, 128), jnp.float32),
                pltpu.VMEM_SHARED((2 * L, 128), jnp.float32),
                pltpu.VMEM_SHARED((YROWS, YD), jnp.float32),
                pltpu.VMEM_SHARED((2 * L, CW), jnp.float32),
                pltpu.SemaphoreType.DMA,
                pltpu.SemaphoreType.DMA,
                pltpu.SemaphoreType.DMA,
                pltpu.SemaphoreType.DMA,
                pltpu.SemaphoreType.DMA,
                pltpu.SemaphoreType.DMA,
                pltpu.SemaphoreType.DMA,
                pltpu.SemaphoreType.DMA,
                pltpu.SemaphoreType.DMA,
                pltpu.SemaphoreType.DMA,
            ],
        )
        return f(zacc, zcnt, onesr, a_c, lab, lab2, y, base_pad)

    a0, base0, cum1 = stage1(0, jnp.zeros((1, 1), jnp.int32))
    a1, base1, _ = stage1(1, cum1)
    acc1a, acc2a, yacca, cnta = stage2(0, a0, base0)
    acc1b, acc2b, yaccb, cntb = stage2(1, a1, base1)

    out = pl.pallas_call(
        _stage3,
        in_specs=[
            pl.BlockSpec((4 * L, 128), lambda: (0, 0)),
            pl.BlockSpec((4 * L, 128), lambda: (0, 0)),
            pl.BlockSpec((4 * L, 128), lambda: (0, 0)),
            pl.BlockSpec((4 * L, 128), lambda: (0, 0)),
            pl.BlockSpec((2 * YROWS, YD), lambda: (0, 0)),
            pl.BlockSpec((2 * YROWS, YD), lambda: (0, 0)),
            pl.BlockSpec((4 * L, CW), lambda: (0, 0)),
            pl.BlockSpec((4 * L, CW), lambda: (0, 0)),
            pl.BlockSpec((D, YD), lambda: (0, 0)),
            pl.BlockSpec((1, YD), lambda: (0, 0)),
        ],
        out_specs=pl.BlockSpec((1, 1), lambda: (0, 0)),
        out_shape=jax.ShapeDtypeStruct((1, 1), jnp.float32),
    )(acc1a.reshape(4 * L, 128), acc1b.reshape(4 * L, 128),
      acc2a.reshape(4 * L, 128), acc2b.reshape(4 * L, 128),
      yacca.reshape(2 * YROWS, YD), yaccb.reshape(2 * YROWS, YD),
      cnta.reshape(4 * L, CW), cntb.reshape(4 * L, CW), W2,
      b2.reshape(1, YD))
    return out[0, 0]

# --- scband reference (transcript-rebuilt; emitter-appended) ---
"""Pipeline reference for scband-contrast-linear-probing-54820962566694 (READ-ONLY COPY).

The authoritative reference and input builder live on the scoring server;
editing this copy changes nothing except your own understanding.
"""

import jax, jax.numpy as jnp
import numpy as np

N = 160000
INPUT_DIM = 256
Y_DIM = 128
NUM_LABELS = 1024


def setup_inputs(seed: int = 0) -> dict:
    key = jax.random.key(seed)
    ks = jax.random.split(key, 8)
    x = jax.random.normal(ks[0], (N, INPUT_DIM), dtype=jnp.float32)
    labels = jax.random.randint(ks[1], (N,), 0, NUM_LABELS)
    labels2 = jax.random.randint(ks[2], (N,), 0, 2)
    y = jax.random.uniform(ks[3], (N, Y_DIM), dtype=jnp.float32)
    ln_scale = jnp.ones((INPUT_DIM,), dtype=jnp.float32)
    ln_bias = jnp.zeros((INPUT_DIM,), dtype=jnp.float32)
    W1 = jax.random.normal(ks[4], (INPUT_DIM, 1), dtype=jnp.float32) / np.sqrt(INPUT_DIM)
    b1 = jnp.zeros((1,), dtype=jnp.float32)
    W2 = jax.random.normal(ks[5], (INPUT_DIM, Y_DIM), dtype=jnp.float32) / np.sqrt(INPUT_DIM)
    b2 = jnp.zeros((Y_DIM,), dtype=jnp.float32)
    return {"x": x, "labels": labels, "labels2": labels2, "y": y,
            "ln_scale": ln_scale, "ln_bias": ln_bias,
            "W1": W1, "b1": b1, "W2": W2, "b2": b2}


def reference(x, labels, labels2, y, ln_scale, ln_bias, W1, b1, W2, b2):
    # LayerNorm (use_norm='layer')
    mu = jnp.mean(x, axis=1, keepdims=True)
    var = jnp.var(x, axis=1, keepdims=True)
    xn = (x - mu) / jnp.sqrt(var + 1e-5) * ln_scale + ln_bias
    # gated features: sigmoid(linear(x)) * x
    a = jax.nn.sigmoid(xn @ W1 + b1) * xn
    ress = []
    y_ = None
    for val in (0, 1):
        mask = labels2 == val
        maski = mask.astype(jnp.int32)
        seg = jnp.where(mask, labels, NUM_LABELS)
        counts = jax.ops.segment_sum(mask.astype(jnp.float32), seg,
                                     num_segments=NUM_LABELS + 1)[:NUM_LABELS]
        res = jax.ops.segment_sum(a, seg, num_segments=NUM_LABELS + 1)[:NUM_LABELS]
        res = res / counts[:, None]
        ress.append(res)
        # torch scatter_add_ with src y uses the first len(idx) rows of y
        rank = jnp.cumsum(maski) - maski
        y_ = jax.ops.segment_sum(y[rank], seg, num_segments=NUM_LABELS + 1)[:NUM_LABELS]
        y_ = y_ / counts[:, None]
    logits = (ress[1] - ress[0]) @ W2 + b2
    prediction_diff = jax.nn.softmax(logits, axis=1)
    # nn.CrossEntropyLoss with probability targets: -mean(sum(target * log_softmax(input)))
    logp = jax.nn.log_softmax(prediction_diff, axis=1)
    loss = -jnp.mean(jnp.sum(y_ * logp, axis=1))
    return loss

if __name__ == "__main__":
    import jax
    _d = setup_inputs()
    print(jax.jit(kernel)(*tuple(_d.values())))

</pallas_src>

<mosaic_0001>
#map = affine_map<(d0, d1) -> (0, 0)>
#map1 = affine_map<(d0, d1) -> (0)>
#map2 = affine_map<(d0, d1) -> (0, 0, 0)>
module attributes {stable_mosaic.version = 14 : i64} {
  func.func @_stage2(%arg0: i32, %arg1: i32, %arg2: memref<2048x128xf32, #tpu.memory_space<hbm>>, %arg3: memref<2048x16xf32, #tpu.memory_space<hbm>>, %arg4: memref<128x16xf32, #tpu.memory_space<hbm>>, %arg5: memref<80000x256xf32, #tpu.memory_space<hbm>>, %arg6: memref<160000xi32, #tpu.memory_space<hbm>>, %arg7: memref<160000xi32, #tpu.memory_space<hbm>>, %arg8: memref<160000x128xf32, #tpu.memory_space<hbm>>, %arg9: memref<641xi32, #tpu.memory_space<hbm>>, %arg10: memref<2x2048x128xf32, #tpu.memory_space<hbm>>, %arg11: memref<2x2048x128xf32, #tpu.memory_space<hbm>>, %arg12: memref<2x1152x128xf32, #tpu.memory_space<hbm>>, %arg13: memref<2x2048x16xf32, #tpu.memory_space<hbm>>, %arg14: memref<128x128xf32, #tpu.memory_space<vmem>>, %arg15: memref<128x128xf32, #tpu.memory_space<vmem>>, %arg16: memref<128x128xf32, #tpu.memory_space<vmem>>, %arg17: memref<128xi32, #tpu.memory_space<vmem>>, %arg18: memref<128xi32, #tpu.memory_space<vmem>>, %arg19: memref<128xi32, #tpu.memory_space<vmem>>, %arg20: memref<128xi32, #tpu.memory_space<vmem>>, %arg21: memref<128xi32, #tpu.memory_space<vmem>>, %arg22: memref<16xi32, #tpu.memory_space<vmem>>, %arg23: memref<128x16xf32, #tpu.memory_space<vmem>>, %arg24: memref<2048x128xf32, #tpu.memory_space<vmem_shared>>, %arg25: memref<2048x128xf32, #tpu.memory_space<vmem_shared>>, %arg26: memref<1152x128xf32, #tpu.memory_space<vmem_shared>>, %arg27: memref<2048x16xf32, #tpu.memory_space<vmem_shared>>, %arg28: memref<!tpu.dma_semaphore, #tpu.memory_space<semaphore_mem>>, %arg29: memref<!tpu.dma_semaphore, #tpu.memory_space<semaphore_mem>>, %arg30: memref<!tpu.dma_semaphore, #tpu.memory_space<semaphore_mem>>, %arg31: memref<!tpu.dma_semaphore, #tpu.memory_space<semaphore_mem>>, %arg32: memref<!tpu.dma_semaphore, #tpu.memory_space<semaphore_mem>>, %arg33: memref<!tpu.dma_semaphore, #tpu.memory_space<semaphore_mem>>, %arg34: memref<!tpu.dma_semaphore, #tpu.memory_space<semaphore_mem>>, %arg35: memref<!tpu.dma_semaphore, #tpu.memory_space<semaphore_mem>>, %arg36: memref<!tpu.dma_semaphore, #tpu.memory_space<semaphore_mem>>, %arg37: memref<!tpu.dma_semaphore, #tpu.memory_space<semaphore_mem>>) attributes {dimension_semantics = [#tpu.dimension_semantics<core_parallel>, #tpu.dimension_semantics<subcore_parallel>], iteration_bounds = array<i64: 2, 16>, scalar_prefetch = 0 : i64, scratch_operands = 24 : i64, tpu.core_type = #tpu.core_type<sc_vector_subcore>, window_params = [{transform_indices = #map}, {transform_indices = #map}, {transform_indices = #map}, {transform_indices = #map}, {transform_indices = #map1}, {transform_indices = #map1}, {transform_indices = #map}, {transform_indices = #map1}, {transform_indices = #map2}, {transform_indices = #map2}, {transform_indices = #map2}, {transform_indices = #map2}]} {
    %mul3A = arith.constant 16 : i32
    %mul3A_0 = arith.muli %arg0, %mul3A : i32
    %add3A = arith.addi %mul3A_0, %arg1 : i32
    %mul3A_1 = arith.constant 128 : i32
    %mul3A_2 = arith.muli %arg1, %mul3A_1 : i32
    %mul3A_3 = arith.constant 128 : i32
    %mul3A_4 = arith.muli %arg1, %mul3A_3 : i32
    "tpu.region"() ({
      %run_scoped3A = tpu.sem_alloc : memref<!tpu.dma_semaphore, #tpu.memory_space<semaphore_mem>>
      %dma_start3A_60 = arith.constant 0 : i32
      %dma_start3A_61 = tpu.memref_slice %arg24[%mul3A_4, %dma_start3A_60] : memref<2048x128xf32, #tpu.memory_space<vmem_shared>> -> memref<128x128xf32, #tpu.memory_space<vmem_shared>>
      %dma_start3A_62 = arith.constant 0 : i32
      %dma_start3A_63 = tpu.memref_slice %arg2[%mul3A_2, %dma_start3A_62] : memref<2048x128xf32, #tpu.memory_space<hbm>> -> memref<128x128xf32, #tpu.memory_space<hbm>>
      tpu.enqueue_dma source(%dma_start3A_63 : memref<128x128xf32, #tpu.memory_space<hbm>>) target(%dma_start3A_61 : memref<128x128xf32, #tpu.memory_space<vmem_shared>>) target_semaphore(%run_scoped3A : memref<!tpu.dma_semaphore, #tpu.memory_space<semaphore_mem>>)
      %dma_wait3A_64 = arith.constant 0 : i32
      %dma_wait3A_65 = tpu.memref_slice %arg24[%mul3A_4, %dma_wait3A_64] : memref<2048x128xf32, #tpu.memory_space<vmem_shared>> -> memref<128x128xf32, #tpu.memory_space<vmem_shared>>
      %dma_wait3A_66 = arith.constant 0 : i32
      %dma_wait3A_67 = tpu.memref_slice %arg2[%mul3A_2, %dma_wait3A_66] : memref<2048x128xf32, #tpu.memory_space<hbm>> -> memref<128x128xf32, #tpu.memory_space<hbm>>
      tpu.wait_dma2 semaphore(%run_scoped3A : memref<!tpu.dma_semaphore, #tpu.memory_space<semaphore_mem>>) src(%dma_wait3A_67 : memref<128x128xf32, #tpu.memory_space<hbm>>) dst(%dma_wait3A_65 : memref<128x128xf32, #tpu.memory_space<vmem_shared>>)
      tpu.yield
    }) : () -> ()
    %mul3A_5 = arith.constant 128 : i32
    %mul3A_6 = arith.muli %arg1, %mul3A_5 : i32
    %mul3A_7 = arith.constant 128 : i32
    %mul3A_8 = arith.muli %arg1, %mul3A_7 : i32
    "tpu.region"() ({
      %run_scoped3A = tpu.sem_alloc : memref<!tpu.dma_semaphore, #tpu.memory_space<semaphore_mem>>
      %dma_start3A_60 = arith.constant 0 : i32
      %dma_start3A_61 = tpu.memref_slice %arg25[%mul3A_8, %dma_start3A_60] : memref<2048x128xf32, #tpu.memory_space<vmem_shared>> -> memref<128x128xf32, #tpu.memory_space<vmem_shared>>
      %dma_start3A_62 = arith.constant 0 : i32
      %dma_start3A_63 = tpu.memref_slice %arg2[%mul3A_6, %dma_start3A_62] : memref<2048x128xf32, #tpu.memory_space<hbm>> -> memref<128x128xf32, #tpu.memory_space<hbm>>
      tpu.enqueue_dma source(%dma_start3A_63 : memref<128x128xf32, #tpu.memory_space<hbm>>) target(%dma_start3A_61 : memref<128x128xf32, #tpu.memory_space<vmem_shared>>) target_semaphore(%run_scoped3A : memref<!tpu.dma_semaphore, #tpu.memory_space<semaphore_mem>>)
      %dma_wait3A_64 = arith.constant 0 : i32
      %dma_wait3A_65 = tpu.memref_slice %arg25[%mul3A_8, %dma_wait3A_64] : memref<2048x128xf32, #tpu.memory_space<vmem_shared>> -> memref<128x128xf32, #tpu.memory_space<vmem_shared>>
      %dma_wait3A_66 = arith.constant 0 : i32
      %dma_wait3A_67 = tpu.memref_slice %arg2[%mul3A_6, %dma_wait3A_66] : memref<2048x128xf32, #tpu.memory_space<hbm>> -> memref<128x128xf32, #tpu.memory_space<hbm>>
      tpu.wait_dma2 semaphore(%run_scoped3A : memref<!tpu.dma_semaphore, #tpu.memory_space<semaphore_mem>>) src(%dma_wait3A_67 : memref<128x128xf32, #tpu.memory_space<hbm>>) dst(%dma_wait3A_65 : memref<128x128xf32, #tpu.memory_space<vmem_shared>>)
      tpu.yield
    }) : () -> ()
    %mul3A_9 = arith.constant 72 : i32
    %mul3A_10 = arith.muli %arg1, %mul3A_9 : i32
    %mul3A_11 = arith.constant 72 : i32
    %mul3A_12 = arith.muli %arg1, %mul3A_11 : i32
    "tpu.region"() ({
      %run_scoped3A = tpu.sem_alloc : memref<!tpu.dma_semaphore, #tpu.memory_space<semaphore_mem>>
      %dma_start3A_60 = arith.constant 0 : i32
      %dma_start3A_61 = tpu.memref_slice %arg26[%mul3A_12, %dma_start3A_60] : memref<1152x128xf32, #tpu.memory_space<vmem_shared>> -> memref<72x128xf32, #tpu.memory_space<vmem_shared>>
      %dma_start3A_62 = arith.constant 0 : i32
      %dma_start3A_63 = tpu.memref_slice %arg2[%mul3A_10, %dma_start3A_62] : memref<2048x128xf32, #tpu.memory_space<hbm>> -> memref<72x128xf32, #tpu.memory_space<hbm>>
      tpu.enqueue_dma source(%dma_start3A_63 : memref<72x128xf32, #tpu.memory_space<hbm>>) target(%dma_start3A_61 : memref<72x128xf32, #tpu.memory_space<vmem_shared>>) target_semaphore(%run_scoped3A : memref<!tpu.dma_semaphore, #tpu.memory_space<semaphore_mem>>)
      %dma_wait3A_64 = arith.constant 0 : i32
      %dma_wait3A_65 = tpu.memref_slice %arg26[%mul3A_12, %dma_wait3A_64] : memref<1152x128xf32, #tpu.memory_space<vmem_shared>> -> memref<72x128xf32, #tpu.memory_space<vmem_shared>>
      %dma_wait3A_66 = arith.constant 0 : i32
      %dma_wait3A_67 = tpu.memref_slice %arg2[%mul3A_10, %dma_wait3A_66] : memref<2048x128xf32, #tpu.memory_space<hbm>> -> memref<72x128xf32, #tpu.memory_space<hbm>>
      tpu.wait_dma2 semaphore(%run_scoped3A : memref<!tpu.dma_semaphore, #tpu.memory_space<semaphore_mem>>) src(%dma_wait3A_67 : memref<72x128xf32, #tpu.memory_space<hbm>>) dst(%dma_wait3A_65 : memref<72x128xf32, #tpu.memory_space<vmem_shared>>)
      tpu.yield
    }) : () -> ()
    %mul3A_13 = arith.constant 128 : i32
    %mul3A_14 = arith.muli %arg1, %mul3A_13 : i32
    %mul3A_15 = arith.constant 128 : i32
    %mul3A_16 = arith.muli %arg1, %mul3A_15 : i32
    "tpu.region"() ({
      %run_scoped3A = tpu.sem_alloc : memref<!tpu.dma_semaphore, #tpu.memory_space<semaphore_mem>>
      %dma_start3A_60 = arith.constant 0 : i32
      %dma_start3A_61 = tpu.memref_slice %arg27[%mul3A_16, %dma_start3A_60] : memref<2048x16xf32, #tpu.memory_space<vmem_shared>> -> memref<128x16xf32, #tpu.memory_space<vmem_shared>>
      %dma_start3A_62 = arith.constant 0 : i32
      %dma_start3A_63 = tpu.memref_slice %arg3[%mul3A_14, %dma_start3A_62] : memref<2048x16xf32, #tpu.memory_space<hbm>> -> memref<128x16xf32, #tpu.memory_space<hbm>>
      tpu.enqueue_dma source(%dma_start3A_63 : memref<128x16xf32, #tpu.memory_space<hbm>>) target(%dma_start3A_61 : memref<128x16xf32, #tpu.memory_space<vmem_shared>>) target_semaphore(%run_scoped3A : memref<!tpu.dma_semaphore, #tpu.memory_space<semaphore_mem>>)
      %dma_wait3A_64 = arith.constant 0 : i32
      %dma_wait3A_65 = tpu.memref_slice %arg27[%mul3A_16, %dma_wait3A_64] : memref<2048x16xf32, #tpu.memory_space<vmem_shared>> -> memref<128x16xf32, #tpu.memory_space<vmem_shared>>
      %dma_wait3A_66 = arith.constant 0 : i32
      %dma_wait3A_67 = tpu.memref_slice %arg3[%mul3A_14, %dma_wait3A_66] : memref<2048x16xf32, #tpu.memory_space<hbm>> -> memref<128x16xf32, #tpu.memory_space<hbm>>
      tpu.wait_dma2 semaphore(%run_scoped3A : memref<!tpu.dma_semaphore, #tpu.memory_space<semaphore_mem>>) src(%dma_wait3A_67 : memref<128x16xf32, #tpu.memory_space<hbm>>) dst(%dma_wait3A_65 : memref<128x16xf32, #tpu.memory_space<vmem_shared>>)
      tpu.yield
    }) : () -> ()
    "tpu.region"() ({
      %run_scoped3A = tpu.sem_alloc : memref<!tpu.dma_semaphore, #tpu.memory_space<semaphore_mem>>
      tpu.enqueue_dma source(%arg4 : memref<128x16xf32, #tpu.memory_space<hbm>>) target(%arg23 : memref<128x16xf32, #tpu.memory_space<vmem>>) target_semaphore(%run_scoped3A : memref<!tpu.dma_semaphore, #tpu.memory_space<semaphore_mem>>)
      tpu.wait_dma2 semaphore(%run_scoped3A : memref<!tpu.dma_semaphore, #tpu.memory_space<semaphore_mem>>) src(%arg4 : memref<128x16xf32, #tpu.memory_space<hbm>>) dst(%arg23 : memref<128x16xf32, #tpu.memory_space<vmem>>)
      tpu.yield
    }) : () -> ()
    %min3A = arith.constant 17 : i32
    %min3A_17 = arith.minsi %add3A, %min3A : i32
    %mul3A_18 = arith.constant 19 : i32
    %mul3A_19 = arith.muli %mul3A_18, %add3A : i32
    %add3A_20 = arith.addi %mul3A_19, %min3A_17 : i32
    %lt3A = arith.constant 17 : i32
    %lt3A_21 = arith.cmpi slt, %add3A, %lt3A : i32
    %convert_element_type3A = arith.extui %lt3A_21 : i1 to i32
    %add3A_22 = arith.constant 19 : i32
    %add3A_23 = arith.addi %add3A_22, %convert_element_type3A : i32
    %rem3A = arith.constant 8 : i32
    %rem3A_24 = arith.remsi %add3A_20, %rem3A : i32
    %sub3A = arith.subi %add3A_20, %rem3A_24 : i32
    %multiple_of3A = tpu.assume_multiple %sub3A, 8 : i32
    %dma_start3A = tpu.memref_slice %arg9[%multiple_of3A] : memref<641xi32, #tpu.memory_space<hbm>> -> memref<16xi32, #tpu.memory_space<hbm>>
    %dma_start3A_25 = tpu.memref_slice %arg9[%multiple_of3A] : memref<641xi32, #tpu.memory_space<hbm>> -> memref<16xi32, #tpu.memory_space<hbm>>
    tpu.enqueue_dma source(%dma_start3A_25 : memref<16xi32, #tpu.memory_space<hbm>>) target(%arg22 : memref<16xi32, #tpu.memory_space<vmem>>) target_semaphore(%arg33 : memref<!tpu.dma_semaphore, #tpu.memory_space<semaphore_mem>>)
    %dma_wait3A = tpu.memref_slice %arg9[%multiple_of3A] : memref<641xi32, #tpu.memory_space<hbm>> -> memref<16xi32, #tpu.memory_space<hbm>>
    %dma_wait3A_26 = tpu.memref_slice %arg9[%multiple_of3A] : memref<641xi32, #tpu.memory_space<hbm>> -> memref<16xi32, #tpu.memory_space<hbm>>
    tpu.wait_dma2 semaphore(%arg33 : memref<!tpu.dma_semaphore, #tpu.memory_space<semaphore_mem>>) src(%dma_wait3A_26 : memref<16xi32, #tpu.memory_space<hbm>>) dst(%arg22 : memref<16xi32, #tpu.memory_space<vmem>>)
    %sub3A_27 = arith.subi %add3A_20, %multiple_of3A : i32
    %broadcast_in_dim3A = vector.broadcast %sub3A_27 : i32 to vector<16xi32>
    %get3A = arith.constant 0 : index
    %get3A_28 = tpu.vector_load %arg22[%get3A] {strides = array<i32>} : memref<16xi32, #tpu.memory_space<vmem>>, vector<16xi32>,
    %get3A_29 = vector.shape_cast %get3A_28 : vector<16xi32> to vector<16xi32>
    %reshape3A = vector.shape_cast %broadcast_in_dim3A : vector<16xi32> to vector<16x1xi32>
    %gather3A = vector.shape_cast %reshape3A : vector<16x1xi32> to vector<16xi32>
    %gather3A_30 = tpu.dynamic_gather %get3A_29[%gather3A] in [0] : vector<16xi32>, vector<16xi32> -> vector<16xi32>
    %barrier3A = arith.constant 0 : index
    tpu.barrier barrier_id(%barrier3A)
    %iota3A = tpu.iota {dimensions = array<i32: 0>} : vector<16xi32>
    %broadcast_in_dim3A_31 = arith.constant 15 : i32
    %broadcast_in_dim3A_32 = vector.broadcast %broadcast_in_dim3A_31 : i32 to vector<16xi32>
    %while3A = arith.constant 0 : i32
    %while3A_33 = arith.subi %add3A_23, %while3A : i32
    %while3A_34 = arith.addi %while3A, %while3A_33 : i32
    %while3A_35 = arith.constant 1 : i32
    %while3A_36 = arith.divsi %while3A_33, %while3A_35 : i32
    %while3A_37 = arith.muli %while3A_36, %while3A_35 : i32
    %while3A_38 = arith.addi %while3A, %while3A_37 : i32
    %while3A_39 = arith.constant 1 : i32
    %while3A_40 = scf.for %while3A_60 = %while3A to %while3A_38 step %while3A_39 iter_args(%while3A_61 = %gather3A_30) -> (vector<16xi32>)  : i32 {
      %add3A_62 = arith.addi %add3A_20, %while3A_60 : i32
      %mul3A_63 = arith.constant 128 : i32
      %mul3A_64 = arith.muli %add3A_62, %mul3A_63 : i32
      %multiple_of3A_65 = tpu.assume_multiple %mul3A_64, 128 : i32
      %dma_start3A_66 = arith.constant 0 : i32
      %dma_start3A_67 = tpu.memref_slice %arg5[%multiple_of3A_65, %dma_start3A_66] : memref<80000x256xf32, #tpu.memory_space<hbm>> -> memref<128x128xf32, #tpu.memory_space<hbm>>
      %dma_start3A_68 = arith.constant 0 : i32
      %dma_start3A_69 = tpu.memref_slice %arg5[%multiple_of3A_65, %dma_start3A_68] : memref<80000x256xf32, #tpu.memory_space<hbm>> -> memref<128x128xf32, #tpu.memory_space<hbm>>
      tpu.enqueue_dma source(%dma_start3A_69 : memref<128x128xf32, #tpu.memory_space<hbm>>) target(%arg14 : memref<128x128xf32, #tpu.memory_space<vmem>>) target_semaphore(%arg28 : memref<!tpu.dma_semaphore, #tpu.memory_space<semaphore_mem>>)
      %dma_start3A_70 = arith.constant 128 : i32
      %dma_start3A_71 = tpu.memref_slice %arg5[%multiple_of3A_65, %dma_start3A_70] : memref<80000x256xf32, #tpu.memory_space<hbm>> -> memref<128x128xf32, #tpu.memory_space<hbm>>
      %dma_start3A_72 = arith.constant 128 : i32
      %dma_start3A_73 = tpu.memref_slice %arg5[%multiple_of3A_65, %dma_start3A_72] : memref<80000x256xf32, #tpu.memory_space<hbm>> -> memref<128x128xf32, #tpu.memory_space<hbm>>
      tpu.enqueue_dma source(%dma_start3A_73 : memref<128x128xf32, #tpu.memory_space<hbm>>) target(%arg15 : memref<128x128xf32, #tpu.memory_space<vmem>>) target_semaphore(%arg29 : memref<!tpu.dma_semaphore, #tpu.memory_space<semaphore_mem>>)
      %add3A_74 = arith.constant 80000 : i32
      %add3A_75 = arith.addi %multiple_of3A_65, %add3A_74 : i32
      %multiple_of3A_76 = tpu.assume_multiple %add3A_75, 128 : i32
      %dma_start3A_77 = tpu.memref_slice %arg6[%multiple_of3A_76] : memref<160000xi32, #tpu.memory_space<hbm>> -> memref<128xi32, #tpu.memory_space<hbm>>
      %dma_start3A_78 = tpu.memref_slice %arg6[%multiple_of3A_76] : memref<160000xi32, #tpu.memory_space<hbm>> -> memref<128xi32, #tpu.memory_space<hbm>>
      tpu.enqueue_dma source(%dma_start3A_78 : memref<128xi32, #tpu.memory_space<hbm>>) target(%arg17 : memref<128xi32, #tpu.memory_space<vmem>>) target_semaphore(%arg31 : memref<!tpu.dma_semaphore, #tpu.memory_space<semaphore_mem>>)
      %dma_start3A_79 = tpu.memref_slice %arg7[%multiple_of3A_76] : memref<160000xi32, #tpu.memory_space<hbm>> -> memref<128xi32, #tpu.memory_space<hbm>>
      %dma_start3A_80 = tpu.memref_slice %arg7[%multiple_of3A_76] : memref<160000xi32, #tpu.memory_space<hbm>> -> memref<128xi32, #tpu.memory_space<hbm>>
      tpu.enqueue_dma source(%dma_start3A_80 : memref<128xi32, #tpu.memory_space<hbm>>) target(%arg18 : memref<128xi32, #tpu.memory_space<vmem>>) target_semaphore(%arg32 : memref<!tpu.dma_semaphore, #tpu.memory_space<semaphore_mem>>)
      %dma_wait3A_81 = tpu.memref_slice %arg6[%multiple_of3A_76] : memref<160000xi32, #tpu.memory_space<hbm>> -> memref<128xi32, #tpu.memory_space<hbm>>
      %dma_wait3A_82 = tpu.memref_slice %arg6[%multiple_of3A_76] : memref<160000xi32, #tpu.memory_space<hbm>> -> memref<128xi32, #tpu.memory_space<hbm>>
      tpu.wait_dma2 semaphore(%arg31 : memref<!tpu.dma_semaphore, #tpu.memory_space<semaphore_mem>>) src(%dma_wait3A_82 : memref<128xi32, #tpu.memory_space<hbm>>) dst(%arg17 : memref<128xi32, #tpu.memory_space<vmem>>)
      %dma_wait3A_83 = tpu.memref_slice %arg7[%multiple_of3A_76] : memref<160000xi32, #tpu.memory_space<hbm>> -> memref<128xi32, #tpu.memory_space<hbm>>
      %dma_wait3A_84 = tpu.memref_slice %arg7[%multiple_of3A_76] : memref<160000xi32, #tpu.memory_space<hbm>> -> memref<128xi32, #tpu.memory_space<hbm>>
      tpu.wait_dma2 semaphore(%arg32 : memref<!tpu.dma_semaphore, #tpu.memory_space<semaphore_mem>>) src(%dma_wait3A_84 : memref<128xi32, #tpu.memory_space<hbm>>) dst(%arg18 : memref<128xi32, #tpu.memory_space<vmem>>)
      %broadcast_in_dim3A_85 = arith.constant 0 : i32
      %broadcast_in_dim3A_86 = vector.broadcast %broadcast_in_dim3A_85 : i32 to vector<16xi32>
      %get3A_87 = arith.constant 0 : index
      %get3A_88 = tpu.vector_load %arg17[%get3A_87] {strides = array<i32>} : memref<128xi32, #tpu.memory_space<vmem>>, vector<16xi32>,
      %get3A_89 = vector.shape_cast %get3A_88 : vector<16xi32> to vector<16xi32>
      %get3A_90 = arith.constant 0 : index
      %get3A_91 = tpu.vector_load %arg18[%get3A_90] {strides = array<i32>} : memref<128xi32, #tpu.memory_space<vmem>>, vector<16xi32>,
      %get3A_92 = vector.shape_cast %get3A_91 : vector<16xi32> to vector<16xi32>
      %mul3A_93 = arith.constant 1024 : i32
      %mul3A_94 = vector.broadcast %mul3A_93 : i32 to vector<16xi32>
      %mul3A_95 = arith.muli %get3A_92, %mul3A_94 : vector<16xi32>
      %add3A_96 = arith.addi %get3A_89, %mul3A_95 : vector<16xi32>
      %swap3A = arith.constant 0 : index
      %swap3A_97 = tpu.vector_load %arg19[%swap3A] {strides = array<i32>} : memref<128xi32, #tpu.memory_space<vmem>>, vector<16xi32>,
      %swap3A_98 = vector.shape_cast %swap3A_97 : vector<16xi32> to vector<16xi32>
      %swap3A_99 = vector.shape_cast %add3A_96 : vector<16xi32> to vector<16xi32>
      tpu.vector_store %arg19[%swap3A], %swap3A_99 {strides = array<i32>} : memref<128xi32, #tpu.memory_space<vmem>>, vector<16xi32>,
      %mul3A_100 = arith.muli %get3A_89, %get3A_92 : vector<16xi32>
      %sub3A_101 = arith.constant 1 : i32
      %sub3A_102 = vector.broadcast %sub3A_101 : i32 to vector<16xi32>
      %sub3A_103 = arith.subi %sub3A_102, %get3A_92 : vector<16xi32>
      %mul3A_104 = arith.constant 1024 : i32
      %mul3A_105 = vector.broadcast %mul3A_104 : i32 to vector<16xi32>
      %mul3A_106 = arith.muli %sub3A_103, %mul3A_105 : vector<16xi32>
      %add3A_107 = arith.addi %mul3A_100, %mul3A_106 : vector<16xi32>
      %swap3A_108 = arith.constant 0 : index
      %swap3A_109 = tpu.vector_load %arg20[%swap3A_108] {strides = array<i32>} : memref<128xi32, #tpu.memory_space<vmem>>, vector<16xi32>,
      %swap3A_110 = vector.shape_cast %swap3A_109 : vector<16xi32> to vector<16xi32>
      %swap3A_111 = vector.shape_cast %add3A_107 : vector<16xi32> to vector<16xi32>
      tpu.vector_store %arg20[%swap3A_108], %swap3A_111 {strides = array<i32>} : memref<128xi32, #tpu.memory_space<vmem>>, vector<16xi32>,
      %sub3A_112 = arith.constant 1 : i32
      %sub3A_113 = vector.broadcast %sub3A_112 : i32 to vector<16xi32>
      %sub3A_114 = arith.subi %iota3A, %sub3A_113 : vector<16xi32>
      %max3A = arith.constant 0 : i32
      %max3A_115 = vector.broadcast %max3A : i32 to vector<16xi32>
      %max3A_116 = arith.maxsi %sub3A_114, %max3A_115 : vector<16xi32>
      %reshape3A_117 = vector.shape_cast %max3A_116 : vector<16xi32> to vector<16x1xi32>
      %gather3A_118 = vector.shape_cast %reshape3A_117 : vector<16x1xi32> to vector<16xi32>
      %gather3A_119 = tpu.dynamic_gather %get3A_92[%gather3A_118] in [0] : vector<16xi32>, vector<16xi32> -> vector<16xi32>
      %sub3A_120 = arith.constant 0 : i32
      %sub3A_121 = vector.broadcast %sub3A_120 : i32 to vector<16xi32>
      %sub3A_122 = arith.subi %iota3A, %sub3A_121 : vector<16xi32>
      %max3A_123 = arith.constant 0 : i32
      %max3A_124 = vector.broadcast %max3A_123 : i32 to vector<16xi32>
      %max3A_125 = arith.maxsi %sub3A_122, %max3A_124 : vector<16xi32>
      %min3A_126 = arith.constant 1 : i32
      %min3A_127 = vector.broadcast %min3A_126 : i32 to vector<16xi32>
      %min3A_128 = arith.minsi %max3A_125, %min3A_127 : vector<16xi32>
      %mul3A_129 = arith.muli %gather3A_119, %min3A_128 : vector<16xi32>
      %add3A_130 = arith.addi %get3A_92, %mul3A_129 : vector<16xi32>
      %sub3A_131 = arith.constant 2 : i32
      %sub3A_132 = vector.broadcast %sub3A_131 : i32 to vector<16xi32>
      %sub3A_133 = arith.subi %iota3A, %sub3A_132 : vector<16xi32>
      %max3A_134 = arith.constant 0 : i32
      %max3A_135 = vector.broadcast %max3A_134 : i32 to vector<16xi32>
      %max3A_136 = arith.maxsi %sub3A_133, %max3A_135 : vector<16xi32>
      %reshape3A_137 = vector.shape_cast %max3A_136 : vector<16xi32> to vector<16x1xi32>
      %gather3A_138 = vector.shape_cast %reshape3A_137 : vector<16x1xi32> to vector<16xi32>
      %gather3A_139 = tpu.dynamic_gather %add3A_130[%gather3A_138] in [0] : vector<16xi32>, vector<16xi32> -> vector<16xi32>
      %sub3A_140 = arith.constant 1 : i32
      %sub3A_141 = vector.broadcast %sub3A_140 : i32 to vector<16xi32>
      %sub3A_142 = arith.subi %iota3A, %sub3A_141 : vector<16xi32>
      %max3A_143 = arith.constant 0 : i32
      %max3A_144 = vector.broadcast %max3A_143 : i32 to vector<16xi32>
      %max3A_145 = arith.maxsi %sub3A_142, %max3A_144 : vector<16xi32>
      %min3A_146 = arith.constant 1 : i32
      %min3A_147 = vector.broadcast %min3A_146 : i32 to vector<16xi32>
      %min3A_148 = arith.minsi %max3A_145, %min3A_147 : vector<16xi32>
      %mul3A_149 = arith.muli %gather3A_139, %min3A_148 : vector<16xi32>
      %add3A_150 = arith.addi %add3A_130, %mul3A_149 : vector<16xi32>
      %sub3A_151 = arith.constant 4 : i32
      %sub3A_152 = vector.broadcast %sub3A_151 : i32 to vector<16xi32>
      %sub3A_153 = arith.subi %iota3A, %sub3A_152 : vector<16xi32>
      %max3A_154 = arith.constant 0 : i32
      %max3A_155 = vector.broadcast %max3A_154 : i32 to vector<16xi32>
      %max3A_156 = arith.maxsi %sub3A_153, %max3A_155 : vector<16xi32>
      %reshape3A_157 = vector.shape_cast %max3A_156 : vector<16xi32> to vector<16x1xi32>
      %gather3A_158 = vector.shape_cast %reshape3A_157 : vector<16x1xi32> to vector<16xi32>
      %gather3A_159 = tpu.dynamic_gather %add3A_150[%gather3A_158] in [0] : vector<16xi32>, vector<16xi32> -> vector<16xi32>
      %sub3A_160 = arith.constant 3 : i32
      %sub3A_161 = vector.broadcast %sub3A_160 : i32 to vector<16xi32>
      %sub3A_162 = arith.subi %iota3A, %sub3A_161 : vector<16xi32>
      %max3A_163 = arith.constant 0 : i32
      %max3A_164 = vector.broadcast %max3A_163 : i32 to vector<16xi32>
      %max3A_165 = arith.maxsi %sub3A_162, %max3A_164 : vector<16xi32>
      %min3A_166 = arith.constant 1 : i32
      %min3A_167 = vector.broadcast %min3A_166 : i32 to vector<16xi32>
      %min3A_168 = arith.minsi %max3A_165, %min3A_167 : vector<16xi32>
      %mul3A_169 = arith.muli %gather3A_159, %min3A_168 : vector<16xi32>
      %add3A_170 = arith.addi %add3A_150, %mul3A_169 : vector<16xi32>
      %sub3A_171 = arith.constant 8 : i32
      %sub3A_172 = vector.broadcast %sub3A_171 : i32 to vector<16xi32>
      %sub3A_173 = arith.subi %iota3A, %sub3A_172 : vector<16xi32>
      %max3A_174 = arith.constant 0 : i32
      %max3A_175 = vector.broadcast %max3A_174 : i32 to vector<16xi32>
      %max3A_176 = arith.maxsi %sub3A_173, %max3A_175 : vector<16xi32>
      %reshape3A_177 = vector.shape_cast %max3A_176 : vector<16xi32> to vector<16x1xi32>
      %gather3A_178 = vector.shape_cast %reshape3A_177 : vector<16x1xi32> to vector<16xi32>
      %gather3A_179 = tpu.dynamic_gather %add3A_170[%gather3A_178] in [0] : vector<16xi32>, vector<16xi32> -> vector<16xi32>
      %sub3A_180 = arith.constant 7 : i32
      %sub3A_181 = vector.broadcast %sub3A_180 : i32 to vector<16xi32>
      %sub3A_182 = arith.subi %iota3A, %sub3A_181 : vector<16xi32>
      %max3A_183 = arith.constant 0 : i32
      %max3A_184 = vector.broadcast %max3A_183 : i32 to vector<16xi32>
      %max3A_185 = arith.maxsi %sub3A_182, %max3A_184 : vector<16xi32>
      %min3A_186 = arith.constant 1 : i32
      %min3A_187 = vector.broadcast %min3A_186 : i32 to vector<16xi32>
      %min3A_188 = arith.minsi %max3A_185, %min3A_187 : vector<16xi32>
      %mul3A_189 = arith.muli %gather3A_179, %min3A_188 : vector<16xi32>
      %add3A_190 = arith.addi %add3A_170, %mul3A_189 : vector<16xi32>
      %add3A_191 = arith.addi %while3A_61, %broadcast_in_dim3A_86 : vector<16xi32>
      %add3A_192 = arith.addi %add3A_191, %add3A_190 : vector<16xi32>
      %sub3A_193 = arith.subi %add3A_192, %get3A_92 : vector<16xi32>
      %mul3A_194 = arith.muli %sub3A_193, %get3A_92 : vector<16xi32>
      %sub3A_195 = arith.constant 1 : i32
      %sub3A_196 = vector.broadcast %sub3A_195 : i32 to vector<16xi32>
      %sub3A_197 = arith.subi %sub3A_196, %get3A_92 : vector<16xi32>
      %mul3A_198 = arith.constant 160000 : i32
      %mul3A_199 = vector.broadcast %mul3A_198 : i32 to vector<16xi32>
      %mul3A_200 = arith.muli %sub3A_197, %mul3A_199 : vector<16xi32>
      %add3A_201 = arith.addi %mul3A_194, %mul3A_200 : vector<16xi32>
      %swap3A_202 = arith.constant 0 : index
      %swap3A_203 = tpu.vector_load %arg21[%swap3A_202] {strides = array<i32>} : memref<128xi32, #tpu.memory_space<vmem>>, vector<16xi32>,
      %swap3A_204 = vector.shape_cast %swap3A_203 : vector<16xi32> to vector<16xi32>
      %swap3A_205 = vector.shape_cast %add3A_201 : vector<16xi32> to vector<16xi32>
      tpu.vector_store %arg21[%swap3A_202], %swap3A_205 {strides = array<i32>} : memref<128xi32, #tpu.memory_space<vmem>>, vector<16xi32>,
      %reshape3A_206 = vector.shape_cast %broadcast_in_dim3A_32 : vector<16xi32> to vector<16x1xi32>
      %gather3A_207 = vector.shape_cast %reshape3A_206 : vector<16x1xi32> to vector<16xi32>
      %gather3A_208 = tpu.dynamic_gather %add3A_190[%gather3A_207] in [0] : vector<16xi32>, vector<16xi32> -> vector<16xi32>
      %add3A_209 = arith.addi %broadcast_in_dim3A_86, %gather3A_208 : vector<16xi32>
      %get3A_210 = arith.constant 16 : index
      %get3A_211 = tpu.vector_load %arg17[%get3A_210] {strides = array<i32>} : memref<128xi32, #tpu.memory_space<vmem>>, vector<16xi32>,
      %get3A_212 = vector.shape_cast %get3A_211 : vector<16xi32> to vector<16xi32>
      %get3A_213 = arith.constant 16 : index
      %get3A_214 = tpu.vector_load %arg18[%get3A_213] {strides = array<i32>} : memref<128xi32, #tpu.memory_space<vmem>>, vector<16xi32>,
      %get3A_215 = vector.shape_cast %get3A_214 : vector<16xi32> to vector<16xi32>
      %mul3A_216 = arith.constant 1024 : i32
      %mul3A_217 = vector.broadcast %mul3A_216 : i32 to vector<16xi32>
      %mul3A_218 = arith.muli %get3A_215, %mul3A_217 : vector<16xi32>
      %add3A_219 = arith.addi %get3A_212, %mul3A_218 : vector<16xi32>
      %swap3A_220 = arith.constant 16 : index
      %swap3A_221 = tpu.vector_load %arg19[%swap3A_220] {strides = array<i32>} : memref<128xi32, #tpu.memory_space<vmem>>, vector<16xi32>,
      %swap3A_222 = vector.shape_cast %swap3A_221 : vector<16xi32> to vector<16xi32>
      %swap3A_223 = vector.shape_cast %add3A_219 : vector<16xi32> to vector<16xi32>
      tpu.vector_store %arg19[%swap3A_220], %swap3A_223 {strides = array<i32>} : memref<128xi32, #tpu.memory_space<vmem>>, vector<16xi32>,
      %mul3A_224 = arith.muli %get3A_212, %get3A_215 : vector<16xi32>
      %sub3A_225 = arith.constant 1 : i32
      %sub3A_226 = vector.broadcast %sub3A_225 : i32 to vector<16xi32>
      %sub3A_227 = arith.subi %sub3A_226, %get3A_215 : vector<16xi32>
      %mul3A_228 = arith.constant 1024 : i32
      %mul3A_229 = vector.broadcast %mul3A_228 : i32 to vector<16xi32>
      %mul3A_230 = arith.muli %sub3A_227, %mul3A_229 : vector<16xi32>
      %add3A_231 = arith.addi %mul3A_224, %mul3A_230 : vector<16xi32>
      %swap3A_232 = arith.constant 16 : index
      %swap3A_233 = tpu.vector_load %arg20[%swap3A_232] {strides = array<i32>} : memref<128xi32, #tpu.memory_space<vmem>>, vector<16xi32>,
      %swap3A_234 = vector.shape_cast %swap3A_233 : vector<16xi32> to vector<16xi32>
      %swap3A_235 = vector.shape_cast %add3A_231 : vector<16xi32> to vector<16xi32>
      tpu.vector_store %arg20[%swap3A_232], %swap3A_235 {strides = array<i32>} : memref<128xi32, #tpu.memory_space<vmem>>, vector<16xi32>,
      %sub3A_236 = arith.constant 1 : i32
      %sub3A_237 = vector.broadcast %sub3A_236 : i32 to vector<16xi32>
      %sub3A_238 = arith.subi %iota3A, %sub3A_237 : vector<16xi32>
      %max3A_239 = arith.constant 0 : i32
      %max3A_240 = vector.broadcast %max3A_239 : i32 to vector<16xi32>
      %max3A_241 = arith.maxsi %sub3A_238, %max3A_240 : vector<16xi32>
      %reshape3A_242 = vector.shape_cast %max3A_241 : vector<16xi32> to vector<16x1xi32>
      %gather3A_243 = vector.shape_cast %reshape3A_242 : vector<16x1xi32> to vector<16xi32>
      %gather3A_244 = tpu.dynamic_gather %get3A_215[%gather3A_243] in [0] : vector<16xi32>, vector<16xi32> -> vector<16xi32>
      %sub3A_245 = arith.constant 0 : i32
      %sub3A_246 = vector.broadcast %sub3A_245 : i32 to vector<16xi32>
      %sub3A_247 = arith.subi %iota3A, %sub3A_246 : vector<16xi32>
      %max3A_248 = arith.constant 0 : i32
      %max3A_249 = vector.broadcast %max3A_248 : i32 to vector<16xi32>
      %max3A_250 = arith.maxsi %sub3A_247, %max3A_249 : vector<16xi32>
      %min3A_251 = arith.constant 1 : i32
      %min3A_252 = vector.broadcast %min3A_251 : i32 to vector<16xi32>
      %min3A_253 = arith.minsi %max3A_250, %min3A_252 : vector<16xi32>
      %mul3A_254 = arith.muli %gather3A_244, %min3A_253 : vector<16xi32>
      %add3A_255 = arith.addi %get3A_215, %mul3A_254 : vector<16xi32>
      %sub3A_256 = arith.constant 2 : i32
      %sub3A_257 = vector.broadcast %sub3A_256 : i32 to vector<16xi32>
      %sub3A_258 = arith.subi %iota3A, %sub3A_257 : vector<16xi32>
      %max3A_259 = arith.constant 0 : i32
      %max3A_260 = vector.broadcast %max3A_259 : i32 to vector<16xi32>
      %max3A_261 = arith.maxsi %sub3A_258, %max3A_260 : vector<16xi32>
      %reshape3A_262 = vector.shape_cast %max3A_261 : vector<16xi32> to vector<16x1xi32>
      %gather3A_263 = vector.shape_cast %reshape3A_262 : vector<16x1xi32> to vector<16xi32>
      %gather3A_264 = tpu.dynamic_gather %add3A_255[%gather3A_263] in [0] : vector<16xi32>, vector<16xi32> -> vector<16xi32>
      %sub3A_265 = arith.constant 1 : i32
      %sub3A_266 = vector.broadcast %sub3A_265 : i32 to vector<16xi32>
      %sub3A_267 = arith.subi %iota3A, %sub3A_266 : vector<16xi32>
      %max3A_268 = arith.constant 0 : i32
      %max3A_269 = vector.broadcast %max3A_268 : i32 to vector<16xi32>
      %max3A_270 = arith.maxsi %sub3A_267, %max3A_269 : vector<16xi32>
      %min3A_271 = arith.constant 1 : i32
      %min3A_272 = vector.broadcast %min3A_271 : i32 to vector<16xi32>
      %min3A_273 = arith.minsi %max3A_270, %min3A_272 : vector<16xi32>
      %mul3A_274 = arith.muli %gather3A_264, %min3A_273 : vector<16xi32>
      %add3A_275 = arith.addi %add3A_255, %mul3A_274 : vector<16xi32>
      %sub3A_276 = arith.constant 4 : i32
      %sub3A_277 = vector.broadcast %sub3A_276 : i32 to vector<16xi32>
      %sub3A_278 = arith.subi %iota3A, %sub3A_277 : vector<16xi32>
      %max3A_279 = arith.constant 0 : i32
      %max3A_280 = vector.broadcast %max3A_279 : i32 to vector<16xi32>
      %max3A_281 = arith.maxsi %sub3A_278, %max3A_280 : vector<16xi32>
      %reshape3A_282 = vector.shape_cast %max3A_281 : vector<16xi32> to vector<16x1xi32>
      %gather3A_283 = vector.shape_cast %reshape3A_282 : vector<16x1xi32> to vector<16xi32>
      %gather3A_284 = tpu.dynamic_gather %add3A_275[%gather3A_283] in [0] : vector<16xi32>, vector<16xi32> -> vector<16xi32>
      %sub3A_285 = arith.constant 3 : i32
      %sub3A_286 = vector.broadcast %sub3A_285 : i32 to vector<16xi32>
      %sub3A_287 = arith.subi %iota3A, %sub3A_286 : vector<16xi32>
      %max3A_288 = arith.constant 0 : i32
      %max3A_289 = vector.broadcast %max3A_288 : i32 to vector<16xi32>
      %max3A_290 = arith.maxsi %sub3A_287, %max3A_289 : vector<16xi32>
      %min3A_291 = arith.constant 1 : i32
      %min3A_292 = vector.broadcast %min3A_291 : i32 to vector<16xi32>
      %min3A_293 = arith.minsi %max3A_290, %min3A_292 : vector<16xi32>
      %mul3A_294 = arith.muli %gather3A_284, %min3A_293 : vector<16xi32>
      %add3A_295 = arith.addi %add3A_275, %mul3A_294 : vector<16xi32>
      %sub3A_296 = arith.constant 8 : i32
      %sub3A_297 = vector.broadcast %sub3A_296 : i32 to vector<16xi32>
      %sub3A_298 = arith.subi %iota3A, %sub3A_297 : vector<16xi32>
      %max3A_299 = arith.constant 0 : i32
      %max3A_300 = vector.broadcast %max3A_299 : i32 to vector<16xi32>
      %max3A_301 = arith.maxsi %sub3A_298, %max3A_300 : vector<16xi32>
      %reshape3A_302 = vector.shape_cast %max3A_301 : vector<16xi32> to vector<16x1xi32>
      %gather3A_303 = vector.shape_cast %reshape3A_302 : vector<16x1xi32> to vector<16xi32>
      %gather3A_304 = tpu.dynamic_gather %add3A_295[%gather3A_303] in [0] : vector<16xi32>, vector<16xi32> -> vector<16xi32>
      %sub3A_305 = arith.constant 7 : i32
      %sub3A_306 = vector.broadcast %sub3A_305 : i32 to vector<16xi32>
      %sub3A_307 = arith.subi %iota3A, %sub3A_306 : vector<16xi32>
      %max3A_308 = arith.constant 0 : i32
      %max3A_309 = vector.broadcast %max3A_308 : i32 to vector<16xi32>
      %max3A_310 = arith.maxsi %sub3A_307, %max3A_309 : vector<16xi32>
      %min3A_311 = arith.constant 1 : i32
      %min3A_312 = vector.broadcast %min3A_311 : i32 to vector<16xi32>
      %min3A_313 = arith.minsi %max3A_310, %min3A_312 : vector<16xi32>
      %mul3A_314 = arith.muli %gather3A_304, %min3A_313 : vector<16xi32>
      %add3A_315 = arith.addi %add3A_295, %mul3A_314 : vector<16xi32>
      %add3A_316 = arith.addi %while3A_61, %add3A_209 : vector<16xi32>
      %add3A_317 = arith.addi %add3A_316, %add3A_315 : vector<16xi32>
      %sub3A_318 = arith.subi %add3A_317, %get3A_215 : vector<16xi32>
      %mul3A_319 = arith.muli %sub3A_318, %get3A_215 : vector<16xi32>
      %sub3A_320 = arith.constant 1 : i32
      %sub3A_321 = vector.broadcast %sub3A_320 : i32 to vector<16xi32>
      %sub3A_322 = arith.subi %sub3A_321, %get3A_215 : vector<16xi32>
      %mul3A_323 = arith.constant 160000 : i32
      %mul3A_324 = vector.broadcast %mul3A_323 : i32 to vector<16xi32>
      %mul3A_325 = arith.muli %sub3A_322, %mul3A_324 : vector<16xi32>
      %add3A_326 = arith.addi %mul3A_319, %mul3A_325 : vector<16xi32>
      %swap3A_327 = arith.constant 16 : index
      %swap3A_328 = tpu.vector_load %arg21[%swap3A_327] {strides = array<i32>} : memref<128xi32, #tpu.memory_space<vmem>>, vector<16xi32>,
      %swap3A_329 = vector.shape_cast %swap3A_328 : vector<16xi32> to vector<16xi32>
      %swap3A_330 = vector.shape_cast %add3A_326 : vector<16xi32> to vector<16xi32>
      tpu.vector_store %arg21[%swap3A_327], %swap3A_330 {strides = array<i32>} : memref<128xi32, #tpu.memory_space<vmem>>, vector<16xi32>,
      %reshape3A_331 = vector.shape_cast %broadcast_in_dim3A_32 : vector<16xi32> to vector<16x1xi32>
      %gather3A_332 = vector.shape_cast %reshape3A_331 : vector<16x1xi32> to vector<16xi32>
      %gather3A_333 = tpu.dynamic_gather %add3A_315[%gather3A_332] in [0] : vector<16xi32>, vector<16xi32> -> vector<16xi32>
      %add3A_334 = arith.addi %add3A_209, %gather3A_333 : vector<16xi32>
      %get3A_335 = arith.constant 32 : index
      %get3A_336 = tpu.vector_load %arg17[%get3A_335] {strides = array<i32>} : memref<128xi32, #tpu.memory_space<vmem>>, vector<16xi32>,
      %get3A_337 = vector.shape_cast %get3A_336 : vector<16xi32> to vector<16xi32>
      %get3A_338 = arith.constant 32 : index
      %get3A_339 = tpu.vector_load %arg18[%get3A_338] {strides = array<i32>} : memref<128xi32, #tpu.memory_space<vmem>>, vector<16xi32>,
      %get3A_340 = vector.shape_cast %get3A_339 : vector<16xi32> to vector<16xi32>
      %mul3A_341 = arith.constant 1024 : i32
      %mul3A_342 = vector.broadcast %mul3A_341 : i32 to vector<16xi32>
      %mul3A_343 = arith.muli %get3A_340, %mul3A_342 : vector<16xi32>
      %add3A_344 = arith.addi %get3A_337, %mul3A_343 : vector<16xi32>
      %swap3A_345 = arith.constant 32 : index
      %swap3A_346 = tpu.vector_load %arg19[%swap3A_345] {strides = array<i32>} : memref<128xi32, #tpu.memory_space<vmem>>, vector<16xi32>,
      %swap3A_347 = vector.shape_cast %swap3A_346 : vector<16xi32> to vector<16xi32>
      %swap3A_348 = vector.shape_cast %add3A_344 : vector<16xi32> to vector<16xi32>
      tpu.vector_store %arg19[%swap3A_345], %swap3A_348 {strides = array<i32>} : memref<128xi32, #tpu.memory_space<vmem>>, vector<16xi32>,
      %mul3A_349 = arith.muli %get3A_337, %get3A_340 : vector<16xi32>
      %sub3A_350 = arith.constant 1 : i32
      %sub3A_351 = vector.broadcast %sub3A_350 : i32 to vector<16xi32>
      %sub3A_352 = arith.subi %sub3A_351, %get3A_340 : vector<16xi32>
      %mul3A_353 = arith.constant 1024 : i32
      %mul3A_354 = vector.broadcast %mul3A_353 : i32 to vector<16xi32>
      %mul3A_355 = arith.muli %sub3A_352, %mul3A_354 : vector<16xi32>
      %add3A_356 = arith.addi %mul3A_349, %mul3A_355 : vector<16xi32>
      %swap3A_357 = arith.constant 32 : index
      %swap3A_358 = tpu.vector_load %arg20[%swap3A_357] {strides = array<i32>} : memref<128xi32, #tpu.memory_space<vmem>>, vector<16xi32>,
      %swap3A_359 = vector.shape_cast %swap3A_358 : vector<16xi32> to vector<16xi32>
      %swap3A_360 = vector.shape_cast %add3A_356 : vector<16xi32> to vector<16xi32>
      tpu.vector_store %arg20[%swap3A_357], %swap3A_360 {strides = array<i32>} : memref<128xi32, #tpu.memory_space<vmem>>, vector<16xi32>,
      %sub3A_361 = arith.constant 1 : i32
      %sub3A_362 = vector.broadcast %sub3A_361 : i32 to vector<16xi32>
      %sub3A_363 = arith.subi %iota3A, %sub3A_362 : vector<16xi32>
      %max3A_364 = arith.constant 0 : i32
      %max3A_365 = vector.broadcast %max3A_364 : i32 to vector<16xi32>
      %max3A_366 = arith.maxsi %sub3A_363, %max3A_365 : vector<16xi32>
      %reshape3A_367 = vector.shape_cast %max3A_366 : vector<16xi32> to vector<16x1xi32>
      %gather3A_368 = vector.shape_cast %reshape3A_367 : vector<16x1xi32> to vector<16xi32>
      %gather3A_369 = tpu.dynamic_gather %get3A_340[%gather3A_368] in [0] : vector<16xi32>, vector<16xi32> -> vector<16xi32>
      %sub3A_370 = arith.constant 0 : i32
      %sub3A_371 = vector.broadcast %sub3A_370 : i32 to vector<16xi32>
      %sub3A_372 = arith.subi %iota3A, %sub3A_371 : vector<16xi32>
      %max3A_373 = arith.constant 0 : i32
      %max3A_374 = vector.broadcast %max3A_373 : i32 to vector<16xi32>
      %max3A_375 = arith.maxsi %sub3A_372, %max3A_374 : vector<16xi32>
      %min3A_376 = arith.constant 1 : i32
      %min3A_377 = vector.broadcast %min3A_376 : i32 to vector<16xi32>
      %min3A_378 = arith.minsi %max3A_375, %min3A_377 : vector<16xi32>
      %mul3A_379 = arith.muli %gather3A_369, %min3A_378 : vector<16xi32>
      %add3A_380 = arith.addi %get3A_340, %mul3A_379 : vector<16xi32>
      %sub3A_381 = arith.constant 2 : i32
      %sub3A_382 = vector.broadcast %sub3A_381 : i32 to vector<16xi32>
      %sub3A_383 = arith.subi %iota3A, %sub3A_382 : vector<16xi32>
      %max3A_384 = arith.constant 0 : i32
      %max3A_385 = vector.broadcast %max3A_384 : i32 to vector<16xi32>
      %max3A_386 = arith.maxsi %sub3A_383, %max3A_385 : vector<16xi32>
      %reshape3A_387 = vector.shape_cast %max3A_386 : vector<16xi32> to vector<16x1xi32>
      %gather3A_388 = vector.shape_cast %reshape3A_387 : vector<16x1xi32> to vector<16xi32>
      %gather3A_389 = tpu.dynamic_gather %add3A_380[%gather3A_388] in [0] : vector<16xi32>, vector<16xi32> -> vector<16xi32>
      %sub3A_390 = arith.constant 1 : i32
      %sub3A_391 = vector.broadcast %sub3A_390 : i32 to vector<16xi32>
      %sub3A_392 = arith.subi %iota3A, %sub3A_391 : vector<16xi32>
      %max3A_393 = arith.constant 0 : i32
      %max3A_394 = vector.broadcast %max3A_393 : i32 to vector<16xi32>
      %max3A_395 = arith.maxsi %sub3A_392, %max3A_394 : vector<16xi32>
      %min3A_396 = arith.constant 1 : i32
      %min3A_397 = vector.broadcast %min3A_396 : i32 to vector<16xi32>
      %min3A_398 = arith.minsi %max3A_395, %min3A_397 : vector<16xi32>
      %mul3A_399 = arith.muli %gather3A_389, %min3A_398 : vector<16xi32>
      %add3A_400 = arith.addi %add3A_380, %mul3A_399 : vector<16xi32>
      %sub3A_401 = arith.constant 4 : i32
      %sub3A_402 = vector.broadcast %sub3A_401 : i32 to vector<16xi32>
      %sub3A_403 = arith.subi %iota3A, %sub3A_402 : vector<16xi32>
      %max3A_404 = arith.constant 0 : i32
      %max3A_405 = vector.broadcast %max3A_404 : i32 to vector<16xi32>
      %max3A_406 = arith.maxsi %sub3A_403, %max3A_405 : vector<16xi32>
      %reshape3A_407 = vector.shape_cast %max3A_406 : vector<16xi32> to vector<16x1xi32>
      %gather3A_408 = vector.shape_cast %reshape3A_407 : vector<16x1xi32> to vector<16xi32>
      %gather3A_409 = tpu.dynamic_gather %add3A_400[%gather3A_408] in [0] : vector<16xi32>, vector<16xi32> -> vector<16xi32>
      %sub3A_410 = arith.constant 3 : i32
      %sub3A_411 = vector.broadcast %sub3A_410 : i32 to vector<16xi32>
      %sub3A_412 = arith.subi %iota3A, %sub3A_411 : vector<16xi32>
      %max3A_413 = arith.constant 0 : i32
      %max3A_414 = vector.broadcast %max3A_413 : i32 to vector<16xi32>
      %max3A_415 = arith.maxsi %sub3A_412, %max3A_414 : vector<16xi32>
      %min3A_416 = arith.constant 1 : i32
      %min3A_417 = vector.broadcast %min3A_416 : i32 to vector<16xi32>
      %min3A_418 = arith.minsi %max3A_415, %min3A_417 : vector<16xi32>
      %mul3A_419 = arith.muli %gather3A_409, %min3A_418 : vector<16xi32>
      %add3A_420 = arith.addi %add3A_400, %mul3A_419 : vector<16xi32>
      %sub3A_421 = arith.constant 8 : i32
      %sub3A_422 = vector.broadcast %sub3A_421 : i32 to vector<16xi32>
      %sub3A_423 = arith.subi %iota3A, %sub3A_422 : vector<16xi32>
      %max3A_424 = arith.constant 0 : i32
      %max3A_425 = vector.broadcast %max3A_424 : i32 to vector<16xi32>
      %max3A_426 = arith.maxsi %sub3A_423, %max3A_425 : vector<16xi32>
      %reshape3A_427 = vector.shape_cast %max3A_426 : vector<16xi32> to vector<16x1xi32>
      %gather3A_428 = vector.shape_cast %reshape3A_427 : vector<16x1xi32> to vector<16xi32>
      %gather3A_429 = tpu.dynamic_gather %add3A_420[%gather3A_428] in [0] : vector<16xi32>, vector<16xi32> -> vector<16xi32>
      %sub3A_430 = arith.constant 7 : i32
      %sub3A_431 = vector.broadcast %sub3A_430 : i32 to vector<16xi32>
      %sub3A_432 = arith.subi %iota3A, %sub3A_431 : vector<16xi32>
      %max3A_433 = arith.constant 0 : i32
      %max3A_434 = vector.broadcast %max3A_433 : i32 to vector<16xi32>
      %max3A_435 = arith.maxsi %sub3A_432, %max3A_434 : vector<16xi32>
      %min3A_436 = arith.constant 1 : i32
      %min3A_437 = vector.broadcast %min3A_436 : i32 to vector<16xi32>
      %min3A_438 = arith.minsi %max3A_435, %min3A_437 : vector<16xi32>
      %mul3A_439 = arith.muli %gather3A_429, %min3A_438 : vector<16xi32>
      %add3A_440 = arith.addi %add3A_420, %mul3A_439 : vector<16xi32>
      %add3A_441 = arith.addi %while3A_61, %add3A_334 : vector<16xi32>
      %add3A_442 = arith.addi %add3A_441, %add3A_440 : vector<16xi32>
      %sub3A_443 = arith.subi %add3A_442, %get3A_340 : vector<16xi32>
      %mul3A_444 = arith.muli %sub3A_443, %get3A_340 : vector<16xi32>
      %sub3A_445 = arith.constant 1 : i32
      %sub3A_446 = vector.broadcast %sub3A_445 : i32 to vector<16xi32>
      %sub3A_447 = arith.subi %sub3A_446, %get3A_340 : vector<16xi32>
      %mul3A_448 = arith.constant 160000 : i32
      %mul3A_449 = vector.broadcast %mul3A_448 : i32 to vector<16xi32>
      %mul3A_450 = arith.muli %sub3A_447, %mul3A_449 : vector<16xi32>
      %add3A_451 = arith.addi %mul3A_444, %mul3A_450 : vector<16xi32>
      %swap3A_452 = arith.constant 32 : index
      %swap3A_453 = tpu.vector_load %arg21[%swap3A_452] {strides = array<i32>} : memref<128xi32, #tpu.memory_space<vmem>>, vector<16xi32>,
      %swap3A_454 = vector.shape_cast %swap3A_453 : vector<16xi32> to vector<16xi32>
      %swap3A_455 = vector.shape_cast %add3A_451 : vector<16xi32> to vector<16xi32>
      tpu.vector_store %arg21[%swap3A_452], %swap3A_455 {strides = array<i32>} : memref<128xi32, #tpu.memory_space<vmem>>, vector<16xi32>,
      %reshape3A_456 = vector.shape_cast %broadcast_in_dim3A_32 : vector<16xi32> to vector<16x1xi32>
      %gather3A_457 = vector.shape_cast %reshape3A_456 : vector<16x1xi32> to vector<16xi32>
      %gather3A_458 = tpu.dynamic_gather %add3A_440[%gather3A_457] in [0] : vector<16xi32>, vector<16xi32> -> vector<16xi32>
      %add3A_459 = arith.addi %add3A_334, %gather3A_458 : vector<16xi32>
      %get3A_460 = arith.constant 48 : index
      %get3A_461 = tpu.vector_load %arg17[%get3A_460] {strides = array<i32>} : memref<128xi32, #tpu.memory_space<vmem>>, vector<16xi32>,
      %get3A_462 = vector.shape_cast %get3A_461 : vector<16xi32> to vector<16xi32>
      %get3A_463 = arith.constant 48 : index
      %get3A_464 = tpu.vector_load %arg18[%get3A_463] {strides = array<i32>} : memref<128xi32, #tpu.memory_space<vmem>>, vector<16xi32>,
      %get3A_465 = vector.shape_cast %get3A_464 : vector<16xi32> to vector<16xi32>
      %mul3A_466 = arith.constant 1024 : i32
      %mul3A_467 = vector.broadcast %mul3A_466 : i32 to vector<16xi32>
      %mul3A_468 = arith.muli %get3A_465, %mul3A_467 : vector<16xi32>
      %add3A_469 = arith.addi %get3A_462, %mul3A_468 : vector<16xi32>
      %swap3A_470 = arith.constant 48 : index
      %swap3A_471 = tpu.vector_load %arg19[%swap3A_470] {strides = array<i32>} : memref<128xi32, #tpu.memory_space<vmem>>, vector<16xi32>,
      %swap3A_472 = vector.shape_cast %swap3A_471 : vector<16xi32> to vector<16xi32>
      %swap3A_473 = vector.shape_cast %add3A_469 : vector<16xi32> to vector<16xi32>
      tpu.vector_store %arg19[%swap3A_470], %swap3A_473 {strides = array<i32>} : memref<128xi32, #tpu.memory_space<vmem>>, vector<16xi32>,
      %mul3A_474 = arith.muli %get3A_462, %get3A_465 : vector<16xi32>
      %sub3A_475 = arith.constant 1 : i32
      %sub3A_476 = vector.broadcast %sub3A_475 : i32 to vector<16xi32>
      %sub3A_477 = arith.subi %sub3A_476, %get3A_465 : vector<16xi32>
      %mul3A_478 = arith.constant 1024 : i32
      %mul3A_479 = vector.broadcast %mul3A_478 : i32 to vector<16xi32>
      %mul3A_480 = arith.muli %sub3A_477, %mul3A_479 : vector<16xi32>
      %add3A_481 = arith.addi %mul3A_474, %mul3A_480 : vector<16xi32>
      %swap3A_482 = arith.constant 48 : index
      %swap3A_483 = tpu.vector_load %arg20[%swap3A_482] {strides = array<i32>} : memref<128xi32, #tpu.memory_space<vmem>>, vector<16xi32>,
      %swap3A_484 = vector.shape_cast %swap3A_483 : vector<16xi32> to vector<16xi32>
      %swap3A_485 = vector.shape_cast %add3A_481 : vector<16xi32> to vector<16xi32>
      tpu.vector_store %arg20[%swap3A_482], %swap3A_485 {strides = array<i32>} : memref<128xi32, #tpu.memory_space<vmem>>, vector<16xi32>,
      %sub3A_486 = arith.constant 1 : i32
      %sub3A_487 = vector.broadcast %sub3A_486 : i32 to vector<16xi32>
      %sub3A_488 = arith.subi %iota3A, %sub3A_487 : vector<16xi32>
      %max3A_489 = arith.constant 0 : i32
      %max3A_490 = vector.broadcast %max3A_489 : i32 to vector<16xi32>
      %max3A_491 = arith.maxsi %sub3A_488, %max3A_490 : vector<16xi32>
      %reshape3A_492 = vector.shape_cast %max3A_491 : vector<16xi32> to vector<16x1xi32>
      %gather3A_493 = vector.shape_cast %reshape3A_492 : vector<16x1xi32> to vector<16xi32>
      %gather3A_494 = tpu.dynamic_gather %get3A_465[%gather3A_493] in [0] : vector<16xi32>, vector<16xi32> -> vector<16xi32>
      %sub3A_495 = arith.constant 0 : i32
      %sub3A_496 = vector.broadcast %sub3A_495 : i32 to vector<16xi32>
      %sub3A_497 = arith.subi %iota3A, %sub3A_496 : vector<16xi32>
      %max3A_498 = arith.constant 0 : i32
      %max3A_499 = vector.broadcast %max3A_498 : i32 to vector<16xi32>
      %max3A_500 = arith.maxsi %sub3A_497, %max3A_499 : vector<16xi32>
      %min3A_501 = arith.constant 1 : i32
      %min3A_502 = vector.broadcast %min3A_501 : i32 to vector<16xi32>
      %min3A_503 = arith.minsi %max3A_500, %min3A_502 : vector<16xi32>
      %mul3A_504 = arith.muli %gather3A_494, %min3A_503 : vector<16xi32>
      %add3A_505 = arith.addi %get3A_465, %mul3A_504 : vector<16xi32>
      %sub3A_506 = arith.constant 2 : i32
      %sub3A_507 = vector.broadcast %sub3A_506 : i32 to vector<16xi32>
      %sub3A_508 = arith.subi %iota3A, %sub3A_507 : vector<16xi32>
      %max3A_509 = arith.constant 0 : i32
      %max3A_510 = vector.broadcast %max3A_509 : i32 to vector<16xi32>
      %max3A_511 = arith.maxsi %sub3A_508, %max3A_510 : vector<16xi32>
      %reshape3A_512 = vector.shape_cast %max3A_511 : vector<16xi32> to vector<16x1xi32>
      %gather3A_513 = vector.shape_cast %reshape3A_512 : vector<16x1xi32> to vector<16xi32>
      %gather3A_514 = tpu.dynamic_gather %add3A_505[%gather3A_513] in [0] : vector<16xi32>, vector<16xi32> -> vector<16xi32>
      %sub3A_515 = arith.constant 1 : i32
      %sub3A_516 = vector.broadcast %sub3A_515 : i32 to vector<16xi32>
      %sub3A_517 = arith.subi %iota3A, %sub3A_516 : vector<16xi32>
      %max3A_518 = arith.constant 0 : i32
      %max3A_519 = vector.broadcast %max3A_518 : i32 to vector<16xi32>
      %max3A_520 = arith.maxsi %sub3A_517, %max3A_519 : vector<16xi32>
      %min3A_521 = arith.constant 1 : i32
      %min3A_522 = vector.broadcast %min3A_521 : i32 to vector<16xi32>
      %min3A_523 = arith.minsi %max3A_520, %min3A_522 : vector<16xi32>
      %mul3A_524 = arith.muli %gather3A_514, %min3A_523 : vector<16xi32>
      %add3A_525 = arith.addi %add3A_505, %mul3A_524 : vector<16xi32>
      %sub3A_526 = arith.constant 4 : i32
      %sub3A_527 = vector.broadcast %sub3A_526 : i32 to vector<16xi32>
      %sub3A_528 = arith.subi %iota3A, %sub3A_527 : vector<16xi32>
      %max3A_529 = arith.constant 0 : i32
      %max3A_530 = vector.broadcast %max3A_529 : i32 to vector<16xi32>
      %max3A_531 = arith.maxsi %sub3A_528, %max3A_530 : vector<16xi32>
      %reshape3A_532 = vector.shape_cast %max3A_531 : vector<16xi32> to vector<16x1xi32>
      %gather3A_533 = vector.shape_cast %reshape3A_532 : vector<16x1xi32> to vector<16xi32>
      %gather3A_534 = tpu.dynamic_gather %add3A_525[%gather3A_533] in [0] : vector<16xi32>, vector<16xi32> -> vector<16xi32>
      %sub3A_535 = arith.constant 3 : i32
      %sub3A_536 = vector.broadcast %sub3A_535 : i32 to vector<16xi32>
      %sub3A_537 = arith.subi %iota3A, %sub3A_536 : vector<16xi32>
      %max3A_538 = arith.constant 0 : i32
      %max3A_539 = vector.broadcast %max3A_538 : i32 to vector<16xi32>
      %max3A_540 = arith.maxsi %sub3A_537, %max3A_539 : vector<16xi32>
      %min3A_541 = arith.constant 1 : i32
      %min3A_542 = vector.broadcast %min3A_541 : i32 to vector<16xi32>
      %min3A_543 = arith.minsi %max3A_540, %min3A_542 : vector<16xi32>
      %mul3A_544 = arith.muli %gather3A_534, %min3A_543 : vector<16xi32>
      %add3A_545 = arith.addi %add3A_525, %mul3A_544 : vector<16xi32>
      %sub3A_546 = arith.constant 8 : i32
      %sub3A_547 = vector.broadcast %sub3A_546 : i32 to vector<16xi32>
      %sub3A_548 = arith.subi %iota3A, %sub3A_547 : vector<16xi32>
      %max3A_549 = arith.constant 0 : i32
      %max3A_550 = vector.broadcast %max3A_549 : i32 to vector<16xi32>
      %max3A_551 = arith.maxsi %sub3A_548, %max3A_550 : vector<16xi32>
      %reshape3A_552 = vector.shape_cast %max3A_551 : vector<16xi32> to vector<16x1xi32>
      %gather3A_553 = vector.shape_cast %reshape3A_552 : vector<16x1xi32> to vector<16xi32>
      %gather3A_554 = tpu.dynamic_gather %add3A_545[%gather3A_553] in [0] : vector<16xi32>, vector<16xi32> -> vector<16xi32>
      %sub3A_555 = arith.constant 7 : i32
      %sub3A_556 = vector.broadcast %sub3A_555 : i32 to vector<16xi32>
      %sub3A_557 = arith.subi %iota3A, %sub3A_556 : vector<16xi32>
      %max3A_558 = arith.constant 0 : i32
      %max3A_559 = vector.broadcast %max3A_558 : i32 to vector<16xi32>
      %max3A_560 = arith.maxsi %sub3A_557, %max3A_559 : vector<16xi32>
      %min3A_561 = arith.constant 1 : i32
      %min3A_562 = vector.broadcast %min3A_561 : i32 to vector<16xi32>
      %min3A_563 = arith.minsi %max3A_560, %min3A_562 : vector<16xi32>
      %mul3A_564 = arith.muli %gather3A_554, %min3A_563 : vector<16xi32>
      %add3A_565 = arith.addi %add3A_545, %mul3A_564 : vector<16xi32>
      %add3A_566 = arith.addi %while3A_61, %add3A_459 : vector<16xi32>
      %add3A_567 = arith.addi %add3A_566, %add3A_565 : vector<16xi32>
      %sub3A_568 = arith.subi %add3A_567, %get3A_465 : vector<16xi32>
      %mul3A_569 = arith.muli %sub3A_568, %get3A_465 : vector<16xi32>
      %sub3A_570 = arith.constant 1 : i32
      %sub3A_571 = vector.broadcast %sub3A_570 : i32 to vector<16xi32>
      %sub3A_572 = arith.subi %sub3A_571, %get3A_465 : vector<16xi32>
      %mul3A_573 = arith.constant 160000 : i32
      %mul3A_574 = vector.broadcast %mul3A_573 : i32 to vector<16xi32>
      %mul3A_575 = arith.muli %sub3A_572, %mul3A_574 : vector<16xi32>
      %add3A_576 = arith.addi %mul3A_569, %mul3A_575 : vector<16xi32>
      %swap3A_577 = arith.constant 48 : index
      %swap3A_578 = tpu.vector_load %arg21[%swap3A_577] {strides = array<i32>} : memref<128xi32, #tpu.memory_space<vmem>>, vector<16xi32>,
      %swap3A_579 = vector.shape_cast %swap3A_578 : vector<16xi32> to vector<16xi32>
      %swap3A_580 = vector.shape_cast %add3A_576 : vector<16xi32> to vector<16xi32>
      tpu.vector_store %arg21[%swap3A_577], %swap3A_580 {strides = array<i32>} : memref<128xi32, #tpu.memory_space<vmem>>, vector<16xi32>,
      %reshape3A_581 = vector.shape_cast %broadcast_in_dim3A_32 : vector<16xi32> to vector<16x1xi32>
      %gather3A_582 = vector.shape_cast %reshape3A_581 : vector<16x1xi32> to vector<16xi32>
      %gather3A_583 = tpu.dynamic_gather %add3A_565[%gather3A_582] in [0] : vector<16xi32>, vector<16xi32> -> vector<16xi32>
      %add3A_584 = arith.addi %add3A_459, %gather3A_583 : vector<16xi32>
      %get3A_585 = arith.constant 64 : index
      %get3A_586 = tpu.vector_load %arg17[%get3A_585] {strides = array<i32>} : memref<128xi32, #tpu.memory_space<vmem>>, vector<16xi32>,
      %get3A_587 = vector.shape_cast %get3A_586 : vector<16xi32> to vector<16xi32>
      %get3A_588 = arith.constant 64 : index
      %get3A_589 = tpu.vector_load %arg18[%get3A_588] {strides = array<i32>} : memref<128xi32, #tpu.memory_space<vmem>>, vector<16xi32>,
      %get3A_590 = vector.shape_cast %get3A_589 : vector<16xi32> to vector<16xi32>
      %mul3A_591 = arith.constant 1024 : i32
      %mul3A_592 = vector.broadcast %mul3A_591 : i32 to vector<16xi32>
      %mul3A_593 = arith.muli %get3A_590, %mul3A_592 : vector<16xi32>
      %add3A_594 = arith.addi %get3A_587, %mul3A_593 : vector<16xi32>
      %swap3A_595 = arith.constant 64 : index
      %swap3A_596 = tpu.vector_load %arg19[%swap3A_595] {strides = array<i32>} : memref<128xi32, #tpu.memory_space<vmem>>, vector<16xi32>,
      %swap3A_597 = vector.shape_cast %swap3A_596 : vector<16xi32> to vector<16xi32>
      %swap3A_598 = vector.shape_cast %add3A_594 : vector<16xi32> to vector<16xi32>
      tpu.vector_store %arg19[%swap3A_595], %swap3A_598 {strides = array<i32>} : memref<128xi32, #tpu.memory_space<vmem>>, vector<16xi32>,
      %mul3A_599 = arith.muli %get3A_587, %get3A_590 : vector<16xi32>
      %sub3A_600 = arith.constant 1 : i32
      %sub3A_601 = vector.broadcast %sub3A_600 : i32 to vector<16xi32>
      %sub3A_602 = arith.subi %sub3A_601, %get3A_590 : vector<16xi32>
      %mul3A_603 = arith.constant 1024 : i32
      %mul3A_604 = vector.broadcast %mul3A_603 : i32 to vector<16xi32>
      %mul3A_605 = arith.muli %sub3A_602, %mul3A_604 : vector<16xi32>
      %add3A_606 = arith.addi %mul3A_599, %mul3A_605 : vector<16xi32>
      %swap3A_607 = arith.constant 64 : index
      %swap3A_608 = tpu.vector_load %arg20[%swap3A_607] {strides = array<i32>} : memref<128xi32, #tpu.memory_space<vmem>>, vector<16xi32>,
      %swap3A_609 = vector.shape_cast %swap3A_608 : vector<16xi32> to vector<16xi32>
      %swap3A_610 = vector.shape_cast %add3A_606 : vector<16xi32> to vector<16xi32>
      tpu.vector_store %arg20[%swap3A_607], %swap3A_610 {strides = array<i32>} : memref<128xi32, #tpu.memory_space<vmem>>, vector<16xi32>,
      %sub3A_611 = arith.constant 1 : i32
      %sub3A_612 = vector.broadcast %sub3A_611 : i32 to vector<16xi32>
      %sub3A_613 = arith.subi %iota3A, %sub3A_612 : vector<16xi32>
      %max3A_614 = arith.constant 0 : i32
      %max3A_615 = vector.broadcast %max3A_614 : i32 to vector<16xi32>
      %max3A_616 = arith.maxsi %sub3A_613, %max3A_615 : vector<16xi32>
      %reshape3A_617 = vector.shape_cast %max3A_616 : vector<16xi32> to vector<16x1xi32>
      %gather3A_618 = vector.shape_cast %reshape3A_617 : vector<16x1xi32> to vector<16xi32>
      %gather3A_619 = tpu.dynamic_gather %get3A_590[%gather3A_618] in [0] : vector<16xi32>, vector<16xi32> -> vector<16xi32>
      %sub3A_620 = arith.constant 0 : i32
      %sub3A_621 = vector.broadcast %sub3A_620 : i32 to vector<16xi32>
      %sub3A_622 = arith.subi %iota3A, %sub3A_621 : vector<16xi32>
      %max3A_623 = arith.constant 0 : i32
      %max3A_624 = vector.broadcast %max3A_623 : i32 to vector<16xi32>
      %max3A_625 = arith.maxsi %sub3A_622, %max3A_624 : vector<16xi32>
      %min3A_626 = arith.constant 1 : i32
      %min3A_627 = vector.broadcast %min3A_626 : i32 to vector<16xi32>
      %min3A_628 = arith.minsi %max3A_625, %min3A_627 : vector<16xi32>
      %mul3A_629 = arith.muli %gather3A_619, %min3A_628 : vector<16xi32>
      %add3A_630 = arith.addi %get3A_590, %mul3A_629 : vector<16xi32>
      %sub3A_631 = arith.constant 2 : i32
      %sub3A_632 = vector.broadcast %sub3A_631 : i32 to vector<16xi32>
      %sub3A_633 = arith.subi %iota3A, %sub3A_632 : vector<16xi32>
      %max3A_634 = arith.constant 0 : i32
      %max3A_635 = vector.broadcast %max3A_634 : i32 to vector<16xi32>
      %max3A_636 = arith.maxsi %sub3A_633, %max3A_635 : vector<16xi32>
      %reshape3A_637 = vector.shape_cast %max3A_636 : vector<16xi32> to vector<16x1xi32>
      %gather3A_638 = vector.shape_cast %reshape3A_637 : vector<16x1xi32> to vector<16xi32>
      %gather3A_639 = tpu.dynamic_gather %add3A_630[%gather3A_638] in [0] : vector<16xi32>, vector<16xi32> -> vector<16xi32>
      %sub3A_640 = arith.constant 1 : i32
      %sub3A_641 = vector.broadcast %sub3A_640 : i32 to vector<16xi32>
      %sub3A_642 = arith.subi %iota3A, %sub3A_641 : vector<16xi32>
      %max3A_643 = arith.constant 0 : i32
      %max3A_644 = vector.broadcast %max3A_643 : i32 to vector<16xi32>
      %max3A_645 = arith.maxsi %sub3A_642, %max3A_644 : vector<16xi32>
      %min3A_646 = arith.constant 1 : i32
      %min3A_647 = vector.broadcast %min3A_646 : i32 to vector<16xi32>
      %min3A_648 = arith.minsi %max3A_645, %min3A_647 : vector<16xi32>
      %mul3A_649 = arith.muli %gather3A_639, %min3A_648 : vector<16xi32>
      %add3A_650 = arith.addi %add3A_630, %mul3A_649 : vector<16xi32>
      %sub3A_651 = arith.constant 4 : i32
      %sub3A_652 = vector.broadcast %sub3A_651 : i32 to vector<16xi32>
      %sub3A_653 = arith.subi %iota3A, %sub3A_652 : vector<16xi32>
      %max3A_654 = arith.constant 0 : i32
      %max3A_655 = vector.broadcast %max3A_654 : i32 to vector<16xi32>
      %max3A_656 = arith.maxsi %sub3A_653, %max3A_655 : vector<16xi32>
      %reshape3A_657 = vector.shape_cast %max3A_656 : vector<16xi32> to vector<16x1xi32>
      %gather3A_658 = vector.shape_cast %reshape3A_657 : vector<16x1xi32> to vector<16xi32>
      %gather3A_659 = tpu.dynamic_gather %add3A_650[%gather3A_658] in [0] : vector<16xi32>, vector<16xi32> -> vector<16xi32>
      %sub3A_660 = arith.constant 3 : i32
      %sub3A_661 = vector.broadcast %sub3A_660 : i32 to vector<16xi32>
      %sub3A_662 = arith.subi %iota3A, %sub3A_661 : vector<16xi32>
      %max3A_663 = arith.constant 0 : i32
      %max3A_664 = vector.broadcast %max3A_663 : i32 to vector<16xi32>
      %max3A_665 = arith.maxsi %sub3A_662, %max3A_664 : vector<16xi32>
      %min3A_666 = arith.constant 1 : i32
      %min3A_667 = vector.broadcast %min3A_666 : i32 to vector<16xi32>
      %min3A_668 = arith.minsi %max3A_665, %min3A_667 : vector<16xi32>
      %mul3A_669 = arith.muli %gather3A_659, %min3A_668 : vector<16xi32>
      %add3A_670 = arith.addi %add3A_650, %mul3A_669 : vector<16xi32>
      %sub3A_671 = arith.constant 8 : i32
      %sub3A_672 = vector.broadcast %sub3A_671 : i32 to vector<16xi32>
      %sub3A_673 = arith.subi %iota3A, %sub3A_672 : vector<16xi32>
      %max3A_674 = arith.constant 0 : i32
      %max3A_675 = vector.broadcast %max3A_674 : i32 to vector<16xi32>
      %max3A_676 = arith.maxsi %sub3A_673, %max3A_675 : vector<16xi32>
      %reshape3A_677 = vector.shape_cast %max3A_676 : vector<16xi32> to vector<16x1xi32>
      %gather3A_678 = vector.shape_cast %reshape3A_677 : vector<16x1xi32> to vector<16xi32>
      %gather3A_679 = tpu.dynamic_gather %add3A_670[%gather3A_678] in [0] : vector<16xi32>, vector<16xi32> -> vector<16xi32>
      %sub3A_680 = arith.constant 7 : i32
      %sub3A_681 = vector.broadcast %sub3A_680 : i32 to vector<16xi32>
      %sub3A_682 = arith.subi %iota3A, %sub3A_681 : vector<16xi32>
      %max3A_683 = arith.constant 0 : i32
      %max3A_684 = vector.broadcast %max3A_683 : i32 to vector<16xi32>
      %max3A_685 = arith.maxsi %sub3A_682, %max3A_684 : vector<16xi32>
      %min3A_686 = arith.constant 1 : i32
      %min3A_687 = vector.broadcast %min3A_686 : i32 to vector<16xi32>
      %min3A_688 = arith.minsi %max3A_685, %min3A_687 : vector<16xi32>
      %mul3A_689 = arith.muli %gather3A_679, %min3A_688 : vector<16xi32>
      %add3A_690 = arith.addi %add3A_670, %mul3A_689 : vector<16xi32>
      %add3A_691 = arith.addi %while3A_61, %add3A_584 : vector<16xi32>
      %add3A_692 = arith.addi %add3A_691, %add3A_690 : vector<16xi32>
      %sub3A_693 = arith.subi %add3A_692, %get3A_590 : vector<16xi32>
      %mul3A_694 = arith.muli %sub3A_693, %get3A_590 : vector<16xi32>
      %sub3A_695 = arith.constant 1 : i32
      %sub3A_696 = vector.broadcast %sub3A_695 : i32 to vector<16xi32>
      %sub3A_697 = arith.subi %sub3A_696, %get3A_590 : vector<16xi32>
      %mul3A_698 = arith.constant 160000 : i32
      %mul3A_699 = vector.broadcast %mul3A_698 : i32 to vector<16xi32>
      %mul3A_700 = arith.muli %sub3A_697, %mul3A_699 : vector<16xi32>
      %add3A_701 = arith.addi %mul3A_694, %mul3A_700 : vector<16xi32>
      %swap3A_702 = arith.constant 64 : index
      %swap3A_703 = tpu.vector_load %arg21[%swap3A_702] {strides = array<i32>} : memref<128xi32, #tpu.memory_space<vmem>>, vector<16xi32>,
      %swap3A_704 = vector.shape_cast %swap3A_703 : vector<16xi32> to vector<16xi32>
      %swap3A_705 = vector.shape_cast %add3A_701 : vector<16xi32> to vector<16xi32>
      tpu.vector_store %arg21[%swap3A_702], %swap3A_705 {strides = array<i32>} : memref<128xi32, #tpu.memory_space<vmem>>, vector<16xi32>,
      %reshape3A_706 = vector.shape_cast %broadcast_in_dim3A_32 : vector<16xi32> to vector<16x1xi32>
      %gather3A_707 = vector.shape_cast %reshape3A_706 : vector<16x1xi32> to vector<16xi32>
      %gather3A_708 = tpu.dynamic_gather %add3A_690[%gather3A_707] in [0] : vector<16xi32>, vector<16xi32> -> vector<16xi32>
      %add3A_709 = arith.addi %add3A_584, %gather3A_708 : vector<16xi32>
      %get3A_710 = arith.constant 80 : index
      %get3A_711 = tpu.vector_load %arg17[%get3A_710] {strides = array<i32>} : memref<128xi32, #tpu.memory_space<vmem>>, vector<16xi32>,
      %get3A_712 = vector.shape_cast %get3A_711 : vector<16xi32> to vector<16xi32>
      %get3A_713 = arith.constant 80 : index
      %get3A_714 = tpu.vector_load %arg18[%get3A_713] {strides = array<i32>} : memref<128xi32, #tpu.memory_space<vmem>>, vector<16xi32>,
      %get3A_715 = vector.shape_cast %get3A_714 : vector<16xi32> to vector<16xi32>
      %mul3A_716 = arith.constant 1024 : i32
      %mul3A_717 = vector.broadcast %mul3A_716 : i32 to vector<16xi32>
      %mul3A_718 = arith.muli %get3A_715, %mul3A_717 : vector<16xi32>
      %add3A_719 = arith.addi %get3A_712, %mul3A_718 : vector<16xi32>
      %swap3A_720 = arith.constant 80 : index
      %swap3A_721 = tpu.vector_load %arg19[%swap3A_720] {strides = array<i32>} : memref<128xi32, #tpu.memory_space<vmem>>, vector<16xi32>,
      %swap3A_722 = vector.shape_cast %swap3A_721 : vector<16xi32> to vector<16xi32>
      %swap3A_723 = vector.shape_cast %add3A_719 : vector<16xi32> to vector<16xi32>
      tpu.vector_store %arg19[%swap3A_720], %swap3A_723 {strides = array<i32>} : memref<128xi32, #tpu.memory_space<vmem>>, vector<16xi32>,
      %mul3A_724 = arith.muli %get3A_712, %get3A_715 : vector<16xi32>
      %sub3A_725 = arith.constant 1 : i32
      %sub3A_726 = vector.broadcast %sub3A_725 : i32 to vector<16xi32>
      %sub3A_727 = arith.subi %sub3A_726, %get3A_715 : vector<16xi32>
      %mul3A_728 = arith.constant 1024 : i32
      %mul3A_729 = vector.broadcast %mul3A_728 : i32 to vector<16xi32>
      %mul3A_730 = arith.muli %sub3A_727, %mul3A_729 : vector<16xi32>
      %add3A_731 = arith.addi %mul3A_724, %mul3A_730 : vector<16xi32>
      %swap3A_732 = arith.constant 80 : index
      %swap3A_733 = tpu.vector_load %arg20[%swap3A_732] {strides = array<i32>} : memref<128xi32, #tpu.memory_space<vmem>>, vector<16xi32>,
      %swap3A_734 = vector.shape_cast %swap3A_733 : vector<16xi32> to vector<16xi32>
      %swap3A_735 = vector.shape_cast %add3A_731 : vector<16xi32> to vector<16xi32>
      tpu.vector_store %arg20[%swap3A_732], %swap3A_735 {strides = array<i32>} : memref<128xi32, #tpu.memory_space<vmem>>, vector<16xi32>,
      %sub3A_736 = arith.constant 1 : i32
      %sub3A_737 = vector.broadcast %sub3A_736 : i32 to vector<16xi32>
      %sub3A_738 = arith.subi %iota3A, %sub3A_737 : vector<16xi32>
      %max3A_739 = arith.constant 0 : i32
      %max3A_740 = vector.broadcast %max3A_739 : i32 to vector<16xi32>
      %max3A_741 = arith.maxsi %sub3A_738, %max3A_740 : vector<16xi32>
      %reshape3A_742 = vector.shape_cast %max3A_741 : vector<16xi32> to vector<16x1xi32>
      %gather3A_743 = vector.shape_cast %reshape3A_742 : vector<16x1xi32> to vector<16xi32>
      %gather3A_744 = tpu.dynamic_gather %get3A_715[%gather3A_743] in [0] : vector<16xi32>, vector<16xi32> -> vector<16xi32>
      %sub3A_745 = arith.constant 0 : i32
      %sub3A_746 = vector.broadcast %sub3A_745 : i32 to vector<16xi32>
      %sub3A_747 = arith.subi %iota3A, %sub3A_746 : vector<16xi32>
      %max3A_748 = arith.constant 0 : i32
      %max3A_749 = vector.broadcast %max3A_748 : i32 to vector<16xi32>
      %max3A_750 = arith.maxsi %sub3A_747, %max3A_749 : vector<16xi32>
      %min3A_751 = arith.constant 1 : i32
      %min3A_752 = vector.broadcast %min3A_751 : i32 to vector<16xi32>
      %min3A_753 = arith.minsi %max3A_750, %min3A_752 : vector<16xi32>
      %mul3A_754 = arith.muli %gather3A_744, %min3A_753 : vector<16xi32>
      %add3A_755 = arith.addi %get3A_715, %mul3A_754 : vector<16xi32>
      %sub3A_756 = arith.constant 2 : i32
      %sub3A_757 = vector.broadcast %sub3A_756 : i32 to vector<16xi32>
      %sub3A_758 = arith.subi %iota3A, %sub3A_757 : vector<16xi32>
      %max3A_759 = arith.constant 0 : i32
      %max3A_760 = vector.broadcast %max3A_759 : i32 to vector<16xi32>
      %max3A_761 = arith.maxsi %sub3A_758, %max3A_760 : vector<16xi32>
      %reshape3A_762 = vector.shape_cast %max3A_761 : vector<16xi32> to vector<16x1xi32>
      %gather3A_763 = vector.shape_cast %reshape3A_762 : vector<16x1xi32> to vector<16xi32>
      %gather3A_764 = tpu.dynamic_gather %add3A_755[%gather3A_763] in [0] : vector<16xi32>, vector<16xi32> -> vector<16xi32>
      %sub3A_765 = arith.constant 1 : i32
      %sub3A_766 = vector.broadcast %sub3A_765 : i32 to vector<16xi32>
      %sub3A_767 = arith.subi %iota3A, %sub3A_766 : vector<16xi32>
      %max3A_768 = arith.constant 0 : i32
      %max3A_769 = vector.broadcast %max3A_768 : i32 to vector<16xi32>
      %max3A_770 = arith.maxsi %sub3A_767, %max3A_769 : vector<16xi32>
      %min3A_771 = arith.constant 1 : i32
      %min3A_772 = vector.broadcast %min3A_771 : i32 to vector<16xi32>
      %min3A_773 = arith.minsi %max3A_770, %min3A_772 : vector<16xi32>
      %mul3A_774 = arith.muli %gather3A_764, %min3A_773 : vector<16xi32>
      %add3A_775 = arith.addi %add3A_755, %mul3A_774 : vector<16xi32>
      %sub3A_776 = arith.constant 4 : i32
      %sub3A_777 = vector.broadcast %sub3A_776 : i32 to vector<16xi32>
      %sub3A_778 = arith.subi %iota3A, %sub3A_777 : vector<16xi32>
      %max3A_779 = arith.constant 0 : i32
      %max3A_780 = vector.broadcast %max3A_779 : i32 to vector<16xi32>
      %max3A_781 = arith.maxsi %sub3A_778, %max3A_780 : vector<16xi32>
      %reshape3A_782 = vector.shape_cast %max3A_781 : vector<16xi32> to vector<16x1xi32>
      %gather3A_783 = vector.shape_cast %reshape3A_782 : vector<16x1xi32> to vector<16xi32>
      %gather3A_784 = tpu.dynamic_gather %add3A_775[%gather3A_783] in [0] : vector<16xi32>, vector<16xi32> -> vector<16xi32>
      %sub3A_785 = arith.constant 3 : i32
      %sub3A_786 = vector.broadcast %sub3A_785 : i32 to vector<16xi32>
      %sub3A_787 = arith.subi %iota3A, %sub3A_786 : vector<16xi32>
      %max3A_788 = arith.constant 0 : i32
      %max3A_789 = vector.broadcast %max3A_788 : i32 to vector<16xi32>
      %max3A_790 = arith.maxsi %sub3A_787, %max3A_789 : vector<16xi32>
      %min3A_791 = arith.constant 1 : i32
      %min3A_792 = vector.broadcast %min3A_791 : i32 to vector<16xi32>
      %min3A_793 = arith.minsi %max3A_790, %min3A_792 : vector<16xi32>
      %mul3A_794 = arith.muli %gather3A_784, %min3A_793 : vector<16xi32>
      %add3A_795 = arith.addi %add3A_775, %mul3A_794 : vector<16xi32>
      %sub3A_796 = arith.constant 8 : i32
      %sub3A_797 = vector.broadcast %sub3A_796 : i32 to vector<16xi32>
      %sub3A_798 = arith.subi %iota3A, %sub3A_797 : vector<16xi32>
      %max3A_799 = arith.constant 0 : i32
      %max3A_800 = vector.broadcast %max3A_799 : i32 to vector<16xi32>
      %max3A_801 = arith.maxsi %sub3A_798, %max3A_800 : vector<16xi32>
      %reshape3A_802 = vector.shape_cast %max3A_801 : vector<16xi32> to vector<16x1xi32>
      %gather3A_803 = vector.shape_cast %reshape3A_802 : vector<16x1xi32> to vector<16xi32>
      %gather3A_804 = tpu.dynamic_gather %add3A_795[%gather3A_803] in [0] : vector<16xi32>, vector<16xi32> -> vector<16xi32>
      %sub3A_805 = arith.constant 7 : i32
      %sub3A_806 = vector.broadcast %sub3A_805 : i32 to vector<16xi32>
      %sub3A_807 = arith.subi %iota3A, %sub3A_806 : vector<16xi32>
      %max3A_808 = arith.constant 0 : i32
      %max3A_809 = vector.broadcast %max3A_808 : i32 to vector<16xi32>
      %max3A_810 = arith.maxsi %sub3A_807, %max3A_809 : vector<16xi32>
      %min3A_811 = arith.constant 1 : i32
      %min3A_812 = vector.broadcast %min3A_811 : i32 to vector<16xi32>
      %min3A_813 = arith.minsi %max3A_810, %min3A_812 : vector<16xi32>
      %mul3A_814 = arith.muli %gather3A_804, %min3A_813 : vector<16xi32>
      %add3A_815 = arith.addi %add3A_795, %mul3A_814 : vector<16xi32>
      %add3A_816 = arith.addi %while3A_61, %add3A_709 : vector<16xi32>
      %add3A_817 = arith.addi %add3A_816, %add3A_815 : vector<16xi32>
      %sub3A_818 = arith.subi %add3A_817, %get3A_715 : vector<16xi32>
      %mul3A_819 = arith.muli %sub3A_818, %get3A_715 : vector<16xi32>
      %sub3A_820 = arith.constant 1 : i32
      %sub3A_821 = vector.broadcast %sub3A_820 : i32 to vector<16xi32>
      %sub3A_822 = arith.subi %sub3A_821, %get3A_715 : vector<16xi32>
      %mul3A_823 = arith.constant 160000 : i32
      %mul3A_824 = vector.broadcast %mul3A_823 : i32 to vector<16xi32>
      %mul3A_825 = arith.muli %sub3A_822, %mul3A_824 : vector<16xi32>
      %add3A_826 = arith.addi %mul3A_819, %mul3A_825 : vector<16xi32>
      %swap3A_827 = arith.constant 80 : index
      %swap3A_828 = tpu.vector_load %arg21[%swap3A_827] {strides = array<i32>} : memref<128xi32, #tpu.memory_space<vmem>>, vector<16xi32>,
      %swap3A_829 = vector.shape_cast %swap3A_828 : vector<16xi32> to vector<16xi32>
      %swap3A_830 = vector.shape_cast %add3A_826 : vector<16xi32> to vector<16xi32>
      tpu.vector_store %arg21[%swap3A_827], %swap3A_830 {strides = array<i32>} : memref<128xi32, #tpu.memory_space<vmem>>, vector<16xi32>,
      %reshape3A_831 = vector.shape_cast %broadcast_in_dim3A_32 : vector<16xi32> to vector<16x1xi32>
      %gather3A_832 = vector.shape_cast %reshape3A_831 : vector<16x1xi32> to vector<16xi32>
      %gather3A_833 = tpu.dynamic_gather %add3A_815[%gather3A_832] in [0] : vector<16xi32>, vector<16xi32> -> vector<16xi32>
      %add3A_834 = arith.addi %add3A_709, %gather3A_833 : vector<16xi32>
      %get3A_835 = arith.constant 96 : index
      %get3A_836 = tpu.vector_load %arg17[%get3A_835] {strides = array<i32>} : memref<128xi32, #tpu.memory_space<vmem>>, vector<16xi32>,
      %get3A_837 = vector.shape_cast %get3A_836 : vector<16xi32> to vector<16xi32>
      %get3A_838 = arith.constant 96 : index
      %get3A_839 = tpu.vector_load %arg18[%get3A_838] {strides = array<i32>} : memref<128xi32, #tpu.memory_space<vmem>>, vector<16xi32>,
      %get3A_840 = vector.shape_cast %get3A_839 : vector<16xi32> to vector<16xi32>
      %mul3A_841 = arith.constant 1024 : i32
      %mul3A_842 = vector.broadcast %mul3A_841 : i32 to vector<16xi32>
      %mul3A_843 = arith.muli %get3A_840, %mul3A_842 : vector<16xi32>
      %add3A_844 = arith.addi %get3A_837, %mul3A_843 : vector<16xi32>
      %swap3A_845 = arith.constant 96 : index
      %swap3A_846 = tpu.vector_load %arg19[%swap3A_845] {strides = array<i32>} : memref<128xi32, #tpu.memory_space<vmem>>, vector<16xi32>,
      %swap3A_847 = vector.shape_cast %swap3A_846 : vector<16xi32> to vector<16xi32>
      %swap3A_848 = vector.shape_cast %add3A_844 : vector<16xi32> to vector<16xi32>
      tpu.vector_store %arg19[%swap3A_845], %swap3A_848 {strides = array<i32>} : memref<128xi32, #tpu.memory_space<vmem>>, vector<16xi32>,
      %mul3A_849 = arith.muli %get3A_837, %get3A_840 : vector<16xi32>
      %sub3A_850 = arith.constant 1 : i32
      %sub3A_851 = vector.broadcast %sub3A_850 : i32 to vector<16xi32>
      %sub3A_852 = arith.subi %sub3A_851, %get3A_840 : vector<16xi32>
      %mul3A_853 = arith.constant 1024 : i32
      %mul3A_854 = vector.broadcast %mul3A_853 : i32 to vector<16xi32>
      %mul3A_855 = arith.muli %sub3A_852, %mul3A_854 : vector<16xi32>
      %add3A_856 = arith.addi %mul3A_849, %mul3A_855 : vector<16xi32>
      %swap3A_857 = arith.constant 96 : index
      %swap3A_858 = tpu.vector_load %arg20[%swap3A_857] {strides = array<i32>} : memref<128xi32, #tpu.memory_space<vmem>>, vector<16xi32>,
      %swap3A_859 = vector.shape_cast %swap3A_858 : vector<16xi32> to vector<16xi32>
      %swap3A_860 = vector.shape_cast %add3A_856 : vector<16xi32> to vector<16xi32>
      tpu.vector_store %arg20[%swap3A_857], %swap3A_860 {strides = array<i32>} : memref<128xi32, #tpu.memory_space<vmem>>, vector<16xi32>,
      %sub3A_861 = arith.constant 1 : i32
      %sub3A_862 = vector.broadcast %sub3A_861 : i32 to vector<16xi32>
      %sub3A_863 = arith.subi %iota3A, %sub3A_862 : vector<16xi32>
      %max3A_864 = arith.constant 0 : i32
      %max3A_865 = vector.broadcast %max3A_864 : i32 to vector<16xi32>
      %max3A_866 = arith.maxsi %sub3A_863, %max3A_865 : vector<16xi32>
      %reshape3A_867 = vector.shape_cast %max3A_866 : vector<16xi32> to vector<16x1xi32>
      %gather3A_868 = vector.shape_cast %reshape3A_867 : vector<16x1xi32> to vector<16xi32>
      %gather3A_869 = tpu.dynamic_gather %get3A_840[%gather3A_868] in [0] : vector<16xi32>, vector<16xi32> -> vector<16xi32>
      %sub3A_870 = arith.constant 0 : i32
      %sub3A_871 = vector.broadcast %sub3A_870 : i32 to vector<16xi32>
      %sub3A_872 = arith.subi %iota3A, %sub3A_871 : vector<16xi32>
      %max3A_873 = arith.constant 0 : i32
      %max3A_874 = vector.broadcast %max3A_873 : i32 to vector<16xi32>
      %max3A_875 = arith.maxsi %sub3A_872, %max3A_874 : vector<16xi32>
      %min3A_876 = arith.constant 1 : i32
      %min3A_877 = vector.broadcast %min3A_876 : i32 to vector<16xi32>
      %min3A_878 = arith.minsi %max3A_875, %min3A_877 : vector<16xi32>
      %mul3A_879 = arith.muli %gather3A_869, %min3A_878 : vector<16xi32>
      %add3A_880 = arith.addi %get3A_840, %mul3A_879 : vector<16xi32>
      %sub3A_881 = arith.constant 2 : i32
      %sub3A_882 = vector.broadcast %sub3A_881 : i32 to vector<16xi32>
      %sub3A_883 = arith.subi %iota3A, %sub3A_882 : vector<16xi32>
      %max3A_884 = arith.constant 0 : i32
      %max3A_885 = vector.broadcast %max3A_884 : i32 to vector<16xi32>
      %max3A_886 = arith.maxsi %sub3A_883, %max3A_885 : vector<16xi32>
      %reshape3A_887 = vector.shape_cast %max3A_886 : vector<16xi32> to vector<16x1xi32>
      %gather3A_888 = vector.shape_cast %reshape3A_887 : vector<16x1xi32> to vector<16xi32>
      %gather3A_889 = tpu.dynamic_gather %add3A_880[%gather3A_888] in [0] : vector<16xi32>, vector<16xi32> -> vector<16xi32>
      %sub3A_890 = arith.constant 1 : i32
      %sub3A_891 = vector.broadcast %sub3A_890 : i32 to vector<16xi32>
      %sub3A_892 = arith.subi %iota3A, %sub3A_891 : vector<16xi32>
      %max3A_893 = arith.constant 0 : i32
      %max3A_894 = vector.broadcast %max3A_893 : i32 to vector<16xi32>
      %max3A_895 = arith.maxsi %sub3A_892, %max3A_894 : vector<16xi32>
      %min3A_896 = arith.constant 1 : i32
      %min3A_897 = vector.broadcast %min3A_896 : i32 to vector<16xi32>
      %min3A_898 = arith.minsi %max3A_895, %min3A_897 : vector<16xi32>
      %mul3A_899 = arith.muli %gather3A_889, %min3A_898 : vector<16xi32>
      %add3A_900 = arith.addi %add3A_880, %mul3A_899 : vector<16xi32>
      %sub3A_901 = arith.constant 4 : i32
      %sub3A_902 = vector.broadcast %sub3A_901 : i32 to vector<16xi32>
      %sub3A_903 = arith.subi %iota3A, %sub3A_902 : vector<16xi32>
      %max3A_904 = arith.constant 0 : i32
      %max3A_905 = vector.broadcast %max3A_904 : i32 to vector<16xi32>
      %max3A_906 = arith.maxsi %sub3A_903, %max3A_905 : vector<16xi32>
      %reshape3A_907 = vector.shape_cast %max3A_906 : vector<16xi32> to vector<16x1xi32>
      %gather3A_908 = vector.shape_cast %reshape3A_907 : vector<16x1xi32> to vector<16xi32>
      %gather3A_909 = tpu.dynamic_gather %add3A_900[%gather3A_908] in [0] : vector<16xi32>, vector<16xi32> -> vector<16xi32>
      %sub3A_910 = arith.constant 3 : i32
      %sub3A_911 = vector.broadcast %sub3A_910 : i32 to vector<16xi32>
      %sub3A_912 = arith.subi %iota3A, %sub3A_911 : vector<16xi32>
      %max3A_913 = arith.constant 0 : i32
      %max3A_914 = vector.broadcast %max3A_913 : i32 to vector<16xi32>
      %max3A_915 = arith.maxsi %sub3A_912, %max3A_914 : vector<16xi32>
      %min3A_916 = arith.constant 1 : i32
      %min3A_917 = vector.broadcast %min3A_916 : i32 to vector<16xi32>
      %min3A_918 = arith.minsi %max3A_915, %min3A_917 : vector<16xi32>
      %mul3A_919 = arith.muli %gather3A_909, %min3A_918 : vector<16xi32>
      %add3A_920 = arith.addi %add3A_900, %mul3A_919 : vector<16xi32>
      %sub3A_921 = arith.constant 8 : i32
      %sub3A_922 = vector.broadcast %sub3A_921 : i32 to vector<16xi32>
      %sub3A_923 = arith.subi %iota3A, %sub3A_922 : vector<16xi32>
      %max3A_924 = arith.constant 0 : i32
      %max3A_925 = vector.broadcast %max3A_924 : i32 to vector<16xi32>
      %max3A_926 = arith.maxsi %sub3A_923, %max3A_925 : vector<16xi32>
      %reshape3A_927 = vector.shape_cast %max3A_926 : vector<16xi32> to vector<16x1xi32>
      %gather3A_928 = vector.shape_cast %reshape3A_927 : vector<16x1xi32> to vector<16xi32>
      %gather3A_929 = tpu.dynamic_gather %add3A_920[%gather3A_928] in [0] : vector<16xi32>, vector<16xi32> -> vector<16xi32>
      %sub3A_930 = arith.constant 7 : i32
      %sub3A_931 = vector.broadcast %sub3A_930 : i32 to vector<16xi32>
      %sub3A_932 = arith.subi %iota3A, %sub3A_931 : vector<16xi32>
      %max3A_933 = arith.constant 0 : i32
      %max3A_934 = vector.broadcast %max3A_933 : i32 to vector<16xi32>
      %max3A_935 = arith.maxsi %sub3A_932, %max3A_934 : vector<16xi32>
      %min3A_936 = arith.constant 1 : i32
      %min3A_937 = vector.broadcast %min3A_936 : i32 to vector<16xi32>
      %min3A_938 = arith.minsi %max3A_935, %min3A_937 : vector<16xi32>
      %mul3A_939 = arith.muli %gather3A_929, %min3A_938 : vector<16xi32>
      %add3A_940 = arith.addi %add3A_920, %mul3A_939 : vector<16xi32>
      %add3A_941 = arith.addi %while3A_61, %add3A_834 : vector<16xi32>
      %add3A_942 = arith.addi %add3A_941, %add3A_940 : vector<16xi32>
      %sub3A_943 = arith.subi %add3A_942, %get3A_840 : vector<16xi32>
      %mul3A_944 = arith.muli %sub3A_943, %get3A_840 : vector<16xi32>
      %sub3A_945 = arith.constant 1 : i32
      %sub3A_946 = vector.broadcast %sub3A_945 : i32 to vector<16xi32>
      %sub3A_947 = arith.subi %sub3A_946, %get3A_840 : vector<16xi32>
      %mul3A_948 = arith.constant 160000 : i32
      %mul3A_949 = vector.broadcast %mul3A_948 : i32 to vector<16xi32>
      %mul3A_950 = arith.muli %sub3A_947, %mul3A_949 : vector<16xi32>
      %add3A_951 = arith.addi %mul3A_944, %mul3A_950 : vector<16xi32>
      %swap3A_952 = arith.constant 96 : index
      %swap3A_953 = tpu.vector_load %arg21[%swap3A_952] {strides = array<i32>} : memref<128xi32, #tpu.memory_space<vmem>>, vector<16xi32>,
      %swap3A_954 = vector.shape_cast %swap3A_953 : vector<16xi32> to vector<16xi32>
      %swap3A_955 = vector.shape_cast %add3A_951 : vector<16xi32> to vector<16xi32>
      tpu.vector_store %arg21[%swap3A_952], %swap3A_955 {strides = array<i32>} : memref<128xi32, #tpu.memory_space<vmem>>, vector<16xi32>,
      %reshape3A_956 = vector.shape_cast %broadcast_in_dim3A_32 : vector<16xi32> to vector<16x1xi32>
      %gather3A_957 = vector.shape_cast %reshape3A_956 : vector<16x1xi32> to vector<16xi32>
      %gather3A_958 = tpu.dynamic_gather %add3A_940[%gather3A_957] in [0] : vector<16xi32>, vector<16xi32> -> vector<16xi32>
      %add3A_959 = arith.addi %add3A_834, %gather3A_958 : vector<16xi32>
      %get3A_960 = arith.constant 112 : index
      %get3A_961 = tpu.vector_load %arg17[%get3A_960] {strides = array<i32>} : memref<128xi32, #tpu.memory_space<vmem>>, vector<16xi32>,
      %get3A_962 = vector.shape_cast %get3A_961 : vector<16xi32> to vector<16xi32>
      %get3A_963 = arith.constant 112 : index
      %get3A_964 = tpu.vector_load %arg18[%get3A_963] {strides = array<i32>} : memref<128xi32, #tpu.memory_space<vmem>>, vector<16xi32>,
      %get3A_965 = vector.shape_cast %get3A_964 : vector<16xi32> to vector<16xi32>
      %mul3A_966 = arith.constant 1024 : i32
      %mul3A_967 = vector.broadcast %mul3A_966 : i32 to vector<16xi32>
      %mul3A_968 = arith.muli %get3A_965, %mul3A_967 : vector<16xi32>
      %add3A_969 = arith.addi %get3A_962, %mul3A_968 : vector<16xi32>
      %swap3A_970 = arith.constant 112 : index
      %swap3A_971 = tpu.vector_load %arg19[%swap3A_970] {strides = array<i32>} : memref<128xi32, #tpu.memory_space<vmem>>, vector<16xi32>,
      %swap3A_972 = vector.shape_cast %swap3A_971 : vector<16xi32> to vector<16xi32>
      %swap3A_973 = vector.shape_cast %add3A_969 : vector<16xi32> to vector<16xi32>
      tpu.vector_store %arg19[%swap3A_970], %swap3A_973 {strides = array<i32>} : memref<128xi32, #tpu.memory_space<vmem>>, vector<16xi32>,
      %mul3A_974 = arith.muli %get3A_962, %get3A_965 : vector<16xi32>
      %sub3A_975 = arith.constant 1 : i32
      %sub3A_976 = vector.broadcast %sub3A_975 : i32 to vector<16xi32>
      %sub3A_977 = arith.subi %sub3A_976, %get3A_965 : vector<16xi32>
      %mul3A_978 = arith.constant 1024 : i32
      %mul3A_979 = vector.broadcast %mul3A_978 : i32 to vector<16xi32>
      %mul3A_980 = arith.muli %sub3A_977, %mul3A_979 : vector<16xi32>
      %add3A_981 = arith.addi %mul3A_974, %mul3A_980 : vector<16xi32>
      %swap3A_982 = arith.constant 112 : index
      %swap3A_983 = tpu.vector_load %arg20[%swap3A_982] {strides = array<i32>} : memref<128xi32, #tpu.memory_space<vmem>>, vector<16xi32>,
      %swap3A_984 = vector.shape_cast %swap3A_983 : vector<16xi32> to vector<16xi32>
      %swap3A_985 = vector.shape_cast %add3A_981 : vector<16xi32> to vector<16xi32>
      tpu.vector_store %arg20[%swap3A_982], %swap3A_985 {strides = array<i32>} : memref<128xi32, #tpu.memory_space<vmem>>, vector<16xi32>,
      %sub3A_986 = arith.constant 1 : i32
      %sub3A_987 = vector.broadcast %sub3A_986 : i32 to vector<16xi32>
      %sub3A_988 = arith.subi %iota3A, %sub3A_987 : vector<16xi32>
      %max3A_989 = arith.constant 0 : i32
      %max3A_990 = vector.broadcast %max3A_989 : i32 to vector<16xi32>
      %max3A_991 = arith.maxsi %sub3A_988, %max3A_990 : vector<16xi32>
      %reshape3A_992 = vector.shape_cast %max3A_991 : vector<16xi32> to vector<16x1xi32>
      %gather3A_993 = vector.shape_cast %reshape3A_992 : vector<16x1xi32> to vector<16xi32>
      %gather3A_994 = tpu.dynamic_gather %get3A_965[%gather3A_993] in [0] : vector<16xi32>, vector<16xi32> -> vector<16xi32>
      %sub3A_995 = arith.constant 0 : i32
      %sub3A_996 = vector.broadcast %sub3A_995 : i32 to vector<16xi32>
      %sub3A_997 = arith.subi %iota3A, %sub3A_996 : vector<16xi32>
      %max3A_998 = arith.constant 0 : i32
      %max3A_999 = vector.broadcast %max3A_998 : i32 to vector<16xi32>
      %max3A_1000 = arith.maxsi %sub3A_997, %max3A_999 : vector<16xi32>
      %min3A_1001 = arith.constant 1 : i32
      %min3A_1002 = vector.broadcast %min3A_1001 : i32 to vector<16xi32>
      %min3A_1003 = arith.minsi %max3A_1000, %min3A_1002 : vector<16xi32>
      %mul3A_1004 = arith.muli %gather3A_994, %min3A_1003 : vector<16xi32>
      %add3A_1005 = arith.addi %get3A_965, %mul3A_1004 : vector<16xi32>
      %sub3A_1006 = arith.constant 2 : i32
      %sub3A_1007 = vector.broadcast %sub3A_1006 : i32 to vector<16xi32>
      %sub3A_1008 = arith.subi %iota3A, %sub3A_1007 : vector<16xi32>
      %max3A_1009 = arith.constant 0 : i32
      %max3A_1010 = vector.broadcast %max3A_1009 : i32 to vector<16xi32>
      %max3A_1011 = arith.maxsi %sub3A_1008, %max3A_1010 : vector<16xi32>
      %reshape3A_1012 = vector.shape_cast %max3A_1011 : vector<16xi32> to vector<16x1xi32>
      %gather3A_1013 = vector.shape_cast %reshape3A_1012 : vector<16x1xi32> to vector<16xi32>
      %gather3A_1014 = tpu.dynamic_gather %add3A_1005[%gather3A_1013] in [0] : vector<16xi32>, vector<16xi32> -> vector<16xi32>
      %sub3A_1015 = arith.constant 1 : i32
      %sub3A_1016 = vector.broadcast %sub3A_1015 : i32 to vector<16xi32>
      %sub3A_1017 = arith.subi %iota3A, %sub3A_1016 : vector<16xi32>
      %max3A_1018 = arith.constant 0 : i32
      %max3A_1019 = vector.broadcast %max3A_1018 : i32 to vector<16xi32>
      %max3A_1020 = arith.maxsi %sub3A_1017, %max3A_1019 : vector<16xi32>
      %min3A_1021 = arith.constant 1 : i32
      %min3A_1022 = vector.broadcast %min3A_1021 : i32 to vector<16xi32>
      %min3A_1023 = arith.minsi %max3A_1020, %min3A_1022 : vector<16xi32>
      %mul3A_1024 = arith.muli %gather3A_1014, %min3A_1023 : vector<16xi32>
      %add3A_1025 = arith.addi %add3A_1005, %mul3A_1024 : vector<16xi32>
      %sub3A_1026 = arith.constant 4 : i32
      %sub3A_1027 = vector.broadcast %sub3A_1026 : i32 to vector<16xi32>
      %sub3A_1028 = arith.subi %iota3A, %sub3A_1027 : vector<16xi32>
      %max3A_1029 = arith.constant 0 : i32
      %max3A_1030 = vector.broadcast %max3A_1029 : i32 to vector<16xi32>
      %max3A_1031 = arith.maxsi %sub3A_1028, %max3A_1030 : vector<16xi32>
      %reshape3A_1032 = vector.shape_cast %max3A_1031 : vector<16xi32> to vector<16x1xi32>
      %gather3A_1033 = vector.shape_cast %reshape3A_1032 : vector<16x1xi32> to vector<16xi32>
      %gather3A_1034 = tpu.dynamic_gather %add3A_1025[%gather3A_1033] in [0] : vector<16xi32>, vector<16xi32> -> vector<16xi32>
      %sub3A_1035 = arith.constant 3 : i32
      %sub3A_1036 = vector.broadcast %sub3A_1035 : i32 to vector<16xi32>
      %sub3A_1037 = arith.subi %iota3A, %sub3A_1036 : vector<16xi32>
      %max3A_1038 = arith.constant 0 : i32
      %max3A_1039 = vector.broadcast %max3A_1038 : i32 to vector<16xi32>
      %max3A_1040 = arith.maxsi %sub3A_1037, %max3A_1039 : vector<16xi32>
      %min3A_1041 = arith.constant 1 : i32
      %min3A_1042 = vector.broadcast %min3A_1041 : i32 to vector<16xi32>
      %min3A_1043 = arith.minsi %max3A_1040, %min3A_1042 : vector<16xi32>
      %mul3A_1044 = arith.muli %gather3A_1034, %min3A_1043 : vector<16xi32>
      %add3A_1045 = arith.addi %add3A_1025, %mul3A_1044 : vector<16xi32>
      %sub3A_1046 = arith.constant 8 : i32
      %sub3A_1047 = vector.broadcast %sub3A_1046 : i32 to vector<16xi32>
      %sub3A_1048 = arith.subi %iota3A, %sub3A_1047 : vector<16xi32>
      %max3A_1049 = arith.constant 0 : i32
      %max3A_1050 = vector.broadcast %max3A_1049 : i32 to vector<16xi32>
      %max3A_1051 = arith.maxsi %sub3A_1048, %max3A_1050 : vector<16xi32>
      %reshape3A_1052 = vector.shape_cast %max3A_1051 : vector<16xi32> to vector<16x1xi32>
      %gather3A_1053 = vector.shape_cast %reshape3A_1052 : vector<16x1xi32> to vector<16xi32>
      %gather3A_1054 = tpu.dynamic_gather %add3A_1045[%gather3A_1053] in [0] : vector<16xi32>, vector<16xi32> -> vector<16xi32>
      %sub3A_1055 = arith.constant 7 : i32
      %sub3A_1056 = vector.broadcast %sub3A_1055 : i32 to vector<16xi32>
      %sub3A_1057 = arith.subi %iota3A, %sub3A_1056 : vector<16xi32>
      %max3A_1058 = arith.constant 0 : i32
      %max3A_1059 = vector.broadcast %max3A_1058 : i32 to vector<16xi32>
      %max3A_1060 = arith.maxsi %sub3A_1057, %max3A_1059 : vector<16xi32>
      %min3A_1061 = arith.constant 1 : i32
      %min3A_1062 = vector.broadcast %min3A_1061 : i32 to vector<16xi32>
      %min3A_1063 = arith.minsi %max3A_1060, %min3A_1062 : vector<16xi32>
      %mul3A_1064 = arith.muli %gather3A_1054, %min3A_1063 : vector<16xi32>
      %add3A_1065 = arith.addi %add3A_1045, %mul3A_1064 : vector<16xi32>
      %add3A_1066 = arith.addi %while3A_61, %add3A_959 : vector<16xi32>
      %add3A_1067 = arith.addi %add3A_1066, %add3A_1065 : vector<16xi32>
      %sub3A_1068 = arith.subi %add3A_1067, %get3A_965 : vector<16xi32>
      %mul3A_1069 = arith.muli %sub3A_1068, %get3A_965 : vector<16xi32>
      %sub3A_1070 = arith.constant 1 : i32
      %sub3A_1071 = vector.broadcast %sub3A_1070 : i32 to vector<16xi32>
      %sub3A_1072 = arith.subi %sub3A_1071, %get3A_965 : vector<16xi32>
      %mul3A_1073 = arith.constant 160000 : i32
      %mul3A_1074 = vector.broadcast %mul3A_1073 : i32 to vector<16xi32>
      %mul3A_1075 = arith.muli %sub3A_1072, %mul3A_1074 : vector<16xi32>
      %add3A_1076 = arith.addi %mul3A_1069, %mul3A_1075 : vector<16xi32>
      %swap3A_1077 = arith.constant 112 : index
      %swap3A_1078 = tpu.vector_load %arg21[%swap3A_1077] {strides = array<i32>} : memref<128xi32, #tpu.memory_space<vmem>>, vector<16xi32>,
      %swap3A_1079 = vector.shape_cast %swap3A_1078 : vector<16xi32> to vector<16xi32>
      %swap3A_1080 = vector.shape_cast %add3A_1076 : vector<16xi32> to vector<16xi32>
      tpu.vector_store %arg21[%swap3A_1077], %swap3A_1080 {strides = array<i32>} : memref<128xi32, #tpu.memory_space<vmem>>, vector<16xi32>,
      %reshape3A_1081 = vector.shape_cast %broadcast_in_dim3A_32 : vector<16xi32> to vector<16x1xi32>
      %gather3A_1082 = vector.shape_cast %reshape3A_1081 : vector<16x1xi32> to vector<16xi32>
      %gather3A_1083 = tpu.dynamic_gather %add3A_1065[%gather3A_1082] in [0] : vector<16xi32>, vector<16xi32> -> vector<16xi32>
      %add3A_1084 = arith.addi %add3A_959, %gather3A_1083 : vector<16xi32>
      %dma_start3A_1085 = arith.constant 0 : i32
      %dma_start3A_1086 = arith.constant 0 : i32
      %dma_start3A_1087 = tpu.memref_slice %arg8[%dma_start3A_1085, %dma_start3A_1086] : memref<160000x128xf32, #tpu.memory_space<hbm>> -> memref<160000x128xf32, #tpu.memory_space<hbm>>
      %dma_start3A_1088 = arith.constant 160000 : i32
      tpu.enqueue_indirect_dma source(%dma_start3A_1087 : memref<160000x128xf32, #tpu.memory_space<hbm>>) target(%arg16 : memref<128x128xf32, #tpu.memory_space<vmem>>) offsets(%arg21 : memref<128xi32, #tpu.memory_space<vmem>>) offset_filter(%dma_start3A_1088) semaphore(%arg30 : memref<!tpu.dma_semaphore, #tpu.memory_space<semaphore_mem>>)
      %dma_wait3A_1089 = arith.constant 0 : i32
      %dma_wait3A_1090 = tpu.memref_slice %arg5[%multiple_of3A_65, %dma_wait3A_1089] : memref<80000x256xf32, #tpu.memory_space<hbm>> -> memref<128x128xf32, #tpu.memory_space<hbm>>
      %dma_wait3A_1091 = arith.constant 0 : i32
      %dma_wait3A_1092 = tpu.memref_slice %arg5[%multiple_of3A_65, %dma_wait3A_1091] : memref<80000x256xf32, #tpu.memory_space<hbm>> -> memref<128x128xf32, #tpu.memory_space<hbm>>
      tpu.wait_dma2 semaphore(%arg28 : memref<!tpu.dma_semaphore, #tpu.memory_space<semaphore_mem>>) src(%dma_wait3A_1092 : memref<128x128xf32, #tpu.memory_space<hbm>>) dst(%arg14 : memref<128x128xf32, #tpu.memory_space<vmem>>)
      %dma_start3A_1093 = arith.constant 0 : i32
      %dma_start3A_1094 = arith.constant 0 : i32
      %dma_start3A_1095 = tpu.memref_slice %arg24[%dma_start3A_1093, %dma_start3A_1094] : memref<2048x128xf32, #tpu.memory_space<vmem_shared>> -> memref<2048x128xf32, #tpu.memory_space<vmem_shared>>
      tpu.enqueue_indirect_dma source(%arg14 : memref<128x128xf32, #tpu.memory_space<vmem>>) target(%dma_start3A_1095 : memref<2048x128xf32, #tpu.memory_space<vmem_shared>>) offsets(%arg19 : memref<128xi32, #tpu.memory_space<vmem>>) semaphore(%arg34 : memref<!tpu.dma_semaphore, #tpu.memory_space<semaphore_mem>>) {add = true}
      %dma_wait3A_1096 = arith.constant 128 : i32
      %dma_wait3A_1097 = tpu.memref_slice %arg5[%multiple_of3A_65, %dma_wait3A_1096] : memref<80000x256xf32, #tpu.memory_space<hbm>> -> memref<128x128xf32, #tpu.memory_space<hbm>>
      %dma_wait3A_1098 = arith.constant 128 : i32
      %dma_wait3A_1099 = tpu.memref_slice %arg5[%multiple_of3A_65, %dma_wait3A_1098] : memref<80000x256xf32, #tpu.memory_space<hbm>> -> memref<128x128xf32, #tpu.memory_space<hbm>>
      tpu.wait_dma2 semaphore(%arg29 : memref<!tpu.dma_semaphore, #tpu.memory_space<semaphore_mem>>) src(%dma_wait3A_1099 : memref<128x128xf32, #tpu.memory_space<hbm>>) dst(%arg15 : memref<128x128xf32, #tpu.memory_space<vmem>>)
      %dma_start3A_1100 = arith.constant 0 : i32
      %dma_start3A_1101 = arith.constant 0 : i32
      %dma_start3A_1102 = tpu.memref_slice %arg25[%dma_start3A_1100, %dma_start3A_1101] : memref<2048x128xf32, #tpu.memory_space<vmem_shared>> -> memref<2048x128xf32, #tpu.memory_space<vmem_shared>>
      tpu.enqueue_indirect_dma source(%arg15 : memref<128x128xf32, #tpu.memory_space<vmem>>) target(%dma_start3A_1102 : memref<2048x128xf32, #tpu.memory_space<vmem_shared>>) offsets(%arg19 : memref<128xi32, #tpu.memory_space<vmem>>) semaphore(%arg35 : memref<!tpu.dma_semaphore, #tpu.memory_space<semaphore_mem>>) {add = true}
      %dma_start3A_1103 = arith.constant 0 : i32
      %dma_start3A_1104 = arith.constant 0 : i32
      %dma_start3A_1105 = tpu.memref_slice %arg27[%dma_start3A_1103, %dma_start3A_1104] : memref<2048x16xf32, #tpu.memory_space<vmem_shared>> -> memref<2048x16xf32, #tpu.memory_space<vmem_shared>>
      tpu.enqueue_indirect_dma source(%arg23 : memref<128x16xf32, #tpu.memory_space<vmem>>) target(%dma_start3A_1105 : memref<2048x16xf32, #tpu.memory_space<vmem_shared>>) offsets(%arg19 : memref<128xi32, #tpu.memory_space<vmem>>) semaphore(%arg36 : memref<!tpu.dma_semaphore, #tpu.memory_space<semaphore_mem>>) {add = true}
      %dma_wait3A_1106 = arith.constant 0 : i32
      %dma_wait3A_1107 = arith.constant 0 : i32
      %dma_wait3A_1108 = tpu.memref_slice %arg8[%dma_wait3A_1106, %dma_wait3A_1107] : memref<160000x128xf32, #tpu.memory_space<hbm>> -> memref<160000x128xf32, #tpu.memory_space<hbm>>
      tpu.wait_indirect_dma semaphore(%arg30 : memref<!tpu.dma_semaphore, #tpu.memory_space<semaphore_mem>>) src(%dma_wait3A_1108 : memref<160000x128xf32, #tpu.memory_space<hbm>>) dst(%arg16 : memref<128x128xf32, #tpu.memory_space<vmem>>)
      %dma_start3A_1109 = arith.constant 0 : i32
      %dma_start3A_1110 = arith.constant 0 : i32
      %dma_start3A_1111 = tpu.memref_slice %arg26[%dma_start3A_1109, %dma_start3A_1110] : memref<1152x128xf32, #tpu.memory_space<vmem_shared>> -> memref<1152x128xf32, #tpu.memory_space<vmem_shared>>
      %dma_start3A_1112 = arith.constant 1024 : i32
      tpu.enqueue_indirect_dma source(%arg16 : memref<128x128xf32, #tpu.memory_space<vmem>>) target(%dma_start3A_1111 : memref<1152x128xf32, #tpu.memory_space<vmem_shared>>) offsets(%arg20 : memref<128xi32, #tpu.memory_space<vmem>>) offset_filter(%dma_start3A_1112) semaphore(%arg37 : memref<!tpu.dma_semaphore, #tpu.memory_space<semaphore_mem>>) {add = true}
      %dma_wait3A_1113 = arith.constant 0 : i32
      %dma_wait3A_1114 = arith.constant 0 : i32
      %dma_wait3A_1115 = tpu.memref_slice %arg24[%dma_wait3A_1113, %dma_wait3A_1114] : memref<2048x128xf32, #tpu.memory_space<vmem_shared>> -> memref<2048x128xf32, #tpu.memory_space<vmem_shared>>
      tpu.wait_indirect_dma semaphore(%arg34 : memref<!tpu.dma_semaphore, #tpu.memory_space<semaphore_mem>>) src(%arg14 : memref<128x128xf32, #tpu.memory_space<vmem>>) dst(%dma_wait3A_1115 : memref<2048x128xf32, #tpu.memory_space<vmem_shared>>)
      %dma_wait3A_1116 = arith.constant 0 : i32
      %dma_wait3A_1117 = arith.constant 0 : i32
      %dma_wait3A_1118 = tpu.memref_slice %arg25[%dma_wait3A_1116, %dma_wait3A_1117] : memref<2048x128xf32, #tpu.memory_space<vmem_shared>> -> memref<2048x128xf32, #tpu.memory_space<vmem_shared>>
      tpu.wait_indirect_dma semaphore(%arg35 : memref<!tpu.dma_semaphore, #tpu.memory_space<semaphore_mem>>) src(%arg15 : memref<128x128xf32, #tpu.memory_space<vmem>>) dst(%dma_wait3A_1118 : memref<2048x128xf32, #tpu.memory_space<vmem_shared>>)
      %dma_wait3A_1119 = arith.constant 0 : i32
      %dma_wait3A_1120 = arith.constant 0 : i32
      %dma_wait3A_1121 = tpu.memref_slice %arg27[%dma_wait3A_1119, %dma_wait3A_1120] : memref<2048x16xf32, #tpu.memory_space<vmem_shared>> -> memref<2048x16xf32, #tpu.memory_space<vmem_shared>>
      tpu.wait_indirect_dma semaphore(%arg36 : memref<!tpu.dma_semaphore, #tpu.memory_space<semaphore_mem>>) src(%arg23 : memref<128x16xf32, #tpu.memory_space<vmem>>) dst(%dma_wait3A_1121 : memref<2048x16xf32, #tpu.memory_space<vmem_shared>>)
      %dma_wait3A_1122 = arith.constant 0 : i32
      %dma_wait3A_1123 = arith.constant 0 : i32
      %dma_wait3A_1124 = tpu.memref_slice %arg26[%dma_wait3A_1122, %dma_wait3A_1123] : memref<1152x128xf32, #tpu.memory_space<vmem_shared>> -> memref<1152x128xf32, #tpu.memory_space<vmem_shared>>
      tpu.wait_indirect_dma semaphore(%arg37 : memref<!tpu.dma_semaphore, #tpu.memory_space<semaphore_mem>>) src(%arg16 : memref<128x128xf32, #tpu.memory_space<vmem>>) dst(%dma_wait3A_1124 : memref<1152x128xf32, #tpu.memory_space<vmem_shared>>)
      %add3A_1125 = arith.addi %while3A_61, %add3A_1084 : vector<16xi32>
      scf.yield %add3A_1125 : vector<16xi32>
    }
    %while3A_41 = arith.constant 1 : i32
    %while3A_42 = scf.for %while3A_60 = %while3A_38 to %while3A_34 step %while3A_41 iter_args(%while3A_61 = %while3A_40) -> (vector<16xi32>)  : i32 {
      %add3A_62 = arith.addi %add3A_20, %while3A_60 : i32
      %mul3A_63 = arith.constant 128 : i32
      %mul3A_64 = arith.muli %add3A_62, %mul3A_63 : i32
      %multiple_of3A_65 = tpu.assume_multiple %mul3A_64, 128 : i32
      %dma_start3A_66 = arith.constant 0 : i32
      %dma_start3A_67 = tpu.memref_slice %arg5[%multiple_of3A_65, %dma_start3A_66] : memref<80000x256xf32, #tpu.memory_space<hbm>> -> memref<128x128xf32, #tpu.memory_space<hbm>>
      %dma_start3A_68 = arith.constant 0 : i32
      %dma_start3A_69 = tpu.memref_slice %arg5[%multiple_of3A_65, %dma_start3A_68] : memref<80000x256xf32, #tpu.memory_space<hbm>> -> memref<128x128xf32, #tpu.memory_space<hbm>>
      tpu.enqueue_dma source(%dma_start3A_69 : memref<128x128xf32, #tpu.memory_space<hbm>>) target(%arg14 : memref<128x128xf32, #tpu.memory_space<vmem>>) target_semaphore(%arg28 : memref<!tpu.dma_semaphore, #tpu.memory_space<semaphore_mem>>)
      %dma_start3A_70 = arith.constant 128 : i32
      %dma_start3A_71 = tpu.memref_slice %arg5[%multiple_of3A_65, %dma_start3A_70] : memref<80000x256xf32, #tpu.memory_space<hbm>> -> memref<128x128xf32, #tpu.memory_space<hbm>>
      %dma_start3A_72 = arith.constant 128 : i32
      %dma_start3A_73 = tpu.memref_slice %arg5[%multiple_of3A_65, %dma_start3A_72] : memref<80000x256xf32, #tpu.memory_space<hbm>> -> memref<128x128xf32, #tpu.memory_space<hbm>>
      tpu.enqueue_dma source(%dma_start3A_73 : memref<128x128xf32, #tpu.memory_space<hbm>>) target(%arg15 : memref<128x128xf32, #tpu.memory_space<vmem>>) target_semaphore(%arg29 : memref<!tpu.dma_semaphore, #tpu.memory_space<semaphore_mem>>)
      %add3A_74 = arith.constant 80000 : i32
      %add3A_75 = arith.addi %multiple_of3A_65, %add3A_74 : i32
      %multiple_of3A_76 = tpu.assume_multiple %add3A_75, 128 : i32
      %dma_start3A_77 = tpu.memref_slice %arg6[%multiple_of3A_76] : memref<160000xi32, #tpu.memory_space<hbm>> -> memref<128xi32, #tpu.memory_space<hbm>>
      %dma_start3A_78 = tpu.memref_slice %arg6[%multiple_of3A_76] : memref<160000xi32, #tpu.memory_space<hbm>> -> memref<128xi32, #tpu.memory_space<hbm>>
      tpu.enqueue_dma source(%dma_start3A_78 : memref<128xi32, #tpu.memory_space<hbm>>) target(%arg17 : memref<128xi32, #tpu.memory_space<vmem>>) target_semaphore(%arg31 : memref<!tpu.dma_semaphore, #tpu.memory_space<semaphore_mem>>)
      %dma_start3A_79 = tpu.memref_slice %arg7[%multiple_of3A_76] : memref<160000xi32, #tpu.memory_space<hbm>> -> memref<128xi32, #tpu.memory_space<hbm>>
      %dma_start3A_80 = tpu.memref_slice %arg7[%multiple_of3A_76] : memref<160000xi32, #tpu.memory_space<hbm>> -> memref<128xi32, #tpu.memory_space<hbm>>
      tpu.enqueue_dma source(%dma_start3A_80 : memref<128xi32, #tpu.memory_space<hbm>>) target(%arg18 : memref<128xi32, #tpu.memory_space<vmem>>) target_semaphore(%arg32 : memref<!tpu.dma_semaphore, #tpu.memory_space<semaphore_mem>>)
      %dma_wait3A_81 = tpu.memref_slice %arg6[%multiple_of3A_76] : memref<160000xi32, #tpu.memory_space<hbm>> -> memref<128xi32, #tpu.memory_space<hbm>>
      %dma_wait3A_82 = tpu.memref_slice %arg6[%multiple_of3A_76] : memref<160000xi32, #tpu.memory_space<hbm>> -> memref<128xi32, #tpu.memory_space<hbm>>
      tpu.wait_dma2 semaphore(%arg31 : memref<!tpu.dma_semaphore, #tpu.memory_space<semaphore_mem>>) src(%dma_wait3A_82 : memref<128xi32, #tpu.memory_space<hbm>>) dst(%arg17 : memref<128xi32, #tpu.memory_space<vmem>>)
      %dma_wait3A_83 = tpu.memref_slice %arg7[%multiple_of3A_76] : memref<160000xi32, #tpu.memory_space<hbm>> -> memref<128xi32, #tpu.memory_space<hbm>>
      %dma_wait3A_84 = tpu.memref_slice %arg7[%multiple_of3A_76] : memref<160000xi32, #tpu.memory_space<hbm>> -> memref<128xi32, #tpu.memory_space<hbm>>
      tpu.wait_dma2 semaphore(%arg32 : memref<!tpu.dma_semaphore, #tpu.memory_space<semaphore_mem>>) src(%dma_wait3A_84 : memref<128xi32, #tpu.memory_space<hbm>>) dst(%arg18 : memref<128xi32, #tpu.memory_space<vmem>>)
      %broadcast_in_dim3A_85 = arith.constant 0 : i32
      %broadcast_in_dim3A_86 = vector.broadcast %broadcast_in_dim3A_85 : i32 to vector<16xi32>
      %get3A_87 = arith.constant 0 : index
      %get3A_88 = tpu.vector_load %arg17[%get3A_87] {strides = array<i32>} : memref<128xi32, #tpu.memory_space<vmem>>, vector<16xi32>,
      %get3A_89 = vector.shape_cast %get3A_88 : vector<16xi32> to vector<16xi32>
      %get3A_90 = arith.constant 0 : index
      %get3A_91 = tpu.vector_load %arg18[%get3A_90] {strides = array<i32>} : memref<128xi32, #tpu.memory_space<vmem>>, vector<16xi32>,
      %get3A_92 = vector.shape_cast %get3A_91 : vector<16xi32> to vector<16xi32>
      %mul3A_93 = arith.constant 1024 : i32
      %mul3A_94 = vector.broadcast %mul3A_93 : i32 to vector<16xi32>
      %mul3A_95 = arith.muli %get3A_92, %mul3A_94 : vector<16xi32>
      %add3A_96 = arith.addi %get3A_89, %mul3A_95 : vector<16xi32>
      %swap3A = arith.constant 0 : index
      %swap3A_97 = tpu.vector_load %arg19[%swap3A] {strides = array<i32>} : memref<128xi32, #tpu.memory_space<vmem>>, vector<16xi32>,
      %swap3A_98 = vector.shape_cast %swap3A_97 : vector<16xi32> to vector<16xi32>
      %swap3A_99 = vector.shape_cast %add3A_96 : vector<16xi32> to vector<16xi32>
      tpu.vector_store %arg19[%swap3A], %swap3A_99 {strides = array<i32>} : memref<128xi32, #tpu.memory_space<vmem>>, vector<16xi32>,
      %mul3A_100 = arith.muli %get3A_89, %get3A_92 : vector<16xi32>
      %sub3A_101 = arith.constant 1 : i32
      %sub3A_102 = vector.broadcast %sub3A_101 : i32 to vector<16xi32>
      %sub3A_103 = arith.subi %sub3A_102, %get3A_92 : vector<16xi32>
      %mul3A_104 = arith.constant 1024 : i32
      %mul3A_105 = vector.broadcast %mul3A_104 : i32 to vector<16xi32>
      %mul3A_106 = arith.muli %sub3A_103, %mul3A_105 : vector<16xi32>
      %add3A_107 = arith.addi %mul3A_100, %mul3A_106 : vector<16xi32>
      %swap3A_108 = arith.constant 0 : index
      %swap3A_109 = tpu.vector_load %arg20[%swap3A_108] {strides = array<i32>} : memref<128xi32, #tpu.memory_space<vmem>>, vector<16xi32>,
      %swap3A_110 = vector.shape_cast %swap3A_109 : vector<16xi32> to vector<16xi32>
      %swap3A_111 = vector.shape_cast %add3A_107 : vector<16xi32> to vector<16xi32>
      tpu.vector_store %arg20[%swap3A_108], %swap3A_111 {strides = array<i32>} : memref<128xi32, #tpu.memory_space<vmem>>, vector<16xi32>,
      %sub3A_112 = arith.constant 1 : i32
      %sub3A_113 = vector.broadcast %sub3A_112 : i32 to vector<16xi32>
      %sub3A_114 = arith.subi %iota3A, %sub3A_113 : vector<16xi32>
      %max3A = arith.constant 0 : i32
      %max3A_115 = vector.broadcast %max3A : i32 to vector<16xi32>
      %max3A_116 = arith.maxsi %sub3A_114, %max3A_115 : vector<16xi32>
      %reshape3A_117 = vector.shape_cast %max3A_116 : vector<16xi32> to vector<16x1xi32>
      %gather3A_118 = vector.shape_cast %reshape3A_117 : vector<16x1xi32> to vector<16xi32>
      %gather3A_119 = tpu.dynamic_gather %get3A_92[%gather3A_118] in [0] : vector<16xi32>, vector<16xi32> -> vector<16xi32>
      %sub3A_120 = arith.constant 0 : i32
      %sub3A_121 = vector.broadcast %sub3A_120 : i32 to vector<16xi32>
      %sub3A_122 = arith.subi %iota3A, %sub3A_121 : vector<16xi32>
      %max3A_123 = arith.constant 0 : i32
      %max3A_124 = vector.broadcast %max3A_123 : i32 to vector<16xi32>
      %max3A_125 = arith.maxsi %sub3A_122, %max3A_124 : vector<16xi32>
      %min3A_126 = arith.constant 1 : i32
      %min3A_127 = vector.broadcast %min3A_126 : i32 to vector<16xi32>
      %min3A_128 = arith.minsi %max3A_125, %min3A_127 : vector<16xi32>
      %mul3A_129 = arith.muli %gather3A_119, %min3A_128 : vector<16xi32>
      %add3A_130 = arith.addi %get3A_92, %mul3A_129 : vector<16xi32>
      %sub3A_131 = arith.constant 2 : i32
      %sub3A_132 = vector.broadcast %sub3A_131 : i32 to vector<16xi32>
      %sub3A_133 = arith.subi %iota3A, %sub3A_132 : vector<16xi32>
      %max3A_134 = arith.constant 0 : i32
      %max3A_135 = vector.broadcast %max3A_134 : i32 to vector<16xi32>
      %max3A_136 = arith.maxsi %sub3A_133, %max3A_135 : vector<16xi32>
      %reshape3A_137 = vector.shape_cast %max3A_136 : vector<16xi32> to vector<16x1xi32>
      %gather3A_138 = vector.shape_cast %reshape3A_137 : vector<16x1xi32> to vector<16xi32>
      %gather3A_139 = tpu.dynamic_gather %add3A_130[%gather3A_138] in [0] : vector<16xi32>, vector<16xi32> -> vector<16xi32>
      %sub3A_140 = arith.constant 1 : i32
      %sub3A_141 = vector.broadcast %sub3A_140 : i32 to vector<16xi32>
      %sub3A_142 = arith.subi %iota3A, %sub3A_141 : vector<16xi32>
      %max3A_143 = arith.constant 0 : i32
      %max3A_144 = vector.broadcast %max3A_143 : i32 to vector<16xi32>
      %max3A_145 = arith.maxsi %sub3A_142, %max3A_144 : vector<16xi32>
      %min3A_146 = arith.constant 1 : i32
      %min3A_147 = vector.broadcast %min3A_146 : i32 to vector<16xi32>
      %min3A_148 = arith.minsi %max3A_145, %min3A_147 : vector<16xi32>
      %mul3A_149 = arith.muli %gather3A_139, %min3A_148 : vector<16xi32>
      %add3A_150 = arith.addi %add3A_130, %mul3A_149 : vector<16xi32>
      %sub3A_151 = arith.constant 4 : i32
      %sub3A_152 = vector.broadcast %sub3A_151 : i32 to vector<16xi32>
      %sub3A_153 = arith.subi %iota3A, %sub3A_152 : vector<16xi32>
      %max3A_154 = arith.constant 0 : i32
      %max3A_155 = vector.broadcast %max3A_154 : i32 to vector<16xi32>
      %max3A_156 = arith.maxsi %sub3A_153, %max3A_155 : vector<16xi32>
      %reshape3A_157 = vector.shape_cast %max3A_156 : vector<16xi32> to vector<16x1xi32>
      %gather3A_158 = vector.shape_cast %reshape3A_157 : vector<16x1xi32> to vector<16xi32>
      %gather3A_159 = tpu.dynamic_gather %add3A_150[%gather3A_158] in [0] : vector<16xi32>, vector<16xi32> -> vector<16xi32>
      %sub3A_160 = arith.constant 3 : i32
      %sub3A_161 = vector.broadcast %sub3A_160 : i32 to vector<16xi32>
      %sub3A_162 = arith.subi %iota3A, %sub3A_161 : vector<16xi32>
      %max3A_163 = arith.constant 0 : i32
      %max3A_164 = vector.broadcast %max3A_163 : i32 to vector<16xi32>
      %max3A_165 = arith.maxsi %sub3A_162, %max3A_164 : vector<16xi32>
      %min3A_166 = arith.constant 1 : i32
      %min3A_167 = vector.broadcast %min3A_166 : i32 to vector<16xi32>
      %min3A_168 = arith.minsi %max3A_165, %min3A_167 : vector<16xi32>
      %mul3A_169 = arith.muli %gather3A_159, %min3A_168 : vector<16xi32>
      %add3A_170 = arith.addi %add3A_150, %mul3A_169 : vector<16xi32>
      %sub3A_171 = arith.constant 8 : i32
      %sub3A_172 = vector.broadcast %sub3A_171 : i32 to vector<16xi32>
      %sub3A_173 = arith.subi %iota3A, %sub3A_172 : vector<16xi32>
      %max3A_174 = arith.constant 0 : i32
      %max3A_175 = vector.broadcast %max3A_174 : i32 to vector<16xi32>
      %max3A_176 = arith.maxsi %sub3A_173, %max3A_175 : vector<16xi32>
      %reshape3A_177 = vector.shape_cast %max3A_176 : vector<16xi32> to vector<16x1xi32>
      %gather3A_178 = vector.shape_cast %reshape3A_177 : vector<16x1xi32> to vector<16xi32>
      %gather3A_179 = tpu.dynamic_gather %add3A_170[%gather3A_178] in [0] : vector<16xi32>, vector<16xi32> -> vector<16xi32>
      %sub3A_180 = arith.constant 7 : i32
      %sub3A_181 = vector.broadcast %sub3A_180 : i32 to vector<16xi32>
      %sub3A_182 = arith.subi %iota3A, %sub3A_181 : vector<16xi32>
      %max3A_183 = arith.constant 0 : i32
      %max3A_184 = vector.broadcast %max3A_183 : i32 to vector<16xi32>
      %max3A_185 = arith.maxsi %sub3A_182, %max3A_184 : vector<16xi32>
      %min3A_186 = arith.constant 1 : i32
      %min3A_187 = vector.broadcast %min3A_186 : i32 to vector<16xi32>
      %min3A_188 = arith.minsi %max3A_185, %min3A_187 : vector<16xi32>
      %mul3A_189 = arith.muli %gather3A_179, %min3A_188 : vector<16xi32>
      %add3A_190 = arith.addi %add3A_170, %mul3A_189 : vector<16xi32>
      %add3A_191 = arith.addi %while3A_61, %broadcast_in_dim3A_86 : vector<16xi32>
      %add3A_192 = arith.addi %add3A_191, %add3A_190 : vector<16xi32>
      %sub3A_193 = arith.subi %add3A_192, %get3A_92 : vector<16xi32>
      %mul3A_194 = arith.muli %sub3A_193, %get3A_92 : vector<16xi32>
      %sub3A_195 = arith.constant 1 : i32
      %sub3A_196 = vector.broadcast %sub3A_195 : i32 to vector<16xi32>
      %sub3A_197 = arith.subi %sub3A_196, %get3A_92 : vector<16xi32>
      %mul3A_198 = arith.constant 160000 : i32
      %mul3A_199 = vector.broadcast %mul3A_198 : i32 to vector<16xi32>
      %mul3A_200 = arith.muli %sub3A_197, %mul3A_199 : vector<16xi32>
      %add3A_201 = arith.addi %mul3A_194, %mul3A_200 : vector<16xi32>
      %swap3A_202 = arith.constant 0 : index
      %swap3A_203 = tpu.vector_load %arg21[%swap3A_202] {strides = array<i32>} : memref<128xi32, #tpu.memory_space<vmem>>, vector<16xi32>,
      %swap3A_204 = vector.shape_cast %swap3A_203 : vector<16xi32> to vector<16xi32>
      %swap3A_205 = vector.shape_cast %add3A_201 : vector<16xi32> to vector<16xi32>
      tpu.vector_store %arg21[%swap3A_202], %swap3A_205 {strides = array<i32>} : memref<128xi32, #tpu.memory_space<vmem>>, vector<16xi32>,
      %reshape3A_206 = vector.shape_cast %broadcast_in_dim3A_32 : vector<16xi32> to vector<16x1xi32>
      %gather3A_207 = vector.shape_cast %reshape3A_206 : vector<16x1xi32> to vector<16xi32>
      %gather3A_208 = tpu.dynamic_gather %add3A_190[%gather3A_207] in [0] : vector<16xi32>, vector<16xi32> -> vector<16xi32>
      %add3A_209 = arith.addi %broadcast_in_dim3A_86, %gather3A_208 : vector<16xi32>
      %get3A_210 = arith.constant 16 : index
      %get3A_211 = tpu.vector_load %arg17[%get3A_210] {strides = array<i32>} : memref<128xi32, #tpu.memory_space<vmem>>, vector<16xi32>,
      %get3A_212 = vector.shape_cast %get3A_211 : vector<16xi32> to vector<16xi32>
      %get3A_213 = arith.constant 16 : index
      %get3A_214 = tpu.vector_load %arg18[%get3A_213] {strides = array<i32>} : memref<128xi32, #tpu.memory_space<vmem>>, vector<16xi32>,
      %get3A_215 = vector.shape_cast %get3A_214 : vector<16xi32> to vector<16xi32>
      %mul3A_216 = arith.constant 1024 : i32
      %mul3A_217 = vector.broadcast %mul3A_216 : i32 to vector<16xi32>
      %mul3A_218 = arith.muli %get3A_215, %mul3A_217 : vector<16xi32>
      %add3A_219 = arith.addi %get3A_212, %mul3A_218 : vector<16xi32>
      %swap3A_220 = arith.constant 16 : index
      %swap3A_221 = tpu.vector_load %arg19[%swap3A_220] {strides = array<i32>} : memref<128xi32, #tpu.memory_space<vmem>>, vector<16xi32>,
      %swap3A_222 = vector.shape_cast %swap3A_221 : vector<16xi32> to vector<16xi32>
      %swap3A_223 = vector.shape_cast %add3A_219 : vector<16xi32> to vector<16xi32>
      tpu.vector_store %arg19[%swap3A_220], %swap3A_223 {strides = array<i32>} : memref<128xi32, #tpu.memory_space<vmem>>, vector<16xi32>,
      %mul3A_224 = arith.muli %get3A_212, %get3A_215 : vector<16xi32>
      %sub3A_225 = arith.constant 1 : i32
      %sub3A_226 = vector.broadcast %sub3A_225 : i32 to vector<16xi32>
      %sub3A_227 = arith.subi %sub3A_226, %get3A_215 : vector<16xi32>
      %mul3A_228 = arith.constant 1024 : i32
      %mul3A_229 = vector.broadcast %mul3A_228 : i32 to vector<16xi32>
      %mul3A_230 = arith.muli %sub3A_227, %mul3A_229 : vector<16xi32>
      %add3A_231 = arith.addi %mul3A_224, %mul3A_230 : vector<16xi32>
      %swap3A_232 = arith.constant 16 : index
      %swap3A_233 = tpu.vector_load %arg20[%swap3A_232] {strides = array<i32>} : memref<128xi32, #tpu.memory_space<vmem>>, vector<16xi32>,
      %swap3A_234 = vector.shape_cast %swap3A_233 : vector<16xi32> to vector<16xi32>
      %swap3A_235 = vector.shape_cast %add3A_231 : vector<16xi32> to vector<16xi32>
      tpu.vector_store %arg20[%swap3A_232], %swap3A_235 {strides = array<i32>} : memref<128xi32, #tpu.memory_space<vmem>>, vector<16xi32>,
      %sub3A_236 = arith.constant 1 : i32
      %sub3A_237 = vector.broadcast %sub3A_236 : i32 to vector<16xi32>
      %sub3A_238 = arith.subi %iota3A, %sub3A_237 : vector<16xi32>
      %max3A_239 = arith.constant 0 : i32
      %max3A_240 = vector.broadcast %max3A_239 : i32 to vector<16xi32>
      %max3A_241 = arith.maxsi %sub3A_238, %max3A_240 : vector<16xi32>
      %reshape3A_242 = vector.shape_cast %max3A_241 : vector<16xi32> to vector<16x1xi32>
      %gather3A_243 = vector.shape_cast %reshape3A_242 : vector<16x1xi32> to vector<16xi32>
      %gather3A_244 = tpu.dynamic_gather %get3A_215[%gather3A_243] in [0] : vector<16xi32>, vector<16xi32> -> vector<16xi32>
      %sub3A_245 = arith.constant 0 : i32
      %sub3A_246 = vector.broadcast %sub3A_245 : i32 to vector<16xi32>
      %sub3A_247 = arith.subi %iota3A, %sub3A_246 : vector<16xi32>
      %max3A_248 = arith.constant 0 : i32
      %max3A_249 = vector.broadcast %max3A_248 : i32 to vector<16xi32>
      %max3A_250 = arith.maxsi %sub3A_247, %max3A_249 : vector<16xi32>
      %min3A_251 = arith.constant 1 : i32
      %min3A_252 = vector.broadcast %min3A_251 : i32 to vector<16xi32>
      %min3A_253 = arith.minsi %max3A_250, %min3A_252 : vector<16xi32>
      %mul3A_254 = arith.muli %gather3A_244, %min3A_253 : vector<16xi32>
      %add3A_255 = arith.addi %get3A_215, %mul3A_254 : vector<16xi32>
      %sub3A_256 = arith.constant 2 : i32
      %sub3A_257 = vector.broadcast %sub3A_256 : i32 to vector<16xi32>
      %sub3A_258 = arith.subi %iota3A, %sub3A_257 : vector<16xi32>
      %max3A_259 = arith.constant 0 : i32
      %max3A_260 = vector.broadcast %max3A_259 : i32 to vector<16xi32>
      %max3A_261 = arith.maxsi %sub3A_258, %max3A_260 : vector<16xi32>
      %reshape3A_262 = vector.shape_cast %max3A_261 : vector<16xi32> to vector<16x1xi32>
      %gather3A_263 = vector.shape_cast %reshape3A_262 : vector<16x1xi32> to vector<16xi32>
      %gather3A_264 = tpu.dynamic_gather %add3A_255[%gather3A_263] in [0] : vector<16xi32>, vector<16xi32> -> vector<16xi32>
      %sub3A_265 = arith.constant 1 : i32
      %sub3A_266 = vector.broadcast %sub3A_265 : i32 to vector<16xi32>
      %sub3A_267 = arith.subi %iota3A, %sub3A_266 : vector<16xi32>
      %max3A_268 = arith.constant 0 : i32
      %max3A_269 = vector.broadcast %max3A_268 : i32 to vector<16xi32>
      %max3A_270 = arith.maxsi %sub3A_267, %max3A_269 : vector<16xi32>
      %min3A_271 = arith.constant 1 : i32
      %min3A_272 = vector.broadcast %min3A_271 : i32 to vector<16xi32>
      %min3A_273 = arith.minsi %max3A_270, %min3A_272 : vector<16xi32>
      %mul3A_274 = arith.muli %gather3A_264, %min3A_273 : vector<16xi32>
      %add3A_275 = arith.addi %add3A_255, %mul3A_274 : vector<16xi32>
      %sub3A_276 = arith.constant 4 : i32
      %sub3A_277 = vector.broadcast %sub3A_276 : i32 to vector<16xi32>
      %sub3A_278 = arith.subi %iota3A, %sub3A_277 : vector<16xi32>
      %max3A_279 = arith.constant 0 : i32
      %max3A_280 = vector.broadcast %max3A_279 : i32 to vector<16xi32>
      %max3A_281 = arith.maxsi %sub3A_278, %max3A_280 : vector<16xi32>
      %reshape3A_282 = vector.shape_cast %max3A_281 : vector<16xi32> to vector<16x1xi32>
      %gather3A_283 = vector.shape_cast %reshape3A_282 : vector<16x1xi32> to vector<16xi32>
      %gather3A_284 = tpu.dynamic_gather %add3A_275[%gather3A_283] in [0] : vector<16xi32>, vector<16xi32> -> vector<16xi32>
      %sub3A_285 = arith.constant 3 : i32
      %sub3A_286 = vector.broadcast %sub3A_285 : i32 to vector<16xi32>
      %sub3A_287 = arith.subi %iota3A, %sub3A_286 : vector<16xi32>
      %max3A_288 = arith.constant 0 : i32
      %max3A_289 = vector.broadcast %max3A_288 : i32 to vector<16xi32>
      %max3A_290 = arith.maxsi %sub3A_287, %max3A_289 : vector<16xi32>
      %min3A_291 = arith.constant 1 : i32
      %min3A_292 = vector.broadcast %min3A_291 : i32 to vector<16xi32>
      %min3A_293 = arith.minsi %max3A_290, %min3A_292 : vector<16xi32>
      %mul3A_294 = arith.muli %gather3A_284, %min3A_293 : vector<16xi32>
      %add3A_295 = arith.addi %add3A_275, %mul3A_294 : vector<16xi32>
      %sub3A_296 = arith.constant 8 : i32
      %sub3A_297 = vector.broadcast %sub3A_296 : i32 to vector<16xi32>
      %sub3A_298 = arith.subi %iota3A, %sub3A_297 : vector<16xi32>
      %max3A_299 = arith.constant 0 : i32
      %max3A_300 = vector.broadcast %max3A_299 : i32 to vector<16xi32>
      %max3A_301 = arith.maxsi %sub3A_298, %max3A_300 : vector<16xi32>
      %reshape3A_302 = vector.shape_cast %max3A_301 : vector<16xi32> to vector<16x1xi32>
      %gather3A_303 = vector.shape_cast %reshape3A_302 : vector<16x1xi32> to vector<16xi32>
      %gather3A_304 = tpu.dynamic_gather %add3A_295[%gather3A_303] in [0] : vector<16xi32>, vector<16xi32> -> vector<16xi32>
      %sub3A_305 = arith.constant 7 : i32
      %sub3A_306 = vector.broadcast %sub3A_305 : i32 to vector<16xi32>
      %sub3A_307 = arith.subi %iota3A, %sub3A_306 : vector<16xi32>
      %max3A_308 = arith.constant 0 : i32
      %max3A_309 = vector.broadcast %max3A_308 : i32 to vector<16xi32>
      %max3A_310 = arith.maxsi %sub3A_307, %max3A_309 : vector<16xi32>
      %min3A_311 = arith.constant 1 : i32
      %min3A_312 = vector.broadcast %min3A_311 : i32 to vector<16xi32>
      %min3A_313 = arith.minsi %max3A_310, %min3A_312 : vector<16xi32>
      %mul3A_314 = arith.muli %gather3A_304, %min3A_313 : vector<16xi32>
      %add3A_315 = arith.addi %add3A_295, %mul3A_314 : vector<16xi32>
      %add3A_316 = arith.addi %while3A_61, %add3A_209 : vector<16xi32>
      %add3A_317 = arith.addi %add3A_316, %add3A_315 : vector<16xi32>
      %sub3A_318 = arith.subi %add3A_317, %get3A_215 : vector<16xi32>
      %mul3A_319 = arith.muli %sub3A_318, %get3A_215 : vector<16xi32>
      %sub3A_320 = arith.constant 1 : i32
      %sub3A_321 = vector.broadcast %sub3A_320 : i32 to vector<16xi32>
      %sub3A_322 = arith.subi %sub3A_321, %get3A_215 : vector<16xi32>
      %mul3A_323 = arith.constant 160000 : i32
      %mul3A_324 = vector.broadcast %mul3A_323 : i32 to vector<16xi32>
      %mul3A_325 = arith.muli %sub3A_322, %mul3A_324 : vector<16xi32>
      %add3A_326 = arith.addi %mul3A_319, %mul3A_325 : vector<16xi32>
      %swap3A_327 = arith.constant 16 : index
      %swap3A_328 = tpu.vector_load %arg21[%swap3A_327] {strides = array<i32>} : memref<128xi32, #tpu.memory_space<vmem>>, vector<16xi32>,
      %swap3A_329 = vector.shape_cast %swap3A_328 : vector<16xi32> to vector<16xi32>
      %swap3A_330 = vector.shape_cast %add3A_326 : vector<16xi32> to vector<16xi32>
      tpu.vector_store %arg21[%swap3A_327], %swap3A_330 {strides = array<i32>} : memref<128xi32, #tpu.memory_space<vmem>>, vector<16xi32>,
      %reshape3A_331 = vector.shape_cast %broadcast_in_dim3A_32 : vector<16xi32> to vector<16x1xi32>
      %gather3A_332 = vector.shape_cast %reshape3A_331 : vector<16x1xi32> to vector<16xi32>
      %gather3A_333 = tpu.dynamic_gather %add3A_315[%gather3A_332] in [0] : vector<16xi32>, vector<16xi32> -> vector<16xi32>
      %add3A_334 = arith.addi %add3A_209, %gather3A_333 : vector<16xi32>
      %get3A_335 = arith.constant 32 : index
      %get3A_336 = tpu.vector_load %arg17[%get3A_335] {strides = array<i32>} : memref<128xi32, #tpu.memory_space<vmem>>, vector<16xi32>,
      %get3A_337 = vector.shape_cast %get3A_336 : vector<16xi32> to vector<16xi32>
      %get3A_338 = arith.constant 32 : index
      %get3A_339 = tpu.vector_load %arg18[%get3A_338] {strides = array<i32>} : memref<128xi32, #tpu.memory_space<vmem>>, vector<16xi32>,
      %get3A_340 = vector.shape_cast %get3A_339 : vector<16xi32> to vector<16xi32>
      %mul3A_341 = arith.constant 1024 : i32
      %mul3A_342 = vector.broadcast %mul3A_341 : i32 to vector<16xi32>
      %mul3A_343 = arith.muli %get3A_340, %mul3A_342 : vector<16xi32>
      %add3A_344 = arith.addi %get3A_337, %mul3A_343 : vector<16xi32>
      %swap3A_345 = arith.constant 32 : index
      %swap3A_346 = tpu.vector_load %arg19[%swap3A_345] {strides = array<i32>} : memref<128xi32, #tpu.memory_space<vmem>>, vector<16xi32>,
      %swap3A_347 = vector.shape_cast %swap3A_346 : vector<16xi32> to vector<16xi32>
      %swap3A_348 = vector.shape_cast %add3A_344 : vector<16xi32> to vector<16xi32>
      tpu.vector_store %arg19[%swap3A_345], %swap3A_348 {strides = array<i32>} : memref<128xi32, #tpu.memory_space<vmem>>, vector<16xi32>,
      %mul3A_349 = arith.muli %get3A_337, %get3A_340 : vector<16xi32>
      %sub3A_350 = arith.constant 1 : i32
      %sub3A_351 = vector.broadcast %sub3A_350 : i32 to vector<16xi32>
      %sub3A_352 = arith.subi %sub3A_351, %get3A_340 : vector<16xi32>
      %mul3A_353 = arith.constant 1024 : i32
      %mul3A_354 = vector.broadcast %mul3A_353 : i32 to vector<16xi32>
      %mul3A_355 = arith.muli %sub3A_352, %mul3A_354 : vector<16xi32>
      %add3A_356 = arith.addi %mul3A_349, %mul3A_355 : vector<16xi32>
      %swap3A_357 = arith.constant 32 : index
      %swap3A_358 = tpu.vector_load %arg20[%swap3A_357] {strides = array<i32>} : memref<128xi32, #tpu.memory_space<vmem>>, vector<16xi32>,
      %swap3A_359 = vector.shape_cast %swap3A_358 : vector<16xi32> to vector<16xi32>
      %swap3A_360 = vector.shape_cast %add3A_356 : vector<16xi32> to vector<16xi32>
      tpu.vector_store %arg20[%swap3A_357], %swap3A_360 {strides = array<i32>} : memref<128xi32, #tpu.memory_space<vmem>>, vector<16xi32>,
      %sub3A_361 = arith.constant 1 : i32
      %sub3A_362 = vector.broadcast %sub3A_361 : i32 to vector<16xi32>
      %sub3A_363 = arith.subi %iota3A, %sub3A_362 : vector<16xi32>
      %max3A_364 = arith.constant 0 : i32
      %max3A_365 = vector.broadcast %max3A_364 : i32 to vector<16xi32>
      %max3A_366 = arith.maxsi %sub3A_363, %max3A_365 : vector<16xi32>
      %reshape3A_367 = vector.shape_cast %max3A_366 : vector<16xi32> to vector<16x1xi32>
      %gather3A_368 = vector.shape_cast %reshape3A_367 : vector<16x1xi32> to vector<16xi32>
      %gather3A_369 = tpu.dynamic_gather %get3A_340[%gather3A_368] in [0] : vector<16xi32>, vector<16xi32> -> vector<16xi32>
      %sub3A_370 = arith.constant 0 : i32
      %sub3A_371 = vector.broadcast %sub3A_370 : i32 to vector<16xi32>
      %sub3A_372 = arith.subi %iota3A, %sub3A_371 : vector<16xi32>
      %max3A_373 = arith.constant 0 : i32
      %max3A_374 = vector.broadcast %max3A_373 : i32 to vector<16xi32>
      %max3A_375 = arith.maxsi %sub3A_372, %max3A_374 : vector<16xi32>
      %min3A_376 = arith.constant 1 : i32
      %min3A_377 = vector.broadcast %min3A_376 : i32 to vector<16xi32>
      %min3A_378 = arith.minsi %max3A_375, %min3A_377 : vector<16xi32>
      %mul3A_379 = arith.muli %gather3A_369, %min3A_378 : vector<16xi32>
      %add3A_380 = arith.addi %get3A_340, %mul3A_379 : vector<16xi32>
      %sub3A_381 = arith.constant 2 : i32
      %sub3A_382 = vector.broadcast %sub3A_381 : i32 to vector<16xi32>
      %sub3A_383 = arith.subi %iota3A, %sub3A_382 : vector<16xi32>
      %max3A_384 = arith.constant 0 : i32
      %max3A_385 = vector.broadcast %max3A_384 : i32 to vector<16xi32>
      %max3A_386 = arith.maxsi %sub3A_383, %max3A_385 : vector<16xi32>
      %reshape3A_387 = vector.shape_cast %max3A_386 : vector<16xi32> to vector<16x1xi32>
      %gather3A_388 = vector.shape_cast %reshape3A_387 : vector<16x1xi32> to vector<16xi32>
      %gather3A_389 = tpu.dynamic_gather %add3A_380[%gather3A_388] in [0] : vector<16xi32>, vector<16xi32> -> vector<16xi32>
      %sub3A_390 = arith.constant 1 : i32
      %sub3A_391 = vector.broadcast %sub3A_390 : i32 to vector<16xi32>
      %sub3A_392 = arith.subi %iota3A, %sub3A_391 : vector<16xi32>
      %max3A_393 = arith.constant 0 : i32
      %max3A_394 = vector.broadcast %max3A_393 : i32 to vector<16xi32>
      %max3A_395 = arith.maxsi %sub3A_392, %max3A_394 : vector<16xi32>
      %min3A_396 = arith.constant 1 : i32
      %min3A_397 = vector.broadcast %min3A_396 : i32 to vector<16xi32>
      %min3A_398 = arith.minsi %max3A_395, %min3A_397 : vector<16xi32>
      %mul3A_399 = arith.muli %gather3A_389, %min3A_398 : vector<16xi32>
      %add3A_400 = arith.addi %add3A_380, %mul3A_399 : vector<16xi32>
      %sub3A_401 = arith.constant 4 : i32
      %sub3A_402 = vector.broadcast %sub3A_401 : i32 to vector<16xi32>
      %sub3A_403 = arith.subi %iota3A, %sub3A_402 : vector<16xi32>
      %max3A_404 = arith.constant 0 : i32
      %max3A_405 = vector.broadcast %max3A_404 : i32 to vector<16xi32>
      %max3A_406 = arith.maxsi %sub3A_403, %max3A_405 : vector<16xi32>
      %reshape3A_407 = vector.shape_cast %max3A_406 : vector<16xi32> to vector<16x1xi32>
      %gather3A_408 = vector.shape_cast %reshape3A_407 : vector<16x1xi32> to vector<16xi32>
      %gather3A_409 = tpu.dynamic_gather %add3A_400[%gather3A_408] in [0] : vector<16xi32>, vector<16xi32> -> vector<16xi32>
      %sub3A_410 = arith.constant 3 : i32
      %sub3A_411 = vector.broadcast %sub3A_410 : i32 to vector<16xi32>
      %sub3A_412 = arith.subi %iota3A, %sub3A_411 : vector<16xi32>
      %max3A_413 = arith.constant 0 : i32
      %max3A_414 = vector.broadcast %max3A_413 : i32 to vector<16xi32>
      %max3A_415 = arith.maxsi %sub3A_412, %max3A_414 : vector<16xi32>
      %min3A_416 = arith.constant 1 : i32
      %min3A_417 = vector.broadcast %min3A_416 : i32 to vector<16xi32>
      %min3A_418 = arith.minsi %max3A_415, %min3A_417 : vector<16xi32>
      %mul3A_419 = arith.muli %gather3A_409, %min3A_418 : vector<16xi32>
      %add3A_420 = arith.addi %add3A_400, %mul3A_419 : vector<16xi32>
      %sub3A_421 = arith.constant 8 : i32
      %sub3A_422 = vector.broadcast %sub3A_421 : i32 to vector<16xi32>
      %sub3A_423 = arith.subi %iota3A, %sub3A_422 : vector<16xi32>
      %max3A_424 = arith.constant 0 : i32
      %max3A_425 = vector.broadcast %max3A_424 : i32 to vector<16xi32>
      %max3A_426 = arith.maxsi %sub3A_423, %max3A_425 : vector<16xi32>
      %reshape3A_427 = vector.shape_cast %max3A_426 : vector<16xi32> to vector<16x1xi32>
      %gather3A_428 = vector.shape_cast %reshape3A_427 : vector<16x1xi32> to vector<16xi32>
      %gather3A_429 = tpu.dynamic_gather %add3A_420[%gather3A_428] in [0] : vector<16xi32>, vector<16xi32> -> vector<16xi32>
      %sub3A_430 = arith.constant 7 : i32
      %sub3A_431 = vector.broadcast %sub3A_430 : i32 to vector<16xi32>
      %sub3A_432 = arith.subi %iota3A, %sub3A_431 : vector<16xi32>
      %max3A_433 = arith.constant 0 : i32
      %max3A_434 = vector.broadcast %max3A_433 : i32 to vector<16xi32>
      %max3A_435 = arith.maxsi %sub3A_432, %max3A_434 : vector<16xi32>
      %min3A_436 = arith.constant 1 : i32
      %min3A_437 = vector.broadcast %min3A_436 : i32 to vector<16xi32>
      %min3A_438 = arith.minsi %max3A_435, %min3A_437 : vector<16xi32>
      %mul3A_439 = arith.muli %gather3A_429, %min3A_438 : vector<16xi32>
      %add3A_440 = arith.addi %add3A_420, %mul3A_439 : vector<16xi32>
      %add3A_441 = arith.addi %while3A_61, %add3A_334 : vector<16xi32>
      %add3A_442 = arith.addi %add3A_441, %add3A_440 : vector<16xi32>
      %sub3A_443 = arith.subi %add3A_442, %get3A_340 : vector<16xi32>
      %mul3A_444 = arith.muli %sub3A_443, %get3A_340 : vector<16xi32>
      %sub3A_445 = arith.constant 1 : i32
      %sub3A_446 = vector.broadcast %sub3A_445 : i32 to vector<16xi32>
      %sub3A_447 = arith.subi %sub3A_446, %get3A_340 : vector<16xi32>
      %mul3A_448 = arith.constant 160000 : i32
      %mul3A_449 = vector.broadcast %mul3A_448 : i32 to vector<16xi32>
      %mul3A_450 = arith.muli %sub3A_447, %mul3A_449 : vector<16xi32>
      %add3A_451 = arith.addi %mul3A_444, %mul3A_450 : vector<16xi32>
      %swap3A_452 = arith.constant 32 : index
      %swap3A_453 = tpu.vector_load %arg21[%swap3A_452] {strides = array<i32>} : memref<128xi32, #tpu.memory_space<vmem>>, vector<16xi32>,
      %swap3A_454 = vector.shape_cast %swap3A_453 : vector<16xi32> to vector<16xi32>
      %swap3A_455 = vector.shape_cast %add3A_451 : vector<16xi32> to vector<16xi32>
      tpu.vector_store %arg21[%swap3A_452], %swap3A_455 {strides = array<i32>} : memref<128xi32, #tpu.memory_space<vmem>>, vector<16xi32>,
      %reshape3A_456 = vector.shape_cast %broadcast_in_dim3A_32 : vector<16xi32> to vector<16x1xi32>
      %gather3A_457 = vector.shape_cast %reshape3A_456 : vector<16x1xi32> to vector<16xi32>
      %gather3A_458 = tpu.dynamic_gather %add3A_440[%gather3A_457] in [0] : vector<16xi32>, vector<16xi32> -> vector<16xi32>
      %add3A_459 = arith.addi %add3A_334, %gather3A_458 : vector<16xi32>
      %get3A_460 = arith.constant 48 : index
      %get3A_461 = tpu.vector_load %arg17[%get3A_460] {strides = array<i32>} : memref<128xi32, #tpu.memory_space<vmem>>, vector<16xi32>,
      %get3A_462 = vector.shape_cast %get3A_461 : vector<16xi32> to vector<16xi32>
      %get3A_463 = arith.constant 48 : index
      %get3A_464 = tpu.vector_load %arg18[%get3A_463] {strides = array<i32>} : memref<128xi32, #tpu.memory_space<vmem>>, vector<16xi32>,
      %get3A_465 = vector.shape_cast %get3A_464 : vector<16xi32> to vector<16xi32>
      %mul3A_466 = arith.constant 1024 : i32
      %mul3A_467 = vector.broadcast %mul3A_466 : i32 to vector<16xi32>
      %mul3A_468 = arith.muli %get3A_465, %mul3A_467 : vector<16xi32>
      %add3A_469 = arith.addi %get3A_462, %mul3A_468 : vector<16xi32>
      %swap3A_470 = arith.constant 48 : index
      %swap3A_471 = tpu.vector_load %arg19[%swap3A_470] {strides = array<i32>} : memref<128xi32, #tpu.memory_space<vmem>>, vector<16xi32>,
      %swap3A_472 = vector.shape_cast %swap3A_471 : vector<16xi32> to vector<16xi32>
      %swap3A_473 = vector.shape_cast %add3A_469 : vector<16xi32> to vector<16xi32>
      tpu.vector_store %arg19[%swap3A_470], %swap3A_473 {strides = array<i32>} : memref<128xi32, #tpu.memory_space<vmem>>, vector<16xi32>,
      %mul3A_474 = arith.muli %get3A_462, %get3A_465 : vector<16xi32>
      %sub3A_475 = arith.constant 1 : i32
      %sub3A_476 = vector.broadcast %sub3A_475 : i32 to vector<16xi32>
      %sub3A_477 = arith.subi %sub3A_476, %get3A_465 : vector<16xi32>
      %mul3A_478 = arith.constant 1024 : i32
      %mul3A_479 = vector.broadcast %mul3A_478 : i32 to vector<16xi32>
      %mul3A_480 = arith.muli %sub3A_477, %mul3A_479 : vector<16xi32>
      %add3A_481 = arith.addi %mul3A_474, %mul3A_480 : vector<16xi32>
      %swap3A_482 = arith.constant 48 : index
      %swap3A_483 = tpu.vector_load %arg20[%swap3A_482] {strides = array<i32>} : memref<128xi32, #tpu.memory_space<vmem>>, vector<16xi32>,
      %swap3A_484 = vector.shape_cast %swap3A_483 : vector<16xi32> to vector<16xi32>
      %swap3A_485 = vector.shape_cast %add3A_481 : vector<16xi32> to vector<16xi32>
      tpu.vector_store %arg20[%swap3A_482], %swap3A_485 {strides = array<i32>} : memref<128xi32, #tpu.memory_space<vmem>>, vector<16xi32>,
      %sub3A_486 = arith.constant 1 : i32
      %sub3A_487 = vector.broadcast %sub3A_486 : i32 to vector<16xi32>
      %sub3A_488 = arith.subi %iota3A, %sub3A_487 : vector<16xi32>
      %max3A_489 = arith.constant 0 : i32
      %max3A_490 = vector.broadcast %max3A_489 : i32 to vector<16xi32>
      %max3A_491 = arith.maxsi %sub3A_488, %max3A_490 : vector<16xi32>
      %reshape3A_492 = vector.shape_cast %max3A_491 : vector<16xi32> to vector<16x1xi32>
      %gather3A_493 = vector.shape_cast %reshape3A_492 : vector<16x1xi32> to vector<16xi32>
      %gather3A_494 = tpu.dynamic_gather %get3A_465[%gather3A_493] in [0] : vector<16xi32>, vector<16xi32> -> vector<16xi32>
      %sub3A_495 = arith.constant 0 : i32
      %sub3A_496 = vector.broadcast %sub3A_495 : i32 to vector<16xi32>
      %sub3A_497 = arith.subi %iota3A, %sub3A_496 : vector<16xi32>
      %max3A_498 = arith.constant 0 : i32
      %max3A_499 = vector.broadcast %max3A_498 : i32 to vector<16xi32>
      %max3A_500 = arith.maxsi %sub3A_497, %max3A_499 : vector<16xi32>
      %min3A_501 = arith.constant 1 : i32
      %min3A_502 = vector.broadcast %min3A_501 : i32 to vector<16xi32>
      %min3A_503 = arith.minsi %max3A_500, %min3A_502 : vector<16xi32>
      %mul3A_504 = arith.muli %gather3A_494, %min3A_503 : vector<16xi32>
      %add3A_505 = arith.addi %get3A_465, %mul3A_504 : vector<16xi32>
      %sub3A_506 = arith.constant 2 : i32
      %sub3A_507 = vector.broadcast %sub3A_506 : i32 to vector<16xi32>
      %sub3A_508 = arith.subi %iota3A, %sub3A_507 : vector<16xi32>
      %max3A_509 = arith.constant 0 : i32
      %max3A_510 = vector.broadcast %max3A_509 : i32 to vector<16xi32>
      %max3A_511 = arith.maxsi %sub3A_508, %max3A_510 : vector<16xi32>
      %reshape3A_512 = vector.shape_cast %max3A_511 : vector<16xi32> to vector<16x1xi32>
      %gather3A_513 = vector.shape_cast %reshape3A_512 : vector<16x1xi32> to vector<16xi32>
      %gather3A_514 = tpu.dynamic_gather %add3A_505[%gather3A_513] in [0] : vector<16xi32>, vector<16xi32> -> vector<16xi32>
      %sub3A_515 = arith.constant 1 : i32
      %sub3A_516 = vector.broadcast %sub3A_515 : i32 to vector<16xi32>
      %sub3A_517 = arith.subi %iota3A, %sub3A_516 : vector<16xi32>
      %max3A_518 = arith.constant 0 : i32
      %max3A_519 = vector.broadcast %max3A_518 : i32 to vector<16xi32>
      %max3A_520 = arith.maxsi %sub3A_517, %max3A_519 : vector<16xi32>
      %min3A_521 = arith.constant 1 : i32
      %min3A_522 = vector.broadcast %min3A_521 : i32 to vector<16xi32>
      %min3A_523 = arith.minsi %max3A_520, %min3A_522 : vector<16xi32>
      %mul3A_524 = arith.muli %gather3A_514, %min3A_523 : vector<16xi32>
      %add3A_525 = arith.addi %add3A_505, %mul3A_524 : vector<16xi32>
      %sub3A_526 = arith.constant 4 : i32
      %sub3A_527 = vector.broadcast %sub3A_526 : i32 to vector<16xi32>
      %sub3A_528 = arith.subi %iota3A, %sub3A_527 : vector<16xi32>
      %max3A_529 = arith.constant 0 : i32
      %max3A_530 = vector.broadcast %max3A_529 : i32 to vector<16xi32>
      %max3A_531 = arith.maxsi %sub3A_528, %max3A_530 : vector<16xi32>
      %reshape3A_532 = vector.shape_cast %max3A_531 : vector<16xi32> to vector<16x1xi32>
      %gather3A_533 = vector.shape_cast %reshape3A_532 : vector<16x1xi32> to vector<16xi32>
      %gather3A_534 = tpu.dynamic_gather %add3A_525[%gather3A_533] in [0] : vector<16xi32>, vector<16xi32> -> vector<16xi32>
      %sub3A_535 = arith.constant 3 : i32
      %sub3A_536 = vector.broadcast %sub3A_535 : i32 to vector<16xi32>
      %sub3A_537 = arith.subi %iota3A, %sub3A_536 : vector<16xi32>
      %max3A_538 = arith.constant 0 : i32
      %max3A_539 = vector.broadcast %max3A_538 : i32 to vector<16xi32>
      %max3A_540 = arith.maxsi %sub3A_537, %max3A_539 : vector<16xi32>
      %min3A_541 = arith.constant 1 : i32
      %min3A_542 = vector.broadcast %min3A_541 : i32 to vector<16xi32>
      %min3A_543 = arith.minsi %max3A_540, %min3A_542 : vector<16xi32>
      %mul3A_544 = arith.muli %gather3A_534, %min3A_543 : vector<16xi32>
      %add3A_545 = arith.addi %add3A_525, %mul3A_544 : vector<16xi32>
      %sub3A_546 = arith.constant 8 : i32
      %sub3A_547 = vector.broadcast %sub3A_546 : i32 to vector<16xi32>
      %sub3A_548 = arith.subi %iota3A, %sub3A_547 : vector<16xi32>
      %max3A_549 = arith.constant 0 : i32
      %max3A_550 = vector.broadcast %max3A_549 : i32 to vector<16xi32>
      %max3A_551 = arith.maxsi %sub3A_548, %max3A_550 : vector<16xi32>
      %reshape3A_552 = vector.shape_cast %max3A_551 : vector<16xi32> to vector<16x1xi32>
      %gather3A_553 = vector.shape_cast %reshape3A_552 : vector<16x1xi32> to vector<16xi32>
      %gather3A_554 = tpu.dynamic_gather %add3A_545[%gather3A_553] in [0] : vector<16xi32>, vector<16xi32> -> vector<16xi32>
      %sub3A_555 = arith.constant 7 : i32
      %sub3A_556 = vector.broadcast %sub3A_555 : i32 to vector<16xi32>
      %sub3A_557 = arith.subi %iota3A, %sub3A_556 : vector<16xi32>
      %max3A_558 = arith.constant 0 : i32
      %max3A_559 = vector.broadcast %max3A_558 : i32 to vector<16xi32>
      %max3A_560 = arith.maxsi %sub3A_557, %max3A_559 : vector<16xi32>
      %min3A_561 = arith.constant 1 : i32
      %min3A_562 = vector.broadcast %min3A_561 : i32 to vector<16xi32>
      %min3A_563 = arith.minsi %max3A_560, %min3A_562 : vector<16xi32>
      %mul3A_564 = arith.muli %gather3A_554, %min3A_563 : vector<16xi32>
      %add3A_565 = arith.addi %add3A_545, %mul3A_564 : vector<16xi32>
      %add3A_566 = arith.addi %while3A_61, %add3A_459 : vector<16xi32>
      %add3A_567 = arith.addi %add3A_566, %add3A_565 : vector<16xi32>
      %sub3A_568 = arith.subi %add3A_567, %get3A_465 : vector<16xi32>
      %mul3A_569 = arith.muli %sub3A_568, %get3A_465 : vector<16xi32>
      %sub3A_570 = arith.constant 1 : i32
      %sub3A_571 = vector.broadcast %sub3A_570 : i32 to vector<16xi32>
      %sub3A_572 = arith.subi %sub3A_571, %get3A_465 : vector<16xi32>
      %mul3A_573 = arith.constant 160000 : i32
      %mul3A_574 = vector.broadcast %mul3A_573 : i32 to vector<16xi32>
      %mul3A_575 = arith.muli %sub3A_572, %mul3A_574 : vector<16xi32>
      %add3A_576 = arith.addi %mul3A_569, %mul3A_575 : vector<16xi32>
      %swap3A_577 = arith.constant 48 : index
      %swap3A_578 = tpu.vector_load %arg21[%swap3A_577] {strides = array<i32>} : memref<128xi32, #tpu.memory_space<vmem>>, vector<16xi32>,
      %swap3A_579 = vector.shape_cast %swap3A_578 : vector<16xi32> to vector<16xi32>
      %swap3A_580 = vector.shape_cast %add3A_576 : vector<16xi32> to vector<16xi32>
      tpu.vector_store %arg21[%swap3A_577], %swap3A_580 {strides = array<i32>} : memref<128xi32, #tpu.memory_space<vmem>>, vector<16xi32>,
      %reshape3A_581 = vector.shape_cast %broadcast_in_dim3A_32 : vector<16xi32> to vector<16x1xi32>
      %gather3A_582 = vector.shape_cast %reshape3A_581 : vector<16x1xi32> to vector<16xi32>
      %gather3A_583 = tpu.dynamic_gather %add3A_565[%gather3A_582] in [0] : vector<16xi32>, vector<16xi32> -> vector<16xi32>
      %add3A_584 = arith.addi %add3A_459, %gather3A_583 : vector<16xi32>
      %get3A_585 = arith.constant 64 : index
      %get3A_586 = tpu.vector_load %arg17[%get3A_585] {strides = array<i32>} : memref<128xi32, #tpu.memory_space<vmem>>, vector<16xi32>,
      %get3A_587 = vector.shape_cast %get3A_586 : vector<16xi32> to vector<16xi32>
      %get3A_588 = arith.constant 64 : index
      %get3A_589 = tpu.vector_load %arg18[%get3A_588] {strides = array<i32>} : memref<128xi32, #tpu.memory_space<vmem>>, vector<16xi32>,
      %get3A_590 = vector.shape_cast %get3A_589 : vector<16xi32> to vector<16xi32>
      %mul3A_591 = arith.constant 1024 : i32
      %mul3A_592 = vector.broadcast %mul3A_591 : i32 to vector<16xi32>
      %mul3A_593 = arith.muli %get3A_590, %mul3A_592 : vector<16xi32>
      %add3A_594 = arith.addi %get3A_587, %mul3A_593 : vector<16xi32>
      %swap3A_595 = arith.constant 64 : index
      %swap3A_596 = tpu.vector_load %arg19[%swap3A_595] {strides = array<i32>} : memref<128xi32, #tpu.memory_space<vmem>>, vector<16xi32>,
      %swap3A_597 = vector.shape_cast %swap3A_596 : vector<16xi32> to vector<16xi32>
      %swap3A_598 = vector.shape_cast %add3A_594 : vector<16xi32> to vector<16xi32>
      tpu.vector_store %arg19[%swap3A_595], %swap3A_598 {strides = array<i32>} : memref<128xi32, #tpu.memory_space<vmem>>, vector<16xi32>,
      %mul3A_599 = arith.muli %get3A_587, %get3A_590 : vector<16xi32>
      %sub3A_600 = arith.constant 1 : i32
      %sub3A_601 = vector.broadcast %sub3A_600 : i32 to vector<16xi32>
      %sub3A_602 = arith.subi %sub3A_601, %get3A_590 : vector<16xi32>
      %mul3A_603 = arith.constant 1024 : i32
      %mul3A_604 = vector.broadcast %mul3A_603 : i32 to vector<16xi32>
      %mul3A_605 = arith.muli %sub3A_602, %mul3A_604 : vector<16xi32>
      %add3A_606 = arith.addi %mul3A_599, %mul3A_605 : vector<16xi32>
      %swap3A_607 = arith.constant 64 : index
      %swap3A_608 = tpu.vector_load %arg20[%swap3A_607] {strides = array<i32>} : memref<128xi32, #tpu.memory_space<vmem>>, vector<16xi32>,
      %swap3A_609 = vector.shape_cast %swap3A_608 : vector<16xi32> to vector<16xi32>
      %swap3A_610 = vector.shape_cast %add3A_606 : vector<16xi32> to vector<16xi32>
      tpu.vector_store %arg20[%swap3A_607], %swap3A_610 {strides = array<i32>} : memref<128xi32, #tpu.memory_space<vmem>>, vector<16xi32>,
      %sub3A_611 = arith.constant 1 : i32
      %sub3A_612 = vector.broadcast %sub3A_611 : i32 to vector<16xi32>
      %sub3A_613 = arith.subi %iota3A, %sub3A_612 : vector<16xi32>
      %max3A_614 = arith.constant 0 : i32
      %max3A_615 = vector.broadcast %max3A_614 : i32 to vector<16xi32>
      %max3A_616 = arith.maxsi %sub3A_613, %max3A_615 : vector<16xi32>
      %reshape3A_617 = vector.shape_cast %max3A_616 : vector<16xi32> to vector<16x1xi32>
      %gather3A_618 = vector.shape_cast %reshape3A_617 : vector<16x1xi32> to vector<16xi32>
      %gather3A_619 = tpu.dynamic_gather %get3A_590[%gather3A_618] in [0] : vector<16xi32>, vector<16xi32> -> vector<16xi32>
      %sub3A_620 = arith.constant 0 : i32
      %sub3A_621 = vector.broadcast %sub3A_620 : i32 to vector<16xi32>
      %sub3A_622 = arith.subi %iota3A, %sub3A_621 : vector<16xi32>
      %max3A_623 = arith.constant 0 : i32
      %max3A_624 = vector.broadcast %max3A_623 : i32 to vector<16xi32>
      %max3A_625 = arith.maxsi %sub3A_622, %max3A_624 : vector<16xi32>
      %min3A_626 = arith.constant 1 : i32
      %min3A_627 = vector.broadcast %min3A_626 : i32 to vector<16xi32>
      %min3A_628 = arith.minsi %max3A_625, %min3A_627 : vector<16xi32>
      %mul3A_629 = arith.muli %gather3A_619, %min3A_628 : vector<16xi32>
      %add3A_630 = arith.addi %get3A_590, %mul3A_629 : vector<16xi32>
      %sub3A_631 = arith.constant 2 : i32
      %sub3A_632 = vector.broadcast %sub3A_631 : i32 to vector<16xi32>
      %sub3A_633 = arith.subi %iota3A, %sub3A_632 : vector<16xi32>
      %max3A_634 = arith.constant 0 : i32
      %max3A_635 = vector.broadcast %max3A_634 : i32 to vector<16xi32>
      %max3A_636 = arith.maxsi %sub3A_633, %max3A_635 : vector<16xi32>
      %reshape3A_637 = vector.shape_cast %max3A_636 : vector<16xi32> to vector<16x1xi32>
      %gather3A_638 = vector.shape_cast %reshape3A_637 : vector<16x1xi32> to vector<16xi32>
      %gather3A_639 = tpu.dynamic_gather %add3A_630[%gather3A_638] in [0] : vector<16xi32>, vector<16xi32> -> vector<16xi32>
      %sub3A_640 = arith.constant 1 : i32
      %sub3A_641 = vector.broadcast %sub3A_640 : i32 to vector<16xi32>
      %sub3A_642 = arith.subi %iota3A, %sub3A_641 : vector<16xi32>
      %max3A_643 = arith.constant 0 : i32
      %max3A_644 = vector.broadcast %max3A_643 : i32 to vector<16xi32>
      %max3A_645 = arith.maxsi %sub3A_642, %max3A_644 : vector<16xi32>
      %min3A_646 = arith.constant 1 : i32
      %min3A_647 = vector.broadcast %min3A_646 : i32 to vector<16xi32>
      %min3A_648 = arith.minsi %max3A_645, %min3A_647 : vector<16xi32>
      %mul3A_649 = arith.muli %gather3A_639, %min3A_648 : vector<16xi32>
      %add3A_650 = arith.addi %add3A_630, %mul3A_649 : vector<16xi32>
      %sub3A_651 = arith.constant 4 : i32
      %sub3A_652 = vector.broadcast %sub3A_651 : i32 to vector<16xi32>
      %sub3A_653 = arith.subi %iota3A, %sub3A_652 : vector<16xi32>
      %max3A_654 = arith.constant 0 : i32
      %max3A_655 = vector.broadcast %max3A_654 : i32 to vector<16xi32>
      %max3A_656 = arith.maxsi %sub3A_653, %max3A_655 : vector<16xi32>
      %reshape3A_657 = vector.shape_cast %max3A_656 : vector<16xi32> to vector<16x1xi32>
      %gather3A_658 = vector.shape_cast %reshape3A_657 : vector<16x1xi32> to vector<16xi32>
      %gather3A_659 = tpu.dynamic_gather %add3A_650[%gather3A_658] in [0] : vector<16xi32>, vector<16xi32> -> vector<16xi32>
      %sub3A_660 = arith.constant 3 : i32
      %sub3A_661 = vector.broadcast %sub3A_660 : i32 to vector<16xi32>
      %sub3A_662 = arith.subi %iota3A, %sub3A_661 : vector<16xi32>
      %max3A_663 = arith.constant 0 : i32
      %max3A_664 = vector.broadcast %max3A_663 : i32 to vector<16xi32>
      %max3A_665 = arith.maxsi %sub3A_662, %max3A_664 : vector<16xi32>
      %min3A_666 = arith.constant 1 : i32
      %min3A_667 = vector.broadcast %min3A_666 : i32 to vector<16xi32>
      %min3A_668 = arith.minsi %max3A_665, %min3A_667 : vector<16xi32>
      %mul3A_669 = arith.muli %gather3A_659, %min3A_668 : vector<16xi32>
      %add3A_670 = arith.addi %add3A_650, %mul3A_669 : vector<16xi32>
      %sub3A_671 = arith.constant 8 : i32
      %sub3A_672 = vector.broadcast %sub3A_671 : i32 to vector<16xi32>
      %sub3A_673 = arith.subi %iota3A, %sub3A_672 : vector<16xi32>
      %max3A_674 = arith.constant 0 : i32
      %max3A_675 = vector.broadcast %max3A_674 : i32 to vector<16xi32>
      %max3A_676 = arith.maxsi %sub3A_673, %max3A_675 : vector<16xi32>
      %reshape3A_677 = vector.shape_cast %max3A_676 : vector<16xi32> to vector<16x1xi32>
      %gather3A_678 = vector.shape_cast %reshape3A_677 : vector<16x1xi32> to vector<16xi32>
      %gather3A_679 = tpu.dynamic_gather %add3A_670[%gather3A_678] in [0] : vector<16xi32>, vector<16xi32> -> vector<16xi32>
      %sub3A_680 = arith.constant 7 : i32
      %sub3A_681 = vector.broadcast %sub3A_680 : i32 to vector<16xi32>
      %sub3A_682 = arith.subi %iota3A, %sub3A_681 : vector<16xi32>
      %max3A_683 = arith.constant 0 : i32
      %max3A_684 = vector.broadcast %max3A_683 : i32 to vector<16xi32>
      %max3A_685 = arith.maxsi %sub3A_682, %max3A_684 : vector<16xi32>
      %min3A_686 = arith.constant 1 : i32
      %min3A_687 = vector.broadcast %min3A_686 : i32 to vector<16xi32>
      %min3A_688 = arith.minsi %max3A_685, %min3A_687 : vector<16xi32>
      %mul3A_689 = arith.muli %gather3A_679, %min3A_688 : vector<16xi32>
      %add3A_690 = arith.addi %add3A_670, %mul3A_689 : vector<16xi32>
      %add3A_691 = arith.addi %while3A_61, %add3A_584 : vector<16xi32>
      %add3A_692 = arith.addi %add3A_691, %add3A_690 : vector<16xi32>
      %sub3A_693 = arith.subi %add3A_692, %get3A_590 : vector<16xi32>
      %mul3A_694 = arith.muli %sub3A_693, %get3A_590 : vector<16xi32>
      %sub3A_695 = arith.constant 1 : i32
      %sub3A_696 = vector.broadcast %sub3A_695 : i32 to vector<16xi32>
      %sub3A_697 = arith.subi %sub3A_696, %get3A_590 : vector<16xi32>
      %mul3A_698 = arith.constant 160000 : i32
      %mul3A_699 = vector.broadcast %mul3A_698 : i32 to vector<16xi32>
      %mul3A_700 = arith.muli %sub3A_697, %mul3A_699 : vector<16xi32>
      %add3A_701 = arith.addi %mul3A_694, %mul3A_700 : vector<16xi32>
      %swap3A_702 = arith.constant 64 : index
      %swap3A_703 = tpu.vector_load %arg21[%swap3A_702] {strides = array<i32>} : memref<128xi32, #tpu.memory_space<vmem>>, vector<16xi32>,
      %swap3A_704 = vector.shape_cast %swap3A_703 : vector<16xi32> to vector<16xi32>
      %swap3A_705 = vector.shape_cast %add3A_701 : vector<16xi32> to vector<16xi32>
      tpu.vector_store %arg21[%swap3A_702], %swap3A_705 {strides = array<i32>} : memref<128xi32, #tpu.memory_space<vmem>>, vector<16xi32>,
      %reshape3A_706 = vector.shape_cast %broadcast_in_dim3A_32 : vector<16xi32> to vector<16x1xi32>
      %gather3A_707 = vector.shape_cast %reshape3A_706 : vector<16x1xi32> to vector<16xi32>
      %gather3A_708 = tpu.dynamic_gather %add3A_690[%gather3A_707] in [0] : vector<16xi32>, vector<16xi32> -> vector<16xi32>
      %add3A_709 = arith.addi %add3A_584, %gather3A_708 : vector<16xi32>
      %get3A_710 = arith.constant 80 : index
      %get3A_711 = tpu.vector_load %arg17[%get3A_710] {strides = array<i32>} : memref<128xi32, #tpu.memory_space<vmem>>, vector<16xi32>,
      %get3A_712 = vector.shape_cast %get3A_711 : vector<16xi32> to vector<16xi32>
      %get3A_713 = arith.constant 80 : index
      %get3A_714 = tpu.vector_load %arg18[%get3A_713] {strides = array<i32>} : memref<128xi32, #tpu.memory_space<vmem>>, vector<16xi32>,
      %get3A_715 = vector.shape_cast %get3A_714 : vector<16xi32> to vector<16xi32>
      %mul3A_716 = arith.constant 1024 : i32
      %mul3A_717 = vector.broadcast %mul3A_716 : i32 to vector<16xi32>
      %mul3A_718 = arith.muli %get3A_715, %mul3A_717 : vector<16xi32>
      %add3A_719 = arith.addi %get3A_712, %mul3A_718 : vector<16xi32>
      %swap3A_720 = arith.constant 80 : index
      %swap3A_721 = tpu.vector_load %arg19[%swap3A_720] {strides = array<i32>} : memref<128xi32, #tpu.memory_space<vmem>>, vector<16xi32>,
      %swap3A_722 = vector.shape_cast %swap3A_721 : vector<16xi32> to vector<16xi32>
      %swap3A_723 = vector.shape_cast %add3A_719 : vector<16xi32> to vector<16xi32>
      tpu.vector_store %arg19[%swap3A_720], %swap3A_723 {strides = array<i32>} : memref<128xi32, #tpu.memory_space<vmem>>, vector<16xi32>,
      %mul3A_724 = arith.muli %get3A_712, %get3A_715 : vector<16xi32>
      %sub3A_725 = arith.constant 1 : i32
      %sub3A_726 = vector.broadcast %sub3A_725 : i32 to vector<16xi32>
      %sub3A_727 = arith.subi %sub3A_726, %get3A_715 : vector<16xi32>
      %mul3A_728 = arith.constant 1024 : i32
      %mul3A_729 = vector.broadcast %mul3A_728 : i32 to vector<16xi32>
      %mul3A_730 = arith.muli %sub3A_727, %mul3A_729 : vector<16xi32>
      %add3A_731 = arith.addi %mul3A_724, %mul3A_730 : vector<16xi32>
      %swap3A_732 = arith.constant 80 : index
      %swap3A_733 = tpu.vector_load %arg20[%swap3A_732] {strides = array<i32>} : memref<128xi32, #tpu.memory_space<vmem>>, vector<16xi32>,
      %swap3A_734 = vector.shape_cast %swap3A_733 : vector<16xi32> to vector<16xi32>
      %swap3A_735 = vector.shape_cast %add3A_731 : vector<16xi32> to vector<16xi32>
      tpu.vector_store %arg20[%swap3A_732], %swap3A_735 {strides = array<i32>} : memref<128xi32, #tpu.memory_space<vmem>>, vector<16xi32>,
      %sub3A_736 = arith.constant 1 : i32
      %sub3A_737 = vector.broadcast %sub3A_736 : i32 to vector<16xi32>
      %sub3A_738 = arith.subi %iota3A, %sub3A_737 : vector<16xi32>
      %max3A_739 = arith.constant 0 : i32
      %max3A_740 = vector.broadcast %max3A_739 : i32 to vector<16xi32>
      %max3A_741 = arith.maxsi %sub3A_738, %max3A_740 : vector<16xi32>
      %reshape3A_742 = vector.shape_cast %max3A_741 : vector<16xi32> to vector<16x1xi32>
      %gather3A_743 = vector.shape_cast %reshape3A_742 : vector<16x1xi32> to vector<16xi32>
      %gather3A_744 = tpu.dynamic_gather %get3A_715[%gather3A_743] in [0] : vector<16xi32>, vector<16xi32> -> vector<16xi32>
      %sub3A_745 = arith.constant 0 : i32
      %sub3A_746 = vector.broadcast %sub3A_745 : i32 to vector<16xi32>
      %sub3A_747 = arith.subi %iota3A, %sub3A_746 : vector<16xi32>
      %max3A_748 = arith.constant 0 : i32
      %max3A_749 = vector.broadcast %max3A_748 : i32 to vector<16xi32>
      %max3A_750 = arith.maxsi %sub3A_747, %max3A_749 : vector<16xi32>
      %min3A_751 = arith.constant 1 : i32
      %min3A_752 = vector.broadcast %min3A_751 : i32 to vector<16xi32>
      %min3A_753 = arith.minsi %max3A_750, %min3A_752 : vector<16xi32>
      %mul3A_754 = arith.muli %gather3A_744, %min3A_753 : vector<16xi32>
      %add3A_755 = arith.addi %get3A_715, %mul3A_754 : vector<16xi32>
      %sub3A_756 = arith.constant 2 : i32
      %sub3A_757 = vector.broadcast %sub3A_756 : i32 to vector<16xi32>
      %sub3A_758 = arith.subi %iota3A, %sub3A_757 : vector<16xi32>
      %max3A_759 = arith.constant 0 : i32
      %max3A_760 = vector.broadcast %max3A_759 : i32 to vector<16xi32>
      %max3A_761 = arith.maxsi %sub3A_758, %max3A_760 : vector<16xi32>
      %reshape3A_762 = vector.shape_cast %max3A_761 : vector<16xi32> to vector<16x1xi32>
      %gather3A_763 = vector.shape_cast %reshape3A_762 : vector<16x1xi32> to vector<16xi32>
      %gather3A_764 = tpu.dynamic_gather %add3A_755[%gather3A_763] in [0] : vector<16xi32>, vector<16xi32> -> vector<16xi32>
      %sub3A_765 = arith.constant 1 : i32
      %sub3A_766 = vector.broadcast %sub3A_765 : i32 to vector<16xi32>
      %sub3A_767 = arith.subi %iota3A, %sub3A_766 : vector<16xi32>
      %max3A_768 = arith.constant 0 : i32
      %max3A_769 = vector.broadcast %max3A_768 : i32 to vector<16xi32>
      %max3A_770 = arith.maxsi %sub3A_767, %max3A_769 : vector<16xi32>
      %min3A_771 = arith.constant 1 : i32
      %min3A_772 = vector.broadcast %min3A_771 : i32 to vector<16xi32>
      %min3A_773 = arith.minsi %max3A_770, %min3A_772 : vector<16xi32>
      %mul3A_774 = arith.muli %gather3A_764, %min3A_773 : vector<16xi32>
      %add3A_775 = arith.addi %add3A_755, %mul3A_774 : vector<16xi32>
      %sub3A_776 = arith.constant 4 : i32
      %sub3A_777 = vector.broadcast %sub3A_776 : i32 to vector<16xi32>
      %sub3A_778 = arith.subi %iota3A, %sub3A_777 : vector<16xi32>
      %max3A_779 = arith.constant 0 : i32
      %max3A_780 = vector.broadcast %max3A_779 : i32 to vector<16xi32>
      %max3A_781 = arith.maxsi %sub3A_778, %max3A_780 : vector<16xi32>
      %reshape3A_782 = vector.shape_cast %max3A_781 : vector<16xi32> to vector<16x1xi32>
      %gather3A_783 = vector.shape_cast %reshape3A_782 : vector<16x1xi32> to vector<16xi32>
      %gather3A_784 = tpu.dynamic_gather %add3A_775[%gather3A_783] in [0] : vector<16xi32>, vector<16xi32> -> vector<16xi32>
      %sub3A_785 = arith.constant 3 : i32
      %sub3A_786 = vector.broadcast %sub3A_785 : i32 to vector<16xi32>
      %sub3A_787 = arith.subi %iota3A, %sub3A_786 : vector<16xi32>
      %max3A_788 = arith.constant 0 : i32
      %max3A_789 = vector.broadcast %max3A_788 : i32 to vector<16xi32>
      %max3A_790 = arith.maxsi %sub3A_787, %max3A_789 : vector<16xi32>
      %min3A_791 = arith.constant 1 : i32
      %min3A_792 = vector.broadcast %min3A_791 : i32 to vector<16xi32>
      %min3A_793 = arith.minsi %max3A_790, %min3A_792 : vector<16xi32>
      %mul3A_794 = arith.muli %gather3A_784, %min3A_793 : vector<16xi32>
      %add3A_795 = arith.addi %add3A_775, %mul3A_794 : vector<16xi32>
      %sub3A_796 = arith.constant 8 : i32
      %sub3A_797 = vector.broadcast %sub3A_796 : i32 to vector<16xi32>
      %sub3A_798 = arith.subi %iota3A, %sub3A_797 : vector<16xi32>
      %max3A_799 = arith.constant 0 : i32
      %max3A_800 = vector.broadcast %max3A_799 : i32 to vector<16xi32>
      %max3A_801 = arith.maxsi %sub3A_798, %max3A_800 : vector<16xi32>
      %reshape3A_802 = vector.shape_cast %max3A_801 : vector<16xi32> to vector<16x1xi32>
      %gather3A_803 = vector.shape_cast %reshape3A_802 : vector<16x1xi32> to vector<16xi32>
      %gather3A_804 = tpu.dynamic_gather %add3A_795[%gather3A_803] in [0] : vector<16xi32>, vector<16xi32> -> vector<16xi32>
      %sub3A_805 = arith.constant 7 : i32
      %sub3A_806 = vector.broadcast %sub3A_805 : i32 to vector<16xi32>
      %sub3A_807 = arith.subi %iota3A, %sub3A_806 : vector<16xi32>
      %max3A_808 = arith.constant 0 : i32
      %max3A_809 = vector.broadcast %max3A_808 : i32 to vector<16xi32>
      %max3A_810 = arith.maxsi %sub3A_807, %max3A_809 : vector<16xi32>
      %min3A_811 = arith.constant 1 : i32
      %min3A_812 = vector.broadcast %min3A_811 : i32 to vector<16xi32>
      %min3A_813 = arith.minsi %max3A_810, %min3A_812 : vector<16xi32>
      %mul3A_814 = arith.muli %gather3A_804, %min3A_813 : vector<16xi32>
      %add3A_815 = arith.addi %add3A_795, %mul3A_814 : vector<16xi32>
      %add3A_816 = arith.addi %while3A_61, %add3A_709 : vector<16xi32>
      %add3A_817 = arith.addi %add3A_816, %add3A_815 : vector<16xi32>
      %sub3A_818 = arith.subi %add3A_817, %get3A_715 : vector<16xi32>
      %mul3A_819 = arith.muli %sub3A_818, %get3A_715 : vector<16xi32>
      %sub3A_820 = arith.constant 1 : i32
      %sub3A_821 = vector.broadcast %sub3A_820 : i32 to vector<16xi32>
      %sub3A_822 = arith.subi %sub3A_821, %get3A_715 : vector<16xi32>
      %mul3A_823 = arith.constant 160000 : i32
      %mul3A_824 = vector.broadcast %mul3A_823 : i32 to vector<16xi32>
      %mul3A_825 = arith.muli %sub3A_822, %mul3A_824 : vector<16xi32>
      %add3A_826 = arith.addi %mul3A_819, %mul3A_825 : vector<16xi32>
      %swap3A_827 = arith.constant 80 : index
      %swap3A_828 = tpu.vector_load %arg21[%swap3A_827] {strides = array<i32>} : memref<128xi32, #tpu.memory_space<vmem>>, vector<16xi32>,
      %swap3A_829 = vector.shape_cast %swap3A_828 : vector<16xi32> to vector<16xi32>
      %swap3A_830 = vector.shape_cast %add3A_826 : vector<16xi32> to vector<16xi32>
      tpu.vector_store %arg21[%swap3A_827], %swap3A_830 {strides = array<i32>} : memref<128xi32, #tpu.memory_space<vmem>>, vector<16xi32>,
      %reshape3A_831 = vector.shape_cast %broadcast_in_dim3A_32 : vector<16xi32> to vector<16x1xi32>
      %gather3A_832 = vector.shape_cast %reshape3A_831 : vector<16x1xi32> to vector<16xi32>
      %gather3A_833 = tpu.dynamic_gather %add3A_815[%gather3A_832] in [0] : vector<16xi32>, vector<16xi32> -> vector<16xi32>
      %add3A_834 = arith.addi %add3A_709, %gather3A_833 : vector<16xi32>
      %get3A_835 = arith.constant 96 : index
      %get3A_836 = tpu.vector_load %arg17[%get3A_835] {strides = array<i32>} : memref<128xi32, #tpu.memory_space<vmem>>, vector<16xi32>,
      %get3A_837 = vector.shape_cast %get3A_836 : vector<16xi32> to vector<16xi32>
      %get3A_838 = arith.constant 96 : index
      %get3A_839 = tpu.vector_load %arg18[%get3A_838] {strides = array<i32>} : memref<128xi32, #tpu.memory_space<vmem>>, vector<16xi32>,
      %get3A_840 = vector.shape_cast %get3A_839 : vector<16xi32> to vector<16xi32>
      %mul3A_841 = arith.constant 1024 : i32
      %mul3A_842 = vector.broadcast %mul3A_841 : i32 to vector<16xi32>
      %mul3A_843 = arith.muli %get3A_840, %mul3A_842 : vector<16xi32>
      %add3A_844 = arith.addi %get3A_837, %mul3A_843 : vector<16xi32>
      %swap3A_845 = arith.constant 96 : index
      %swap3A_846 = tpu.vector_load %arg19[%swap3A_845] {strides = array<i32>} : memref<128xi32, #tpu.memory_space<vmem>>, vector<16xi32>,
      %swap3A_847 = vector.shape_cast %swap3A_846 : vector<16xi32> to vector<16xi32>
      %swap3A_848 = vector.shape_cast %add3A_844 : vector<16xi32> to vector<16xi32>
      tpu.vector_store %arg19[%swap3A_845], %swap3A_848 {strides = array<i32>} : memref<128xi32, #tpu.memory_space<vmem>>, vector<16xi32>,
      %mul3A_849 = arith.muli %get3A_837, %get3A_840 : vector<16xi32>
      %sub3A_850 = arith.constant 1 : i32
      %sub3A_851 = vector.broadcast %sub3A_850 : i32 to vector<16xi32>
      %sub3A_852 = arith.subi %sub3A_851, %get3A_840 : vector<16xi32>
      %mul3A_853 = arith.constant 1024 : i32
      %mul3A_854 = vector.broadcast %mul3A_853 : i32 to vector<16xi32>
      %mul3A_855 = arith.muli %sub3A_852, %mul3A_854 : vector<16xi32>
      %add3A_856 = arith.addi %mul3A_849, %mul3A_855 : vector<16xi32>
      %swap3A_857 = arith.constant 96 : index
      %swap3A_858 = tpu.vector_load %arg20[%swap3A_857] {strides = array<i32>} : memref<128xi32, #tpu.memory_space<vmem>>, vector<16xi32>,
      %swap3A_859 = vector.shape_cast %swap3A_858 : vector<16xi32> to vector<16xi32>
      %swap3A_860 = vector.shape_cast %add3A_856 : vector<16xi32> to vector<16xi32>
      tpu.vector_store %arg20[%swap3A_857], %swap3A_860 {strides = array<i32>} : memref<128xi32, #tpu.memory_space<vmem>>, vector<16xi32>,
      %sub3A_861 = arith.constant 1 : i32
      %sub3A_862 = vector.broadcast %sub3A_861 : i32 to vector<16xi32>
      %sub3A_863 = arith.subi %iota3A, %sub3A_862 : vector<16xi32>
      %max3A_864 = arith.constant 0 : i32
      %max3A_865 = vector.broadcast %max3A_864 : i32 to vector<16xi32>
      %max3A_866 = arith.maxsi %sub3A_863, %max3A_865 : vector<16xi32>
      %reshape3A_867 = vector.shape_cast %max3A_866 : vector<16xi32> to vector<16x1xi32>
      %gather3A_868 = vector.shape_cast %reshape3A_867 : vector<16x1xi32> to vector<16xi32>
      %gather3A_869 = tpu.dynamic_gather %get3A_840[%gather3A_868] in [0] : vector<16xi32>, vector<16xi32> -> vector<16xi32>
      %sub3A_870 = arith.constant 0 : i32
      %sub3A_871 = vector.broadcast %sub3A_870 : i32 to vector<16xi32>
      %sub3A_872 = arith.subi %iota3A, %sub3A_871 : vector<16xi32>
      %max3A_873 = arith.constant 0 : i32
      %max3A_874 = vector.broadcast %max3A_873 : i32 to vector<16xi32>
      %max3A_875 = arith.maxsi %sub3A_872, %max3A_874 : vector<16xi32>
      %min3A_876 = arith.constant 1 : i32
      %min3A_877 = vector.broadcast %min3A_876 : i32 to vector<16xi32>
      %min3A_878 = arith.minsi %max3A_875, %min3A_877 : vector<16xi32>
      %mul3A_879 = arith.muli %gather3A_869, %min3A_878 : vector<16xi32>
      %add3A_880 = arith.addi %get3A_840, %mul3A_879 : vector<16xi32>
      %sub3A_881 = arith.constant 2 : i32
      %sub3A_882 = vector.broadcast %sub3A_881 : i32 to vector<16xi32>
      %sub3A_883 = arith.subi %iota3A, %sub3A_882 : vector<16xi32>
      %max3A_884 = arith.constant 0 : i32
      %max3A_885 = vector.broadcast %max3A_884 : i32 to vector<16xi32>
      %max3A_886 = arith.maxsi %sub3A_883, %max3A_885 : vector<16xi32>
      %reshape3A_887 = vector.shape_cast %max3A_886 : vector<16xi32> to vector<16x1xi32>
      %gather3A_888 = vector.shape_cast %reshape3A_887 : vector<16x1xi32> to vector<16xi32>
      %gather3A_889 = tpu.dynamic_gather %add3A_880[%gather3A_888] in [0] : vector<16xi32>, vector<16xi32> -> vector<16xi32>
      %sub3A_890 = arith.constant 1 : i32
      %sub3A_891 = vector.broadcast %sub3A_890 : i32 to vector<16xi32>
      %sub3A_892 = arith.subi %iota3A, %sub3A_891 : vector<16xi32>
      %max3A_893 = arith.constant 0 : i32
      %max3A_894 = vector.broadcast %max3A_893 : i32 to vector<16xi32>
      %max3A_895 = arith.maxsi %sub3A_892, %max3A_894 : vector<16xi32>
      %min3A_896 = arith.constant 1 : i32
      %min3A_897 = vector.broadcast %min3A_896 : i32 to vector<16xi32>
      %min3A_898 = arith.minsi %max3A_895, %min3A_897 : vector<16xi32>
      %mul3A_899 = arith.muli %gather3A_889, %min3A_898 : vector<16xi32>
      %add3A_900 = arith.addi %add3A_880, %mul3A_899 : vector<16xi32>
      %sub3A_901 = arith.constant 4 : i32
      %sub3A_902 = vector.broadcast %sub3A_901 : i32 to vector<16xi32>
      %sub3A_903 = arith.subi %iota3A, %sub3A_902 : vector<16xi32>
      %max3A_904 = arith.constant 0 : i32
      %max3A_905 = vector.broadcast %max3A_904 : i32 to vector<16xi32>
      %max3A_906 = arith.maxsi %sub3A_903, %max3A_905 : vector<16xi32>
      %reshape3A_907 = vector.shape_cast %max3A_906 : vector<16xi32> to vector<16x1xi32>
      %gather3A_908 = vector.shape_cast %reshape3A_907 : vector<16x1xi32> to vector<16xi32>
      %gather3A_909 = tpu.dynamic_gather %add3A_900[%gather3A_908] in [0] : vector<16xi32>, vector<16xi32> -> vector<16xi32>
      %sub3A_910 = arith.constant 3 : i32
      %sub3A_911 = vector.broadcast %sub3A_910 : i32 to vector<16xi32>
      %sub3A_912 = arith.subi %iota3A, %sub3A_911 : vector<16xi32>
      %max3A_913 = arith.constant 0 : i32
      %max3A_914 = vector.broadcast %max3A_913 : i32 to vector<16xi32>
      %max3A_915 = arith.maxsi %sub3A_912, %max3A_914 : vector<16xi32>
      %min3A_916 = arith.constant 1 : i32
      %min3A_917 = vector.broadcast %min3A_916 : i32 to vector<16xi32>
      %min3A_918 = arith.minsi %max3A_915, %min3A_917 : vector<16xi32>
      %mul3A_919 = arith.muli %gather3A_909, %min3A_918 : vector<16xi32>
      %add3A_920 = arith.addi %add3A_900, %mul3A_919 : vector<16xi32>
      %sub3A_921 = arith.constant 8 : i32
      %sub3A_922 = vector.broadcast %sub3A_921 : i32 to vector<16xi32>
      %sub3A_923 = arith.subi %iota3A, %sub3A_922 : vector<16xi32>
      %max3A_924 = arith.constant 0 : i32
      %max3A_925 = vector.broadcast %max3A_924 : i32 to vector<16xi32>
      %max3A_926 = arith.maxsi %sub3A_923, %max3A_925 : vector<16xi32>
      %reshape3A_927 = vector.shape_cast %max3A_926 : vector<16xi32> to vector<16x1xi32>
      %gather3A_928 = vector.shape_cast %reshape3A_927 : vector<16x1xi32> to vector<16xi32>
      %gather3A_929 = tpu.dynamic_gather %add3A_920[%gather3A_928] in [0] : vector<16xi32>, vector<16xi32> -> vector<16xi32>
      %sub3A_930 = arith.constant 7 : i32
      %sub3A_931 = vector.broadcast %sub3A_930 : i32 to vector<16xi32>
      %sub3A_932 = arith.subi %iota3A, %sub3A_931 : vector<16xi32>
      %max3A_933 = arith.constant 0 : i32
      %max3A_934 = vector.broadcast %max3A_933 : i32 to vector<16xi32>
      %max3A_935 = arith.maxsi %sub3A_932, %max3A_934 : vector<16xi32>
      %min3A_936 = arith.constant 1 : i32
      %min3A_937 = vector.broadcast %min3A_936 : i32 to vector<16xi32>
      %min3A_938 = arith.minsi %max3A_935, %min3A_937 : vector<16xi32>
      %mul3A_939 = arith.muli %gather3A_929, %min3A_938 : vector<16xi32>
      %add3A_940 = arith.addi %add3A_920, %mul3A_939 : vector<16xi32>
      %add3A_941 = arith.addi %while3A_61, %add3A_834 : vector<16xi32>
      %add3A_942 = arith.addi %add3A_941, %add3A_940 : vector<16xi32>
      %sub3A_943 = arith.subi %add3A_942, %get3A_840 : vector<16xi32>
      %mul3A_944 = arith.muli %sub3A_943, %get3A_840 : vector<16xi32>
      %sub3A_945 = arith.constant 1 : i32
      %sub3A_946 = vector.broadcast %sub3A_945 : i32 to vector<16xi32>
      %sub3A_947 = arith.subi %sub3A_946, %get3A_840 : vector<16xi32>
      %mul3A_948 = arith.constant 160000 : i32
      %mul3A_949 = vector.broadcast %mul3A_948 : i32 to vector<16xi32>
      %mul3A_950 = arith.muli %sub3A_947, %mul3A_949 : vector<16xi32>
      %add3A_951 = arith.addi %mul3A_944, %mul3A_950 : vector<16xi32>
      %swap3A_952 = arith.constant 96 : index
      %swap3A_953 = tpu.vector_load %arg21[%swap3A_952] {strides = array<i32>} : memref<128xi32, #tpu.memory_space<vmem>>, vector<16xi32>,
      %swap3A_954 = vector.shape_cast %swap3A_953 : vector<16xi32> to vector<16xi32>
      %swap3A_955 = vector.shape_cast %add3A_951 : vector<16xi32> to vector<16xi32>
      tpu.vector_store %arg21[%swap3A_952], %swap3A_955 {strides = array<i32>} : memref<128xi32, #tpu.memory_space<vmem>>, vector<16xi32>,
      %reshape3A_956 = vector.shape_cast %broadcast_in_dim3A_32 : vector<16xi32> to vector<16x1xi32>
      %gather3A_957 = vector.shape_cast %reshape3A_956 : vector<16x1xi32> to vector<16xi32>
      %gather3A_958 = tpu.dynamic_gather %add3A_940[%gather3A_957] in [0] : vector<16xi32>, vector<16xi32> -> vector<16xi32>
      %add3A_959 = arith.addi %add3A_834, %gather3A_958 : vector<16xi32>
      %get3A_960 = arith.constant 112 : index
      %get3A_961 = tpu.vector_load %arg17[%get3A_960] {strides = array<i32>} : memref<128xi32, #tpu.memory_space<vmem>>, vector<16xi32>,
      %get3A_962 = vector.shape_cast %get3A_961 : vector<16xi32> to vector<16xi32>
      %get3A_963 = arith.constant 112 : index
      %get3A_964 = tpu.vector_load %arg18[%get3A_963] {strides = array<i32>} : memref<128xi32, #tpu.memory_space<vmem>>, vector<16xi32>,
      %get3A_965 = vector.shape_cast %get3A_964 : vector<16xi32> to vector<16xi32>
      %mul3A_966 = arith.constant 1024 : i32
      %mul3A_967 = vector.broadcast %mul3A_966 : i32 to vector<16xi32>
      %mul3A_968 = arith.muli %get3A_965, %mul3A_967 : vector<16xi32>
      %add3A_969 = arith.addi %get3A_962, %mul3A_968 : vector<16xi32>
      %swap3A_970 = arith.constant 112 : index
      %swap3A_971 = tpu.vector_load %arg19[%swap3A_970] {strides = array<i32>} : memref<128xi32, #tpu.memory_space<vmem>>, vector<16xi32>,
      %swap3A_972 = vector.shape_cast %swap3A_971 : vector<16xi32> to vector<16xi32>
      %swap3A_973 = vector.shape_cast %add3A_969 : vector<16xi32> to vector<16xi32>
      tpu.vector_store %arg19[%swap3A_970], %swap3A_973 {strides = array<i32>} : memref<128xi32, #tpu.memory_space<vmem>>, vector<16xi32>,
      %mul3A_974 = arith.muli %get3A_962, %get3A_965 : vector<16xi32>
      %sub3A_975 = arith.constant 1 : i32
      %sub3A_976 = vector.broadcast %sub3A_975 : i32 to vector<16xi32>
      %sub3A_977 = arith.subi %sub3A_976, %get3A_965 : vector<16xi32>
      %mul3A_978 = arith.constant 1024 : i32
      %mul3A_979 = vector.broadcast %mul3A_978 : i32 to vector<16xi32>
      %mul3A_980 = arith.muli %sub3A_977, %mul3A_979 : vector<16xi32>
      %add3A_981 = arith.addi %mul3A_974, %mul3A_980 : vector<16xi32>
      %swap3A_982 = arith.constant 112 : index
      %swap3A_983 = tpu.vector_load %arg20[%swap3A_982] {strides = array<i32>} : memref<128xi32, #tpu.memory_space<vmem>>, vector<16xi32>,
      %swap3A_984 = vector.shape_cast %swap3A_983 : vector<16xi32> to vector<16xi32>
      %swap3A_985 = vector.shape_cast %add3A_981 : vector<16xi32> to vector<16xi32>
      tpu.vector_store %arg20[%swap3A_982], %swap3A_985 {strides = array<i32>} : memref<128xi32, #tpu.memory_space<vmem>>, vector<16xi32>,
      %sub3A_986 = arith.constant 1 : i32
      %sub3A_987 = vector.broadcast %sub3A_986 : i32 to vector<16xi32>
      %sub3A_988 = arith.subi %iota3A, %sub3A_987 : vector<16xi32>
      %max3A_989 = arith.constant 0 : i32
      %max3A_990 = vector.broadcast %max3A_989 : i32 to vector<16xi32>
      %max3A_991 = arith.maxsi %sub3A_988, %max3A_990 : vector<16xi32>
      %reshape3A_992 = vector.shape_cast %max3A_991 : vector<16xi32> to vector<16x1xi32>
      %gather3A_993 = vector.shape_cast %reshape3A_992 : vector<16x1xi32> to vector<16xi32>
      %gather3A_994 = tpu.dynamic_gather %get3A_965[%gather3A_993] in [0] : vector<16xi32>, vector<16xi32> -> vector<16xi32>
      %sub3A_995 = arith.constant 0 : i32
      %sub3A_996 = vector.broadcast %sub3A_995 : i32 to vector<16xi32>
      %sub3A_997 = arith.subi %iota3A, %sub3A_996 : vector<16xi32>
      %max3A_998 = arith.constant 0 : i32
      %max3A_999 = vector.broadcast %max3A_998 : i32 to vector<16xi32>
      %max3A_1000 = arith.maxsi %sub3A_997, %max3A_999 : vector<16xi32>
      %min3A_1001 = arith.constant 1 : i32
      %min3A_1002 = vector.broadcast %min3A_1001 : i32 to vector<16xi32>
      %min3A_1003 = arith.minsi %max3A_1000, %min3A_1002 : vector<16xi32>
      %mul3A_1004 = arith.muli %gather3A_994, %min3A_1003 : vector<16xi32>
      %add3A_1005 = arith.addi %get3A_965, %mul3A_1004 : vector<16xi32>
      %sub3A_1006 = arith.constant 2 : i32
      %sub3A_1007 = vector.broadcast %sub3A_1006 : i32 to vector<16xi32>
      %sub3A_1008 = arith.subi %iota3A, %sub3A_1007 : vector<16xi32>
      %max3A_1009 = arith.constant 0 : i32
      %max3A_1010 = vector.broadcast %max3A_1009 : i32 to vector<16xi32>
      %max3A_1011 = arith.maxsi %sub3A_1008, %max3A_1010 : vector<16xi32>
      %reshape3A_1012 = vector.shape_cast %max3A_1011 : vector<16xi32> to vector<16x1xi32>
      %gather3A_1013 = vector.shape_cast %reshape3A_1012 : vector<16x1xi32> to vector<16xi32>
      %gather3A_1014 = tpu.dynamic_gather %add3A_1005[%gather3A_1013] in [0] : vector<16xi32>, vector<16xi32> -> vector<16xi32>
      %sub3A_1015 = arith.constant 1 : i32
      %sub3A_1016 = vector.broadcast %sub3A_1015 : i32 to vector<16xi32>
      %sub3A_1017 = arith.subi %iota3A, %sub3A_1016 : vector<16xi32>
      %max3A_1018 = arith.constant 0 : i32
      %max3A_1019 = vector.broadcast %max3A_1018 : i32 to vector<16xi32>
      %max3A_1020 = arith.maxsi %sub3A_1017, %max3A_1019 : vector<16xi32>
      %min3A_1021 = arith.constant 1 : i32
      %min3A_1022 = vector.broadcast %min3A_1021 : i32 to vector<16xi32>
      %min3A_1023 = arith.minsi %max3A_1020, %min3A_1022 : vector<16xi32>
      %mul3A_1024 = arith.muli %gather3A_1014, %min3A_1023 : vector<16xi32>
      %add3A_1025 = arith.addi %add3A_1005, %mul3A_1024 : vector<16xi32>
      %sub3A_1026 = arith.constant 4 : i32
      %sub3A_1027 = vector.broadcast %sub3A_1026 : i32 to vector<16xi32>
      %sub3A_1028 = arith.subi %iota3A, %sub3A_1027 : vector<16xi32>
      %max3A_1029 = arith.constant 0 : i32
      %max3A_1030 = vector.broadcast %max3A_1029 : i32 to vector<16xi32>
      %max3A_1031 = arith.maxsi %sub3A_1028, %max3A_1030 : vector<16xi32>
      %reshape3A_1032 = vector.shape_cast %max3A_1031 : vector<16xi32> to vector<16x1xi32>
      %gather3A_1033 = vector.shape_cast %reshape3A_1032 : vector<16x1xi32> to vector<16xi32>
      %gather3A_1034 = tpu.dynamic_gather %add3A_1025[%gather3A_1033] in [0] : vector<16xi32>, vector<16xi32> -> vector<16xi32>
      %sub3A_1035 = arith.constant 3 : i32
      %sub3A_1036 = vector.broadcast %sub3A_1035 : i32 to vector<16xi32>
      %sub3A_1037 = arith.subi %iota3A, %sub3A_1036 : vector<16xi32>
      %max3A_1038 = arith.constant 0 : i32
      %max3A_1039 = vector.broadcast %max3A_1038 : i32 to vector<16xi32>
      %max3A_1040 = arith.maxsi %sub3A_1037, %max3A_1039 : vector<16xi32>
      %min3A_1041 = arith.constant 1 : i32
      %min3A_1042 = vector.broadcast %min3A_1041 : i32 to vector<16xi32>
      %min3A_1043 = arith.minsi %max3A_1040, %min3A_1042 : vector<16xi32>
      %mul3A_1044 = arith.muli %gather3A_1034, %min3A_1043 : vector<16xi32>
      %add3A_1045 = arith.addi %add3A_1025, %mul3A_1044 : vector<16xi32>
      %sub3A_1046 = arith.constant 8 : i32
      %sub3A_1047 = vector.broadcast %sub3A_1046 : i32 to vector<16xi32>
      %sub3A_1048 = arith.subi %iota3A, %sub3A_1047 : vector<16xi32>
      %max3A_1049 = arith.constant 0 : i32
      %max3A_1050 = vector.broadcast %max3A_1049 : i32 to vector<16xi32>
      %max3A_1051 = arith.maxsi %sub3A_1048, %max3A_1050 : vector<16xi32>
      %reshape3A_1052 = vector.shape_cast %max3A_1051 : vector<16xi32> to vector<16x1xi32>
      %gather3A_1053 = vector.shape_cast %reshape3A_1052 : vector<16x1xi32> to vector<16xi32>
      %gather3A_1054 = tpu.dynamic_gather %add3A_1045[%gather3A_1053] in [0] : vector<16xi32>, vector<16xi32> -> vector<16xi32>
      %sub3A_1055 = arith.constant 7 : i32
      %sub3A_1056 = vector.broadcast %sub3A_1055 : i32 to vector<16xi32>
      %sub3A_1057 = arith.subi %iota3A, %sub3A_1056 : vector<16xi32>
      %max3A_1058 = arith.constant 0 : i32
      %max3A_1059 = vector.broadcast %max3A_1058 : i32 to vector<16xi32>
      %max3A_1060 = arith.maxsi %sub3A_1057, %max3A_1059 : vector<16xi32>
      %min3A_1061 = arith.constant 1 : i32
      %min3A_1062 = vector.broadcast %min3A_1061 : i32 to vector<16xi32>
      %min3A_1063 = arith.minsi %max3A_1060, %min3A_1062 : vector<16xi32>
      %mul3A_1064 = arith.muli %gather3A_1054, %min3A_1063 : vector<16xi32>
      %add3A_1065 = arith.addi %add3A_1045, %mul3A_1064 : vector<16xi32>
      %add3A_1066 = arith.addi %while3A_61, %add3A_959 : vector<16xi32>
      %add3A_1067 = arith.addi %add3A_1066, %add3A_1065 : vector<16xi32>
      %sub3A_1068 = arith.subi %add3A_1067, %get3A_965 : vector<16xi32>
      %mul3A_1069 = arith.muli %sub3A_1068, %get3A_965 : vector<16xi32>
      %sub3A_1070 = arith.constant 1 : i32
      %sub3A_1071 = vector.broadcast %sub3A_1070 : i32 to vector<16xi32>
      %sub3A_1072 = arith.subi %sub3A_1071, %get3A_965 : vector<16xi32>
      %mul3A_1073 = arith.constant 160000 : i32
      %mul3A_1074 = vector.broadcast %mul3A_1073 : i32 to vector<16xi32>
      %mul3A_1075 = arith.muli %sub3A_1072, %mul3A_1074 : vector<16xi32>
      %add3A_1076 = arith.addi %mul3A_1069, %mul3A_1075 : vector<16xi32>
      %swap3A_1077 = arith.constant 112 : index
      %swap3A_1078 = tpu.vector_load %arg21[%swap3A_1077] {strides = array<i32>} : memref<128xi32, #tpu.memory_space<vmem>>, vector<16xi32>,
      %swap3A_1079 = vector.shape_cast %swap3A_1078 : vector<16xi32> to vector<16xi32>
      %swap3A_1080 = vector.shape_cast %add3A_1076 : vector<16xi32> to vector<16xi32>
      tpu.vector_store %arg21[%swap3A_1077], %swap3A_1080 {strides = array<i32>} : memref<128xi32, #tpu.memory_space<vmem>>, vector<16xi32>,
      %reshape3A_1081 = vector.shape_cast %broadcast_in_dim3A_32 : vector<16xi32> to vector<16x1xi32>
      %gather3A_1082 = vector.shape_cast %reshape3A_1081 : vector<16x1xi32> to vector<16xi32>
      %gather3A_1083 = tpu.dynamic_gather %add3A_1065[%gather3A_1082] in [0] : vector<16xi32>, vector<16xi32> -> vector<16xi32>
      %add3A_1084 = arith.addi %add3A_959, %gather3A_1083 : vector<16xi32>
      %dma_start3A_1085 = arith.constant 0 : i32
      %dma_start3A_1086 = arith.constant 0 : i32
      %dma_start3A_1087 = tpu.memref_slice %arg8[%dma_start3A_1085, %dma_start3A_1086] : memref<160000x128xf32, #tpu.memory_space<hbm>> -> memref<160000x128xf32, #tpu.memory_space<hbm>>
      %dma_start3A_1088 = arith.constant 160000 : i32
      tpu.enqueue_indirect_dma source(%dma_start3A_1087 : memref<160000x128xf32, #tpu.memory_space<hbm>>) target(%arg16 : memref<128x128xf32, #tpu.memory_space<vmem>>) offsets(%arg21 : memref<128xi32, #tpu.memory_space<vmem>>) offset_filter(%dma_start3A_1088) semaphore(%arg30 : memref<!tpu.dma_semaphore, #tpu.memory_space<semaphore_mem>>)
      %dma_wait3A_1089 = arith.constant 0 : i32
      %dma_wait3A_1090 = tpu.memref_slice %arg5[%multiple_of3A_65, %dma_wait3A_1089] : memref<80000x256xf32, #tpu.memory_space<hbm>> -> memref<128x128xf32, #tpu.memory_space<hbm>>
      %dma_wait3A_1091 = arith.constant 0 : i32
      %dma_wait3A_1092 = tpu.memref_slice %arg5[%multiple_of3A_65, %dma_wait3A_1091] : memref<80000x256xf32, #tpu.memory_space<hbm>> -> memref<128x128xf32, #tpu.memory_space<hbm>>
      tpu.wait_dma2 semaphore(%arg28 : memref<!tpu.dma_semaphore, #tpu.memory_space<semaphore_mem>>) src(%dma_wait3A_1092 : memref<128x128xf32, #tpu.memory_space<hbm>>) dst(%arg14 : memref<128x128xf32, #tpu.memory_space<vmem>>)
      %dma_start3A_1093 = arith.constant 0 : i32
      %dma_start3A_1094 = arith.constant 0 : i32
      %dma_start3A_1095 = tpu.memref_slice %arg24[%dma_start3A_1093, %dma_start3A_1094] : memref<2048x128xf32, #tpu.memory_space<vmem_shared>> -> memref<2048x128xf32, #tpu.memory_space<vmem_shared>>
      tpu.enqueue_indirect_dma source(%arg14 : memref<128x128xf32, #tpu.memory_space<vmem>>) target(%dma_start3A_1095 : memref<2048x128xf32, #tpu.memory_space<vmem_shared>>) offsets(%arg19 : memref<128xi32, #tpu.memory_space<vmem>>) semaphore(%arg34 : memref<!tpu.dma_semaphore, #tpu.memory_space<semaphore_mem>>) {add = true}
      %dma_wait3A_1096 = arith.constant 128 : i32
      %dma_wait3A_1097 = tpu.memref_slice %arg5[%multiple_of3A_65, %dma_wait3A_1096] : memref<80000x256xf32, #tpu.memory_space<hbm>> -> memref<128x128xf32, #tpu.memory_space<hbm>>
      %dma_wait3A_1098 = arith.constant 128 : i32
      %dma_wait3A_1099 = tpu.memref_slice %arg5[%multiple_of3A_65, %dma_wait3A_1098] : memref<80000x256xf32, #tpu.memory_space<hbm>> -> memref<128x128xf32, #tpu.memory_space<hbm>>
      tpu.wait_dma2 semaphore(%arg29 : memref<!tpu.dma_semaphore, #tpu.memory_space<semaphore_mem>>) src(%dma_wait3A_1099 : memref<128x128xf32, #tpu.memory_space<hbm>>) dst(%arg15 : memref<128x128xf32, #tpu.memory_space<vmem>>)
      %dma_start3A_1100 = arith.constant 0 : i32
      %dma_start3A_1101 = arith.constant 0 : i32
      %dma_start3A_1102 = tpu.memref_slice %arg25[%dma_start3A_1100, %dma_start3A_1101] : memref<2048x128xf32, #tpu.memory_space<vmem_shared>> -> memref<2048x128xf32, #tpu.memory_space<vmem_shared>>
      tpu.enqueue_indirect_dma source(%arg15 : memref<128x128xf32, #tpu.memory_space<vmem>>) target(%dma_start3A_1102 : memref<2048x128xf32, #tpu.memory_space<vmem_shared>>) offsets(%arg19 : memref<128xi32, #tpu.memory_space<vmem>>) semaphore(%arg35 : memref<!tpu.dma_semaphore, #tpu.memory_space<semaphore_mem>>) {add = true}
      %dma_start3A_1103 = arith.constant 0 : i32
      %dma_start3A_1104 = arith.constant 0 : i32
      %dma_start3A_1105 = tpu.memref_slice %arg27[%dma_start3A_1103, %dma_start3A_1104] : memref<2048x16xf32, #tpu.memory_space<vmem_shared>> -> memref<2048x16xf32, #tpu.memory_space<vmem_shared>>
      tpu.enqueue_indirect_dma source(%arg23 : memref<128x16xf32, #tpu.memory_space<vmem>>) target(%dma_start3A_1105 : memref<2048x16xf32, #tpu.memory_space<vmem_shared>>) offsets(%arg19 : memref<128xi32, #tpu.memory_space<vmem>>) semaphore(%arg36 : memref<!tpu.dma_semaphore, #tpu.memory_space<semaphore_mem>>) {add = true}
      %dma_wait3A_1106 = arith.constant 0 : i32
      %dma_wait3A_1107 = arith.constant 0 : i32
      %dma_wait3A_1108 = tpu.memref_slice %arg8[%dma_wait3A_1106, %dma_wait3A_1107] : memref<160000x128xf32, #tpu.memory_space<hbm>> -> memref<160000x128xf32, #tpu.memory_space<hbm>>
      tpu.wait_indirect_dma semaphore(%arg30 : memref<!tpu.dma_semaphore, #tpu.memory_space<semaphore_mem>>) src(%dma_wait3A_1108 : memref<160000x128xf32, #tpu.memory_space<hbm>>) dst(%arg16 : memref<128x128xf32, #tpu.memory_space<vmem>>)
      %dma_start3A_1109 = arith.constant 0 : i32
      %dma_start3A_1110 = arith.constant 0 : i32
      %dma_start3A_1111 = tpu.memref_slice %arg26[%dma_start3A_1109, %dma_start3A_1110] : memref<1152x128xf32, #tpu.memory_space<vmem_shared>> -> memref<1152x128xf32, #tpu.memory_space<vmem_shared>>
      %dma_start3A_1112 = arith.constant 1024 : i32
      tpu.enqueue_indirect_dma source(%arg16 : memref<128x128xf32, #tpu.memory_space<vmem>>) target(%dma_start3A_1111 : memref<1152x128xf32, #tpu.memory_space<vmem_shared>>) offsets(%arg20 : memref<128xi32, #tpu.memory_space<vmem>>) offset_filter(%dma_start3A_1112) semaphore(%arg37 : memref<!tpu.dma_semaphore, #tpu.memory_space<semaphore_mem>>) {add = true}
      %dma_wait3A_1113 = arith.constant 0 : i32
      %dma_wait3A_1114 = arith.constant 0 : i32
      %dma_wait3A_1115 = tpu.memref_slice %arg24[%dma_wait3A_1113, %dma_wait3A_1114] : memref<2048x128xf32, #tpu.memory_space<vmem_shared>> -> memref<2048x128xf32, #tpu.memory_space<vmem_shared>>
      tpu.wait_indirect_dma semaphore(%arg34 : memref<!tpu.dma_semaphore, #tpu.memory_space<semaphore_mem>>) src(%arg14 : memref<128x128xf32, #tpu.memory_space<vmem>>) dst(%dma_wait3A_1115 : memref<2048x128xf32, #tpu.memory_space<vmem_shared>>)
      %dma_wait3A_1116 = arith.constant 0 : i32
      %dma_wait3A_1117 = arith.constant 0 : i32
      %dma_wait3A_1118 = tpu.memref_slice %arg25[%dma_wait3A_1116, %dma_wait3A_1117] : memref<2048x128xf32, #tpu.memory_space<vmem_shared>> -> memref<2048x128xf32, #tpu.memory_space<vmem_shared>>
      tpu.wait_indirect_dma semaphore(%arg35 : memref<!tpu.dma_semaphore, #tpu.memory_space<semaphore_mem>>) src(%arg15 : memref<128x128xf32, #tpu.memory_space<vmem>>) dst(%dma_wait3A_1118 : memref<2048x128xf32, #tpu.memory_space<vmem_shared>>)
      %dma_wait3A_1119 = arith.constant 0 : i32
      %dma_wait3A_1120 = arith.constant 0 : i32
      %dma_wait3A_1121 = tpu.memref_slice %arg27[%dma_wait3A_1119, %dma_wait3A_1120] : memref<2048x16xf32, #tpu.memory_space<vmem_shared>> -> memref<2048x16xf32, #tpu.memory_space<vmem_shared>>
      tpu.wait_indirect_dma semaphore(%arg36 : memref<!tpu.dma_semaphore, #tpu.memory_space<semaphore_mem>>) src(%arg23 : memref<128x16xf32, #tpu.memory_space<vmem>>) dst(%dma_wait3A_1121 : memref<2048x16xf32, #tpu.memory_space<vmem_shared>>)
      %dma_wait3A_1122 = arith.constant 0 : i32
      %dma_wait3A_1123 = arith.constant 0 : i32
      %dma_wait3A_1124 = tpu.memref_slice %arg26[%dma_wait3A_1122, %dma_wait3A_1123] : memref<1152x128xf32, #tpu.memory_space<vmem_shared>> -> memref<1152x128xf32, #tpu.memory_space<vmem_shared>>
      tpu.wait_indirect_dma semaphore(%arg37 : memref<!tpu.dma_semaphore, #tpu.memory_space<semaphore_mem>>) src(%arg16 : memref<128x128xf32, #tpu.memory_space<vmem>>) dst(%dma_wait3A_1124 : memref<1152x128xf32, #tpu.memory_space<vmem_shared>>)
      %add3A_1125 = arith.addi %while3A_61, %add3A_1084 : vector<16xi32>
      scf.yield %add3A_1125 : vector<16xi32>
    }
    %barrier3A_43 = arith.constant 0 : index
    tpu.barrier barrier_id(%barrier3A_43)
    %mul3A_44 = arith.constant 128 : i32
    %mul3A_45 = arith.muli %arg1, %mul3A_44 : i32
    %mul3A_46 = arith.constant 128 : i32
    %mul3A_47 = arith.muli %arg1, %mul3A_46 : i32
    "tpu.region"() ({
      %run_scoped3A = tpu.sem_alloc : memref<!tpu.dma_semaphore, #tpu.memory_space<semaphore_mem>>
      %dma_start3A_60 = arith.constant 0 : i32
      %dma_start3A_61 = tpu.memref_slice %arg10[%arg0, %mul3A_47, %dma_start3A_60] : memref<2x2048x128xf32, #tpu.memory_space<hbm>> -> memref<1x128x128xf32, #tpu.memory_space<hbm>>
      %dma_start3A_62 = tpu.memref_squeeze %dma_start3A_61 : memref<1x128x128xf32, #tpu.memory_space<hbm>> -> memref<128x128xf32, #tpu.memory_space<hbm>>
      %dma_start3A_63 = arith.constant 0 : i32
      %dma_start3A_64 = tpu.memref_slice %arg24[%mul3A_45, %dma_start3A_63] : memref<2048x128xf32, #tpu.memory_space<vmem_shared>> -> memref<128x128xf32, #tpu.memory_space<vmem_shared>>
      tpu.enqueue_dma source(%dma_start3A_64 : memref<128x128xf32, #tpu.memory_space<vmem_shared>>) target(%dma_start3A_62 : memref<128x128xf32, #tpu.memory_space<hbm>>) target_semaphore(%run_scoped3A : memref<!tpu.dma_semaphore, #tpu.memory_space<semaphore_mem>>)
      %dma_wait3A_65 = arith.constant 0 : i32
      %dma_wait3A_66 = tpu.memref_slice %arg10[%arg0, %mul3A_47, %dma_wait3A_65] : memref<2x2048x128xf32, #tpu.memory_space<hbm>> -> memref<1x128x128xf32, #tpu.memory_space<hbm>>
      %dma_wait3A_67 = tpu.memref_squeeze %dma_wait3A_66 : memref<1x128x128xf32, #tpu.memory_space<hbm>> -> memref<128x128xf32, #tpu.memory_space<hbm>>
      %dma_wait3A_68 = arith.constant 0 : i32
      %dma_wait3A_69 = tpu.memref_slice %arg24[%mul3A_45, %dma_wait3A_68] : memref<2048x128xf32, #tpu.memory_space<vmem_shared>> -> memref<128x128xf32, #tpu.memory_space<vmem_shared>>
      tpu.wait_dma2 semaphore(%run_scoped3A : memref<!tpu.dma_semaphore, #tpu.memory_space<semaphore_mem>>) src(%dma_wait3A_69 : memref<128x128xf32, #tpu.memory_space<vmem_shared>>) dst(%dma_wait3A_67 : memref<128x128xf32, #tpu.memory_space<hbm>>)
      tpu.yield
    }) : () -> ()
    %mul3A_48 = arith.constant 128 : i32
    %mul3A_49 = arith.muli %arg1, %mul3A_48 : i32
    %mul3A_50 = arith.constant 128 : i32
    %mul3A_51 = arith.muli %arg1, %mul3A_50 : i32
    "tpu.region"() ({
      %run_scoped3A = tpu.sem_alloc : memref<!tpu.dma_semaphore, #tpu.memory_space<semaphore_mem>>
      %dma_start3A_60 = arith.constant 0 : i32
      %dma_start3A_61 = tpu.memref_slice %arg11[%arg0, %mul3A_51, %dma_start3A_60] : memref<2x2048x128xf32, #tpu.memory_space<hbm>> -> memref<1x128x128xf32, #tpu.memory_space<hbm>>
      %dma_start3A_62 = tpu.memref_squeeze %dma_start3A_61 : memref<1x128x128xf32, #tpu.memory_space<hbm>> -> memref<128x128xf32, #tpu.memory_space<hbm>>
      %dma_start3A_63 = arith.constant 0 : i32
      %dma_start3A_64 = tpu.memref_slice %arg25[%mul3A_49, %dma_start3A_63] : memref<2048x128xf32, #tpu.memory_space<vmem_shared>> -> memref<128x128xf32, #tpu.memory_space<vmem_shared>>
      tpu.enqueue_dma source(%dma_start3A_64 : memref<128x128xf32, #tpu.memory_space<vmem_shared>>) target(%dma_start3A_62 : memref<128x128xf32, #tpu.memory_space<hbm>>) target_semaphore(%run_scoped3A : memref<!tpu.dma_semaphore, #tpu.memory_space<semaphore_mem>>)
      %dma_wait3A_65 = arith.constant 0 : i32
      %dma_wait3A_66 = tpu.memref_slice %arg11[%arg0, %mul3A_51, %dma_wait3A_65] : memref<2x2048x128xf32, #tpu.memory_space<hbm>> -> memref<1x128x128xf32, #tpu.memory_space<hbm>>
      %dma_wait3A_67 = tpu.memref_squeeze %dma_wait3A_66 : memref<1x128x128xf32, #tpu.memory_space<hbm>> -> memref<128x128xf32, #tpu.memory_space<hbm>>
      %dma_wait3A_68 = arith.constant 0 : i32
      %dma_wait3A_69 = tpu.memref_slice %arg25[%mul3A_49, %dma_wait3A_68] : memref<2048x128xf32, #tpu.memory_space<vmem_shared>> -> memref<128x128xf32, #tpu.memory_space<vmem_shared>>
      tpu.wait_dma2 semaphore(%run_scoped3A : memref<!tpu.dma_semaphore, #tpu.memory_space<semaphore_mem>>) src(%dma_wait3A_69 : memref<128x128xf32, #tpu.memory_space<vmem_shared>>) dst(%dma_wait3A_67 : memref<128x128xf32, #tpu.memory_space<hbm>>)
      tpu.yield
    }) : () -> ()
    %mul3A_52 = arith.constant 72 : i32
    %mul3A_53 = arith.muli %arg1, %mul3A_52 : i32
    %mul3A_54 = arith.constant 72 : i32
    %mul3A_55 = arith.muli %arg1, %mul3A_54 : i32
    "tpu.region"() ({
      %run_scoped3A = tpu.sem_alloc : memref<!tpu.dma_semaphore, #tpu.memory_space<semaphore_mem>>
      %dma_start3A_60 = arith.constant 0 : i32
      %dma_start3A_61 = tpu.memref_slice %arg12[%arg0, %mul3A_55, %dma_start3A_60] : memref<2x1152x128xf32, #tpu.memory_space<hbm>> -> memref<1x72x128xf32, #tpu.memory_space<hbm>>
      %dma_start3A_62 = tpu.memref_squeeze %dma_start3A_61 : memref<1x72x128xf32, #tpu.memory_space<hbm>> -> memref<72x128xf32, #tpu.memory_space<hbm>>
      %dma_start3A_63 = arith.constant 0 : i32
      %dma_start3A_64 = tpu.memref_slice %arg26[%mul3A_53, %dma_start3A_63] : memref<1152x128xf32, #tpu.memory_space<vmem_shared>> -> memref<72x128xf32, #tpu.memory_space<vmem_shared>>
      tpu.enqueue_dma source(%dma_start3A_64 : memref<72x128xf32, #tpu.memory_space<vmem_shared>>) target(%dma_start3A_62 : memref<72x128xf32, #tpu.memory_space<hbm>>) target_semaphore(%run_scoped3A : memref<!tpu.dma_semaphore, #tpu.memory_space<semaphore_mem>>)
      %dma_wait3A_65 = arith.constant 0 : i32
      %dma_wait3A_66 = tpu.memref_slice %arg12[%arg0, %mul3A_55, %dma_wait3A_65] : memref<2x1152x128xf32, #tpu.memory_space<hbm>> -> memref<1x72x128xf32, #tpu.memory_space<hbm>>
      %dma_wait3A_67 = tpu.memref_squeeze %dma_wait3A_66 : memref<1x72x128xf32, #tpu.memory_space<hbm>> -> memref<72x128xf32, #tpu.memory_space<hbm>>
      %dma_wait3A_68 = arith.constant 0 : i32
      %dma_wait3A_69 = tpu.memref_slice %arg26[%mul3A_53, %dma_wait3A_68] : memref<1152x128xf32, #tpu.memory_space<vmem_shared>> -> memref<72x128xf32, #tpu.memory_space<vmem_shared>>
      tpu.wait_dma2 semaphore(%run_scoped3A : memref<!tpu.dma_semaphore, #tpu.memory_space<semaphore_mem>>) src(%dma_wait3A_69 : memref<72x128xf32, #tpu.memory_space<vmem_shared>>) dst(%dma_wait3A_67 : memref<72x128xf32, #tpu.memory_space<hbm>>)
      tpu.yield
    }) : () -> ()
    %mul3A_56 = arith.constant 128 : i32
    %mul3A_57 = arith.muli %arg1, %mul3A_56 : i32
    %mul3A_58 = arith.constant 128 : i32
    %mul3A_59 = arith.muli %arg1, %mul3A_58 : i32
    "tpu.region"() ({
      %run_scoped3A = tpu.sem_alloc : memref<!tpu.dma_semaphore, #tpu.memory_space<semaphore_mem>>
      %dma_start3A_60 = arith.constant 0 : i32
      %dma_start3A_61 = tpu.memref_slice %arg13[%arg0, %mul3A_59, %dma_start3A_60] : memref<2x2048x16xf32, #tpu.memory_space<hbm>> -> memref<1x128x16xf32, #tpu.memory_space<hbm>>
      %dma_start3A_62 = tpu.memref_squeeze %dma_start3A_61 : memref<1x128x16xf32, #tpu.memory_space<hbm>> -> memref<128x16xf32, #tpu.memory_space<hbm>>
      %dma_start3A_63 = arith.constant 0 : i32
      %dma_start3A_64 = tpu.memref_slice %arg27[%mul3A_57, %dma_start3A_63] : memref<2048x16xf32, #tpu.memory_space<vmem_shared>> -> memref<128x16xf32, #tpu.memory_space<vmem_shared>>
      tpu.enqueue_dma source(%dma_start3A_64 : memref<128x16xf32, #tpu.memory_space<vmem_shared>>) target(%dma_start3A_62 : memref<128x16xf32, #tpu.memory_space<hbm>>) target_semaphore(%run_scoped3A : memref<!tpu.dma_semaphore, #tpu.memory_space<semaphore_mem>>)
      %dma_wait3A_65 = arith.constant 0 : i32
      %dma_wait3A_66 = tpu.memref_slice %arg13[%arg0, %mul3A_59, %dma_wait3A_65] : memref<2x2048x16xf32, #tpu.memory_space<hbm>> -> memref<1x128x16xf32, #tpu.memory_space<hbm>>
      %dma_wait3A_67 = tpu.memref_squeeze %dma_wait3A_66 : memref<1x128x16xf32, #tpu.memory_space<hbm>> -> memref<128x16xf32, #tpu.memory_space<hbm>>
      %dma_wait3A_68 = arith.constant 0 : i32
      %dma_wait3A_69 = tpu.memref_slice %arg27[%mul3A_57, %dma_wait3A_68] : memref<2048x16xf32, #tpu.memory_space<vmem_shared>> -> memref<128x16xf32, #tpu.memory_space<vmem_shared>>
      tpu.wait_dma2 semaphore(%run_scoped3A : memref<!tpu.dma_semaphore, #tpu.memory_space<semaphore_mem>>) src(%dma_wait3A_69 : memref<128x16xf32, #tpu.memory_space<vmem_shared>>) dst(%dma_wait3A_67 : memref<128x16xf32, #tpu.memory_space<hbm>>)
      tpu.yield
    }) : () -> ()
    return
  }
}

#map = affine_map<(d0, d1) -> (0, 0)>
#map1 = affine_map<(d0, d1) -> (0)>
#map2 = affine_map<(d0, d1) -> (0, 0, 0)>
module attributes {stable_mosaic.version = 14 : i64} {
  func.func @_stage2(%arg0: i32, %arg1: i32, %arg2: memref<2048x128xf32, #tpu.memory_space<hbm>>, %arg3: memref<2048x16xf32, #tpu.memory_space<hbm>>, %arg4: memref<128x16xf32, #tpu.memory_space<hbm>>, %arg5: memref<80000x256xf32, #tpu.memory_space<hbm>>, %arg6: memref<160000xi32, #tpu.memory_space<hbm>>, %arg7: memref<160000xi32, #tpu.memory_space<hbm>>, %arg8: memref<160000x128xf32, #tpu.memory_space<hbm>>, %arg9: memref<641xi32, #tpu.memory_space<hbm>>, %arg10: memref<2x2048x128xf32, #tpu.memory_space<hbm>>, %arg11: memref<2x2048x128xf32, #tpu.memory_space<hbm>>, %arg12: memref<2x1152x128xf32, #tpu.memory_space<hbm>>, %arg13: memref<2x2048x16xf32, #tpu.memory_space<hbm>>, %arg14: memref<128x128xf32, #tpu.memory_space<vmem>>, %arg15: memref<128x128xf32, #tpu.memory_space<vmem>>, %arg16: memref<128x128xf32, #tpu.memory_space<vmem>>, %arg17: memref<128xi32, #tpu.memory_space<vmem>>, %arg18: memref<128xi32, #tpu.memory_space<vmem>>, %arg19: memref<128xi32, #tpu.memory_space<vmem>>, %arg20: memref<128xi32, #tpu.memory_space<vmem>>, %arg21: memref<128xi32, #tpu.memory_space<vmem>>, %arg22: memref<16xi32, #tpu.memory_space<vmem>>, %arg23: memref<128x16xf32, #tpu.memory_space<vmem>>, %arg24: memref<2048x128xf32, #tpu.memory_space<vmem_shared>>, %arg25: memref<2048x128xf32, #tpu.memory_space<vmem_shared>>, %arg26: memref<1152x128xf32, #tpu.memory_space<vmem_shared>>, %arg27: memref<2048x16xf32, #tpu.memory_space<vmem_shared>>, %arg28: memref<!tpu.dma_semaphore, #tpu.memory_space<semaphore_mem>>, %arg29: memref<!tpu.dma_semaphore, #tpu.memory_space<semaphore_mem>>, %arg30: memref<!tpu.dma_semaphore, #tpu.memory_space<semaphore_mem>>, %arg31: memref<!tpu.dma_semaphore, #tpu.memory_space<semaphore_mem>>, %arg32: memref<!tpu.dma_semaphore, #tpu.memory_space<semaphore_mem>>, %arg33: memref<!tpu.dma_semaphore, #tpu.memory_space<semaphore_mem>>, %arg34: memref<!tpu.dma_semaphore, #tpu.memory_space<semaphore_mem>>, %arg35: memref<!tpu.dma_semaphore, #tpu.memory_space<semaphore_mem>>, %arg36: memref<!tpu.dma_semaphore, #tpu.memory_space<semaphore_mem>>, %arg37: memref<!tpu.dma_semaphore, #tpu.memory_space<semaphore_mem>>) attributes {dimension_semantics = [#tpu.dimension_semantics<core_parallel>, #tpu.dimension_semantics<subcore_parallel>], iteration_bounds = array<i64: 2, 16>, scalar_prefetch = 0 : i64, scratch_operands = 24 : i64, tpu.core_type = #tpu.core_type<sc_vector_subcore>, window_params = [{transform_indices = #map}, {transform_indices = #map}, {transform_indices = #map}, {transform_indices = #map}, {transform_indices = #map1}, {transform_indices = #map1}, {transform_indices = #map}, {transform_indices = #map1}, {transform_indices = #map2}, {transform_indices = #map2}, {transform_indices = #map2}, {transform_indices = #map2}]} {
    %mul3A = arith.constant 16 : i32
    %mul3A_0 = arith.muli %arg0, %mul3A : i32
    %add3A = arith.addi %mul3A_0, %arg1 : i32
    %mul3A_1 = arith.constant 128 : i32
    %mul3A_2 = arith.muli %arg1, %mul3A_1 : i32
    %mul3A_3 = arith.constant 128 : i32
    %mul3A_4 = arith.muli %arg1, %mul3A_3 : i32
    "tpu.region"() ({
      %run_scoped3A = tpu.sem_alloc : memref<!tpu.dma_semaphore, #tpu.memory_space<semaphore_mem>>
      %dma_start3A_60 = arith.constant 0 : i32
      %dma_start3A_61 = tpu.memref_slice %arg24[%mul3A_4, %dma_start3A_60] : memref<2048x128xf32, #tpu.memory_space<vmem_shared>> -> memref<128x128xf32, #tpu.memory_space<vmem_shared>>
      %dma_start3A_62 = arith.constant 0 : i32
      %dma_start3A_63 = tpu.memref_slice %arg2[%mul3A_2, %dma_start3A_62] : memref<2048x128xf32, #tpu.memory_space<hbm>> -> memref<128x128xf32, #tpu.memory_space<hbm>>
      tpu.enqueue_dma source(%dma_start3A_63 : memref<128x128xf32, #tpu.memory_space<hbm>>) target(%dma_start3A_61 : memref<128x128xf32, #tpu.memory_space<vmem_shared>>) target_semaphore(%run_scoped3A : memref<!tpu.dma_semaphore, #tpu.memory_space<semaphore_mem>>)
      %dma_wait3A_64 = arith.constant 0 : i32
      %dma_wait3A_65 = tpu.memref_slice %arg24[%mul3A_4, %dma_wait3A_64] : memref<2048x128xf32, #tpu.memory_space<vmem_shared>> -> memref<128x128xf32, #tpu.memory_space<vmem_shared>>
      %dma_wait3A_66 = arith.constant 0 : i32
      %dma_wait3A_67 = tpu.memref_slice %arg2[%mul3A_2, %dma_wait3A_66] : memref<2048x128xf32, #tpu.memory_space<hbm>> -> memref<128x128xf32, #tpu.memory_space<hbm>>
      tpu.wait_dma2 semaphore(%run_scoped3A : memref<!tpu.dma_semaphore, #tpu.memory_space<semaphore_mem>>) src(%dma_wait3A_67 : memref<128x128xf32, #tpu.memory_space<hbm>>) dst(%dma_wait3A_65 : memref<128x128xf32, #tpu.memory_space<vmem_shared>>)
      tpu.yield
    }) : () -> ()
    %mul3A_5 = arith.constant 128 : i32
    %mul3A_6 = arith.muli %arg1, %mul3A_5 : i32
    %mul3A_7 = arith.constant 128 : i32
    %mul3A_8 = arith.muli %arg1, %mul3A_7 : i32
    "tpu.region"() ({
      %run_scoped3A = tpu.sem_alloc : memref<!tpu.dma_semaphore, #tpu.memory_space<semaphore_mem>>
      %dma_start3A_60 = arith.constant 0 : i32
      %dma_start3A_61 = tpu.memref_slice %arg25[%mul3A_8, %dma_start3A_60] : memref<2048x128xf32, #tpu.memory_space<vmem_shared>> -> memref<128x128xf32, #tpu.memory_space<vmem_shared>>
      %dma_start3A_62 = arith.constant 0 : i32
      %dma_start3A_63 = tpu.memref_slice %arg2[%mul3A_6, %dma_start3A_62] : memref<2048x128xf32, #tpu.memory_space<hbm>> -> memref<128x128xf32, #tpu.memory_space<hbm>>
      tpu.enqueue_dma source(%dma_start3A_63 : memref<128x128xf32, #tpu.memory_space<hbm>>) target(%dma_start3A_61 : memref<128x128xf32, #tpu.memory_space<vmem_shared>>) target_semaphore(%run_scoped3A : memref<!tpu.dma_semaphore, #tpu.memory_space<semaphore_mem>>)
      %dma_wait3A_64 = arith.constant 0 : i32
      %dma_wait3A_65 = tpu.memref_slice %arg25[%mul3A_8, %dma_wait3A_64] : memref<2048x128xf32, #tpu.memory_space<vmem_shared>> -> memref<128x128xf32, #tpu.memory_space<vmem_shared>>
      %dma_wait3A_66 = arith.constant 0 : i32
      %dma_wait3A_67 = tpu.memref_slice %arg2[%mul3A_6, %dma_wait3A_66] : memref<2048x128xf32, #tpu.memory_space<hbm>> -> memref<128x128xf32, #tpu.memory_space<hbm>>
      tpu.wait_dma2 semaphore(%run_scoped3A : memref<!tpu.dma_semaphore, #tpu.memory_space<semaphore_mem>>) src(%dma_wait3A_67 : memref<128x128xf32, #tpu.memory_space<hbm>>) dst(%dma_wait3A_65 : memref<128x128xf32, #tpu.memory_space<vmem_shared>>)
      tpu.yield
    }) : () -> ()
    %mul3A_9 = arith.constant 72 : i32
    %mul3A_10 = arith.muli %arg1, %mul3A_9 : i32
    %mul3A_11 = arith.constant 72 : i32
    %mul3A_12 = arith.muli %arg1, %mul3A_11 : i32
    "tpu.region"() ({
      %run_scoped3A = tpu.sem_alloc : memref<!tpu.dma_semaphore, #tpu.memory_space<semaphore_mem>>
      %dma_start3A_60 = arith.constant 0 : i32
      %dma_start3A_61 = tpu.memref_slice %arg26[%mul3A_12, %dma_start3A_60] : memref<1152x128xf32, #tpu.memory_space<vmem_shared>> -> memref<72x128xf32, #tpu.memory_space<vmem_shared>>
      %dma_start3A_62 = arith.constant 0 : i32
      %dma_start3A_63 = tpu.memref_slice %arg2[%mul3A_10, %dma_start3A_62] : memref<2048x128xf32, #tpu.memory_space<hbm>> -> memref<72x128xf32, #tpu.memory_space<hbm>>
      tpu.enqueue_dma source(%dma_start3A_63 : memref<72x128xf32, #tpu.memory_space<hbm>>) target(%dma_start3A_61 : memref<72x128xf32, #tpu.memory_space<vmem_shared>>) target_semaphore(%run_scoped3A : memref<!tpu.dma_semaphore, #tpu.memory_space<semaphore_mem>>)
      %dma_wait3A_64 = arith.constant 0 : i32
      %dma_wait3A_65 = tpu.memref_slice %arg26[%mul3A_12, %dma_wait3A_64] : memref<1152x128xf32, #tpu.memory_space<vmem_shared>> -> memref<72x128xf32, #tpu.memory_space<vmem_shared>>
      %dma_wait3A_66 = arith.constant 0 : i32
      %dma_wait3A_67 = tpu.memref_slice %arg2[%mul3A_10, %dma_wait3A_66] : memref<2048x128xf32, #tpu.memory_space<hbm>> -> memref<72x128xf32, #tpu.memory_space<hbm>>
      tpu.wait_dma2 semaphore(%run_scoped3A : memref<!tpu.dma_semaphore, #tpu.memory_space<semaphore_mem>>) src(%dma_wait3A_67 : memref<72x128xf32, #tpu.memory_space<hbm>>) dst(%dma_wait3A_65 : memref<72x128xf32, #tpu.memory_space<vmem_shared>>)
      tpu.yield
    }) : () -> ()
    %mul3A_13 = arith.constant 128 : i32
    %mul3A_14 = arith.muli %arg1, %mul3A_13 : i32
    %mul3A_15 = arith.constant 128 : i32
    %mul3A_16 = arith.muli %arg1, %mul3A_15 : i32
    "tpu.region"() ({
      %run_scoped3A = tpu.sem_alloc : memref<!tpu.dma_semaphore, #tpu.memory_space<semaphore_mem>>
      %dma_start3A_60 = arith.constant 0 : i32
      %dma_start3A_61 = tpu.memref_slice %arg27[%mul3A_16, %dma_start3A_60] : memref<2048x16xf32, #tpu.memory_space<vmem_shared>> -> memref<128x16xf32, #tpu.memory_space<vmem_shared>>
      %dma_start3A_62 = arith.constant 0 : i32
      %dma_start3A_63 = tpu.memref_slice %arg3[%mul3A_14, %dma_start3A_62] : memref<2048x16xf32, #tpu.memory_space<hbm>> -> memref<128x16xf32, #tpu.memory_space<hbm>>
      tpu.enqueue_dma source(%dma_start3A_63 : memref<128x16xf32, #tpu.memory_space<hbm>>) target(%dma_start3A_61 : memref<128x16xf32, #tpu.memory_space<vmem_shared>>) target_semaphore(%run_scoped3A : memref<!tpu.dma_semaphore, #tpu.memory_space<semaphore_mem>>)
      %dma_wait3A_64 = arith.constant 0 : i32
      %dma_wait3A_65 = tpu.memref_slice %arg27[%mul3A_16, %dma_wait3A_64] : memref<2048x16xf32, #tpu.memory_space<vmem_shared>> -> memref<128x16xf32, #tpu.memory_space<vmem_shared>>
      %dma_wait3A_66 = arith.constant 0 : i32
      %dma_wait3A_67 = tpu.memref_slice %arg3[%mul3A_14, %dma_wait3A_66] : memref<2048x16xf32, #tpu.memory_space<hbm>> -> memref<128x16xf32, #tpu.memory_space<hbm>>
      tpu.wait_dma2 semaphore(%run_scoped3A : memref<!tpu.dma_semaphore, #tpu.memory_space<semaphore_mem>>) src(%dma_wait3A_67 : memref<128x16xf32, #tpu.memory_space<hbm>>) dst(%dma_wait3A_65 : memref<128x16xf32, #tpu.memory_space<vmem_shared>>)
      tpu.yield
    }) : () -> ()
    "tpu.region"() ({
      %run_scoped3A = tpu.sem_alloc : memref<!tpu.dma_semaphore, #tpu.memory_space<semaphore_mem>>
      tpu.enqueue_dma source(%arg4 : memref<128x16xf32, #tpu.memory_space<hbm>>) target(%arg23 : memref<128x16xf32, #tpu.memory_space<vmem>>) target_semaphore(%run_scoped3A : memref<!tpu.dma_semaphore, #tpu.memory_space<semaphore_mem>>)
      tpu.wait_dma2 semaphore(%run_scoped3A : memref<!tpu.dma_semaphore, #tpu.memory_space<semaphore_mem>>) src(%arg4 : memref<128x16xf32, #tpu.memory_space<hbm>>) dst(%arg23 : memref<128x16xf32, #tpu.memory_space<vmem>>)
      tpu.yield
    }) : () -> ()
    %min3A = arith.constant 17 : i32
    %min3A_17 = arith.minsi %add3A, %min3A : i32
    %mul3A_18 = arith.constant 19 : i32
    %mul3A_19 = arith.muli %mul3A_18, %add3A : i32
    %add3A_20 = arith.addi %mul3A_19, %min3A_17 : i32
    %lt3A = arith.constant 17 : i32
    %lt3A_21 = arith.cmpi slt, %add3A, %lt3A : i32
    %convert_element_type3A = arith.extui %lt3A_21 : i1 to i32
    %add3A_22 = arith.constant 19 : i32
    %add3A_23 = arith.addi %add3A_22, %convert_element_type3A : i32
    %rem3A = arith.constant 8 : i32
    %rem3A_24 = arith.remsi %add3A_20, %rem3A : i32
    %sub3A = arith.subi %add3A_20, %rem3A_24 : i32
    %multiple_of3A = tpu.assume_multiple %sub3A, 8 : i32
    %dma_start3A = tpu.memref_slice %arg9[%multiple_of3A] : memref<641xi32, #tpu.memory_space<hbm>> -> memref<16xi32, #tpu.memory_space<hbm>>
    %dma_start3A_25 = tpu.memref_slice %arg9[%multiple_of3A] : memref<641xi32, #tpu.memory_space<hbm>> -> memref<16xi32, #tpu.memory_space<hbm>>
    tpu.enqueue_dma source(%dma_start3A_25 : memref<16xi32, #tpu.memory_space<hbm>>) target(%arg22 : memref<16xi32, #tpu.memory_space<vmem>>) target_semaphore(%arg33 : memref<!tpu.dma_semaphore, #tpu.memory_space<semaphore_mem>>)
    %dma_wait3A = tpu.memref_slice %arg9[%multiple_of3A] : memref<641xi32, #tpu.memory_space<hbm>> -> memref<16xi32, #tpu.memory_space<hbm>>
    %dma_wait3A_26 = tpu.memref_slice %arg9[%multiple_of3A] : memref<641xi32, #tpu.memory_space<hbm>> -> memref<16xi32, #tpu.memory_space<hbm>>
    tpu.wait_dma2 semaphore(%arg33 : memref<!tpu.dma_semaphore, #tpu.memory_space<semaphore_mem>>) src(%dma_wait3A_26 : memref<16xi32, #tpu.memory_space<hbm>>) dst(%arg22 : memref<16xi32, #tpu.memory_space<vmem>>)
    %sub3A_27 = arith.subi %add3A_20, %multiple_of3A : i32
    %broadcast_in_dim3A = vector.broadcast %sub3A_27 : i32 to vector<16xi32>
    %get3A = arith.constant 0 : index
    %get3A_28 = tpu.vector_load %arg22[%get3A] {strides = array<i32>} : memref<16xi32, #tpu.memory_space<vmem>>, vector<16xi32>,
    %get3A_29 = vector.shape_cast %get3A_28 : vector<16xi32> to vector<16xi32>
    %reshape3A = vector.shape_cast %broadcast_in_dim3A : vector<16xi32> to vector<16x1xi32>
    %gather3A = vector.shape_cast %reshape3A : vector<16x1xi32> to vector<16xi32>
    %gather3A_30 = tpu.dynamic_gather %get3A_29[%gather3A] in [0] : vector<16xi32>, vector<16xi32> -> vector<16xi32>
    %barrier3A = arith.constant 0 : index
    tpu.barrier barrier_id(%barrier3A)
    %iota3A = tpu.iota {dimensions = array<i32: 0>} : vector<16xi32>
    %broadcast_in_dim3A_31 = arith.constant 15 : i32
    %broadcast_in_dim3A_32 = vector.broadcast %broadcast_in_dim3A_31 : i32 to vector<16xi32>
    %while3A = arith.constant 0 : i32
    %while3A_33 = arith.subi %add3A_23, %while3A : i32
    %while3A_34 = arith.addi %while3A, %while3A_33 : i32
    %while3A_35 = arith.constant 1 : i32
    %while3A_36 = arith.divsi %while3A_33, %while3A_35 : i32
    %while3A_37 = arith.muli %while3A_36, %while3A_35 : i32
    %while3A_38 = arith.addi %while3A, %while3A_37 : i32
    %while3A_39 = arith.constant 1 : i32
    %while3A_40 = scf.for %while3A_60 = %while3A to %while3A_38 step %while3A_39 iter_args(%while3A_61 = %gather3A_30) -> (vector<16xi32>)  : i32 {
      %add3A_62 = arith.addi %add3A_20, %while3A_60 : i32
      %mul3A_63 = arith.constant 128 : i32
      %mul3A_64 = arith.muli %add3A_62, %mul3A_63 : i32
      %multiple_of3A_65 = tpu.assume_multiple %mul3A_64, 128 : i32
      %dma_start3A_66 = arith.constant 0 : i32
      %dma_start3A_67 = tpu.memref_slice %arg5[%multiple_of3A_65, %dma_start3A_66] : memref<80000x256xf32, #tpu.memory_space<hbm>> -> memref<128x128xf32, #tpu.memory_space<hbm>>
      %dma_start3A_68 = arith.constant 0 : i32
      %dma_start3A_69 = tpu.memref_slice %arg5[%multiple_of3A_65, %dma_start3A_68] : memref<80000x256xf32, #tpu.memory_space<hbm>> -> memref<128x128xf32, #tpu.memory_space<hbm>>
      tpu.enqueue_dma source(%dma_start3A_69 : memref<128x128xf32, #tpu.memory_space<hbm>>) target(%arg14 : memref<128x128xf32, #tpu.memory_space<vmem>>) target_semaphore(%arg28 : memref<!tpu.dma_semaphore, #tpu.memory_space<semaphore_mem>>)
      %dma_start3A_70 = arith.constant 128 : i32
      %dma_start3A_71 = tpu.memref_slice %arg5[%multiple_of3A_65, %dma_start3A_70] : memref<80000x256xf32, #tpu.memory_space<hbm>> -> memref<128x128xf32, #tpu.memory_space<hbm>>
      %dma_start3A_72 = arith.constant 128 : i32
      %dma_start3A_73 = tpu.memref_slice %arg5[%multiple_of3A_65, %dma_start3A_72] : memref<80000x256xf32, #tpu.memory_space<hbm>> -> memref<128x128xf32, #tpu.memory_space<hbm>>
      tpu.enqueue_dma source(%dma_start3A_73 : memref<128x128xf32, #tpu.memory_space<hbm>>) target(%arg15 : memref<128x128xf32, #tpu.memory_space<vmem>>) target_semaphore(%arg29 : memref<!tpu.dma_semaphore, #tpu.memory_space<semaphore_mem>>)
      %add3A_74 = arith.constant 0 : i32
      %add3A_75 = arith.addi %multiple_of3A_65, %add3A_74 : i32
      %multiple_of3A_76 = tpu.assume_multiple %add3A_75, 128 : i32
      %dma_start3A_77 = tpu.memref_slice %arg6[%multiple_of3A_76] : memref<160000xi32, #tpu.memory_space<hbm>> -> memref<128xi32, #tpu.memory_space<hbm>>
      %dma_start3A_78 = tpu.memref_slice %arg6[%multiple_of3A_76] : memref<160000xi32, #tpu.memory_space<hbm>> -> memref<128xi32, #tpu.memory_space<hbm>>
      tpu.enqueue_dma source(%dma_start3A_78 : memref<128xi32, #tpu.memory_space<hbm>>) target(%arg17 : memref<128xi32, #tpu.memory_space<vmem>>) target_semaphore(%arg31 : memref<!tpu.dma_semaphore, #tpu.memory_space<semaphore_mem>>)
      %dma_start3A_79 = tpu.memref_slice %arg7[%multiple_of3A_76] : memref<160000xi32, #tpu.memory_space<hbm>> -> memref<128xi32, #tpu.memory_space<hbm>>
      %dma_start3A_80 = tpu.memref_slice %arg7[%multiple_of3A_76] : memref<160000xi32, #tpu.memory_space<hbm>> -> memref<128xi32, #tpu.memory_space<hbm>>
      tpu.enqueue_dma source(%dma_start3A_80 : memref<128xi32, #tpu.memory_space<hbm>>) target(%arg18 : memref<128xi32, #tpu.memory_space<vmem>>) target_semaphore(%arg32 : memref<!tpu.dma_semaphore, #tpu.memory_space<semaphore_mem>>)
      %dma_wait3A_81 = tpu.memref_slice %arg6[%multiple_of3A_76] : memref<160000xi32, #tpu.memory_space<hbm>> -> memref<128xi32, #tpu.memory_space<hbm>>
      %dma_wait3A_82 = tpu.memref_slice %arg6[%multiple_of3A_76] : memref<160000xi32, #tpu.memory_space<hbm>> -> memref<128xi32, #tpu.memory_space<hbm>>
      tpu.wait_dma2 semaphore(%arg31 : memref<!tpu.dma_semaphore, #tpu.memory_space<semaphore_mem>>) src(%dma_wait3A_82 : memref<128xi32, #tpu.memory_space<hbm>>) dst(%arg17 : memref<128xi32, #tpu.memory_space<vmem>>)
      %dma_wait3A_83 = tpu.memref_slice %arg7[%multiple_of3A_76] : memref<160000xi32, #tpu.memory_space<hbm>> -> memref<128xi32, #tpu.memory_space<hbm>>
      %dma_wait3A_84 = tpu.memref_slice %arg7[%multiple_of3A_76] : memref<160000xi32, #tpu.memory_space<hbm>> -> memref<128xi32, #tpu.memory_space<hbm>>
      tpu.wait_dma2 semaphore(%arg32 : memref<!tpu.dma_semaphore, #tpu.memory_space<semaphore_mem>>) src(%dma_wait3A_84 : memref<128xi32, #tpu.memory_space<hbm>>) dst(%arg18 : memref<128xi32, #tpu.memory_space<vmem>>)
      %broadcast_in_dim3A_85 = arith.constant 0 : i32
      %broadcast_in_dim3A_86 = vector.broadcast %broadcast_in_dim3A_85 : i32 to vector<16xi32>
      %get3A_87 = arith.constant 0 : index
      %get3A_88 = tpu.vector_load %arg17[%get3A_87] {strides = array<i32>} : memref<128xi32, #tpu.memory_space<vmem>>, vector<16xi32>,
      %get3A_89 = vector.shape_cast %get3A_88 : vector<16xi32> to vector<16xi32>
      %get3A_90 = arith.constant 0 : index
      %get3A_91 = tpu.vector_load %arg18[%get3A_90] {strides = array<i32>} : memref<128xi32, #tpu.memory_space<vmem>>, vector<16xi32>,
      %get3A_92 = vector.shape_cast %get3A_91 : vector<16xi32> to vector<16xi32>
      %mul3A_93 = arith.constant 1024 : i32
      %mul3A_94 = vector.broadcast %mul3A_93 : i32 to vector<16xi32>
      %mul3A_95 = arith.muli %get3A_92, %mul3A_94 : vector<16xi32>
      %add3A_96 = arith.addi %get3A_89, %mul3A_95 : vector<16xi32>
      %swap3A = arith.constant 0 : index
      %swap3A_97 = tpu.vector_load %arg19[%swap3A] {strides = array<i32>} : memref<128xi32, #tpu.memory_space<vmem>>, vector<16xi32>,
      %swap3A_98 = vector.shape_cast %swap3A_97 : vector<16xi32> to vector<16xi32>
      %swap3A_99 = vector.shape_cast %add3A_96 : vector<16xi32> to vector<16xi32>
      tpu.vector_store %arg19[%swap3A], %swap3A_99 {strides = array<i32>} : memref<128xi32, #tpu.memory_space<vmem>>, vector<16xi32>,
      %mul3A_100 = arith.muli %get3A_89, %get3A_92 : vector<16xi32>
      %sub3A_101 = arith.constant 1 : i32
      %sub3A_102 = vector.broadcast %sub3A_101 : i32 to vector<16xi32>
      %sub3A_103 = arith.subi %sub3A_102, %get3A_92 : vector<16xi32>
      %mul3A_104 = arith.constant 1024 : i32
      %mul3A_105 = vector.broadcast %mul3A_104 : i32 to vector<16xi32>
      %mul3A_106 = arith.muli %sub3A_103, %mul3A_105 : vector<16xi32>
      %add3A_107 = arith.addi %mul3A_100, %mul3A_106 : vector<16xi32>
      %swap3A_108 = arith.constant 0 : index
      %swap3A_109 = tpu.vector_load %arg20[%swap3A_108] {strides = array<i32>} : memref<128xi32, #tpu.memory_space<vmem>>, vector<16xi32>,
      %swap3A_110 = vector.shape_cast %swap3A_109 : vector<16xi32> to vector<16xi32>
      %swap3A_111 = vector.shape_cast %add3A_107 : vector<16xi32> to vector<16xi32>
      tpu.vector_store %arg20[%swap3A_108], %swap3A_111 {strides = array<i32>} : memref<128xi32, #tpu.memory_space<vmem>>, vector<16xi32>,
      %sub3A_112 = arith.constant 1 : i32
      %sub3A_113 = vector.broadcast %sub3A_112 : i32 to vector<16xi32>
      %sub3A_114 = arith.subi %iota3A, %sub3A_113 : vector<16xi32>
      %max3A = arith.constant 0 : i32
      %max3A_115 = vector.broadcast %max3A : i32 to vector<16xi32>
      %max3A_116 = arith.maxsi %sub3A_114, %max3A_115 : vector<16xi32>
      %reshape3A_117 = vector.shape_cast %max3A_116 : vector<16xi32> to vector<16x1xi32>
      %gather3A_118 = vector.shape_cast %reshape3A_117 : vector<16x1xi32> to vector<16xi32>
      %gather3A_119 = tpu.dynamic_gather %get3A_92[%gather3A_118] in [0] : vector<16xi32>, vector<16xi32> -> vector<16xi32>
      %sub3A_120 = arith.constant 0 : i32
      %sub3A_121 = vector.broadcast %sub3A_120 : i32 to vector<16xi32>
      %sub3A_122 = arith.subi %iota3A, %sub3A_121 : vector<16xi32>
      %max3A_123 = arith.constant 0 : i32
      %max3A_124 = vector.broadcast %max3A_123 : i32 to vector<16xi32>
      %max3A_125 = arith.maxsi %sub3A_122, %max3A_124 : vector<16xi32>
      %min3A_126 = arith.constant 1 : i32
      %min3A_127 = vector.broadcast %min3A_126 : i32 to vector<16xi32>
      %min3A_128 = arith.minsi %max3A_125, %min3A_127 : vector<16xi32>
      %mul3A_129 = arith.muli %gather3A_119, %min3A_128 : vector<16xi32>
      %add3A_130 = arith.addi %get3A_92, %mul3A_129 : vector<16xi32>
      %sub3A_131 = arith.constant 2 : i32
      %sub3A_132 = vector.broadcast %sub3A_131 : i32 to vector<16xi32>
      %sub3A_133 = arith.subi %iota3A, %sub3A_132 : vector<16xi32>
      %max3A_134 = arith.constant 0 : i32
      %max3A_135 = vector.broadcast %max3A_134 : i32 to vector<16xi32>
      %max3A_136 = arith.maxsi %sub3A_133, %max3A_135 : vector<16xi32>
      %reshape3A_137 = vector.shape_cast %max3A_136 : vector<16xi32> to vector<16x1xi32>
      %gather3A_138 = vector.shape_cast %reshape3A_137 : vector<16x1xi32> to vector<16xi32>
      %gather3A_139 = tpu.dynamic_gather %add3A_130[%gather3A_138] in [0] : vector<16xi32>, vector<16xi32> -> vector<16xi32>
      %sub3A_140 = arith.constant 1 : i32
      %sub3A_141 = vector.broadcast %sub3A_140 : i32 to vector<16xi32>
      %sub3A_142 = arith.subi %iota3A, %sub3A_141 : vector<16xi32>
      %max3A_143 = arith.constant 0 : i32
      %max3A_144 = vector.broadcast %max3A_143 : i32 to vector<16xi32>
      %max3A_145 = arith.maxsi %sub3A_142, %max3A_144 : vector<16xi32>
      %min3A_146 = arith.constant 1 : i32
      %min3A_147 = vector.broadcast %min3A_146 : i32 to vector<16xi32>
      %min3A_148 = arith.minsi %max3A_145, %min3A_147 : vector<16xi32>
      %mul3A_149 = arith.muli %gather3A_139, %min3A_148 : vector<16xi32>
      %add3A_150 = arith.addi %add3A_130, %mul3A_149 : vector<16xi32>
      %sub3A_151 = arith.constant 4 : i32
      %sub3A_152 = vector.broadcast %sub3A_151 : i32 to vector<16xi32>
      %sub3A_153 = arith.subi %iota3A, %sub3A_152 : vector<16xi32>
      %max3A_154 = arith.constant 0 : i32
      %max3A_155 = vector.broadcast %max3A_154 : i32 to vector<16xi32>
      %max3A_156 = arith.maxsi %sub3A_153, %max3A_155 : vector<16xi32>
      %reshape3A_157 = vector.shape_cast %max3A_156 : vector<16xi32> to vector<16x1xi32>
      %gather3A_158 = vector.shape_cast %reshape3A_157 : vector<16x1xi32> to vector<16xi32>
      %gather3A_159 = tpu.dynamic_gather %add3A_150[%gather3A_158] in [0] : vector<16xi32>, vector<16xi32> -> vector<16xi32>
      %sub3A_160 = arith.constant 3 : i32
      %sub3A_161 = vector.broadcast %sub3A_160 : i32 to vector<16xi32>
      %sub3A_162 = arith.subi %iota3A, %sub3A_161 : vector<16xi32>
      %max3A_163 = arith.constant 0 : i32
      %max3A_164 = vector.broadcast %max3A_163 : i32 to vector<16xi32>
      %max3A_165 = arith.maxsi %sub3A_162, %max3A_164 : vector<16xi32>
      %min3A_166 = arith.constant 1 : i32
      %min3A_167 = vector.broadcast %min3A_166 : i32 to vector<16xi32>
      %min3A_168 = arith.minsi %max3A_165, %min3A_167 : vector<16xi32>
      %mul3A_169 = arith.muli %gather3A_159, %min3A_168 : vector<16xi32>
      %add3A_170 = arith.addi %add3A_150, %mul3A_169 : vector<16xi32>
      %sub3A_171 = arith.constant 8 : i32
      %sub3A_172 = vector.broadcast %sub3A_171 : i32 to vector<16xi32>
      %sub3A_173 = arith.subi %iota3A, %sub3A_172 : vector<16xi32>
      %max3A_174 = arith.constant 0 : i32
      %max3A_175 = vector.broadcast %max3A_174 : i32 to vector<16xi32>
      %max3A_176 = arith.maxsi %sub3A_173, %max3A_175 : vector<16xi32>
      %reshape3A_177 = vector.shape_cast %max3A_176 : vector<16xi32> to vector<16x1xi32>
      %gather3A_178 = vector.shape_cast %reshape3A_177 : vector<16x1xi32> to vector<16xi32>
      %gather3A_179 = tpu.dynamic_gather %add3A_170[%gather3A_178] in [0] : vector<16xi32>, vector<16xi32> -> vector<16xi32>
      %sub3A_180 = arith.constant 7 : i32
      %sub3A_181 = vector.broadcast %sub3A_180 : i32 to vector<16xi32>
      %sub3A_182 = arith.subi %iota3A, %sub3A_181 : vector<16xi32>
      %max3A_183 = arith.constant 0 : i32
      %max3A_184 = vector.broadcast %max3A_183 : i32 to vector<16xi32>
      %max3A_185 = arith.maxsi %sub3A_182, %max3A_184 : vector<16xi32>
      %min3A_186 = arith.constant 1 : i32
      %min3A_187 = vector.broadcast %min3A_186 : i32 to vector<16xi32>
      %min3A_188 = arith.minsi %max3A_185, %min3A_187 : vector<16xi32>
      %mul3A_189 = arith.muli %gather3A_179, %min3A_188 : vector<16xi32>
      %add3A_190 = arith.addi %add3A_170, %mul3A_189 : vector<16xi32>
      %add3A_191 = arith.addi %while3A_61, %broadcast_in_dim3A_86 : vector<16xi32>
      %add3A_192 = arith.addi %add3A_191, %add3A_190 : vector<16xi32>
      %sub3A_193 = arith.subi %add3A_192, %get3A_92 : vector<16xi32>
      %mul3A_194 = arith.muli %sub3A_193, %get3A_92 : vector<16xi32>
      %sub3A_195 = arith.constant 1 : i32
      %sub3A_196 = vector.broadcast %sub3A_195 : i32 to vector<16xi32>
      %sub3A_197 = arith.subi %sub3A_196, %get3A_92 : vector<16xi32>
      %mul3A_198 = arith.constant 160000 : i32
      %mul3A_199 = vector.broadcast %mul3A_198 : i32 to vector<16xi32>
      %mul3A_200 = arith.muli %sub3A_197, %mul3A_199 : vector<16xi32>
      %add3A_201 = arith.addi %mul3A_194, %mul3A_200 : vector<16xi32>
      %swap3A_202 = arith.constant 0 : index
      %swap3A_203 = tpu.vector_load %arg21[%swap3A_202] {strides = array<i32>} : memref<128xi32, #tpu.memory_space<vmem>>, vector<16xi32>,
      %swap3A_204 = vector.shape_cast %swap3A_203 : vector<16xi32> to vector<16xi32>
      %swap3A_205 = vector.shape_cast %add3A_201 : vector<16xi32> to vector<16xi32>
      tpu.vector_store %arg21[%swap3A_202], %swap3A_205 {strides = array<i32>} : memref<128xi32, #tpu.memory_space<vmem>>, vector<16xi32>,
      %reshape3A_206 = vector.shape_cast %broadcast_in_dim3A_32 : vector<16xi32> to vector<16x1xi32>
      %gather3A_207 = vector.shape_cast %reshape3A_206 : vector<16x1xi32> to vector<16xi32>
      %gather3A_208 = tpu.dynamic_gather %add3A_190[%gather3A_207] in [0] : vector<16xi32>, vector<16xi32> -> vector<16xi32>
      %add3A_209 = arith.addi %broadcast_in_dim3A_86, %gather3A_208 : vector<16xi32>
      %get3A_210 = arith.constant 16 : index
      %get3A_211 = tpu.vector_load %arg17[%get3A_210] {strides = array<i32>} : memref<128xi32, #tpu.memory_space<vmem>>, vector<16xi32>,
      %get3A_212 = vector.shape_cast %get3A_211 : vector<16xi32> to vector<16xi32>
      %get3A_213 = arith.constant 16 : index
      %get3A_214 = tpu.vector_load %arg18[%get3A_213] {strides = array<i32>} : memref<128xi32, #tpu.memory_space<vmem>>, vector<16xi32>,
      %get3A_215 = vector.shape_cast %get3A_214 : vector<16xi32> to vector<16xi32>
      %mul3A_216 = arith.constant 1024 : i32
      %mul3A_217 = vector.broadcast %mul3A_216 : i32 to vector<16xi32>
      %mul3A_218 = arith.muli %get3A_215, %mul3A_217 : vector<16xi32>
      %add3A_219 = arith.addi %get3A_212, %mul3A_218 : vector<16xi32>
      %swap3A_220 = arith.constant 16 : index
      %swap3A_221 = tpu.vector_load %arg19[%swap3A_220] {strides = array<i32>} : memref<128xi32, #tpu.memory_space<vmem>>, vector<16xi32>,
      %swap3A_222 = vector.shape_cast %swap3A_221 : vector<16xi32> to vector<16xi32>
      %swap3A_223 = vector.shape_cast %add3A_219 : vector<16xi32> to vector<16xi32>
      tpu.vector_store %arg19[%swap3A_220], %swap3A_223 {strides = array<i32>} : memref<128xi32, #tpu.memory_space<vmem>>, vector<16xi32>,
      %mul3A_224 = arith.muli %get3A_212, %get3A_215 : vector<16xi32>
      %sub3A_225 = arith.constant 1 : i32
      %sub3A_226 = vector.broadcast %sub3A_225 : i32 to vector<16xi32>
      %sub3A_227 = arith.subi %sub3A_226, %get3A_215 : vector<16xi32>
      %mul3A_228 = arith.constant 1024 : i32
      %mul3A_229 = vector.broadcast %mul3A_228 : i32 to vector<16xi32>
      %mul3A_230 = arith.muli %sub3A_227, %mul3A_229 : vector<16xi32>
      %add3A_231 = arith.addi %mul3A_224, %mul3A_230 : vector<16xi32>
      %swap3A_232 = arith.constant 16 : index
      %swap3A_233 = tpu.vector_load %arg20[%swap3A_232] {strides = array<i32>} : memref<128xi32, #tpu.memory_space<vmem>>, vector<16xi32>,
      %swap3A_234 = vector.shape_cast %swap3A_233 : vector<16xi32> to vector<16xi32>
      %swap3A_235 = vector.shape_cast %add3A_231 : vector<16xi32> to vector<16xi32>
      tpu.vector_store %arg20[%swap3A_232], %swap3A_235 {strides = array<i32>} : memref<128xi32, #tpu.memory_space<vmem>>, vector<16xi32>,
      %sub3A_236 = arith.constant 1 : i32
      %sub3A_237 = vector.broadcast %sub3A_236 : i32 to vector<16xi32>
      %sub3A_238 = arith.subi %iota3A, %sub3A_237 : vector<16xi32>
      %max3A_239 = arith.constant 0 : i32
      %max3A_240 = vector.broadcast %max3A_239 : i32 to vector<16xi32>
      %max3A_241 = arith.maxsi %sub3A_238, %max3A_240 : vector<16xi32>
      %reshape3A_242 = vector.shape_cast %max3A_241 : vector<16xi32> to vector<16x1xi32>
      %gather3A_243 = vector.shape_cast %reshape3A_242 : vector<16x1xi32> to vector<16xi32>
      %gather3A_244 = tpu.dynamic_gather %get3A_215[%gather3A_243] in [0] : vector<16xi32>, vector<16xi32> -> vector<16xi32>
      %sub3A_245 = arith.constant 0 : i32
      %sub3A_246 = vector.broadcast %sub3A_245 : i32 to vector<16xi32>
      %sub3A_247 = arith.subi %iota3A, %sub3A_246 : vector<16xi32>
      %max3A_248 = arith.constant 0 : i32
      %max3A_249 = vector.broadcast %max3A_248 : i32 to vector<16xi32>
      %max3A_250 = arith.maxsi %sub3A_247, %max3A_249 : vector<16xi32>
      %min3A_251 = arith.constant 1 : i32
      %min3A_252 = vector.broadcast %min3A_251 : i32 to vector<16xi32>
      %min3A_253 = arith.minsi %max3A_250, %min3A_252 : vector<16xi32>
      %mul3A_254 = arith.muli %gather3A_244, %min3A_253 : vector<16xi32>
      %add3A_255 = arith.addi %get3A_215, %mul3A_254 : vector<16xi32>
      %sub3A_256 = arith.constant 2 : i32
      %sub3A_257 = vector.broadcast %sub3A_256 : i32 to vector<16xi32>
      %sub3A_258 = arith.subi %iota3A, %sub3A_257 : vector<16xi32>
      %max3A_259 = arith.constant 0 : i32
      %max3A_260 = vector.broadcast %max3A_259 : i32 to vector<16xi32>
      %max3A_261 = arith.maxsi %sub3A_258, %max3A_260 : vector<16xi32>
      %reshape3A_262 = vector.shape_cast %max3A_261 : vector<16xi32> to vector<16x1xi32>
      %gather3A_263 = vector.shape_cast %reshape3A_262 : vector<16x1xi32> to vector<16xi32>
      %gather3A_264 = tpu.dynamic_gather %add3A_255[%gather3A_263] in [0] : vector<16xi32>, vector<16xi32> -> vector<16xi32>
      %sub3A_265 = arith.constant 1 : i32
      %sub3A_266 = vector.broadcast %sub3A_265 : i32 to vector<16xi32>
      %sub3A_267 = arith.subi %iota3A, %sub3A_266 : vector<16xi32>
      %max3A_268 = arith.constant 0 : i32
      %max3A_269 = vector.broadcast %max3A_268 : i32 to vector<16xi32>
      %max3A_270 = arith.maxsi %sub3A_267, %max3A_269 : vector<16xi32>
      %min3A_271 = arith.constant 1 : i32
      %min3A_272 = vector.broadcast %min3A_271 : i32 to vector<16xi32>
      %min3A_273 = arith.minsi %max3A_270, %min3A_272 : vector<16xi32>
      %mul3A_274 = arith.muli %gather3A_264, %min3A_273 : vector<16xi32>
      %add3A_275 = arith.addi %add3A_255, %mul3A_274 : vector<16xi32>
      %sub3A_276 = arith.constant 4 : i32
      %sub3A_277 = vector.broadcast %sub3A_276 : i32 to vector<16xi32>
      %sub3A_278 = arith.subi %iota3A, %sub3A_277 : vector<16xi32>
      %max3A_279 = arith.constant 0 : i32
      %max3A_280 = vector.broadcast %max3A_279 : i32 to vector<16xi32>
      %max3A_281 = arith.maxsi %sub3A_278, %max3A_280 : vector<16xi32>
      %reshape3A_282 = vector.shape_cast %max3A_281 : vector<16xi32> to vector<16x1xi32>
      %gather3A_283 = vector.shape_cast %reshape3A_282 : vector<16x1xi32> to vector<16xi32>
      %gather3A_284 = tpu.dynamic_gather %add3A_275[%gather3A_283] in [0] : vector<16xi32>, vector<16xi32> -> vector<16xi32>
      %sub3A_285 = arith.constant 3 : i32
      %sub3A_286 = vector.broadcast %sub3A_285 : i32 to vector<16xi32>
      %sub3A_287 = arith.subi %iota3A, %sub3A_286 : vector<16xi32>
      %max3A_288 = arith.constant 0 : i32
      %max3A_289 = vector.broadcast %max3A_288 : i32 to vector<16xi32>
      %max3A_290 = arith.maxsi %sub3A_287, %max3A_289 : vector<16xi32>
      %min3A_291 = arith.constant 1 : i32
      %min3A_292 = vector.broadcast %min3A_291 : i32 to vector<16xi32>
      %min3A_293 = arith.minsi %max3A_290, %min3A_292 : vector<16xi32>
      %mul3A_294 = arith.muli %gather3A_284, %min3A_293 : vector<16xi32>
      %add3A_295 = arith.addi %add3A_275, %mul3A_294 : vector<16xi32>
      %sub3A_296 = arith.constant 8 : i32
      %sub3A_297 = vector.broadcast %sub3A_296 : i32 to vector<16xi32>
      %sub3A_298 = arith.subi %iota3A, %sub3A_297 : vector<16xi32>
      %max3A_299 = arith.constant 0 : i32
      %max3A_300 = vector.broadcast %max3A_299 : i32 to vector<16xi32>
      %max3A_301 = arith.maxsi %sub3A_298, %max3A_300 : vector<16xi32>
      %reshape3A_302 = vector.shape_cast %max3A_301 : vector<16xi32> to vector<16x1xi32>
      %gather3A_303 = vector.shape_cast %reshape3A_302 : vector<16x1xi32> to vector<16xi32>
      %gather3A_304 = tpu.dynamic_gather %add3A_295[%gather3A_303] in [0] : vector<16xi32>, vector<16xi32> -> vector<16xi32>
      %sub3A_305 = arith.constant 7 : i32
      %sub3A_306 = vector.broadcast %sub3A_305 : i32 to vector<16xi32>
      %sub3A_307 = arith.subi %iota3A, %sub3A_306 : vector<16xi32>
      %max3A_308 = arith.constant 0 : i32
      %max3A_309 = vector.broadcast %max3A_308 : i32 to vector<16xi32>
      %max3A_310 = arith.maxsi %sub3A_307, %max3A_309 : vector<16xi32>
      %min3A_311 = arith.constant 1 : i32
      %min3A_312 = vector.broadcast %min3A_311 : i32 to vector<16xi32>
      %min3A_313 = arith.minsi %max3A_310, %min3A_312 : vector<16xi32>
      %mul3A_314 = arith.muli %gather3A_304, %min3A_313 : vector<16xi32>
      %add3A_315 = arith.addi %add3A_295, %mul3A_314 : vector<16xi32>
      %add3A_316 = arith.addi %while3A_61, %add3A_209 : vector<16xi32>
      %add3A_317 = arith.addi %add3A_316, %add3A_315 : vector<16xi32>
      %sub3A_318 = arith.subi %add3A_317, %get3A_215 : vector<16xi32>
      %mul3A_319 = arith.muli %sub3A_318, %get3A_215 : vector<16xi32>
      %sub3A_320 = arith.constant 1 : i32
      %sub3A_321 = vector.broadcast %sub3A_320 : i32 to vector<16xi32>
      %sub3A_322 = arith.subi %sub3A_321, %get3A_215 : vector<16xi32>
      %mul3A_323 = arith.constant 160000 : i32
      %mul3A_324 = vector.broadcast %mul3A_323 : i32 to vector<16xi32>
      %mul3A_325 = arith.muli %sub3A_322, %mul3A_324 : vector<16xi32>
      %add3A_326 = arith.addi %mul3A_319, %mul3A_325 : vector<16xi32>
      %swap3A_327 = arith.constant 16 : index
      %swap3A_328 = tpu.vector_load %arg21[%swap3A_327] {strides = array<i32>} : memref<128xi32, #tpu.memory_space<vmem>>, vector<16xi32>,
      %swap3A_329 = vector.shape_cast %swap3A_328 : vector<16xi32> to vector<16xi32>
      %swap3A_330 = vector.shape_cast %add3A_326 : vector<16xi32> to vector<16xi32>
      tpu.vector_store %arg21[%swap3A_327], %swap3A_330 {strides = array<i32>} : memref<128xi32, #tpu.memory_space<vmem>>, vector<16xi32>,
      %reshape3A_331 = vector.shape_cast %broadcast_in_dim3A_32 : vector<16xi32> to vector<16x1xi32>
      %gather3A_332 = vector.shape_cast %reshape3A_331 : vector<16x1xi32> to vector<16xi32>
      %gather3A_333 = tpu.dynamic_gather %add3A_315[%gather3A_332] in [0] : vector<16xi32>, vector<16xi32> -> vector<16xi32>
      %add3A_334 = arith.addi %add3A_209, %gather3A_333 : vector<16xi32>
      %get3A_335 = arith.constant 32 : index
      %get3A_336 = tpu.vector_load %arg17[%get3A_335] {strides = array<i32>} : memref<128xi32, #tpu.memory_space<vmem>>, vector<16xi32>,
      %get3A_337 = vector.shape_cast %get3A_336 : vector<16xi32> to vector<16xi32>
      %get3A_338 = arith.constant 32 : index
      %get3A_339 = tpu.vector_load %arg18[%get3A_338] {strides = array<i32>} : memref<128xi32, #tpu.memory_space<vmem>>, vector<16xi32>,
      %get3A_340 = vector.shape_cast %get3A_339 : vector<16xi32> to vector<16xi32>
      %mul3A_341 = arith.constant 1024 : i32
      %mul3A_342 = vector.broadcast %mul3A_341 : i32 to vector<16xi32>
      %mul3A_343 = arith.muli %get3A_340, %mul3A_342 : vector<16xi32>
      %add3A_344 = arith.addi %get3A_337, %mul3A_343 : vector<16xi32>
      %swap3A_345 = arith.constant 32 : index
      %swap3A_346 = tpu.vector_load %arg19[%swap3A_345] {strides = array<i32>} : memref<128xi32, #tpu.memory_space<vmem>>, vector<16xi32>,
      %swap3A_347 = vector.shape_cast %swap3A_346 : vector<16xi32> to vector<16xi32>
      %swap3A_348 = vector.shape_cast %add3A_344 : vector<16xi32> to vector<16xi32>
      tpu.vector_store %arg19[%swap3A_345], %swap3A_348 {strides = array<i32>} : memref<128xi32, #tpu.memory_space<vmem>>, vector<16xi32>,
      %mul3A_349 = arith.muli %get3A_337, %get3A_340 : vector<16xi32>
      %sub3A_350 = arith.constant 1 : i32
      %sub3A_351 = vector.broadcast %sub3A_350 : i32 to vector<16xi32>
      %sub3A_352 = arith.subi %sub3A_351, %get3A_340 : vector<16xi32>
      %mul3A_353 = arith.constant 1024 : i32
      %mul3A_354 = vector.broadcast %mul3A_353 : i32 to vector<16xi32>
      %mul3A_355 = arith.muli %sub3A_352, %mul3A_354 : vector<16xi32>
      %add3A_356 = arith.addi %mul3A_349, %mul3A_355 : vector<16xi32>
      %swap3A_357 = arith.constant 32 : index
      %swap3A_358 = tpu.vector_load %arg20[%swap3A_357] {strides = array<i32>} : memref<128xi32, #tpu.memory_space<vmem>>, vector<16xi32>,
      %swap3A_359 = vector.shape_cast %swap3A_358 : vector<16xi32> to vector<16xi32>
      %swap3A_360 = vector.shape_cast %add3A_356 : vector<16xi32> to vector<16xi32>
      tpu.vector_store %arg20[%swap3A_357], %swap3A_360 {strides = array<i32>} : memref<128xi32, #tpu.memory_space<vmem>>, vector<16xi32>,
      %sub3A_361 = arith.constant 1 : i32
      %sub3A_362 = vector.broadcast %sub3A_361 : i32 to vector<16xi32>
      %sub3A_363 = arith.subi %iota3A, %sub3A_362 : vector<16xi32>
      %max3A_364 = arith.constant 0 : i32
      %max3A_365 = vector.broadcast %max3A_364 : i32 to vector<16xi32>
      %max3A_366 = arith.maxsi %sub3A_363, %max3A_365 : vector<16xi32>
      %reshape3A_367 = vector.shape_cast %max3A_366 : vector<16xi32> to vector<16x1xi32>
      %gather3A_368 = vector.shape_cast %reshape3A_367 : vector<16x1xi32> to vector<16xi32>
      %gather3A_369 = tpu.dynamic_gather %get3A_340[%gather3A_368] in [0] : vector<16xi32>, vector<16xi32> -> vector<16xi32>
      %sub3A_370 = arith.constant 0 : i32
      %sub3A_371 = vector.broadcast %sub3A_370 : i32 to vector<16xi32>
      %sub3A_372 = arith.subi %iota3A, %sub3A_371 : vector<16xi32>
      %max3A_373 = arith.constant 0 : i32
      %max3A_374 = vector.broadcast %max3A_373 : i32 to vector<16xi32>
      %max3A_375 = arith.maxsi %sub3A_372, %max3A_374 : vector<16xi32>
      %min3A_376 = arith.constant 1 : i32
      %min3A_377 = vector.broadcast %min3A_376 : i32 to vector<16xi32>
      %min3A_378 = arith.minsi %max3A_375, %min3A_377 : vector<16xi32>
      %mul3A_379 = arith.muli %gather3A_369, %min3A_378 : vector<16xi32>
      %add3A_380 = arith.addi %get3A_340, %mul3A_379 : vector<16xi32>
      %sub3A_381 = arith.constant 2 : i32
      %sub3A_382 = vector.broadcast %sub3A_381 : i32 to vector<16xi32>
      %sub3A_383 = arith.subi %iota3A, %sub3A_382 : vector<16xi32>
      %max3A_384 = arith.constant 0 : i32
      %max3A_385 = vector.broadcast %max3A_384 : i32 to vector<16xi32>
      %max3A_386 = arith.maxsi %sub3A_383, %max3A_385 : vector<16xi32>
      %reshape3A_387 = vector.shape_cast %max3A_386 : vector<16xi32> to vector<16x1xi32>
      %gather3A_388 = vector.shape_cast %reshape3A_387 : vector<16x1xi32> to vector<16xi32>
      %gather3A_389 = tpu.dynamic_gather %add3A_380[%gather3A_388] in [0] : vector<16xi32>, vector<16xi32> -> vector<16xi32>
      %sub3A_390 = arith.constant 1 : i32
      %sub3A_391 = vector.broadcast %sub3A_390 : i32 to vector<16xi32>
      %sub3A_392 = arith.subi %iota3A, %sub3A_391 : vector<16xi32>
      %max3A_393 = arith.constant 0 : i32
      %max3A_394 = vector.broadcast %max3A_393 : i32 to vector<16xi32>
      %max3A_395 = arith.maxsi %sub3A_392, %max3A_394 : vector<16xi32>
      %min3A_396 = arith.constant 1 : i32
      %min3A_397 = vector.broadcast %min3A_396 : i32 to vector<16xi32>
      %min3A_398 = arith.minsi %max3A_395, %min3A_397 : vector<16xi32>
      %mul3A_399 = arith.muli %gather3A_389, %min3A_398 : vector<16xi32>
      %add3A_400 = arith.addi %add3A_380, %mul3A_399 : vector<16xi32>
      %sub3A_401 = arith.constant 4 : i32
      %sub3A_402 = vector.broadcast %sub3A_401 : i32 to vector<16xi32>
      %sub3A_403 = arith.subi %iota3A, %sub3A_402 : vector<16xi32>
      %max3A_404 = arith.constant 0 : i32
      %max3A_405 = vector.broadcast %max3A_404 : i32 to vector<16xi32>
      %max3A_406 = arith.maxsi %sub3A_403, %max3A_405 : vector<16xi32>
      %reshape3A_407 = vector.shape_cast %max3A_406 : vector<16xi32> to vector<16x1xi32>
      %gather3A_408 = vector.shape_cast %reshape3A_407 : vector<16x1xi32> to vector<16xi32>
      %gather3A_409 = tpu.dynamic_gather %add3A_400[%gather3A_408] in [0] : vector<16xi32>, vector<16xi32> -> vector<16xi32>
      %sub3A_410 = arith.constant 3 : i32
      %sub3A_411 = vector.broadcast %sub3A_410 : i32 to vector<16xi32>
      %sub3A_412 = arith.subi %iota3A, %sub3A_411 : vector<16xi32>
      %max3A_413 = arith.constant 0 : i32
      %max3A_414 = vector.broadcast %max3A_413 : i32 to vector<16xi32>
      %max3A_415 = arith.maxsi %sub3A_412, %max3A_414 : vector<16xi32>
      %min3A_416 = arith.constant 1 : i32
      %min3A_417 = vector.broadcast %min3A_416 : i32 to vector<16xi32>
      %min3A_418 = arith.minsi %max3A_415, %min3A_417 : vector<16xi32>
      %mul3A_419 = arith.muli %gather3A_409, %min3A_418 : vector<16xi32>
      %add3A_420 = arith.addi %add3A_400, %mul3A_419 : vector<16xi32>
      %sub3A_421 = arith.constant 8 : i32
      %sub3A_422 = vector.broadcast %sub3A_421 : i32 to vector<16xi32>
      %sub3A_423 = arith.subi %iota3A, %sub3A_422 : vector<16xi32>
      %max3A_424 = arith.constant 0 : i32
      %max3A_425 = vector.broadcast %max3A_424 : i32 to vector<16xi32>
      %max3A_426 = arith.maxsi %sub3A_423, %max3A_425 : vector<16xi32>
      %reshape3A_427 = vector.shape_cast %max3A_426 : vector<16xi32> to vector<16x1xi32>
      %gather3A_428 = vector.shape_cast %reshape3A_427 : vector<16x1xi32> to vector<16xi32>
      %gather3A_429 = tpu.dynamic_gather %add3A_420[%gather3A_428] in [0] : vector<16xi32>, vector<16xi32> -> vector<16xi32>
      %sub3A_430 = arith.constant 7 : i32
      %sub3A_431 = vector.broadcast %sub3A_430 : i32 to vector<16xi32>
      %sub3A_432 = arith.subi %iota3A, %sub3A_431 : vector<16xi32>
      %max3A_433 = arith.constant 0 : i32
      %max3A_434 = vector.broadcast %max3A_433 : i32 to vector<16xi32>
      %max3A_435 = arith.maxsi %sub3A_432, %max3A_434 : vector<16xi32>
      %min3A_436 = arith.constant 1 : i32
      %min3A_437 = vector.broadcast %min3A_436 : i32 to vector<16xi32>
      %min3A_438 = arith.minsi %max3A_435, %min3A_437 : vector<16xi32>
      %mul3A_439 = arith.muli %gather3A_429, %min3A_438 : vector<16xi32>
      %add3A_440 = arith.addi %add3A_420, %mul3A_439 : vector<16xi32>
      %add3A_441 = arith.addi %while3A_61, %add3A_334 : vector<16xi32>
      %add3A_442 = arith.addi %add3A_441, %add3A_440 : vector<16xi32>
      %sub3A_443 = arith.subi %add3A_442, %get3A_340 : vector<16xi32>
      %mul3A_444 = arith.muli %sub3A_443, %get3A_340 : vector<16xi32>
      %sub3A_445 = arith.constant 1 : i32
      %sub3A_446 = vector.broadcast %sub3A_445 : i32 to vector<16xi32>
      %sub3A_447 = arith.subi %sub3A_446, %get3A_340 : vector<16xi32>
      %mul3A_448 = arith.constant 160000 : i32
      %mul3A_449 = vector.broadcast %mul3A_448 : i32 to vector<16xi32>
      %mul3A_450 = arith.muli %sub3A_447, %mul3A_449 : vector<16xi32>
      %add3A_451 = arith.addi %mul3A_444, %mul3A_450 : vector<16xi32>
      %swap3A_452 = arith.constant 32 : index
      %swap3A_453 = tpu.vector_load %arg21[%swap3A_452] {strides = array<i32>} : memref<128xi32, #tpu.memory_space<vmem>>, vector<16xi32>,
      %swap3A_454 = vector.shape_cast %swap3A_453 : vector<16xi32> to vector<16xi32>
      %swap3A_455 = vector.shape_cast %add3A_451 : vector<16xi32> to vector<16xi32>
      tpu.vector_store %arg21[%swap3A_452], %swap3A_455 {strides = array<i32>} : memref<128xi32, #tpu.memory_space<vmem>>, vector<16xi32>,
      %reshape3A_456 = vector.shape_cast %broadcast_in_dim3A_32 : vector<16xi32> to vector<16x1xi32>
      %gather3A_457 = vector.shape_cast %reshape3A_456 : vector<16x1xi32> to vector<16xi32>
      %gather3A_458 = tpu.dynamic_gather %add3A_440[%gather3A_457] in [0] : vector<16xi32>, vector<16xi32> -> vector<16xi32>
      %add3A_459 = arith.addi %add3A_334, %gather3A_458 : vector<16xi32>
      %get3A_460 = arith.constant 48 : index
      %get3A_461 = tpu.vector_load %arg17[%get3A_460] {strides = array<i32>} : memref<128xi32, #tpu.memory_space<vmem>>, vector<16xi32>,
      %get3A_462 = vector.shape_cast %get3A_461 : vector<16xi32> to vector<16xi32>
      %get3A_463 = arith.constant 48 : index
      %get3A_464 = tpu.vector_load %arg18[%get3A_463] {strides = array<i32>} : memref<128xi32, #tpu.memory_space<vmem>>, vector<16xi32>,
      %get3A_465 = vector.shape_cast %get3A_464 : vector<16xi32> to vector<16xi32>
      %mul3A_466 = arith.constant 1024 : i32
      %mul3A_467 = vector.broadcast %mul3A_466 : i32 to vector<16xi32>
      %mul3A_468 = arith.muli %get3A_465, %mul3A_467 : vector<16xi32>
      %add3A_469 = arith.addi %get3A_462, %mul3A_468 : vector<16xi32>
      %swap3A_470 = arith.constant 48 : index
      %swap3A_471 = tpu.vector_load %arg19[%swap3A_470] {strides = array<i32>} : memref<128xi32, #tpu.memory_space<vmem>>, vector<16xi32>,
      %swap3A_472 = vector.shape_cast %swap3A_471 : vector<16xi32> to vector<16xi32>
      %swap3A_473 = vector.shape_cast %add3A_469 : vector<16xi32> to vector<16xi32>
      tpu.vector_store %arg19[%swap3A_470], %swap3A_473 {strides = array<i32>} : memref<128xi32, #tpu.memory_space<vmem>>, vector<16xi32>,
      %mul3A_474 = arith.muli %get3A_462, %get3A_465 : vector<16xi32>
      %sub3A_475 = arith.constant 1 : i32
      %sub3A_476 = vector.broadcast %sub3A_475 : i32 to vector<16xi32>
      %sub3A_477 = arith.subi %sub3A_476, %get3A_465 : vector<16xi32>
      %mul3A_478 = arith.constant 1024 : i32
      %mul3A_479 = vector.broadcast %mul3A_478 : i32 to vector<16xi32>
      %mul3A_480 = arith.muli %sub3A_477, %mul3A_479 : vector<16xi32>
      %add3A_481 = arith.addi %mul3A_474, %mul3A_480 : vector<16xi32>
      %swap3A_482 = arith.constant 48 : index
      %swap3A_483 = tpu.vector_load %arg20[%swap3A_482] {strides = array<i32>} : memref<128xi32, #tpu.memory_space<vmem>>, vector<16xi32>,
      %swap3A_484 = vector.shape_cast %swap3A_483 : vector<16xi32> to vector<16xi32>
      %swap3A_485 = vector.shape_cast %add3A_481 : vector<16xi32> to vector<16xi32>
      tpu.vector_store %arg20[%swap3A_482], %swap3A_485 {strides = array<i32>} : memref<128xi32, #tpu.memory_space<vmem>>, vector<16xi32>,
      %sub3A_486 = arith.constant 1 : i32
      %sub3A_487 = vector.broadcast %sub3A_486 : i32 to vector<16xi32>
      %sub3A_488 = arith.subi %iota3A, %sub3A_487 : vector<16xi32>
      %max3A_489 = arith.constant 0 : i32
      %max3A_490 = vector.broadcast %max3A_489 : i32 to vector<16xi32>
      %max3A_491 = arith.maxsi %sub3A_488, %max3A_490 : vector<16xi32>
      %reshape3A_492 = vector.shape_cast %max3A_491 : vector<16xi32> to vector<16x1xi32>
      %gather3A_493 = vector.shape_cast %reshape3A_492 : vector<16x1xi32> to vector<16xi32>
      %gather3A_494 = tpu.dynamic_gather %get3A_465[%gather3A_493] in [0] : vector<16xi32>, vector<16xi32> -> vector<16xi32>
      %sub3A_495 = arith.constant 0 : i32
      %sub3A_496 = vector.broadcast %sub3A_495 : i32 to vector<16xi32>
      %sub3A_497 = arith.subi %iota3A, %sub3A_496 : vector<16xi32>
      %max3A_498 = arith.constant 0 : i32
      %max3A_499 = vector.broadcast %max3A_498 : i32 to vector<16xi32>
      %max3A_500 = arith.maxsi %sub3A_497, %max3A_499 : vector<16xi32>
      %min3A_501 = arith.constant 1 : i32
      %min3A_502 = vector.broadcast %min3A_501 : i32 to vector<16xi32>
      %min3A_503 = arith.minsi %max3A_500, %min3A_502 : vector<16xi32>
      %mul3A_504 = arith.muli %gather3A_494, %min3A_503 : vector<16xi32>
      %add3A_505 = arith.addi %get3A_465, %mul3A_504 : vector<16xi32>
      %sub3A_506 = arith.constant 2 : i32
      %sub3A_507 = vector.broadcast %sub3A_506 : i32 to vector<16xi32>
      %sub3A_508 = arith.subi %iota3A, %sub3A_507 : vector<16xi32>
      %max3A_509 = arith.constant 0 : i32
      %max3A_510 = vector.broadcast %max3A_509 : i32 to vector<16xi32>
      %max3A_511 = arith.maxsi %sub3A_508, %max3A_510 : vector<16xi32>
      %reshape3A_512 = vector.shape_cast %max3A_511 : vector<16xi32> to vector<16x1xi32>
      %gather3A_513 = vector.shape_cast %reshape3A_512 : vector<16x1xi32> to vector<16xi32>
      %gather3A_514 = tpu.dynamic_gather %add3A_505[%gather3A_513] in [0] : vector<16xi32>, vector<16xi32> -> vector<16xi32>
      %sub3A_515 = arith.constant 1 : i32
      %sub3A_516 = vector.broadcast %sub3A_515 : i32 to vector<16xi32>
      %sub3A_517 = arith.subi %iota3A, %sub3A_516 : vector<16xi32>
      %max3A_518 = arith.constant 0 : i32
      %max3A_519 = vector.broadcast %max3A_518 : i32 to vector<16xi32>
      %max3A_520 = arith.maxsi %sub3A_517, %max3A_519 : vector<16xi32>
      %min3A_521 = arith.constant 1 : i32
      %min3A_522 = vector.broadcast %min3A_521 : i32 to vector<16xi32>
      %min3A_523 = arith.minsi %max3A_520, %min3A_522 : vector<16xi32>
      %mul3A_524 = arith.muli %gather3A_514, %min3A_523 : vector<16xi32>
      %add3A_525 = arith.addi %add3A_505, %mul3A_524 : vector<16xi32>
      %sub3A_526 = arith.constant 4 : i32
      %sub3A_527 = vector.broadcast %sub3A_526 : i32 to vector<16xi32>
      %sub3A_528 = arith.subi %iota3A, %sub3A_527 : vector<16xi32>
      %max3A_529 = arith.constant 0 : i32
      %max3A_530 = vector.broadcast %max3A_529 : i32 to vector<16xi32>
      %max3A_531 = arith.maxsi %sub3A_528, %max3A_530 : vector<16xi32>
      %reshape3A_532 = vector.shape_cast %max3A_531 : vector<16xi32> to vector<16x1xi32>
      %gather3A_533 = vector.shape_cast %reshape3A_532 : vector<16x1xi32> to vector<16xi32>
      %gather3A_534 = tpu.dynamic_gather %add3A_525[%gather3A_533] in [0] : vector<16xi32>, vector<16xi32> -> vector<16xi32>
      %sub3A_535 = arith.constant 3 : i32
      %sub3A_536 = vector.broadcast %sub3A_535 : i32 to vector<16xi32>
      %sub3A_537 = arith.subi %iota3A, %sub3A_536 : vector<16xi32>
      %max3A_538 = arith.constant 0 : i32
      %max3A_539 = vector.broadcast %max3A_538 : i32 to vector<16xi32>
      %max3A_540 = arith.maxsi %sub3A_537, %max3A_539 : vector<16xi32>
      %min3A_541 = arith.constant 1 : i32
      %min3A_542 = vector.broadcast %min3A_541 : i32 to vector<16xi32>
      %min3A_543 = arith.minsi %max3A_540, %min3A_542 : vector<16xi32>
      %mul3A_544 = arith.muli %gather3A_534, %min3A_543 : vector<16xi32>
      %add3A_545 = arith.addi %add3A_525, %mul3A_544 : vector<16xi32>
      %sub3A_546 = arith.constant 8 : i32
      %sub3A_547 = vector.broadcast %sub3A_546 : i32 to vector<16xi32>
      %sub3A_548 = arith.subi %iota3A, %sub3A_547 : vector<16xi32>
      %max3A_549 = arith.constant 0 : i32
      %max3A_550 = vector.broadcast %max3A_549 : i32 to vector<16xi32>
      %max3A_551 = arith.maxsi %sub3A_548, %max3A_550 : vector<16xi32>
      %reshape3A_552 = vector.shape_cast %max3A_551 : vector<16xi32> to vector<16x1xi32>
      %gather3A_553 = vector.shape_cast %reshape3A_552 : vector<16x1xi32> to vector<16xi32>
      %gather3A_554 = tpu.dynamic_gather %add3A_545[%gather3A_553] in [0] : vector<16xi32>, vector<16xi32> -> vector<16xi32>
      %sub3A_555 = arith.constant 7 : i32
      %sub3A_556 = vector.broadcast %sub3A_555 : i32 to vector<16xi32>
      %sub3A_557 = arith.subi %iota3A, %sub3A_556 : vector<16xi32>
      %max3A_558 = arith.constant 0 : i32
      %max3A_559 = vector.broadcast %max3A_558 : i32 to vector<16xi32>
      %max3A_560 = arith.maxsi %sub3A_557, %max3A_559 : vector<16xi32>
      %min3A_561 = arith.constant 1 : i32
      %min3A_562 = vector.broadcast %min3A_561 : i32 to vector<16xi32>
      %min3A_563 = arith.minsi %max3A_560, %min3A_562 : vector<16xi32>
      %mul3A_564 = arith.muli %gather3A_554, %min3A_563 : vector<16xi32>
      %add3A_565 = arith.addi %add3A_545, %mul3A_564 : vector<16xi32>
      %add3A_566 = arith.addi %while3A_61, %add3A_459 : vector<16xi32>
      %add3A_567 = arith.addi %add3A_566, %add3A_565 : vector<16xi32>
      %sub3A_568 = arith.subi %add3A_567, %get3A_465 : vector<16xi32>
      %mul3A_569 = arith.muli %sub3A_568, %get3A_465 : vector<16xi32>
      %sub3A_570 = arith.constant 1 : i32
      %sub3A_571 = vector.broadcast %sub3A_570 : i32 to vector<16xi32>
      %sub3A_572 = arith.subi %sub3A_571, %get3A_465 : vector<16xi32>
      %mul3A_573 = arith.constant 160000 : i32
      %mul3A_574 = vector.broadcast %mul3A_573 : i32 to vector<16xi32>
      %mul3A_575 = arith.muli %sub3A_572, %mul3A_574 : vector<16xi32>
      %add3A_576 = arith.addi %mul3A_569, %mul3A_575 : vector<16xi32>
      %swap3A_577 = arith.constant 48 : index
      %swap3A_578 = tpu.vector_load %arg21[%swap3A_577] {strides = array<i32>} : memref<128xi32, #tpu.memory_space<vmem>>, vector<16xi32>,
      %swap3A_579 = vector.shape_cast %swap3A_578 : vector<16xi32> to vector<16xi32>
      %swap3A_580 = vector.shape_cast %add3A_576 : vector<16xi32> to vector<16xi32>
      tpu.vector_store %arg21[%swap3A_577], %swap3A_580 {strides = array<i32>} : memref<128xi32, #tpu.memory_space<vmem>>, vector<16xi32>,
      %reshape3A_581 = vector.shape_cast %broadcast_in_dim3A_32 : vector<16xi32> to vector<16x1xi32>
      %gather3A_582 = vector.shape_cast %reshape3A_581 : vector<16x1xi32> to vector<16xi32>
      %gather3A_583 = tpu.dynamic_gather %add3A_565[%gather3A_582] in [0] : vector<16xi32>, vector<16xi32> -> vector<16xi32>
      %add3A_584 = arith.addi %add3A_459, %gather3A_583 : vector<16xi32>
      %get3A_585 = arith.constant 64 : index
      %get3A_586 = tpu.vector_load %arg17[%get3A_585] {strides = array<i32>} : memref<128xi32, #tpu.memory_space<vmem>>, vector<16xi32>,
      %get3A_587 = vector.shape_cast %get3A_586 : vector<16xi32> to vector<16xi32>
      %get3A_588 = arith.constant 64 : index
      %get3A_589 = tpu.vector_load %arg18[%get3A_588] {strides = array<i32>} : memref<128xi32, #tpu.memory_space<vmem>>, vector<16xi32>,
      %get3A_590 = vector.shape_cast %get3A_589 : vector<16xi32> to vector<16xi32>
      %mul3A_591 = arith.constant 1024 : i32
      %mul3A_592 = vector.broadcast %mul3A_591 : i32 to vector<16xi32>
      %mul3A_593 = arith.muli %get3A_590, %mul3A_592 : vector<16xi32>
      %add3A_594 = arith.addi %get3A_587, %mul3A_593 : vector<16xi32>
      %swap3A_595 = arith.constant 64 : index
      %swap3A_596 = tpu.vector_load %arg19[%swap3A_595] {strides = array<i32>} : memref<128xi32, #tpu.memory_space<vmem>>, vector<16xi32>,
      %swap3A_597 = vector.shape_cast %swap3A_596 : vector<16xi32> to vector<16xi32>
      %swap3A_598 = vector.shape_cast %add3A_594 : vector<16xi32> to vector<16xi32>
      tpu.vector_store %arg19[%swap3A_595], %swap3A_598 {strides = array<i32>} : memref<128xi32, #tpu.memory_space<vmem>>, vector<16xi32>,
      %mul3A_599 = arith.muli %get3A_587, %get3A_590 : vector<16xi32>
      %sub3A_600 = arith.constant 1 : i32
      %sub3A_601 = vector.broadcast %sub3A_600 : i32 to vector<16xi32>
      %sub3A_602 = arith.subi %sub3A_601, %get3A_590 : vector<16xi32>
      %mul3A_603 = arith.constant 1024 : i32
      %mul3A_604 = vector.broadcast %mul3A_603 : i32 to vector<16xi32>
      %mul3A_605 = arith.muli %sub3A_602, %mul3A_604 : vector<16xi32>
      %add3A_606 = arith.addi %mul3A_599, %mul3A_605 : vector<16xi32>
      %swap3A_607 = arith.constant 64 : index
      %swap3A_608 = tpu.vector_load %arg20[%swap3A_607] {strides = array<i32>} : memref<128xi32, #tpu.memory_space<vmem>>, vector<16xi32>,
      %swap3A_609 = vector.shape_cast %swap3A_608 : vector<16xi32> to vector<16xi32>
      %swap3A_610 = vector.shape_cast %add3A_606 : vector<16xi32> to vector<16xi32>
      tpu.vector_store %arg20[%swap3A_607], %swap3A_610 {strides = array<i32>} : memref<128xi32, #tpu.memory_space<vmem>>, vector<16xi32>,
      %sub3A_611 = arith.constant 1 : i32
      %sub3A_612 = vector.broadcast %sub3A_611 : i32 to vector<16xi32>
      %sub3A_613 = arith.subi %iota3A, %sub3A_612 : vector<16xi32>
      %max3A_614 = arith.constant 0 : i32
      %max3A_615 = vector.broadcast %max3A_614 : i32 to vector<16xi32>
      %max3A_616 = arith.maxsi %sub3A_613, %max3A_615 : vector<16xi32>
      %reshape3A_617 = vector.shape_cast %max3A_616 : vector<16xi32> to vector<16x1xi32>
      %gather3A_618 = vector.shape_cast %reshape3A_617 : vector<16x1xi32> to vector<16xi32>
      %gather3A_619 = tpu.dynamic_gather %get3A_590[%gather3A_618] in [0] : vector<16xi32>, vector<16xi32> -> vector<16xi32>
      %sub3A_620 = arith.constant 0 : i32
      %sub3A_621 = vector.broadcast %sub3A_620 : i32 to vector<16xi32>
      %sub3A_622 = arith.subi %iota3A, %sub3A_621 : vector<16xi32>
      %max3A_623 = arith.constant 0 : i32
      %max3A_624 = vector.broadcast %max3A_623 : i32 to vector<16xi32>
      %max3A_625 = arith.maxsi %sub3A_622, %max3A_624 : vector<16xi32>
      %min3A_626 = arith.constant 1 : i32
      %min3A_627 = vector.broadcast %min3A_626 : i32 to vector<16xi32>
      %min3A_628 = arith.minsi %max3A_625, %min3A_627 : vector<16xi32>
      %mul3A_629 = arith.muli %gather3A_619, %min3A_628 : vector<16xi32>
      %add3A_630 = arith.addi %get3A_590, %mul3A_629 : vector<16xi32>
      %sub3A_631 = arith.constant 2 : i32
      %sub3A_632 = vector.broadcast %sub3A_631 : i32 to vector<16xi32>
      %sub3A_633 = arith.subi %iota3A, %sub3A_632 : vector<16xi32>
      %max3A_634 = arith.constant 0 : i32
      %max3A_635 = vector.broadcast %max3A_634 : i32 to vector<16xi32>
      %max3A_636 = arith.maxsi %sub3A_633, %max3A_635 : vector<16xi32>
      %reshape3A_637 = vector.shape_cast %max3A_636 : vector<16xi32> to vector<16x1xi32>
      %gather3A_638 = vector.shape_cast %reshape3A_637 : vector<16x1xi32> to vector<16xi32>
      %gather3A_639 = tpu.dynamic_gather %add3A_630[%gather3A_638] in [0] : vector<16xi32>, vector<16xi32> -> vector<16xi32>
      %sub3A_640 = arith.constant 1 : i32
      %sub3A_641 = vector.broadcast %sub3A_640 : i32 to vector<16xi32>
      %sub3A_642 = arith.subi %iota3A, %sub3A_641 : vector<16xi32>
      %max3A_643 = arith.constant 0 : i32
      %max3A_644 = vector.broadcast %max3A_643 : i32 to vector<16xi32>
      %max3A_645 = arith.maxsi %sub3A_642, %max3A_644 : vector<16xi32>
      %min3A_646 = arith.constant 1 : i32
      %min3A_647 = vector.broadcast %min3A_646 : i32 to vector<16xi32>
      %min3A_648 = arith.minsi %max3A_645, %min3A_647 : vector<16xi32>
      %mul3A_649 = arith.muli %gather3A_639, %min3A_648 : vector<16xi32>
      %add3A_650 = arith.addi %add3A_630, %mul3A_649 : vector<16xi32>
      %sub3A_651 = arith.constant 4 : i32
      %sub3A_652 = vector.broadcast %sub3A_651 : i32 to vector<16xi32>
      %sub3A_653 = arith.subi %iota3A, %sub3A_652 : vector<16xi32>
      %max3A_654 = arith.constant 0 : i32
      %max3A_655 = vector.broadcast %max3A_654 : i32 to vector<16xi32>
      %max3A_656 = arith.maxsi %sub3A_653, %max3A_655 : vector<16xi32>
      %reshape3A_657 = vector.shape_cast %max3A_656 : vector<16xi32> to vector<16x1xi32>
      %gather3A_658 = vector.shape_cast %reshape3A_657 : vector<16x1xi32> to vector<16xi32>
      %gather3A_659 = tpu.dynamic_gather %add3A_650[%gather3A_658] in [0] : vector<16xi32>, vector<16xi32> -> vector<16xi32>
      %sub3A_660 = arith.constant 3 : i32
      %sub3A_661 = vector.broadcast %sub3A_660 : i32 to vector<16xi32>
      %sub3A_662 = arith.subi %iota3A, %sub3A_661 : vector<16xi32>
      %max3A_663 = arith.constant 0 : i32
      %max3A_664 = vector.broadcast %max3A_663 : i32 to vector<16xi32>
      %max3A_665 = arith.maxsi %sub3A_662, %max3A_664 : vector<16xi32>
      %min3A_666 = arith.constant 1 : i32
      %min3A_667 = vector.broadcast %min3A_666 : i32 to vector<16xi32>
      %min3A_668 = arith.minsi %max3A_665, %min3A_667 : vector<16xi32>
      %mul3A_669 = arith.muli %gather3A_659, %min3A_668 : vector<16xi32>
      %add3A_670 = arith.addi %add3A_650, %mul3A_669 : vector<16xi32>
      %sub3A_671 = arith.constant 8 : i32
      %sub3A_672 = vector.broadcast %sub3A_671 : i32 to vector<16xi32>
      %sub3A_673 = arith.subi %iota3A, %sub3A_672 : vector<16xi32>
      %max3A_674 = arith.constant 0 : i32
      %max3A_675 = vector.broadcast %max3A_674 : i32 to vector<16xi32>
      %max3A_676 = arith.maxsi %sub3A_673, %max3A_675 : vector<16xi32>
      %reshape3A_677 = vector.shape_cast %max3A_676 : vector<16xi32> to vector<16x1xi32>
      %gather3A_678 = vector.shape_cast %reshape3A_677 : vector<16x1xi32> to vector<16xi32>
      %gather3A_679 = tpu.dynamic_gather %add3A_670[%gather3A_678] in [0] : vector<16xi32>, vector<16xi32> -> vector<16xi32>
      %sub3A_680 = arith.constant 7 : i32
      %sub3A_681 = vector.broadcast %sub3A_680 : i32 to vector<16xi32>
      %sub3A_682 = arith.subi %iota3A, %sub3A_681 : vector<16xi32>
      %max3A_683 = arith.constant 0 : i32
      %max3A_684 = vector.broadcast %max3A_683 : i32 to vector<16xi32>
      %max3A_685 = arith.maxsi %sub3A_682, %max3A_684 : vector<16xi32>
      %min3A_686 = arith.constant 1 : i32
      %min3A_687 = vector.broadcast %min3A_686 : i32 to vector<16xi32>
      %min3A_688 = arith.minsi %max3A_685, %min3A_687 : vector<16xi32>
      %mul3A_689 = arith.muli %gather3A_679, %min3A_688 : vector<16xi32>
      %add3A_690 = arith.addi %add3A_670, %mul3A_689 : vector<16xi32>
      %add3A_691 = arith.addi %while3A_61, %add3A_584 : vector<16xi32>
      %add3A_692 = arith.addi %add3A_691, %add3A_690 : vector<16xi32>
      %sub3A_693 = arith.subi %add3A_692, %get3A_590 : vector<16xi32>
      %mul3A_694 = arith.muli %sub3A_693, %get3A_590 : vector<16xi32>
      %sub3A_695 = arith.constant 1 : i32
      %sub3A_696 = vector.broadcast %sub3A_695 : i32 to vector<16xi32>
      %sub3A_697 = arith.subi %sub3A_696, %get3A_590 : vector<16xi32>
      %mul3A_698 = arith.constant 160000 : i32
      %mul3A_699 = vector.broadcast %mul3A_698 : i32 to vector<16xi32>
      %mul3A_700 = arith.muli %sub3A_697, %mul3A_699 : vector<16xi32>
      %add3A_701 = arith.addi %mul3A_694, %mul3A_700 : vector<16xi32>
      %swap3A_702 = arith.constant 64 : index
      %swap3A_703 = tpu.vector_load %arg21[%swap3A_702] {strides = array<i32>} : memref<128xi32, #tpu.memory_space<vmem>>, vector<16xi32>,
      %swap3A_704 = vector.shape_cast %swap3A_703 : vector<16xi32> to vector<16xi32>
      %swap3A_705 = vector.shape_cast %add3A_701 : vector<16xi32> to vector<16xi32>
      tpu.vector_store %arg21[%swap3A_702], %swap3A_705 {strides = array<i32>} : memref<128xi32, #tpu.memory_space<vmem>>, vector<16xi32>,
      %reshape3A_706 = vector.shape_cast %broadcast_in_dim3A_32 : vector<16xi32> to vector<16x1xi32>
      %gather3A_707 = vector.shape_cast %reshape3A_706 : vector<16x1xi32> to vector<16xi32>
      %gather3A_708 = tpu.dynamic_gather %add3A_690[%gather3A_707] in [0] : vector<16xi32>, vector<16xi32> -> vector<16xi32>
      %add3A_709 = arith.addi %add3A_584, %gather3A_708 : vector<16xi32>
      %get3A_710 = arith.constant 80 : index
      %get3A_711 = tpu.vector_load %arg17[%get3A_710] {strides = array<i32>} : memref<128xi32, #tpu.memory_space<vmem>>, vector<16xi32>,
      %get3A_712 = vector.shape_cast %get3A_711 : vector<16xi32> to vector<16xi32>
      %get3A_713 = arith.constant 80 : index
      %get3A_714 = tpu.vector_load %arg18[%get3A_713] {strides = array<i32>} : memref<128xi32, #tpu.memory_space<vmem>>, vector<16xi32>,
      %get3A_715 = vector.shape_cast %get3A_714 : vector<16xi32> to vector<16xi32>
      %mul3A_716 = arith.constant 1024 : i32
      %mul3A_717 = vector.broadcast %mul3A_716 : i32 to vector<16xi32>
      %mul3A_718 = arith.muli %get3A_715, %mul3A_717 : vector<16xi32>
      %add3A_719 = arith.addi %get3A_712, %mul3A_718 : vector<16xi32>
      %swap3A_720 = arith.constant 80 : index
      %swap3A_721 = tpu.vector_load %arg19[%swap3A_720] {strides = array<i32>} : memref<128xi32, #tpu.memory_space<vmem>>, vector<16xi32>,
      %swap3A_722 = vector.shape_cast %swap3A_721 : vector<16xi32> to vector<16xi32>
      %swap3A_723 = vector.shape_cast %add3A_719 : vector<16xi32> to vector<16xi32>
      tpu.vector_store %arg19[%swap3A_720], %swap3A_723 {strides = array<i32>} : memref<128xi32, #tpu.memory_space<vmem>>, vector<16xi32>,
      %mul3A_724 = arith.muli %get3A_712, %get3A_715 : vector<16xi32>
      %sub3A_725 = arith.constant 1 : i32
      %sub3A_726 = vector.broadcast %sub3A_725 : i32 to vector<16xi32>
      %sub3A_727 = arith.subi %sub3A_726, %get3A_715 : vector<16xi32>
      %mul3A_728 = arith.constant 1024 : i32
      %mul3A_729 = vector.broadcast %mul3A_728 : i32 to vector<16xi32>
      %mul3A_730 = arith.muli %sub3A_727, %mul3A_729 : vector<16xi32>
      %add3A_731 = arith.addi %mul3A_724, %mul3A_730 : vector<16xi32>
      %swap3A_732 = arith.constant 80 : index
      %swap3A_733 = tpu.vector_load %arg20[%swap3A_732] {strides = array<i32>} : memref<128xi32, #tpu.memory_space<vmem>>, vector<16xi32>,
      %swap3A_734 = vector.shape_cast %swap3A_733 : vector<16xi32> to vector<16xi32>
      %swap3A_735 = vector.shape_cast %add3A_731 : vector<16xi32> to vector<16xi32>
      tpu.vector_store %arg20[%swap3A_732], %swap3A_735 {strides = array<i32>} : memref<128xi32, #tpu.memory_space<vmem>>, vector<16xi32>,
      %sub3A_736 = arith.constant 1 : i32
      %sub3A_737 = vector.broadcast %sub3A_736 : i32 to vector<16xi32>
      %sub3A_738 = arith.subi %iota3A, %sub3A_737 : vector<16xi32>
      %max3A_739 = arith.constant 0 : i32
      %max3A_740 = vector.broadcast %max3A_739 : i32 to vector<16xi32>
      %max3A_741 = arith.maxsi %sub3A_738, %max3A_740 : vector<16xi32>
      %reshape3A_742 = vector.shape_cast %max3A_741 : vector<16xi32> to vector<16x1xi32>
      %gather3A_743 = vector.shape_cast %reshape3A_742 : vector<16x1xi32> to vector<16xi32>
      %gather3A_744 = tpu.dynamic_gather %get3A_715[%gather3A_743] in [0] : vector<16xi32>, vector<16xi32> -> vector<16xi32>
      %sub3A_745 = arith.constant 0 : i32
      %sub3A_746 = vector.broadcast %sub3A_745 : i32 to vector<16xi32>
      %sub3A_747 = arith.subi %iota3A, %sub3A_746 : vector<16xi32>
      %max3A_748 = arith.constant 0 : i32
      %max3A_749 = vector.broadcast %max3A_748 : i32 to vector<16xi32>
      %max3A_750 = arith.maxsi %sub3A_747, %max3A_749 : vector<16xi32>
      %min3A_751 = arith.constant 1 : i32
      %min3A_752 = vector.broadcast %min3A_751 : i32 to vector<16xi32>
      %min3A_753 = arith.minsi %max3A_750, %min3A_752 : vector<16xi32>
      %mul3A_754 = arith.muli %gather3A_744, %min3A_753 : vector<16xi32>
      %add3A_755 = arith.addi %get3A_715, %mul3A_754 : vector<16xi32>
      %sub3A_756 = arith.constant 2 : i32
      %sub3A_757 = vector.broadcast %sub3A_756 : i32 to vector<16xi32>
      %sub3A_758 = arith.subi %iota3A, %sub3A_757 : vector<16xi32>
      %max3A_759 = arith.constant 0 : i32
      %max3A_760 = vector.broadcast %max3A_759 : i32 to vector<16xi32>
      %max3A_761 = arith.maxsi %sub3A_758, %max3A_760 : vector<16xi32>
      %reshape3A_762 = vector.shape_cast %max3A_761 : vector<16xi32> to vector<16x1xi32>
      %gather3A_763 = vector.shape_cast %reshape3A_762 : vector<16x1xi32> to vector<16xi32>
      %gather3A_764 = tpu.dynamic_gather %add3A_755[%gather3A_763] in [0] : vector<16xi32>, vector<16xi32> -> vector<16xi32>
      %sub3A_765 = arith.constant 1 : i32
      %sub3A_766 = vector.broadcast %sub3A_765 : i32 to vector<16xi32>
      %sub3A_767 = arith.subi %iota3A, %sub3A_766 : vector<16xi32>
      %max3A_768 = arith.constant 0 : i32
      %max3A_769 = vector.broadcast %max3A_768 : i32 to vector<16xi32>
      %max3A_770 = arith.maxsi %sub3A_767, %max3A_769 : vector<16xi32>
      %min3A_771 = arith.constant 1 : i32
      %min3A_772 = vector.broadcast %min3A_771 : i32 to vector<16xi32>
      %min3A_773 = arith.minsi %max3A_770, %min3A_772 : vector<16xi32>
      %mul3A_774 = arith.muli %gather3A_764, %min3A_773 : vector<16xi32>
      %add3A_775 = arith.addi %add3A_755, %mul3A_774 : vector<16xi32>
      %sub3A_776 = arith.constant 4 : i32
      %sub3A_777 = vector.broadcast %sub3A_776 : i32 to vector<16xi32>
      %sub3A_778 = arith.subi %iota3A, %sub3A_777 : vector<16xi32>
      %max3A_779 = arith.constant 0 : i32
      %max3A_780 = vector.broadcast %max3A_779 : i32 to vector<16xi32>
      %max3A_781 = arith.maxsi %sub3A_778, %max3A_780 : vector<16xi32>
      %reshape3A_782 = vector.shape_cast %max3A_781 : vector<16xi32> to vector<16x1xi32>
      %gather3A_783 = vector.shape_cast %reshape3A_782 : vector<16x1xi32> to vector<16xi32>
      %gather3A_784 = tpu.dynamic_gather %add3A_775[%gather3A_783] in [0] : vector<16xi32>, vector<16xi32> -> vector<16xi32>
      %sub3A_785 = arith.constant 3 : i32
      %sub3A_786 = vector.broadcast %sub3A_785 : i32 to vector<16xi32>
      %sub3A_787 = arith.subi %iota3A, %sub3A_786 : vector<16xi32>
      %max3A_788 = arith.constant 0 : i32
      %max3A_789 = vector.broadcast %max3A_788 : i32 to vector<16xi32>
      %max3A_790 = arith.maxsi %sub3A_787, %max3A_789 : vector<16xi32>
      %min3A_791 = arith.constant 1 : i32
      %min3A_792 = vector.broadcast %min3A_791 : i32 to vector<16xi32>
      %min3A_793 = arith.minsi %max3A_790, %min3A_792 : vector<16xi32>
      %mul3A_794 = arith.muli %gather3A_784, %min3A_793 : vector<16xi32>
      %add3A_795 = arith.addi %add3A_775, %mul3A_794 : vector<16xi32>
      %sub3A_796 = arith.constant 8 : i32
      %sub3A_797 = vector.broadcast %sub3A_796 : i32 to vector<16xi32>
      %sub3A_798 = arith.subi %iota3A, %sub3A_797 : vector<16xi32>
      %max3A_799 = arith.constant 0 : i32
      %max3A_800 = vector.broadcast %max3A_799 : i32 to vector<16xi32>
      %max3A_801 = arith.maxsi %sub3A_798, %max3A_800 : vector<16xi32>
      %reshape3A_802 = vector.shape_cast %max3A_801 : vector<16xi32> to vector<16x1xi32>
      %gather3A_803 = vector.shape_cast %reshape3A_802 : vector<16x1xi32> to vector<16xi32>
      %gather3A_804 = tpu.dynamic_gather %add3A_795[%gather3A_803] in [0] : vector<16xi32>, vector<16xi32> -> vector<16xi32>
      %sub3A_805 = arith.constant 7 : i32
      %sub3A_806 = vector.broadcast %sub3A_805 : i32 to vector<16xi32>
      %sub3A_807 = arith.subi %iota3A, %sub3A_806 : vector<16xi32>
      %max3A_808 = arith.constant 0 : i32
      %max3A_809 = vector.broadcast %max3A_808 : i32 to vector<16xi32>
      %max3A_810 = arith.maxsi %sub3A_807, %max3A_809 : vector<16xi32>
      %min3A_811 = arith.constant 1 : i32
      %min3A_812 = vector.broadcast %min3A_811 : i32 to vector<16xi32>
      %min3A_813 = arith.minsi %max3A_810, %min3A_812 : vector<16xi32>
      %mul3A_814 = arith.muli %gather3A_804, %min3A_813 : vector<16xi32>
      %add3A_815 = arith.addi %add3A_795, %mul3A_814 : vector<16xi32>
      %add3A_816 = arith.addi %while3A_61, %add3A_709 : vector<16xi32>
      %add3A_817 = arith.addi %add3A_816, %add3A_815 : vector<16xi32>
      %sub3A_818 = arith.subi %add3A_817, %get3A_715 : vector<16xi32>
      %mul3A_819 = arith.muli %sub3A_818, %get3A_715 : vector<16xi32>
      %sub3A_820 = arith.constant 1 : i32
      %sub3A_821 = vector.broadcast %sub3A_820 : i32 to vector<16xi32>
      %sub3A_822 = arith.subi %sub3A_821, %get3A_715 : vector<16xi32>
      %mul3A_823 = arith.constant 160000 : i32
      %mul3A_824 = vector.broadcast %mul3A_823 : i32 to vector<16xi32>
      %mul3A_825 = arith.muli %sub3A_822, %mul3A_824 : vector<16xi32>
      %add3A_826 = arith.addi %mul3A_819, %mul3A_825 : vector<16xi32>
      %swap3A_827 = arith.constant 80 : index
      %swap3A_828 = tpu.vector_load %arg21[%swap3A_827] {strides = array<i32>} : memref<128xi32, #tpu.memory_space<vmem>>, vector<16xi32>,
      %swap3A_829 = vector.shape_cast %swap3A_828 : vector<16xi32> to vector<16xi32>
      %swap3A_830 = vector.shape_cast %add3A_826 : vector<16xi32> to vector<16xi32>
      tpu.vector_store %arg21[%swap3A_827], %swap3A_830 {strides = array<i32>} : memref<128xi32, #tpu.memory_space<vmem>>, vector<16xi32>,
      %reshape3A_831 = vector.shape_cast %broadcast_in_dim3A_32 : vector<16xi32> to vector<16x1xi32>
      %gather3A_832 = vector.shape_cast %reshape3A_831 : vector<16x1xi32> to vector<16xi32>
      %gather3A_833 = tpu.dynamic_gather %add3A_815[%gather3A_832] in [0] : vector<16xi32>, vector<16xi32> -> vector<16xi32>
      %add3A_834 = arith.addi %add3A_709, %gather3A_833 : vector<16xi32>
      %get3A_835 = arith.constant 96 : index
      %get3A_836 = tpu.vector_load %arg17[%get3A_835] {strides = array<i32>} : memref<128xi32, #tpu.memory_space<vmem>>, vector<16xi32>,
      %get3A_837 = vector.shape_cast %get3A_836 : vector<16xi32> to vector<16xi32>
      %get3A_838 = arith.constant 96 : index
      %get3A_839 = tpu.vector_load %arg18[%get3A_838] {strides = array<i32>} : memref<128xi32, #tpu.memory_space<vmem>>, vector<16xi32>,
      %get3A_840 = vector.shape_cast %get3A_839 : vector<16xi32> to vector<16xi32>
      %mul3A_841 = arith.constant 1024 : i32
      %mul3A_842 = vector.broadcast %mul3A_841 : i32 to vector<16xi32>
      %mul3A_843 = arith.muli %get3A_840, %mul3A_842 : vector<16xi32>
      %add3A_844 = arith.addi %get3A_837, %mul3A_843 : vector<16xi32>
      %swap3A_845 = arith.constant 96 : index
      %swap3A_846 = tpu.vector_load %arg19[%swap3A_845] {strides = array<i32>} : memref<128xi32, #tpu.memory_space<vmem>>, vector<16xi32>,
      %swap3A_847 = vector.shape_cast %swap3A_846 : vector<16xi32> to vector<16xi32>
      %swap3A_848 = vector.shape_cast %add3A_844 : vector<16xi32> to vector<16xi32>
      tpu.vector_store %arg19[%swap3A_845], %swap3A_848 {strides = array<i32>} : memref<128xi32, #tpu.memory_space<vmem>>, vector<16xi32>,
      %mul3A_849 = arith.muli %get3A_837, %get3A_840 : vector<16xi32>
      %sub3A_850 = arith.constant 1 : i32
      %sub3A_851 = vector.broadcast %sub3A_850 : i32 to vector<16xi32>
      %sub3A_852 = arith.subi %sub3A_851, %get3A_840 : vector<16xi32>
      %mul3A_853 = arith.constant 1024 : i32
      %mul3A_854 = vector.broadcast %mul3A_853 : i32 to vector<16xi32>
      %mul3A_855 = arith.muli %sub3A_852, %mul3A_854 : vector<16xi32>
      %add3A_856 = arith.addi %mul3A_849, %mul3A_855 : vector<16xi32>
      %swap3A_857 = arith.constant 96 : index
      %swap3A_858 = tpu.vector_load %arg20[%swap3A_857] {strides = array<i32>} : memref<128xi32, #tpu.memory_space<vmem>>, vector<16xi32>,
      %swap3A_859 = vector.shape_cast %swap3A_858 : vector<16xi32> to vector<16xi32>
      %swap3A_860 = vector.shape_cast %add3A_856 : vector<16xi32> to vector<16xi32>
      tpu.vector_store %arg20[%swap3A_857], %swap3A_860 {strides = array<i32>} : memref<128xi32, #tpu.memory_space<vmem>>, vector<16xi32>,
      %sub3A_861 = arith.constant 1 : i32
      %sub3A_862 = vector.broadcast %sub3A_861 : i32 to vector<16xi32>
      %sub3A_863 = arith.subi %iota3A, %sub3A_862 : vector<16xi32>
      %max3A_864 = arith.constant 0 : i32
      %max3A_865 = vector.broadcast %max3A_864 : i32 to vector<16xi32>
      %max3A_866 = arith.maxsi %sub3A_863, %max3A_865 : vector<16xi32>
      %reshape3A_867 = vector.shape_cast %max3A_866 : vector<16xi32> to vector<16x1xi32>
      %gather3A_868 = vector.shape_cast %reshape3A_867 : vector<16x1xi32> to vector<16xi32>
      %gather3A_869 = tpu.dynamic_gather %get3A_840[%gather3A_868] in [0] : vector<16xi32>, vector<16xi32> -> vector<16xi32>
      %sub3A_870 = arith.constant 0 : i32
      %sub3A_871 = vector.broadcast %sub3A_870 : i32 to vector<16xi32>
      %sub3A_872 = arith.subi %iota3A, %sub3A_871 : vector<16xi32>
      %max3A_873 = arith.constant 0 : i32
      %max3A_874 = vector.broadcast %max3A_873 : i32 to vector<16xi32>
      %max3A_875 = arith.maxsi %sub3A_872, %max3A_874 : vector<16xi32>
      %min3A_876 = arith.constant 1 : i32
      %min3A_877 = vector.broadcast %min3A_876 : i32 to vector<16xi32>
      %min3A_878 = arith.minsi %max3A_875, %min3A_877 : vector<16xi32>
      %mul3A_879 = arith.muli %gather3A_869, %min3A_878 : vector<16xi32>
      %add3A_880 = arith.addi %get3A_840, %mul3A_879 : vector<16xi32>
      %sub3A_881 = arith.constant 2 : i32
      %sub3A_882 = vector.broadcast %sub3A_881 : i32 to vector<16xi32>
      %sub3A_883 = arith.subi %iota3A, %sub3A_882 : vector<16xi32>
      %max3A_884 = arith.constant 0 : i32
      %max3A_885 = vector.broadcast %max3A_884 : i32 to vector<16xi32>
      %max3A_886 = arith.maxsi %sub3A_883, %max3A_885 : vector<16xi32>
      %reshape3A_887 = vector.shape_cast %max3A_886 : vector<16xi32> to vector<16x1xi32>
      %gather3A_888 = vector.shape_cast %reshape3A_887 : vector<16x1xi32> to vector<16xi32>
      %gather3A_889 = tpu.dynamic_gather %add3A_880[%gather3A_888] in [0] : vector<16xi32>, vector<16xi32> -> vector<16xi32>
      %sub3A_890 = arith.constant 1 : i32
      %sub3A_891 = vector.broadcast %sub3A_890 : i32 to vector<16xi32>
      %sub3A_892 = arith.subi %iota3A, %sub3A_891 : vector<16xi32>
      %max3A_893 = arith.constant 0 : i32
      %max3A_894 = vector.broadcast %max3A_893 : i32 to vector<16xi32>
      %max3A_895 = arith.maxsi %sub3A_892, %max3A_894 : vector<16xi32>
      %min3A_896 = arith.constant 1 : i32
      %min3A_897 = vector.broadcast %min3A_896 : i32 to vector<16xi32>
      %min3A_898 = arith.minsi %max3A_895, %min3A_897 : vector<16xi32>
      %mul3A_899 = arith.muli %gather3A_889, %min3A_898 : vector<16xi32>
      %add3A_900 = arith.addi %add3A_880, %mul3A_899 : vector<16xi32>
      %sub3A_901 = arith.constant 4 : i32
      %sub3A_902 = vector.broadcast %sub3A_901 : i32 to vector<16xi32>
      %sub3A_903 = arith.subi %iota3A, %sub3A_902 : vector<16xi32>
      %max3A_904 = arith.constant 0 : i32
      %max3A_905 = vector.broadcast %max3A_904 : i32 to vector<16xi32>
      %max3A_906 = arith.maxsi %sub3A_903, %max3A_905 : vector<16xi32>
      %reshape3A_907 = vector.shape_cast %max3A_906 : vector<16xi32> to vector<16x1xi32>
      %gather3A_908 = vector.shape_cast %reshape3A_907 : vector<16x1xi32> to vector<16xi32>
      %gather3A_909 = tpu.dynamic_gather %add3A_900[%gather3A_908] in [0] : vector<16xi32>, vector<16xi32> -> vector<16xi32>
      %sub3A_910 = arith.constant 3 : i32
      %sub3A_911 = vector.broadcast %sub3A_910 : i32 to vector<16xi32>
      %sub3A_912 = arith.subi %iota3A, %sub3A_911 : vector<16xi32>
      %max3A_913 = arith.constant 0 : i32
      %max3A_914 = vector.broadcast %max3A_913 : i32 to vector<16xi32>
      %max3A_915 = arith.maxsi %sub3A_912, %max3A_914 : vector<16xi32>
      %min3A_916 = arith.constant 1 : i32
      %min3A_917 = vector.broadcast %min3A_916 : i32 to vector<16xi32>
      %min3A_918 = arith.minsi %max3A_915, %min3A_917 : vector<16xi32>
      %mul3A_919 = arith.muli %gather3A_909, %min3A_918 : vector<16xi32>
      %add3A_920 = arith.addi %add3A_900, %mul3A_919 : vector<16xi32>
      %sub3A_921 = arith.constant 8 : i32
      %sub3A_922 = vector.broadcast %sub3A_921 : i32 to vector<16xi32>
      %sub3A_923 = arith.subi %iota3A, %sub3A_922 : vector<16xi32>
      %max3A_924 = arith.constant 0 : i32
      %max3A_925 = vector.broadcast %max3A_924 : i32 to vector<16xi32>
      %max3A_926 = arith.maxsi %sub3A_923, %max3A_925 : vector<16xi32>
      %reshape3A_927 = vector.shape_cast %max3A_926 : vector<16xi32> to vector<16x1xi32>
      %gather3A_928 = vector.shape_cast %reshape3A_927 : vector<16x1xi32> to vector<16xi32>
      %gather3A_929 = tpu.dynamic_gather %add3A_920[%gather3A_928] in [0] : vector<16xi32>, vector<16xi32> -> vector<16xi32>
      %sub3A_930 = arith.constant 7 : i32
      %sub3A_931 = vector.broadcast %sub3A_930 : i32 to vector<16xi32>
      %sub3A_932 = arith.subi %iota3A, %sub3A_931 : vector<16xi32>
      %max3A_933 = arith.constant 0 : i32
      %max3A_934 = vector.broadcast %max3A_933 : i32 to vector<16xi32>
      %max3A_935 = arith.maxsi %sub3A_932, %max3A_934 : vector<16xi32>
      %min3A_936 = arith.constant 1 : i32
      %min3A_937 = vector.broadcast %min3A_936 : i32 to vector<16xi32>
      %min3A_938 = arith.minsi %max3A_935, %min3A_937 : vector<16xi32>
      %mul3A_939 = arith.muli %gather3A_929, %min3A_938 : vector<16xi32>
      %add3A_940 = arith.addi %add3A_920, %mul3A_939 : vector<16xi32>
      %add3A_941 = arith.addi %while3A_61, %add3A_834 : vector<16xi32>
      %add3A_942 = arith.addi %add3A_941, %add3A_940 : vector<16xi32>
      %sub3A_943 = arith.subi %add3A_942, %get3A_840 : vector<16xi32>
      %mul3A_944 = arith.muli %sub3A_943, %get3A_840 : vector<16xi32>
      %sub3A_945 = arith.constant 1 : i32
      %sub3A_946 = vector.broadcast %sub3A_945 : i32 to vector<16xi32>
      %sub3A_947 = arith.subi %sub3A_946, %get3A_840 : vector<16xi32>
      %mul3A_948 = arith.constant 160000 : i32
      %mul3A_949 = vector.broadcast %mul3A_948 : i32 to vector<16xi32>
      %mul3A_950 = arith.muli %sub3A_947, %mul3A_949 : vector<16xi32>
      %add3A_951 = arith.addi %mul3A_944, %mul3A_950 : vector<16xi32>
      %swap3A_952 = arith.constant 96 : index
      %swap3A_953 = tpu.vector_load %arg21[%swap3A_952] {strides = array<i32>} : memref<128xi32, #tpu.memory_space<vmem>>, vector<16xi32>,
      %swap3A_954 = vector.shape_cast %swap3A_953 : vector<16xi32> to vector<16xi32>
      %swap3A_955 = vector.shape_cast %add3A_951 : vector<16xi32> to vector<16xi32>
      tpu.vector_store %arg21[%swap3A_952], %swap3A_955 {strides = array<i32>} : memref<128xi32, #tpu.memory_space<vmem>>, vector<16xi32>,
      %reshape3A_956 = vector.shape_cast %broadcast_in_dim3A_32 : vector<16xi32> to vector<16x1xi32>
      %gather3A_957 = vector.shape_cast %reshape3A_956 : vector<16x1xi32> to vector<16xi32>
      %gather3A_958 = tpu.dynamic_gather %add3A_940[%gather3A_957] in [0] : vector<16xi32>, vector<16xi32> -> vector<16xi32>
      %add3A_959 = arith.addi %add3A_834, %gather3A_958 : vector<16xi32>
      %get3A_960 = arith.constant 112 : index
      %get3A_961 = tpu.vector_load %arg17[%get3A_960] {strides = array<i32>} : memref<128xi32, #tpu.memory_space<vmem>>, vector<16xi32>,
      %get3A_962 = vector.shape_cast %get3A_961 : vector<16xi32> to vector<16xi32>
      %get3A_963 = arith.constant 112 : index
      %get3A_964 = tpu.vector_load %arg18[%get3A_963] {strides = array<i32>} : memref<128xi32, #tpu.memory_space<vmem>>, vector<16xi32>,
      %get3A_965 = vector.shape_cast %get3A_964 : vector<16xi32> to vector<16xi32>
      %mul3A_966 = arith.constant 1024 : i32
      %mul3A_967 = vector.broadcast %mul3A_966 : i32 to vector<16xi32>
      %mul3A_968 = arith.muli %get3A_965, %mul3A_967 : vector<16xi32>
      %add3A_969 = arith.addi %get3A_962, %mul3A_968 : vector<16xi32>
      %swap3A_970 = arith.constant 112 : index
      %swap3A_971 = tpu.vector_load %arg19[%swap3A_970] {strides = array<i32>} : memref<128xi32, #tpu.memory_space<vmem>>, vector<16xi32>,
      %swap3A_972 = vector.shape_cast %swap3A_971 : vector<16xi32> to vector<16xi32>
      %swap3A_973 = vector.shape_cast %add3A_969 : vector<16xi32> to vector<16xi32>
      tpu.vector_store %arg19[%swap3A_970], %swap3A_973 {strides = array<i32>} : memref<128xi32, #tpu.memory_space<vmem>>, vector<16xi32>,
      %mul3A_974 = arith.muli %get3A_962, %get3A_965 : vector<16xi32>
      %sub3A_975 = arith.constant 1 : i32
      %sub3A_976 = vector.broadcast %sub3A_975 : i32 to vector<16xi32>
      %sub3A_977 = arith.subi %sub3A_976, %get3A_965 : vector<16xi32>
      %mul3A_978 = arith.constant 1024 : i32
      %mul3A_979 = vector.broadcast %mul3A_978 : i32 to vector<16xi32>
      %mul3A_980 = arith.muli %sub3A_977, %mul3A_979 : vector<16xi32>
      %add3A_981 = arith.addi %mul3A_974, %mul3A_980 : vector<16xi32>
      %swap3A_982 = arith.constant 112 : index
      %swap3A_983 = tpu.vector_load %arg20[%swap3A_982] {strides = array<i32>} : memref<128xi32, #tpu.memory_space<vmem>>, vector<16xi32>,
      %swap3A_984 = vector.shape_cast %swap3A_983 : vector<16xi32> to vector<16xi32>
      %swap3A_985 = vector.shape_cast %add3A_981 : vector<16xi32> to vector<16xi32>
      tpu.vector_store %arg20[%swap3A_982], %swap3A_985 {strides = array<i32>} : memref<128xi32, #tpu.memory_space<vmem>>, vector<16xi32>,
      %sub3A_986 = arith.constant 1 : i32
      %sub3A_987 = vector.broadcast %sub3A_986 : i32 to vector<16xi32>
      %sub3A_988 = arith.subi %iota3A, %sub3A_987 : vector<16xi32>
      %max3A_989 = arith.constant 0 : i32
      %max3A_990 = vector.broadcast %max3A_989 : i32 to vector<16xi32>
      %max3A_991 = arith.maxsi %sub3A_988, %max3A_990 : vector<16xi32>
      %reshape3A_992 = vector.shape_cast %max3A_991 : vector<16xi32> to vector<16x1xi32>
      %gather3A_993 = vector.shape_cast %reshape3A_992 : vector<16x1xi32> to vector<16xi32>
      %gather3A_994 = tpu.dynamic_gather %get3A_965[%gather3A_993] in [0] : vector<16xi32>, vector<16xi32> -> vector<16xi32>
      %sub3A_995 = arith.constant 0 : i32
      %sub3A_996 = vector.broadcast %sub3A_995 : i32 to vector<16xi32>
      %sub3A_997 = arith.subi %iota3A, %sub3A_996 : vector<16xi32>
      %max3A_998 = arith.constant 0 : i32
      %max3A_999 = vector.broadcast %max3A_998 : i32 to vector<16xi32>
      %max3A_1000 = arith.maxsi %sub3A_997, %max3A_999 : vector<16xi32>
      %min3A_1001 = arith.constant 1 : i32
      %min3A_1002 = vector.broadcast %min3A_1001 : i32 to vector<16xi32>
      %min3A_1003 = arith.minsi %max3A_1000, %min3A_1002 : vector<16xi32>
      %mul3A_1004 = arith.muli %gather3A_994, %min3A_1003 : vector<16xi32>
      %add3A_1005 = arith.addi %get3A_965, %mul3A_1004 : vector<16xi32>
      %sub3A_1006 = arith.constant 2 : i32
      %sub3A_1007 = vector.broadcast %sub3A_1006 : i32 to vector<16xi32>
      %sub3A_1008 = arith.subi %iota3A, %sub3A_1007 : vector<16xi32>
      %max3A_1009 = arith.constant 0 : i32
      %max3A_1010 = vector.broadcast %max3A_1009 : i32 to vector<16xi32>
      %max3A_1011 = arith.maxsi %sub3A_1008, %max3A_1010 : vector<16xi32>
      %reshape3A_1012 = vector.shape_cast %max3A_1011 : vector<16xi32> to vector<16x1xi32>
      %gather3A_1013 = vector.shape_cast %reshape3A_1012 : vector<16x1xi32> to vector<16xi32>
      %gather3A_1014 = tpu.dynamic_gather %add3A_1005[%gather3A_1013] in [0] : vector<16xi32>, vector<16xi32> -> vector<16xi32>
      %sub3A_1015 = arith.constant 1 : i32
      %sub3A_1016 = vector.broadcast %sub3A_1015 : i32 to vector<16xi32>
      %sub3A_1017 = arith.subi %iota3A, %sub3A_1016 : vector<16xi32>
      %max3A_1018 = arith.constant 0 : i32
      %max3A_1019 = vector.broadcast %max3A_1018 : i32 to vector<16xi32>
      %max3A_1020 = arith.maxsi %sub3A_1017, %max3A_1019 : vector<16xi32>
      %min3A_1021 = arith.constant 1 : i32
      %min3A_1022 = vector.broadcast %min3A_1021 : i32 to vector<16xi32>
      %min3A_1023 = arith.minsi %max3A_1020, %min3A_1022 : vector<16xi32>
      %mul3A_1024 = arith.muli %gather3A_1014, %min3A_1023 : vector<16xi32>
      %add3A_1025 = arith.addi %add3A_1005, %mul3A_1024 : vector<16xi32>
      %sub3A_1026 = arith.constant 4 : i32
      %sub3A_1027 = vector.broadcast %sub3A_1026 : i32 to vector<16xi32>
      %sub3A_1028 = arith.subi %iota3A, %sub3A_1027 : vector<16xi32>
      %max3A_1029 = arith.constant 0 : i32
      %max3A_1030 = vector.broadcast %max3A_1029 : i32 to vector<16xi32>
      %max3A_1031 = arith.maxsi %sub3A_1028, %max3A_1030 : vector<16xi32>
      %reshape3A_1032 = vector.shape_cast %max3A_1031 : vector<16xi32> to vector<16x1xi32>
      %gather3A_1033 = vector.shape_cast %reshape3A_1032 : vector<16x1xi32> to vector<16xi32>
      %gather3A_1034 = tpu.dynamic_gather %add3A_1025[%gather3A_1033] in [0] : vector<16xi32>, vector<16xi32> -> vector<16xi32>
      %sub3A_1035 = arith.constant 3 : i32
      %sub3A_1036 = vector.broadcast %sub3A_1035 : i32 to vector<16xi32>
      %sub3A_1037 = arith.subi %iota3A, %sub3A_1036 : vector<16xi32>
      %max3A_1038 = arith.constant 0 : i32
      %max3A_1039 = vector.broadcast %max3A_1038 : i32 to vector<16xi32>
      %max3A_1040 = arith.maxsi %sub3A_1037, %max3A_1039 : vector<16xi32>
      %min3A_1041 = arith.constant 1 : i32
      %min3A_1042 = vector.broadcast %min3A_1041 : i32 to vector<16xi32>
      %min3A_1043 = arith.minsi %max3A_1040, %min3A_1042 : vector<16xi32>
      %mul3A_1044 = arith.muli %gather3A_1034, %min3A_1043 : vector<16xi32>
      %add3A_1045 = arith.addi %add3A_1025, %mul3A_1044 : vector<16xi32>
      %sub3A_1046 = arith.constant 8 : i32
      %sub3A_1047 = vector.broadcast %sub3A_1046 : i32 to vector<16xi32>
      %sub3A_1048 = arith.subi %iota3A, %sub3A_1047 : vector<16xi32>
      %max3A_1049 = arith.constant 0 : i32
      %max3A_1050 = vector.broadcast %max3A_1049 : i32 to vector<16xi32>
      %max3A_1051 = arith.maxsi %sub3A_1048, %max3A_1050 : vector<16xi32>
      %reshape3A_1052 = vector.shape_cast %max3A_1051 : vector<16xi32> to vector<16x1xi32>
      %gather3A_1053 = vector.shape_cast %reshape3A_1052 : vector<16x1xi32> to vector<16xi32>
      %gather3A_1054 = tpu.dynamic_gather %add3A_1045[%gather3A_1053] in [0] : vector<16xi32>, vector<16xi32> -> vector<16xi32>
      %sub3A_1055 = arith.constant 7 : i32
      %sub3A_1056 = vector.broadcast %sub3A_1055 : i32 to vector<16xi32>
      %sub3A_1057 = arith.subi %iota3A, %sub3A_1056 : vector<16xi32>
      %max3A_1058 = arith.constant 0 : i32
      %max3A_1059 = vector.broadcast %max3A_1058 : i32 to vector<16xi32>
      %max3A_1060 = arith.maxsi %sub3A_1057, %max3A_1059 : vector<16xi32>
      %min3A_1061 = arith.constant 1 : i32
      %min3A_1062 = vector.broadcast %min3A_1061 : i32 to vector<16xi32>
      %min3A_1063 = arith.minsi %max3A_1060, %min3A_1062 : vector<16xi32>
      %mul3A_1064 = arith.muli %gather3A_1054, %min3A_1063 : vector<16xi32>
      %add3A_1065 = arith.addi %add3A_1045, %mul3A_1064 : vector<16xi32>
      %add3A_1066 = arith.addi %while3A_61, %add3A_959 : vector<16xi32>
      %add3A_1067 = arith.addi %add3A_1066, %add3A_1065 : vector<16xi32>
      %sub3A_1068 = arith.subi %add3A_1067, %get3A_965 : vector<16xi32>
      %mul3A_1069 = arith.muli %sub3A_1068, %get3A_965 : vector<16xi32>
      %sub3A_1070 = arith.constant 1 : i32
      %sub3A_1071 = vector.broadcast %sub3A_1070 : i32 to vector<16xi32>
      %sub3A_1072 = arith.subi %sub3A_1071, %get3A_965 : vector<16xi32>
      %mul3A_1073 = arith.constant 160000 : i32
      %mul3A_1074 = vector.broadcast %mul3A_1073 : i32 to vector<16xi32>
      %mul3A_1075 = arith.muli %sub3A_1072, %mul3A_1074 : vector<16xi32>
      %add3A_1076 = arith.addi %mul3A_1069, %mul3A_1075 : vector<16xi32>
      %swap3A_1077 = arith.constant 112 : index
      %swap3A_1078 = tpu.vector_load %arg21[%swap3A_1077] {strides = array<i32>} : memref<128xi32, #tpu.memory_space<vmem>>, vector<16xi32>,
      %swap3A_1079 = vector.shape_cast %swap3A_1078 : vector<16xi32> to vector<16xi32>
      %swap3A_1080 = vector.shape_cast %add3A_1076 : vector<16xi32> to vector<16xi32>
      tpu.vector_store %arg21[%swap3A_1077], %swap3A_1080 {strides = array<i32>} : memref<128xi32, #tpu.memory_space<vmem>>, vector<16xi32>,
      %reshape3A_1081 = vector.shape_cast %broadcast_in_dim3A_32 : vector<16xi32> to vector<16x1xi32>
      %gather3A_1082 = vector.shape_cast %reshape3A_1081 : vector<16x1xi32> to vector<16xi32>
      %gather3A_1083 = tpu.dynamic_gather %add3A_1065[%gather3A_1082] in [0] : vector<16xi32>, vector<16xi32> -> vector<16xi32>
      %add3A_1084 = arith.addi %add3A_959, %gather3A_1083 : vector<16xi32>
      %dma_start3A_1085 = arith.constant 0 : i32
      %dma_start3A_1086 = arith.constant 0 : i32
      %dma_start3A_1087 = tpu.memref_slice %arg8[%dma_start3A_1085, %dma_start3A_1086] : memref<160000x128xf32, #tpu.memory_space<hbm>> -> memref<160000x128xf32, #tpu.memory_space<hbm>>
      %dma_start3A_1088 = arith.constant 160000 : i32
      tpu.enqueue_indirect_dma source(%dma_start3A_1087 : memref<160000x128xf32, #tpu.memory_space<hbm>>) target(%arg16 : memref<128x128xf32, #tpu.memory_space<vmem>>) offsets(%arg21 : memref<128xi32, #tpu.memory_space<vmem>>) offset_filter(%dma_start3A_1088) semaphore(%arg30 : memref<!tpu.dma_semaphore, #tpu.memory_space<semaphore_mem>>)
      %dma_wait3A_1089 = arith.constant 0 : i32
      %dma_wait3A_1090 = tpu.memref_slice %arg5[%multiple_of3A_65, %dma_wait3A_1089] : memref<80000x256xf32, #tpu.memory_space<hbm>> -> memref<128x128xf32, #tpu.memory_space<hbm>>
      %dma_wait3A_1091 = arith.constant 0 : i32
      %dma_wait3A_1092 = tpu.memref_slice %arg5[%multiple_of3A_65, %dma_wait3A_1091] : memref<80000x256xf32, #tpu.memory_space<hbm>> -> memref<128x128xf32, #tpu.memory_space<hbm>>
      tpu.wait_dma2 semaphore(%arg28 : memref<!tpu.dma_semaphore, #tpu.memory_space<semaphore_mem>>) src(%dma_wait3A_1092 : memref<128x128xf32, #tpu.memory_space<hbm>>) dst(%arg14 : memref<128x128xf32, #tpu.memory_space<vmem>>)
      %dma_start3A_1093 = arith.constant 0 : i32
      %dma_start3A_1094 = arith.constant 0 : i32
      %dma_start3A_1095 = tpu.memref_slice %arg24[%dma_start3A_1093, %dma_start3A_1094] : memref<2048x128xf32, #tpu.memory_space<vmem_shared>> -> memref<2048x128xf32, #tpu.memory_space<vmem_shared>>
      tpu.enqueue_indirect_dma source(%arg14 : memref<128x128xf32, #tpu.memory_space<vmem>>) target(%dma_start3A_1095 : memref<2048x128xf32, #tpu.memory_space<vmem_shared>>) offsets(%arg19 : memref<128xi32, #tpu.memory_space<vmem>>) semaphore(%arg34 : memref<!tpu.dma_semaphore, #tpu.memory_space<semaphore_mem>>) {add = true}
      %dma_wait3A_1096 = arith.constant 128 : i32
      %dma_wait3A_1097 = tpu.memref_slice %arg5[%multiple_of3A_65, %dma_wait3A_1096] : memref<80000x256xf32, #tpu.memory_space<hbm>> -> memref<128x128xf32, #tpu.memory_space<hbm>>
      %dma_wait3A_1098 = arith.constant 128 : i32
      %dma_wait3A_1099 = tpu.memref_slice %arg5[%multiple_of3A_65, %dma_wait3A_1098] : memref<80000x256xf32, #tpu.memory_space<hbm>> -> memref<128x128xf32, #tpu.memory_space<hbm>>
      tpu.wait_dma2 semaphore(%arg29 : memref<!tpu.dma_semaphore, #tpu.memory_space<semaphore_mem>>) src(%dma_wait3A_1099 : memref<128x128xf32, #tpu.memory_space<hbm>>) dst(%arg15 : memref<128x128xf32, #tpu.memory_space<vmem>>)
      %dma_start3A_1100 = arith.constant 0 : i32
      %dma_start3A_1101 = arith.constant 0 : i32
      %dma_start3A_1102 = tpu.memref_slice %arg25[%dma_start3A_1100, %dma_start3A_1101] : memref<2048x128xf32, #tpu.memory_space<vmem_shared>> -> memref<2048x128xf32, #tpu.memory_space<vmem_shared>>
      tpu.enqueue_indirect_dma source(%arg15 : memref<128x128xf32, #tpu.memory_space<vmem>>) target(%dma_start3A_1102 : memref<2048x128xf32, #tpu.memory_space<vmem_shared>>) offsets(%arg19 : memref<128xi32, #tpu.memory_space<vmem>>) semaphore(%arg35 : memref<!tpu.dma_semaphore, #tpu.memory_space<semaphore_mem>>) {add = true}
      %dma_start3A_1103 = arith.constant 0 : i32
      %dma_start3A_1104 = arith.constant 0 : i32
      %dma_start3A_1105 = tpu.memref_slice %arg27[%dma_start3A_1103, %dma_start3A_1104] : memref<2048x16xf32, #tpu.memory_space<vmem_shared>> -> memref<2048x16xf32, #tpu.memory_space<vmem_shared>>
      tpu.enqueue_indirect_dma source(%arg23 : memref<128x16xf32, #tpu.memory_space<vmem>>) target(%dma_start3A_1105 : memref<2048x16xf32, #tpu.memory_space<vmem_shared>>) offsets(%arg19 : memref<128xi32, #tpu.memory_space<vmem>>) semaphore(%arg36 : memref<!tpu.dma_semaphore, #tpu.memory_space<semaphore_mem>>) {add = true}
      %dma_wait3A_1106 = arith.constant 0 : i32
      %dma_wait3A_1107 = arith.constant 0 : i32
      %dma_wait3A_1108 = tpu.memref_slice %arg8[%dma_wait3A_1106, %dma_wait3A_1107] : memref<160000x128xf32, #tpu.memory_space<hbm>> -> memref<160000x128xf32, #tpu.memory_space<hbm>>
      tpu.wait_indirect_dma semaphore(%arg30 : memref<!tpu.dma_semaphore, #tpu.memory_space<semaphore_mem>>) src(%dma_wait3A_1108 : memref<160000x128xf32, #tpu.memory_space<hbm>>) dst(%arg16 : memref<128x128xf32, #tpu.memory_space<vmem>>)
      %dma_start3A_1109 = arith.constant 0 : i32
      %dma_start3A_1110 = arith.constant 0 : i32
      %dma_start3A_1111 = tpu.memref_slice %arg26[%dma_start3A_1109, %dma_start3A_1110] : memref<1152x128xf32, #tpu.memory_space<vmem_shared>> -> memref<1152x128xf32, #tpu.memory_space<vmem_shared>>
      %dma_start3A_1112 = arith.constant 1024 : i32
      tpu.enqueue_indirect_dma source(%arg16 : memref<128x128xf32, #tpu.memory_space<vmem>>) target(%dma_start3A_1111 : memref<1152x128xf32, #tpu.memory_space<vmem_shared>>) offsets(%arg20 : memref<128xi32, #tpu.memory_space<vmem>>) offset_filter(%dma_start3A_1112) semaphore(%arg37 : memref<!tpu.dma_semaphore, #tpu.memory_space<semaphore_mem>>) {add = true}
      %dma_wait3A_1113 = arith.constant 0 : i32
      %dma_wait3A_1114 = arith.constant 0 : i32
      %dma_wait3A_1115 = tpu.memref_slice %arg24[%dma_wait3A_1113, %dma_wait3A_1114] : memref<2048x128xf32, #tpu.memory_space<vmem_shared>> -> memref<2048x128xf32, #tpu.memory_space<vmem_shared>>
      tpu.wait_indirect_dma semaphore(%arg34 : memref<!tpu.dma_semaphore, #tpu.memory_space<semaphore_mem>>) src(%arg14 : memref<128x128xf32, #tpu.memory_space<vmem>>) dst(%dma_wait3A_1115 : memref<2048x128xf32, #tpu.memory_space<vmem_shared>>)
      %dma_wait3A_1116 = arith.constant 0 : i32
      %dma_wait3A_1117 = arith.constant 0 : i32
      %dma_wait3A_1118 = tpu.memref_slice %arg25[%dma_wait3A_1116, %dma_wait3A_1117] : memref<2048x128xf32, #tpu.memory_space<vmem_shared>> -> memref<2048x128xf32, #tpu.memory_space<vmem_shared>>
      tpu.wait_indirect_dma semaphore(%arg35 : memref<!tpu.dma_semaphore, #tpu.memory_space<semaphore_mem>>) src(%arg15 : memref<128x128xf32, #tpu.memory_space<vmem>>) dst(%dma_wait3A_1118 : memref<2048x128xf32, #tpu.memory_space<vmem_shared>>)
      %dma_wait3A_1119 = arith.constant 0 : i32
      %dma_wait3A_1120 = arith.constant 0 : i32
      %dma_wait3A_1121 = tpu.memref_slice %arg27[%dma_wait3A_1119, %dma_wait3A_1120] : memref<2048x16xf32, #tpu.memory_space<vmem_shared>> -> memref<2048x16xf32, #tpu.memory_space<vmem_shared>>
      tpu.wait_indirect_dma semaphore(%arg36 : memref<!tpu.dma_semaphore, #tpu.memory_space<semaphore_mem>>) src(%arg23 : memref<128x16xf32, #tpu.memory_space<vmem>>) dst(%dma_wait3A_1121 : memref<2048x16xf32, #tpu.memory_space<vmem_shared>>)
      %dma_wait3A_1122 = arith.constant 0 : i32
      %dma_wait3A_1123 = arith.constant 0 : i32
      %dma_wait3A_1124 = tpu.memref_slice %arg26[%dma_wait3A_1122, %dma_wait3A_1123] : memref<1152x128xf32, #tpu.memory_space<vmem_shared>> -> memref<1152x128xf32, #tpu.memory_space<vmem_shared>>
      tpu.wait_indirect_dma semaphore(%arg37 : memref<!tpu.dma_semaphore, #tpu.memory_space<semaphore_mem>>) src(%arg16 : memref<128x128xf32, #tpu.memory_space<vmem>>) dst(%dma_wait3A_1124 : memref<1152x128xf32, #tpu.memory_space<vmem_shared>>)
      %add3A_1125 = arith.addi %while3A_61, %add3A_1084 : vector<16xi32>
      scf.yield %add3A_1125 : vector<16xi32>
    }
    %while3A_41 = arith.constant 1 : i32
    %while3A_42 = scf.for %while3A_60 = %while3A_38 to %while3A_34 step %while3A_41 iter_args(%while3A_61 = %while3A_40) -> (vector<16xi32>)  : i32 {
      %add3A_62 = arith.addi %add3A_20, %while3A_60 : i32
      %mul3A_63 = arith.constant 128 : i32
      %mul3A_64 = arith.muli %add3A_62, %mul3A_63 : i32
      %multiple_of3A_65 = tpu.assume_multiple %mul3A_64, 128 : i32
      %dma_start3A_66 = arith.constant 0 : i32
      %dma_start3A_67 = tpu.memref_slice %arg5[%multiple_of3A_65, %dma_start3A_66] : memref<80000x256xf32, #tpu.memory_space<hbm>> -> memref<128x128xf32, #tpu.memory_space<hbm>>
      %dma_start3A_68 = arith.constant 0 : i32
      %dma_start3A_69 = tpu.memref_slice %arg5[%multiple_of3A_65, %dma_start3A_68] : memref<80000x256xf32, #tpu.memory_space<hbm>> -> memref<128x128xf32, #tpu.memory_space<hbm>>
      tpu.enqueue_dma source(%dma_start3A_69 : memref<128x128xf32, #tpu.memory_space<hbm>>) target(%arg14 : memref<128x128xf32, #tpu.memory_space<vmem>>) target_semaphore(%arg28 : memref<!tpu.dma_semaphore, #tpu.memory_space<semaphore_mem>>)
      %dma_start3A_70 = arith.constant 128 : i32
      %dma_start3A_71 = tpu.memref_slice %arg5[%multiple_of3A_65, %dma_start3A_70] : memref<80000x256xf32, #tpu.memory_space<hbm>> -> memref<128x128xf32, #tpu.memory_space<hbm>>
      %dma_start3A_72 = arith.constant 128 : i32
      %dma_start3A_73 = tpu.memref_slice %arg5[%multiple_of3A_65, %dma_start3A_72] : memref<80000x256xf32, #tpu.memory_space<hbm>> -> memref<128x128xf32, #tpu.memory_space<hbm>>
      tpu.enqueue_dma source(%dma_start3A_73 : memref<128x128xf32, #tpu.memory_space<hbm>>) target(%arg15 : memref<128x128xf32, #tpu.memory_space<vmem>>) target_semaphore(%arg29 : memref<!tpu.dma_semaphore, #tpu.memory_space<semaphore_mem>>)
      %add3A_74 = arith.constant 0 : i32
      %add3A_75 = arith.addi %multiple_of3A_65, %add3A_74 : i32
      %multiple_of3A_76 = tpu.assume_multiple %add3A_75, 128 : i32
      %dma_start3A_77 = tpu.memref_slice %arg6[%multiple_of3A_76] : memref<160000xi32, #tpu.memory_space<hbm>> -> memref<128xi32, #tpu.memory_space<hbm>>
      %dma_start3A_78 = tpu.memref_slice %arg6[%multiple_of3A_76] : memref<160000xi32, #tpu.memory_space<hbm>> -> memref<128xi32, #tpu.memory_space<hbm>>
      tpu.enqueue_dma source(%dma_start3A_78 : memref<128xi32, #tpu.memory_space<hbm>>) target(%arg17 : memref<128xi32, #tpu.memory_space<vmem>>) target_semaphore(%arg31 : memref<!tpu.dma_semaphore, #tpu.memory_space<semaphore_mem>>)
      %dma_start3A_79 = tpu.memref_slice %arg7[%multiple_of3A_76] : memref<160000xi32, #tpu.memory_space<hbm>> -> memref<128xi32, #tpu.memory_space<hbm>>
      %dma_start3A_80 = tpu.memref_slice %arg7[%multiple_of3A_76] : memref<160000xi32, #tpu.memory_space<hbm>> -> memref<128xi32, #tpu.memory_space<hbm>>
      tpu.enqueue_dma source(%dma_start3A_80 : memref<128xi32, #tpu.memory_space<hbm>>) target(%arg18 : memref<128xi32, #tpu.memory_space<vmem>>) target_semaphore(%arg32 : memref<!tpu.dma_semaphore, #tpu.memory_space<semaphore_mem>>)
      %dma_wait3A_81 = tpu.memref_slice %arg6[%multiple_of3A_76] : memref<160000xi32, #tpu.memory_space<hbm>> -> memref<128xi32, #tpu.memory_space<hbm>>
      %dma_wait3A_82 = tpu.memref_slice %arg6[%multiple_of3A_76] : memref<160000xi32, #tpu.memory_space<hbm>> -> memref<128xi32, #tpu.memory_space<hbm>>
      tpu.wait_dma2 semaphore(%arg31 : memref<!tpu.dma_semaphore, #tpu.memory_space<semaphore_mem>>) src(%dma_wait3A_82 : memref<128xi32, #tpu.memory_space<hbm>>) dst(%arg17 : memref<128xi32, #tpu.memory_space<vmem>>)
      %dma_wait3A_83 = tpu.memref_slice %arg7[%multiple_of3A_76] : memref<160000xi32, #tpu.memory_space<hbm>> -> memref<128xi32, #tpu.memory_space<hbm>>
      %dma_wait3A_84 = tpu.memref_slice %arg7[%multiple_of3A_76] : memref<160000xi32, #tpu.memory_space<hbm>> -> memref<128xi32, #tpu.memory_space<hbm>>
      tpu.wait_dma2 semaphore(%arg32 : memref<!tpu.dma_semaphore, #tpu.memory_space<semaphore_mem>>) src(%dma_wait3A_84 : memref<128xi32, #tpu.memory_space<hbm>>) dst(%arg18 : memref<128xi32, #tpu.memory_space<vmem>>)
      %broadcast_in_dim3A_85 = arith.constant 0 : i32
      %broadcast_in_dim3A_86 = vector.broadcast %broadcast_in_dim3A_85 : i32 to vector<16xi32>
      %get3A_87 = arith.constant 0 : index
      %get3A_88 = tpu.vector_load %arg17[%get3A_87] {strides = array<i32>} : memref<128xi32, #tpu.memory_space<vmem>>, vector<16xi32>,
      %get3A_89 = vector.shape_cast %get3A_88 : vector<16xi32> to vector<16xi32>
      %get3A_90 = arith.constant 0 : index
      %get3A_91 = tpu.vector_load %arg18[%get3A_90] {strides = array<i32>} : memref<128xi32, #tpu.memory_space<vmem>>, vector<16xi32>,
      %get3A_92 = vector.shape_cast %get3A_91 : vector<16xi32> to vector<16xi32>
      %mul3A_93 = arith.constant 1024 : i32
      %mul3A_94 = vector.broadcast %mul3A_93 : i32 to vector<16xi32>
      %mul3A_95 = arith.muli %get3A_92, %mul3A_94 : vector<16xi32>
      %add3A_96 = arith.addi %get3A_89, %mul3A_95 : vector<16xi32>
      %swap3A = arith.constant 0 : index
      %swap3A_97 = tpu.vector_load %arg19[%swap3A] {strides = array<i32>} : memref<128xi32, #tpu.memory_space<vmem>>, vector<16xi32>,
      %swap3A_98 = vector.shape_cast %swap3A_97 : vector<16xi32> to vector<16xi32>
      %swap3A_99 = vector.shape_cast %add3A_96 : vector<16xi32> to vector<16xi32>
      tpu.vector_store %arg19[%swap3A], %swap3A_99 {strides = array<i32>} : memref<128xi32, #tpu.memory_space<vmem>>, vector<16xi32>,
      %mul3A_100 = arith.muli %get3A_89, %get3A_92 : vector<16xi32>
      %sub3A_101 = arith.constant 1 : i32
      %sub3A_102 = vector.broadcast %sub3A_101 : i32 to vector<16xi32>
      %sub3A_103 = arith.subi %sub3A_102, %get3A_92 : vector<16xi32>
      %mul3A_104 = arith.constant 1024 : i32
      %mul3A_105 = vector.broadcast %mul3A_104 : i32 to vector<16xi32>
      %mul3A_106 = arith.muli %sub3A_103, %mul3A_105 : vector<16xi32>
      %add3A_107 = arith.addi %mul3A_100, %mul3A_106 : vector<16xi32>
      %swap3A_108 = arith.constant 0 : index
      %swap3A_109 = tpu.vector_load %arg20[%swap3A_108] {strides = array<i32>} : memref<128xi32, #tpu.memory_space<vmem>>, vector<16xi32>,
      %swap3A_110 = vector.shape_cast %swap3A_109 : vector<16xi32> to vector<16xi32>
      %swap3A_111 = vector.shape_cast %add3A_107 : vector<16xi32> to vector<16xi32>
      tpu.vector_store %arg20[%swap3A_108], %swap3A_111 {strides = array<i32>} : memref<128xi32, #tpu.memory_space<vmem>>, vector<16xi32>,
      %sub3A_112 = arith.constant 1 : i32
      %sub3A_113 = vector.broadcast %sub3A_112 : i32 to vector<16xi32>
      %sub3A_114 = arith.subi %iota3A, %sub3A_113 : vector<16xi32>
      %max3A = arith.constant 0 : i32
      %max3A_115 = vector.broadcast %max3A : i32 to vector<16xi32>
      %max3A_116 = arith.maxsi %sub3A_114, %max3A_115 : vector<16xi32>
      %reshape3A_117 = vector.shape_cast %max3A_116 : vector<16xi32> to vector<16x1xi32>
      %gather3A_118 = vector.shape_cast %reshape3A_117 : vector<16x1xi32> to vector<16xi32>
      %gather3A_119 = tpu.dynamic_gather %get3A_92[%gather3A_118] in [0] : vector<16xi32>, vector<16xi32> -> vector<16xi32>
      %sub3A_120 = arith.constant 0 : i32
      %sub3A_121 = vector.broadcast %sub3A_120 : i32 to vector<16xi32>
      %sub3A_122 = arith.subi %iota3A, %sub3A_121 : vector<16xi32>
      %max3A_123 = arith.constant 0 : i32
      %max3A_124 = vector.broadcast %max3A_123 : i32 to vector<16xi32>
      %max3A_125 = arith.maxsi %sub3A_122, %max3A_124 : vector<16xi32>
      %min3A_126 = arith.constant 1 : i32
      %min3A_127 = vector.broadcast %min3A_126 : i32 to vector<16xi32>
      %min3A_128 = arith.minsi %max3A_125, %min3A_127 : vector<16xi32>
      %mul3A_129 = arith.muli %gather3A_119, %min3A_128 : vector<16xi32>
      %add3A_130 = arith.addi %get3A_92, %mul3A_129 : vector<16xi32>
      %sub3A_131 = arith.constant 2 : i32
      %sub3A_132 = vector.broadcast %sub3A_131 : i32 to vector<16xi32>
      %sub3A_133 = arith.subi %iota3A, %sub3A_132 : vector<16xi32>
      %max3A_134 = arith.constant 0 : i32
      %max3A_135 = vector.broadcast %max3A_134 : i32 to vector<16xi32>
      %max3A_136 = arith.maxsi %sub3A_133, %max3A_135 : vector<16xi32>
      %reshape3A_137 = vector.shape_cast %max3A_136 : vector<16xi32> to vector<16x1xi32>
      %gather3A_138 = vector.shape_cast %reshape3A_137 : vector<16x1xi32> to vector<16xi32>
      %gather3A_139 = tpu.dynamic_gather %add3A_130[%gather3A_138] in [0] : vector<16xi32>, vector<16xi32> -> vector<16xi32>
      %sub3A_140 = arith.constant 1 : i32
      %sub3A_141 = vector.broadcast %sub3A_140 : i32 to vector<16xi32>
      %sub3A_142 = arith.subi %iota3A, %sub3A_141 : vector<16xi32>
      %max3A_143 = arith.constant 0 : i32
      %max3A_144 = vector.broadcast %max3A_143 : i32 to vector<16xi32>
      %max3A_145 = arith.maxsi %sub3A_142, %max3A_144 : vector<16xi32>
      %min3A_146 = arith.constant 1 : i32
      %min3A_147 = vector.broadcast %min3A_146 : i32 to vector<16xi32>
      %min3A_148 = arith.minsi %max3A_145, %min3A_147 : vector<16xi32>
      %mul3A_149 = arith.muli %gather3A_139, %min3A_148 : vector<16xi32>
      %add3A_150 = arith.addi %add3A_130, %mul3A_149 : vector<16xi32>
      %sub3A_151 = arith.constant 4 : i32
      %sub3A_152 = vector.broadcast %sub3A_151 : i32 to vector<16xi32>
      %sub3A_153 = arith.subi %iota3A, %sub3A_152 : vector<16xi32>
      %max3A_154 = arith.constant 0 : i32
      %max3A_155 = vector.broadcast %max3A_154 : i32 to vector<16xi32>
      %max3A_156 = arith.maxsi %sub3A_153, %max3A_155 : vector<16xi32>
      %reshape3A_157 = vector.shape_cast %max3A_156 : vector<16xi32> to vector<16x1xi32>
      %gather3A_158 = vector.shape_cast %reshape3A_157 : vector<16x1xi32> to vector<16xi32>
      %gather3A_159 = tpu.dynamic_gather %add3A_150[%gather3A_158] in [0] : vector<16xi32>, vector<16xi32> -> vector<16xi32>
      %sub3A_160 = arith.constant 3 : i32
      %sub3A_161 = vector.broadcast %sub3A_160 : i32 to vector<16xi32>
      %sub3A_162 = arith.subi %iota3A, %sub3A_161 : vector<16xi32>
      %max3A_163 = arith.constant 0 : i32
      %max3A_164 = vector.broadcast %max3A_163 : i32 to vector<16xi32>
      %max3A_165 = arith.maxsi %sub3A_162, %max3A_164 : vector<16xi32>
      %min3A_166 = arith.constant 1 : i32
      %min3A_167 = vector.broadcast %min3A_166 : i32 to vector<16xi32>
      %min3A_168 = arith.minsi %max3A_165, %min3A_167 : vector<16xi32>
      %mul3A_169 = arith.muli %gather3A_159, %min3A_168 : vector<16xi32>
      %add3A_170 = arith.addi %add3A_150, %mul3A_169 : vector<16xi32>
      %sub3A_171 = arith.constant 8 : i32
      %sub3A_172 = vector.broadcast %sub3A_171 : i32 to vector<16xi32>
      %sub3A_173 = arith.subi %iota3A, %sub3A_172 : vector<16xi32>
      %max3A_174 = arith.constant 0 : i32
      %max3A_175 = vector.broadcast %max3A_174 : i32 to vector<16xi32>
      %max3A_176 = arith.maxsi %sub3A_173, %max3A_175 : vector<16xi32>
      %reshape3A_177 = vector.shape_cast %max3A_176 : vector<16xi32> to vector<16x1xi32>
      %gather3A_178 = vector.shape_cast %reshape3A_177 : vector<16x1xi32> to vector<16xi32>
      %gather3A_179 = tpu.dynamic_gather %add3A_170[%gather3A_178] in [0] : vector<16xi32>, vector<16xi32> -> vector<16xi32>
      %sub3A_180 = arith.constant 7 : i32
      %sub3A_181 = vector.broadcast %sub3A_180 : i32 to vector<16xi32>
      %sub3A_182 = arith.subi %iota3A, %sub3A_181 : vector<16xi32>
      %max3A_183 = arith.constant 0 : i32
      %max3A_184 = vector.broadcast %max3A_183 : i32 to vector<16xi32>
      %max3A_185 = arith.maxsi %sub3A_182, %max3A_184 : vector<16xi32>
      %min3A_186 = arith.constant 1 : i32
      %min3A_187 = vector.broadcast %min3A_186 : i32 to vector<16xi32>
      %min3A_188 = arith.minsi %max3A_185, %min3A_187 : vector<16xi32>
      %mul3A_189 = arith.muli %gather3A_179, %min3A_188 : vector<16xi32>
      %add3A_190 = arith.addi %add3A_170, %mul3A_189 : vector<16xi32>
      %add3A_191 = arith.addi %while3A_61, %broadcast_in_dim3A_86 : vector<16xi32>
      %add3A_192 = arith.addi %add3A_191, %add3A_190 : vector<16xi32>
      %sub3A_193 = arith.subi %add3A_192, %get3A_92 : vector<16xi32>
      %mul3A_194 = arith.muli %sub3A_193, %get3A_92 : vector<16xi32>
      %sub3A_195 = arith.constant 1 : i32
      %sub3A_196 = vector.broadcast %sub3A_195 : i32 to vector<16xi32>
      %sub3A_197 = arith.subi %sub3A_196, %get3A_92 : vector<16xi32>
      %mul3A_198 = arith.constant 160000 : i32
      %mul3A_199 = vector.broadcast %mul3A_198 : i32 to vector<16xi32>
      %mul3A_200 = arith.muli %sub3A_197, %mul3A_199 : vector<16xi32>
      %add3A_201 = arith.addi %mul3A_194, %mul3A_200 : vector<16xi32>
      %swap3A_202 = arith.constant 0 : index
      %swap3A_203 = tpu.vector_load %arg21[%swap3A_202] {strides = array<i32>} : memref<128xi32, #tpu.memory_space<vmem>>, vector<16xi32>,
      %swap3A_204 = vector.shape_cast %swap3A_203 : vector<16xi32> to vector<16xi32>
      %swap3A_205 = vector.shape_cast %add3A_201 : vector<16xi32> to vector<16xi32>
      tpu.vector_store %arg21[%swap3A_202], %swap3A_205 {strides = array<i32>} : memref<128xi32, #tpu.memory_space<vmem>>, vector<16xi32>,
      %reshape3A_206 = vector.shape_cast %broadcast_in_dim3A_32 : vector<16xi32> to vector<16x1xi32>
      %gather3A_207 = vector.shape_cast %reshape3A_206 : vector<16x1xi32> to vector<16xi32>
      %gather3A_208 = tpu.dynamic_gather %add3A_190[%gather3A_207] in [0] : vector<16xi32>, vector<16xi32> -> vector<16xi32>
      %add3A_209 = arith.addi %broadcast_in_dim3A_86, %gather3A_208 : vector<16xi32>
      %get3A_210 = arith.constant 16 : index
      %get3A_211 = tpu.vector_load %arg17[%get3A_210] {strides = array<i32>} : memref<128xi32, #tpu.memory_space<vmem>>, vector<16xi32>,
      %get3A_212 = vector.shape_cast %get3A_211 : vector<16xi32> to vector<16xi32>
      %get3A_213 = arith.constant 16 : index
      %get3A_214 = tpu.vector_load %arg18[%get3A_213] {strides = array<i32>} : memref<128xi32, #tpu.memory_space<vmem>>, vector<16xi32>,
      %get3A_215 = vector.shape_cast %get3A_214 : vector<16xi32> to vector<16xi32>
      %mul3A_216 = arith.constant 1024 : i32
      %mul3A_217 = vector.broadcast %mul3A_216 : i32 to vector<16xi32>
      %mul3A_218 = arith.muli %get3A_215, %mul3A_217 : vector<16xi32>
      %add3A_219 = arith.addi %get3A_212, %mul3A_218 : vector<16xi32>
      %swap3A_220 = arith.constant 16 : index
      %swap3A_221 = tpu.vector_load %arg19[%swap3A_220] {strides = array<i32>} : memref<128xi32, #tpu.memory_space<vmem>>, vector<16xi32>,
      %swap3A_222 = vector.shape_cast %swap3A_221 : vector<16xi32> to vector<16xi32>
      %swap3A_223 = vector.shape_cast %add3A_219 : vector<16xi32> to vector<16xi32>
      tpu.vector_store %arg19[%swap3A_220], %swap3A_223 {strides = array<i32>} : memref<128xi32, #tpu.memory_space<vmem>>, vector<16xi32>,
      %mul3A_224 = arith.muli %get3A_212, %get3A_215 : vector<16xi32>
      %sub3A_225 = arith.constant 1 : i32
      %sub3A_226 = vector.broadcast %sub3A_225 : i32 to vector<16xi32>
      %sub3A_227 = arith.subi %sub3A_226, %get3A_215 : vector<16xi32>
      %mul3A_228 = arith.constant 1024 : i32
      %mul3A_229 = vector.broadcast %mul3A_228 : i32 to vector<16xi32>
      %mul3A_230 = arith.muli %sub3A_227, %mul3A_229 : vector<16xi32>
      %add3A_231 = arith.addi %mul3A_224, %mul3A_230 : vector<16xi32>
      %swap3A_232 = arith.constant 16 : index
      %swap3A_233 = tpu.vector_load %arg20[%swap3A_232] {strides = array<i32>} : memref<128xi32, #tpu.memory_space<vmem>>, vector<16xi32>,
      %swap3A_234 = vector.shape_cast %swap3A_233 : vector<16xi32> to vector<16xi32>
      %swap3A_235 = vector.shape_cast %add3A_231 : vector<16xi32> to vector<16xi32>
      tpu.vector_store %arg20[%swap3A_232], %swap3A_235 {strides = array<i32>} : memref<128xi32, #tpu.memory_space<vmem>>, vector<16xi32>,
      %sub3A_236 = arith.constant 1 : i32
      %sub3A_237 = vector.broadcast %sub3A_236 : i32 to vector<16xi32>
      %sub3A_238 = arith.subi %iota3A, %sub3A_237 : vector<16xi32>
      %max3A_239 = arith.constant 0 : i32
      %max3A_240 = vector.broadcast %max3A_239 : i32 to vector<16xi32>
      %max3A_241 = arith.maxsi %sub3A_238, %max3A_240 : vector<16xi32>
      %reshape3A_242 = vector.shape_cast %max3A_241 : vector<16xi32> to vector<16x1xi32>
      %gather3A_243 = vector.shape_cast %reshape3A_242 : vector<16x1xi32> to vector<16xi32>
      %gather3A_244 = tpu.dynamic_gather %get3A_215[%gather3A_243] in [0] : vector<16xi32>, vector<16xi32> -> vector<16xi32>
      %sub3A_245 = arith.constant 0 : i32
      %sub3A_246 = vector.broadcast %sub3A_245 : i32 to vector<16xi32>
      %sub3A_247 = arith.subi %iota3A, %sub3A_246 : vector<16xi32>
      %max3A_248 = arith.constant 0 : i32
      %max3A_249 = vector.broadcast %max3A_248 : i32 to vector<16xi32>
      %max3A_250 = arith.maxsi %sub3A_247, %max3A_249 : vector<16xi32>
      %min3A_251 = arith.constant 1 : i32
      %min3A_252 = vector.broadcast %min3A_251 : i32 to vector<16xi32>
      %min3A_253 = arith.minsi %max3A_250, %min3A_252 : vector<16xi32>
      %mul3A_254 = arith.muli %gather3A_244, %min3A_253 : vector<16xi32>
      %add3A_255 = arith.addi %get3A_215, %mul3A_254 : vector<16xi32>
      %sub3A_256 = arith.constant 2 : i32
      %sub3A_257 = vector.broadcast %sub3A_256 : i32 to vector<16xi32>
      %sub3A_258 = arith.subi %iota3A, %sub3A_257 : vector<16xi32>
      %max3A_259 = arith.constant 0 : i32
      %max3A_260 = vector.broadcast %max3A_259 : i32 to vector<16xi32>
      %max3A_261 = arith.maxsi %sub3A_258, %max3A_260 : vector<16xi32>
      %reshape3A_262 = vector.shape_cast %max3A_261 : vector<16xi32> to vector<16x1xi32>
      %gather3A_263 = vector.shape_cast %reshape3A_262 : vector<16x1xi32> to vector<16xi32>
      %gather3A_264 = tpu.dynamic_gather %add3A_255[%gather3A_263] in [0] : vector<16xi32>, vector<16xi32> -> vector<16xi32>
      %sub3A_265 = arith.constant 1 : i32
      %sub3A_266 = vector.broadcast %sub3A_265 : i32 to vector<16xi32>
      %sub3A_267 = arith.subi %iota3A, %sub3A_266 : vector<16xi32>
      %max3A_268 = arith.constant 0 : i32
      %max3A_269 = vector.broadcast %max3A_268 : i32 to vector<16xi32>
      %max3A_270 = arith.maxsi %sub3A_267, %max3A_269 : vector<16xi32>
      %min3A_271 = arith.constant 1 : i32
      %min3A_272 = vector.broadcast %min3A_271 : i32 to vector<16xi32>
      %min3A_273 = arith.minsi %max3A_270, %min3A_272 : vector<16xi32>
      %mul3A_274 = arith.muli %gather3A_264, %min3A_273 : vector<16xi32>
      %add3A_275 = arith.addi %add3A_255, %mul3A_274 : vector<16xi32>
      %sub3A_276 = arith.constant 4 : i32
      %sub3A_277 = vector.broadcast %sub3A_276 : i32 to vector<16xi32>
      %sub3A_278 = arith.subi %iota3A, %sub3A_277 : vector<16xi32>
      %max3A_279 = arith.constant 0 : i32
      %max3A_280 = vector.broadcast %max3A_279 : i32 to vector<16xi32>
      %max3A_281 = arith.maxsi %sub3A_278, %max3A_280 : vector<16xi32>
      %reshape3A_282 = vector.shape_cast %max3A_281 : vector<16xi32> to vector<16x1xi32>
      %gather3A_283 = vector.shape_cast %reshape3A_282 : vector<16x1xi32> to vector<16xi32>
      %gather3A_284 = tpu.dynamic_gather %add3A_275[%gather3A_283] in [0] : vector<16xi32>, vector<16xi32> -> vector<16xi32>
      %sub3A_285 = arith.constant 3 : i32
      %sub3A_286 = vector.broadcast %sub3A_285 : i32 to vector<16xi32>
      %sub3A_287 = arith.subi %iota3A, %sub3A_286 : vector<16xi32>
      %max3A_288 = arith.constant 0 : i32
      %max3A_289 = vector.broadcast %max3A_288 : i32 to vector<16xi32>
      %max3A_290 = arith.maxsi %sub3A_287, %max3A_289 : vector<16xi32>
      %min3A_291 = arith.constant 1 : i32
      %min3A_292 = vector.broadcast %min3A_291 : i32 to vector<16xi32>
      %min3A_293 = arith.minsi %max3A_290, %min3A_292 : vector<16xi32>
      %mul3A_294 = arith.muli %gather3A_284, %min3A_293 : vector<16xi32>
      %add3A_295 = arith.addi %add3A_275, %mul3A_294 : vector<16xi32>
      %sub3A_296 = arith.constant 8 : i32
      %sub3A_297 = vector.broadcast %sub3A_296 : i32 to vector<16xi32>
      %sub3A_298 = arith.subi %iota3A, %sub3A_297 : vector<16xi32>
      %max3A_299 = arith.constant 0 : i32
      %max3A_300 = vector.broadcast %max3A_299 : i32 to vector<16xi32>
      %max3A_301 = arith.maxsi %sub3A_298, %max3A_300 : vector<16xi32>
      %reshape3A_302 = vector.shape_cast %max3A_301 : vector<16xi32> to vector<16x1xi32>
      %gather3A_303 = vector.shape_cast %reshape3A_302 : vector<16x1xi32> to vector<16xi32>
      %gather3A_304 = tpu.dynamic_gather %add3A_295[%gather3A_303] in [0] : vector<16xi32>, vector<16xi32> -> vector<16xi32>
      %sub3A_305 = arith.constant 7 : i32
      %sub3A_306 = vector.broadcast %sub3A_305 : i32 to vector<16xi32>
      %sub3A_307 = arith.subi %iota3A, %sub3A_306 : vector<16xi32>
      %max3A_308 = arith.constant 0 : i32
      %max3A_309 = vector.broadcast %max3A_308 : i32 to vector<16xi32>
      %max3A_310 = arith.maxsi %sub3A_307, %max3A_309 : vector<16xi32>
      %min3A_311 = arith.constant 1 : i32
      %min3A_312 = vector.broadcast %min3A_311 : i32 to vector<16xi32>
      %min3A_313 = arith.minsi %max3A_310, %min3A_312 : vector<16xi32>
      %mul3A_314 = arith.muli %gather3A_304, %min3A_313 : vector<16xi32>
      %add3A_315 = arith.addi %add3A_295, %mul3A_314 : vector<16xi32>
      %add3A_316 = arith.addi %while3A_61, %add3A_209 : vector<16xi32>
      %add3A_317 = arith.addi %add3A_316, %add3A_315 : vector<16xi32>
      %sub3A_318 = arith.subi %add3A_317, %get3A_215 : vector<16xi32>
      %mul3A_319 = arith.muli %sub3A_318, %get3A_215 : vector<16xi32>
      %sub3A_320 = arith.constant 1 : i32
      %sub3A_321 = vector.broadcast %sub3A_320 : i32 to vector<16xi32>
      %sub3A_322 = arith.subi %sub3A_321, %get3A_215 : vector<16xi32>
      %mul3A_323 = arith.constant 160000 : i32
      %mul3A_324 = vector.broadcast %mul3A_323 : i32 to vector<16xi32>
      %mul3A_325 = arith.muli %sub3A_322, %mul3A_324 : vector<16xi32>
      %add3A_326 = arith.addi %mul3A_319, %mul3A_325 : vector<16xi32>
      %swap3A_327 = arith.constant 16 : index
      %swap3A_328 = tpu.vector_load %arg21[%swap3A_327] {strides = array<i32>} : memref<128xi32, #tpu.memory_space<vmem>>, vector<16xi32>,
      %swap3A_329 = vector.shape_cast %swap3A_328 : vector<16xi32> to vector<16xi32>
      %swap3A_330 = vector.shape_cast %add3A_326 : vector<16xi32> to vector<16xi32>
      tpu.vector_store %arg21[%swap3A_327], %swap3A_330 {strides = array<i32>} : memref<128xi32, #tpu.memory_space<vmem>>, vector<16xi32>,
      %reshape3A_331 = vector.shape_cast %broadcast_in_dim3A_32 : vector<16xi32> to vector<16x1xi32>
      %gather3A_332 = vector.shape_cast %reshape3A_331 : vector<16x1xi32> to vector<16xi32>
      %gather3A_333 = tpu.dynamic_gather %add3A_315[%gather3A_332] in [0] : vector<16xi32>, vector<16xi32> -> vector<16xi32>
      %add3A_334 = arith.addi %add3A_209, %gather3A_333 : vector<16xi32>
      %get3A_335 = arith.constant 32 : index
      %get3A_336 = tpu.vector_load %arg17[%get3A_335] {strides = array<i32>} : memref<128xi32, #tpu.memory_space<vmem>>, vector<16xi32>,
      %get3A_337 = vector.shape_cast %get3A_336 : vector<16xi32> to vector<16xi32>
      %get3A_338 = arith.constant 32 : index
      %get3A_339 = tpu.vector_load %arg18[%get3A_338] {strides = array<i32>} : memref<128xi32, #tpu.memory_space<vmem>>, vector<16xi32>,
      %get3A_340 = vector.shape_cast %get3A_339 : vector<16xi32> to vector<16xi32>
      %mul3A_341 = arith.constant 1024 : i32
      %mul3A_342 = vector.broadcast %mul3A_341 : i32 to vector<16xi32>
      %mul3A_343 = arith.muli %get3A_340, %mul3A_342 : vector<16xi32>
      %add3A_344 = arith.addi %get3A_337, %mul3A_343 : vector<16xi32>
      %swap3A_345 = arith.constant 32 : index
      %swap3A_346 = tpu.vector_load %arg19[%swap3A_345] {strides = array<i32>} : memref<128xi32, #tpu.memory_space<vmem>>, vector<16xi32>,
      %swap3A_347 = vector.shape_cast %swap3A_346 : vector<16xi32> to vector<16xi32>
      %swap3A_348 = vector.shape_cast %add3A_344 : vector<16xi32> to vector<16xi32>
      tpu.vector_store %arg19[%swap3A_345], %swap3A_348 {strides = array<i32>} : memref<128xi32, #tpu.memory_space<vmem>>, vector<16xi32>,
      %mul3A_349 = arith.muli %get3A_337, %get3A_340 : vector<16xi32>
      %sub3A_350 = arith.constant 1 : i32
      %sub3A_351 = vector.broadcast %sub3A_350 : i32 to vector<16xi32>
      %sub3A_352 = arith.subi %sub3A_351, %get3A_340 : vector<16xi32>
      %mul3A_353 = arith.constant 1024 : i32
      %mul3A_354 = vector.broadcast %mul3A_353 : i32 to vector<16xi32>
      %mul3A_355 = arith.muli %sub3A_352, %mul3A_354 : vector<16xi32>
      %add3A_356 = arith.addi %mul3A_349, %mul3A_355 : vector<16xi32>
      %swap3A_357 = arith.constant 32 : index
      %swap3A_358 = tpu.vector_load %arg20[%swap3A_357] {strides = array<i32>} : memref<128xi32, #tpu.memory_space<vmem>>, vector<16xi32>,
      %swap3A_359 = vector.shape_cast %swap3A_358 : vector<16xi32> to vector<16xi32>
      %swap3A_360 = vector.shape_cast %add3A_356 : vector<16xi32> to vector<16xi32>
      tpu.vector_store %arg20[%swap3A_357], %swap3A_360 {strides = array<i32>} : memref<128xi32, #tpu.memory_space<vmem>>, vector<16xi32>,
      %sub3A_361 = arith.constant 1 : i32
      %sub3A_362 = vector.broadcast %sub3A_361 : i32 to vector<16xi32>
      %sub3A_363 = arith.subi %iota3A, %sub3A_362 : vector<16xi32>
      %max3A_364 = arith.constant 0 : i32
      %max3A_365 = vector.broadcast %max3A_364 : i32 to vector<16xi32>
      %max3A_366 = arith.maxsi %sub3A_363, %max3A_365 : vector<16xi32>
      %reshape3A_367 = vector.shape_cast %max3A_366 : vector<16xi32> to vector<16x1xi32>
      %gather3A_368 = vector.shape_cast %reshape3A_367 : vector<16x1xi32> to vector<16xi32>
      %gather3A_369 = tpu.dynamic_gather %get3A_340[%gather3A_368] in [0] : vector<16xi32>, vector<16xi32> -> vector<16xi32>
      %sub3A_370 = arith.constant 0 : i32
      %sub3A_371 = vector.broadcast %sub3A_370 : i32 to vector<16xi32>
      %sub3A_372 = arith.subi %iota3A, %sub3A_371 : vector<16xi32>
      %max3A_373 = arith.constant 0 : i32
      %max3A_374 = vector.broadcast %max3A_373 : i32 to vector<16xi32>
      %max3A_375 = arith.maxsi %sub3A_372, %max3A_374 : vector<16xi32>
      %min3A_376 = arith.constant 1 : i32
      %min3A_377 = vector.broadcast %min3A_376 : i32 to vector<16xi32>
      %min3A_378 = arith.minsi %max3A_375, %min3A_377 : vector<16xi32>
      %mul3A_379 = arith.muli %gather3A_369, %min3A_378 : vector<16xi32>
      %add3A_380 = arith.addi %get3A_340, %mul3A_379 : vector<16xi32>
      %sub3A_381 = arith.constant 2 : i32
      %sub3A_382 = vector.broadcast %sub3A_381 : i32 to vector<16xi32>
      %sub3A_383 = arith.subi %iota3A, %sub3A_382 : vector<16xi32>
      %max3A_384 = arith.constant 0 : i32
      %max3A_385 = vector.broadcast %max3A_384 : i32 to vector<16xi32>
      %max3A_386 = arith.maxsi %sub3A_383, %max3A_385 : vector<16xi32>
      %reshape3A_387 = vector.shape_cast %max3A_386 : vector<16xi32> to vector<16x1xi32>
      %gather3A_388 = vector.shape_cast %reshape3A_387 : vector<16x1xi32> to vector<16xi32>
      %gather3A_389 = tpu.dynamic_gather %add3A_380[%gather3A_388] in [0] : vector<16xi32>, vector<16xi32> -> vector<16xi32>
      %sub3A_390 = arith.constant 1 : i32
      %sub3A_391 = vector.broadcast %sub3A_390 : i32 to vector<16xi32>
      %sub3A_392 = arith.subi %iota3A, %sub3A_391 : vector<16xi32>
      %max3A_393 = arith.constant 0 : i32
      %max3A_394 = vector.broadcast %max3A_393 : i32 to vector<16xi32>
      %max3A_395 = arith.maxsi %sub3A_392, %max3A_394 : vector<16xi32>
      %min3A_396 = arith.constant 1 : i32
      %min3A_397 = vector.broadcast %min3A_396 : i32 to vector<16xi32>
      %min3A_398 = arith.minsi %max3A_395, %min3A_397 : vector<16xi32>
      %mul3A_399 = arith.muli %gather3A_389, %min3A_398 : vector<16xi32>
      %add3A_400 = arith.addi %add3A_380, %mul3A_399 : vector<16xi32>
      %sub3A_401 = arith.constant 4 : i32
      %sub3A_402 = vector.broadcast %sub3A_401 : i32 to vector<16xi32>
      %sub3A_403 = arith.subi %iota3A, %sub3A_402 : vector<16xi32>
      %max3A_404 = arith.constant 0 : i32
      %max3A_405 = vector.broadcast %max3A_404 : i32 to vector<16xi32>
      %max3A_406 = arith.maxsi %sub3A_403, %max3A_405 : vector<16xi32>
      %reshape3A_407 = vector.shape_cast %max3A_406 : vector<16xi32> to vector<16x1xi32>
      %gather3A_408 = vector.shape_cast %reshape3A_407 : vector<16x1xi32> to vector<16xi32>
      %gather3A_409 = tpu.dynamic_gather %add3A_400[%gather3A_408] in [0] : vector<16xi32>, vector<16xi32> -> vector<16xi32>
      %sub3A_410 = arith.constant 3 : i32
      %sub3A_411 = vector.broadcast %sub3A_410 : i32 to vector<16xi32>
      %sub3A_412 = arith.subi %iota3A, %sub3A_411 : vector<16xi32>
      %max3A_413 = arith.constant 0 : i32
      %max3A_414 = vector.broadcast %max3A_413 : i32 to vector<16xi32>
      %max3A_415 = arith.maxsi %sub3A_412, %max3A_414 : vector<16xi32>
      %min3A_416 = arith.constant 1 : i32
      %min3A_417 = vector.broadcast %min3A_416 : i32 to vector<16xi32>
      %min3A_418 = arith.minsi %max3A_415, %min3A_417 : vector<16xi32>
      %mul3A_419 = arith.muli %gather3A_409, %min3A_418 : vector<16xi32>
      %add3A_420 = arith.addi %add3A_400, %mul3A_419 : vector<16xi32>
      %sub3A_421 = arith.constant 8 : i32
      %sub3A_422 = vector.broadcast %sub3A_421 : i32 to vector<16xi32>
      %sub3A_423 = arith.subi %iota3A, %sub3A_422 : vector<16xi32>
      %max3A_424 = arith.constant 0 : i32
      %max3A_425 = vector.broadcast %max3A_424 : i32 to vector<16xi32>
      %max3A_426 = arith.maxsi %sub3A_423, %max3A_425 : vector<16xi32>
      %reshape3A_427 = vector.shape_cast %max3A_426 : vector<16xi32> to vector<16x1xi32>
      %gather3A_428 = vector.shape_cast %reshape3A_427 : vector<16x1xi32> to vector<16xi32>
      %gather3A_429 = tpu.dynamic_gather %add3A_420[%gather3A_428] in [0] : vector<16xi32>, vector<16xi32> -> vector<16xi32>
      %sub3A_430 = arith.constant 7 : i32
      %sub3A_431 = vector.broadcast %sub3A_430 : i32 to vector<16xi32>
      %sub3A_432 = arith.subi %iota3A, %sub3A_431 : vector<16xi32>
      %max3A_433 = arith.constant 0 : i32
      %max3A_434 = vector.broadcast %max3A_433 : i32 to vector<16xi32>
      %max3A_435 = arith.maxsi %sub3A_432, %max3A_434 : vector<16xi32>
      %min3A_436 = arith.constant 1 : i32
      %min3A_437 = vector.broadcast %min3A_436 : i32 to vector<16xi32>
      %min3A_438 = arith.minsi %max3A_435, %min3A_437 : vector<16xi32>
      %mul3A_439 = arith.muli %gather3A_429, %min3A_438 : vector<16xi32>
      %add3A_440 = arith.addi %add3A_420, %mul3A_439 : vector<16xi32>
      %add3A_441 = arith.addi %while3A_61, %add3A_334 : vector<16xi32>
      %add3A_442 = arith.addi %add3A_441, %add3A_440 : vector<16xi32>
      %sub3A_443 = arith.subi %add3A_442, %get3A_340 : vector<16xi32>
      %mul3A_444 = arith.muli %sub3A_443, %get3A_340 : vector<16xi32>
      %sub3A_445 = arith.constant 1 : i32
      %sub3A_446 = vector.broadcast %sub3A_445 : i32 to vector<16xi32>
      %sub3A_447 = arith.subi %sub3A_446, %get3A_340 : vector<16xi32>
      %mul3A_448 = arith.constant 160000 : i32
      %mul3A_449 = vector.broadcast %mul3A_448 : i32 to vector<16xi32>
      %mul3A_450 = arith.muli %sub3A_447, %mul3A_449 : vector<16xi32>
      %add3A_451 = arith.addi %mul3A_444, %mul3A_450 : vector<16xi32>
      %swap3A_452 = arith.constant 32 : index
      %swap3A_453 = tpu.vector_load %arg21[%swap3A_452] {strides = array<i32>} : memref<128xi32, #tpu.memory_space<vmem>>, vector<16xi32>,
      %swap3A_454 = vector.shape_cast %swap3A_453 : vector<16xi32> to vector<16xi32>
      %swap3A_455 = vector.shape_cast %add3A_451 : vector<16xi32> to vector<16xi32>
      tpu.vector_store %arg21[%swap3A_452], %swap3A_455 {strides = array<i32>} : memref<128xi32, #tpu.memory_space<vmem>>, vector<16xi32>,
      %reshape3A_456 = vector.shape_cast %broadcast_in_dim3A_32 : vector<16xi32> to vector<16x1xi32>
      %gather3A_457 = vector.shape_cast %reshape3A_456 : vector<16x1xi32> to vector<16xi32>
      %gather3A_458 = tpu.dynamic_gather %add3A_440[%gather3A_457] in [0] : vector<16xi32>, vector<16xi32> -> vector<16xi32>
      %add3A_459 = arith.addi %add3A_334, %gather3A_458 : vector<16xi32>
      %get3A_460 = arith.constant 48 : index
      %get3A_461 = tpu.vector_load %arg17[%get3A_460] {strides = array<i32>} : memref<128xi32, #tpu.memory_space<vmem>>, vector<16xi32>,
      %get3A_462 = vector.shape_cast %get3A_461 : vector<16xi32> to vector<16xi32>
      %get3A_463 = arith.constant 48 : index
      %get3A_464 = tpu.vector_load %arg18[%get3A_463] {strides = array<i32>} : memref<128xi32, #tpu.memory_space<vmem>>, vector<16xi32>,
      %get3A_465 = vector.shape_cast %get3A_464 : vector<16xi32> to vector<16xi32>
      %mul3A_466 = arith.constant 1024 : i32
      %mul3A_467 = vector.broadcast %mul3A_466 : i32 to vector<16xi32>
      %mul3A_468 = arith.muli %get3A_465, %mul3A_467 : vector<16xi32>
      %add3A_469 = arith.addi %get3A_462, %mul3A_468 : vector<16xi32>
      %swap3A_470 = arith.constant 48 : index
      %swap3A_471 = tpu.vector_load %arg19[%swap3A_470] {strides = array<i32>} : memref<128xi32, #tpu.memory_space<vmem>>, vector<16xi32>,
      %swap3A_472 = vector.shape_cast %swap3A_471 : vector<16xi32> to vector<16xi32>
      %swap3A_473 = vector.shape_cast %add3A_469 : vector<16xi32> to vector<16xi32>
      tpu.vector_store %arg19[%swap3A_470], %swap3A_473 {strides = array<i32>} : memref<128xi32, #tpu.memory_space<vmem>>, vector<16xi32>,
      %mul3A_474 = arith.muli %get3A_462, %get3A_465 : vector<16xi32>
      %sub3A_475 = arith.constant 1 : i32
      %sub3A_476 = vector.broadcast %sub3A_475 : i32 to vector<16xi32>
      %sub3A_477 = arith.subi %sub3A_476, %get3A_465 : vector<16xi32>
      %mul3A_478 = arith.constant 1024 : i32
      %mul3A_479 = vector.broadcast %mul3A_478 : i32 to vector<16xi32>
      %mul3A_480 = arith.muli %sub3A_477, %mul3A_479 : vector<16xi32>
      %add3A_481 = arith.addi %mul3A_474, %mul3A_480 : vector<16xi32>
      %swap3A_482 = arith.constant 48 : index
      %swap3A_483 = tpu.vector_load %arg20[%swap3A_482] {strides = array<i32>} : memref<128xi32, #tpu.memory_space<vmem>>, vector<16xi32>,
      %swap3A_484 = vector.shape_cast %swap3A_483 : vector<16xi32> to vector<16xi32>
      %swap3A_485 = vector.shape_cast %add3A_481 : vector<16xi32> to vector<16xi32>
      tpu.vector_store %arg20[%swap3A_482], %swap3A_485 {strides = array<i32>} : memref<128xi32, #tpu.memory_space<vmem>>, vector<16xi32>,
      %sub3A_486 = arith.constant 1 : i32
      %sub3A_487 = vector.broadcast %sub3A_486 : i32 to vector<16xi32>
      %sub3A_488 = arith.subi %iota3A, %sub3A_487 : vector<16xi32>
      %max3A_489 = arith.constant 0 : i32
      %max3A_490 = vector.broadcast %max3A_489 : i32 to vector<16xi32>
      %max3A_491 = arith.maxsi %sub3A_488, %max3A_490 : vector<16xi32>
      %reshape3A_492 = vector.shape_cast %max3A_491 : vector<16xi32> to vector<16x1xi32>
      %gather3A_493 = vector.shape_cast %reshape3A_492 : vector<16x1xi32> to vector<16xi32>
      %gather3A_494 = tpu.dynamic_gather %get3A_465[%gather3A_493] in [0] : vector<16xi32>, vector<16xi32> -> vector<16xi32>
      %sub3A_495 = arith.constant 0 : i32
      %sub3A_496 = vector.broadcast %sub3A_495 : i32 to vector<16xi32>
      %sub3A_497 = arith.subi %iota3A, %sub3A_496 : vector<16xi32>
      %max3A_498 = arith.constant 0 : i32
      %max3A_499 = vector.broadcast %max3A_498 : i32 to vector<16xi32>
      %max3A_500 = arith.maxsi %sub3A_497, %max3A_499 : vector<16xi32>
      %min3A_501 = arith.constant 1 : i32
      %min3A_502 = vector.broadcast %min3A_501 : i32 to vector<16xi32>
      %min3A_503 = arith.minsi %max3A_500, %min3A_502 : vector<16xi32>
      %mul3A_504 = arith.muli %gather3A_494, %min3A_503 : vector<16xi32>
      %add3A_505 = arith.addi %get3A_465, %mul3A_504 : vector<16xi32>
      %sub3A_506 = arith.constant 2 : i32
      %sub3A_507 = vector.broadcast %sub3A_506 : i32 to vector<16xi32>
      %sub3A_508 = arith.subi %iota3A, %sub3A_507 : vector<16xi32>
      %max3A_509 = arith.constant 0 : i32
      %max3A_510 = vector.broadcast %max3A_509 : i32 to vector<16xi32>
      %max3A_511 = arith.maxsi %sub3A_508, %max3A_510 : vector<16xi32>
      %reshape3A_512 = vector.shape_cast %max3A_511 : vector<16xi32> to vector<16x1xi32>
      %gather3A_513 = vector.shape_cast %reshape3A_512 : vector<16x1xi32> to vector<16xi32>
      %gather3A_514 = tpu.dynamic_gather %add3A_505[%gather3A_513] in [0] : vector<16xi32>, vector<16xi32> -> vector<16xi32>
      %sub3A_515 = arith.constant 1 : i32
      %sub3A_516 = vector.broadcast %sub3A_515 : i32 to vector<16xi32>
      %sub3A_517 = arith.subi %iota3A, %sub3A_516 : vector<16xi32>
      %max3A_518 = arith.constant 0 : i32
      %max3A_519 = vector.broadcast %max3A_518 : i32 to vector<16xi32>
      %max3A_520 = arith.maxsi %sub3A_517, %max3A_519 : vector<16xi32>
      %min3A_521 = arith.constant 1 : i32
      %min3A_522 = vector.broadcast %min3A_521 : i32 to vector<16xi32>
      %min3A_523 = arith.minsi %max3A_520, %min3A_522 : vector<16xi32>
      %mul3A_524 = arith.muli %gather3A_514, %min3A_523 : vector<16xi32>
      %add3A_525 = arith.addi %add3A_505, %mul3A_524 : vector<16xi32>
      %sub3A_526 = arith.constant 4 : i32
      %sub3A_527 = vector.broadcast %sub3A_526 : i32 to vector<16xi32>
      %sub3A_528 = arith.subi %iota3A, %sub3A_527 : vector<16xi32>
      %max3A_529 = arith.constant 0 : i32
      %max3A_530 = vector.broadcast %max3A_529 : i32 to vector<16xi32>
      %max3A_531 = arith.maxsi %sub3A_528, %max3A_530 : vector<16xi32>
      %reshape3A_532 = vector.shape_cast %max3A_531 : vector<16xi32> to vector<16x1xi32>
      %gather3A_533 = vector.shape_cast %reshape3A_532 : vector<16x1xi32> to vector<16xi32>
      %gather3A_534 = tpu.dynamic_gather %add3A_525[%gather3A_533] in [0] : vector<16xi32>, vector<16xi32> -> vector<16xi32>
      %sub3A_535 = arith.constant 3 : i32
      %sub3A_536 = vector.broadcast %sub3A_535 : i32 to vector<16xi32>
      %sub3A_537 = arith.subi %iota3A, %sub3A_536 : vector<16xi32>
      %max3A_538 = arith.constant 0 : i32
      %max3A_539 = vector.broadcast %max3A_538 : i32 to vector<16xi32>
      %max3A_540 = arith.maxsi %sub3A_537, %max3A_539 : vector<16xi32>
      %min3A_541 = arith.constant 1 : i32
      %min3A_542 = vector.broadcast %min3A_541 : i32 to vector<16xi32>
      %min3A_543 = arith.minsi %max3A_540, %min3A_542 : vector<16xi32>
      %mul3A_544 = arith.muli %gather3A_534, %min3A_543 : vector<16xi32>
      %add3A_545 = arith.addi %add3A_525, %mul3A_544 : vector<16xi32>
      %sub3A_546 = arith.constant 8 : i32
      %sub3A_547 = vector.broadcast %sub3A_546 : i32 to vector<16xi32>
      %sub3A_548 = arith.subi %iota3A, %sub3A_547 : vector<16xi32>
      %max3A_549 = arith.constant 0 : i32
      %max3A_550 = vector.broadcast %max3A_549 : i32 to vector<16xi32>
      %max3A_551 = arith.maxsi %sub3A_548, %max3A_550 : vector<16xi32>
      %reshape3A_552 = vector.shape_cast %max3A_551 : vector<16xi32> to vector<16x1xi32>
      %gather3A_553 = vector.shape_cast %reshape3A_552 : vector<16x1xi32> to vector<16xi32>
      %gather3A_554 = tpu.dynamic_gather %add3A_545[%gather3A_553] in [0] : vector<16xi32>, vector<16xi32> -> vector<16xi32>
      %sub3A_555 = arith.constant 7 : i32
      %sub3A_556 = vector.broadcast %sub3A_555 : i32 to vector<16xi32>
      %sub3A_557 = arith.subi %iota3A, %sub3A_556 : vector<16xi32>
      %max3A_558 = arith.constant 0 : i32
      %max3A_559 = vector.broadcast %max3A_558 : i32 to vector<16xi32>
      %max3A_560 = arith.maxsi %sub3A_557, %max3A_559 : vector<16xi32>
      %min3A_561 = arith.constant 1 : i32
      %min3A_562 = vector.broadcast %min3A_561 : i32 to vector<16xi32>
      %min3A_563 = arith.minsi %max3A_560, %min3A_562 : vector<16xi32>
      %mul3A_564 = arith.muli %gather3A_554, %min3A_563 : vector<16xi32>
      %add3A_565 = arith.addi %add3A_545, %mul3A_564 : vector<16xi32>
      %add3A_566 = arith.addi %while3A_61, %add3A_459 : vector<16xi32>
      %add3A_567 = arith.addi %add3A_566, %add3A_565 : vector<16xi32>
      %sub3A_568 = arith.subi %add3A_567, %get3A_465 : vector<16xi32>
      %mul3A_569 = arith.muli %sub3A_568, %get3A_465 : vector<16xi32>
      %sub3A_570 = arith.constant 1 : i32
      %sub3A_571 = vector.broadcast %sub3A_570 : i32 to vector<16xi32>
      %sub3A_572 = arith.subi %sub3A_571, %get3A_465 : vector<16xi32>
      %mul3A_573 = arith.constant 160000 : i32
      %mul3A_574 = vector.broadcast %mul3A_573 : i32 to vector<16xi32>
      %mul3A_575 = arith.muli %sub3A_572, %mul3A_574 : vector<16xi32>
      %add3A_576 = arith.addi %mul3A_569, %mul3A_575 : vector<16xi32>
      %swap3A_577 = arith.constant 48 : index
      %swap3A_578 = tpu.vector_load %arg21[%swap3A_577] {strides = array<i32>} : memref<128xi32, #tpu.memory_space<vmem>>, vector<16xi32>,
      %swap3A_579 = vector.shape_cast %swap3A_578 : vector<16xi32> to vector<16xi32>
      %swap3A_580 = vector.shape_cast %add3A_576 : vector<16xi32> to vector<16xi32>
      tpu.vector_store %arg21[%swap3A_577], %swap3A_580 {strides = array<i32>} : memref<128xi32, #tpu.memory_space<vmem>>, vector<16xi32>,
      %reshape3A_581 = vector.shape_cast %broadcast_in_dim3A_32 : vector<16xi32> to vector<16x1xi32>
      %gather3A_582 = vector.shape_cast %reshape3A_581 : vector<16x1xi32> to vector<16xi32>
      %gather3A_583 = tpu.dynamic_gather %add3A_565[%gather3A_582] in [0] : vector<16xi32>, vector<16xi32> -> vector<16xi32>
      %add3A_584 = arith.addi %add3A_459, %gather3A_583 : vector<16xi32>
      %get3A_585 = arith.constant 64 : index
      %get3A_586 = tpu.vector_load %arg17[%get3A_585] {strides = array<i32>} : memref<128xi32, #tpu.memory_space<vmem>>, vector<16xi32>,
      %get3A_587 = vector.shape_cast %get3A_586 : vector<16xi32> to vector<16xi32>
      %get3A_588 = arith.constant 64 : index
      %get3A_589 = tpu.vector_load %arg18[%get3A_588] {strides = array<i32>} : memref<128xi32, #tpu.memory_space<vmem>>, vector<16xi32>,
      %get3A_590 = vector.shape_cast %get3A_589 : vector<16xi32> to vector<16xi32>
      %mul3A_591 = arith.constant 1024 : i32
      %mul3A_592 = vector.broadcast %mul3A_591 : i32 to vector<16xi32>
      %mul3A_593 = arith.muli %get3A_590, %mul3A_592 : vector<16xi32>
      %add3A_594 = arith.addi %get3A_587, %mul3A_593 : vector<16xi32>
      %swap3A_595 = arith.constant 64 : index
      %swap3A_596 = tpu.vector_load %arg19[%swap3A_595] {strides = array<i32>} : memref<128xi32, #tpu.memory_space<vmem>>, vector<16xi32>,
      %swap3A_597 = vector.shape_cast %swap3A_596 : vector<16xi32> to vector<16xi32>
      %swap3A_598 = vector.shape_cast %add3A_594 : vector<16xi32> to vector<16xi32>
      tpu.vector_store %arg19[%swap3A_595], %swap3A_598 {strides = array<i32>} : memref<128xi32, #tpu.memory_space<vmem>>, vector<16xi32>,
      %mul3A_599 = arith.muli %get3A_587, %get3A_590 : vector<16xi32>
      %sub3A_600 = arith.constant 1 : i32
      %sub3A_601 = vector.broadcast %sub3A_600 : i32 to vector<16xi32>
      %sub3A_602 = arith.subi %sub3A_601, %get3A_590 : vector<16xi32>
      %mul3A_603 = arith.constant 1024 : i32
      %mul3A_604 = vector.broadcast %mul3A_603 : i32 to vector<16xi32>
      %mul3A_605 = arith.muli %sub3A_602, %mul3A_604 : vector<16xi32>
      %add3A_606 = arith.addi %mul3A_599, %mul3A_605 : vector<16xi32>
      %swap3A_607 = arith.constant 64 : index
      %swap3A_608 = tpu.vector_load %arg20[%swap3A_607] {strides = array<i32>} : memref<128xi32, #tpu.memory_space<vmem>>, vector<16xi32>,
      %swap3A_609 = vector.shape_cast %swap3A_608 : vector<16xi32> to vector<16xi32>
      %swap3A_610 = vector.shape_cast %add3A_606 : vector<16xi32> to vector<16xi32>
      tpu.vector_store %arg20[%swap3A_607], %swap3A_610 {strides = array<i32>} : memref<128xi32, #tpu.memory_space<vmem>>, vector<16xi32>,
      %sub3A_611 = arith.constant 1 : i32
      %sub3A_612 = vector.broadcast %sub3A_611 : i32 to vector<16xi32>
      %sub3A_613 = arith.subi %iota3A, %sub3A_612 : vector<16xi32>
      %max3A_614 = arith.constant 0 : i32
      %max3A_615 = vector.broadcast %max3A_614 : i32 to vector<16xi32>
      %max3A_616 = arith.maxsi %sub3A_613, %max3A_615 : vector<16xi32>
      %reshape3A_617 = vector.shape_cast %max3A_616 : vector<16xi32> to vector<16x1xi32>
      %gather3A_618 = vector.shape_cast %reshape3A_617 : vector<16x1xi32> to vector<16xi32>
      %gather3A_619 = tpu.dynamic_gather %get3A_590[%gather3A_618] in [0] : vector<16xi32>, vector<16xi32> -> vector<16xi32>
      %sub3A_620 = arith.constant 0 : i32
      %sub3A_621 = vector.broadcast %sub3A_620 : i32 to vector<16xi32>
      %sub3A_622 = arith.subi %iota3A, %sub3A_621 : vector<16xi32>
      %max3A_623 = arith.constant 0 : i32
      %max3A_624 = vector.broadcast %max3A_623 : i32 to vector<16xi32>
      %max3A_625 = arith.maxsi %sub3A_622, %max3A_624 : vector<16xi32>
      %min3A_626 = arith.constant 1 : i32
      %min3A_627 = vector.broadcast %min3A_626 : i32 to vector<16xi32>
      %min3A_628 = arith.minsi %max3A_625, %min3A_627 : vector<16xi32>
      %mul3A_629 = arith.muli %gather3A_619, %min3A_628 : vector<16xi32>
      %add3A_630 = arith.addi %get3A_590, %mul3A_629 : vector<16xi32>
      %sub3A_631 = arith.constant 2 : i32
      %sub3A_632 = vector.broadcast %sub3A_631 : i32 to vector<16xi32>
      %sub3A_633 = arith.subi %iota3A, %sub3A_632 : vector<16xi32>
      %max3A_634 = arith.constant 0 : i32
      %max3A_635 = vector.broadcast %max3A_634 : i32 to vector<16xi32>
      %max3A_636 = arith.maxsi %sub3A_633, %max3A_635 : vector<16xi32>
      %reshape3A_637 = vector.shape_cast %max3A_636 : vector<16xi32> to vector<16x1xi32>
      %gather3A_638 = vector.shape_cast %reshape3A_637 : vector<16x1xi32> to vector<16xi32>
      %gather3A_639 = tpu.dynamic_gather %add3A_630[%gather3A_638] in [0] : vector<16xi32>, vector<16xi32> -> vector<16xi32>
      %sub3A_640 = arith.constant 1 : i32
      %sub3A_641 = vector.broadcast %sub3A_640 : i32 to vector<16xi32>
      %sub3A_642 = arith.subi %iota3A, %sub3A_641 : vector<16xi32>
      %max3A_643 = arith.constant 0 : i32
      %max3A_644 = vector.broadcast %max3A_643 : i32 to vector<16xi32>
      %max3A_645 = arith.maxsi %sub3A_642, %max3A_644 : vector<16xi32>
      %min3A_646 = arith.constant 1 : i32
      %min3A_647 = vector.broadcast %min3A_646 : i32 to vector<16xi32>
      %min3A_648 = arith.minsi %max3A_645, %min3A_647 : vector<16xi32>
      %mul3A_649 = arith.muli %gather3A_639, %min3A_648 : vector<16xi32>
      %add3A_650 = arith.addi %add3A_630, %mul3A_649 : vector<16xi32>
      %sub3A_651 = arith.constant 4 : i32
      %sub3A_652 = vector.broadcast %sub3A_651 : i32 to vector<16xi32>
      %sub3A_653 = arith.subi %iota3A, %sub3A_652 : vector<16xi32>
      %max3A_654 = arith.constant 0 : i32
      %max3A_655 = vector.broadcast %max3A_654 : i32 to vector<16xi32>
      %max3A_656 = arith.maxsi %sub3A_653, %max3A_655 : vector<16xi32>
      %reshape3A_657 = vector.shape_cast %max3A_656 : vector<16xi32> to vector<16x1xi32>
      %gather3A_658 = vector.shape_cast %reshape3A_657 : vector<16x1xi32> to vector<16xi32>
      %gather3A_659 = tpu.dynamic_gather %add3A_650[%gather3A_658] in [0] : vector<16xi32>, vector<16xi32> -> vector<16xi32>
      %sub3A_660 = arith.constant 3 : i32
      %sub3A_661 = vector.broadcast %sub3A_660 : i32 to vector<16xi32>
      %sub3A_662 = arith.subi %iota3A, %sub3A_661 : vector<16xi32>
      %max3A_663 = arith.constant 0 : i32
      %max3A_664 = vector.broadcast %max3A_663 : i32 to vector<16xi32>
      %max3A_665 = arith.maxsi %sub3A_662, %max3A_664 : vector<16xi32>
      %min3A_666 = arith.constant 1 : i32
      %min3A_667 = vector.broadcast %min3A_666 : i32 to vector<16xi32>
      %min3A_668 = arith.minsi %max3A_665, %min3A_667 : vector<16xi32>
      %mul3A_669 = arith.muli %gather3A_659, %min3A_668 : vector<16xi32>
      %add3A_670 = arith.addi %add3A_650, %mul3A_669 : vector<16xi32>
      %sub3A_671 = arith.constant 8 : i32
      %sub3A_672 = vector.broadcast %sub3A_671 : i32 to vector<16xi32>
      %sub3A_673 = arith.subi %iota3A, %sub3A_672 : vector<16xi32>
      %max3A_674 = arith.constant 0 : i32
      %max3A_675 = vector.broadcast %max3A_674 : i32 to vector<16xi32>
      %max3A_676 = arith.maxsi %sub3A_673, %max3A_675 : vector<16xi32>
      %reshape3A_677 = vector.shape_cast %max3A_676 : vector<16xi32> to vector<16x1xi32>
      %gather3A_678 = vector.shape_cast %reshape3A_677 : vector<16x1xi32> to vector<16xi32>
      %gather3A_679 = tpu.dynamic_gather %add3A_670[%gather3A_678] in [0] : vector<16xi32>, vector<16xi32> -> vector<16xi32>
      %sub3A_680 = arith.constant 7 : i32
      %sub3A_681 = vector.broadcast %sub3A_680 : i32 to vector<16xi32>
      %sub3A_682 = arith.subi %iota3A, %sub3A_681 : vector<16xi32>
      %max3A_683 = arith.constant 0 : i32
      %max3A_684 = vector.broadcast %max3A_683 : i32 to vector<16xi32>
      %max3A_685 = arith.maxsi %sub3A_682, %max3A_684 : vector<16xi32>
      %min3A_686 = arith.constant 1 : i32
      %min3A_687 = vector.broadcast %min3A_686 : i32 to vector<16xi32>
      %min3A_688 = arith.minsi %max3A_685, %min3A_687 : vector<16xi32>
      %mul3A_689 = arith.muli %gather3A_679, %min3A_688 : vector<16xi32>
      %add3A_690 = arith.addi %add3A_670, %mul3A_689 : vector<16xi32>
      %add3A_691 = arith.addi %while3A_61, %add3A_584 : vector<16xi32>
      %add3A_692 = arith.addi %add3A_691, %add3A_690 : vector<16xi32>
      %sub3A_693 = arith.subi %add3A_692, %get3A_590 : vector<16xi32>
      %mul3A_694 = arith.muli %sub3A_693, %get3A_590 : vector<16xi32>
      %sub3A_695 = arith.constant 1 : i32
      %sub3A_696 = vector.broadcast %sub3A_695 : i32 to vector<16xi32>
      %sub3A_697 = arith.subi %sub3A_696, %get3A_590 : vector<16xi32>
      %mul3A_698 = arith.constant 160000 : i32
      %mul3A_699 = vector.broadcast %mul3A_698 : i32 to vector<16xi32>
      %mul3A_700 = arith.muli %sub3A_697, %mul3A_699 : vector<16xi32>
      %add3A_701 = arith.addi %mul3A_694, %mul3A_700 : vector<16xi32>
      %swap3A_702 = arith.constant 64 : index
      %swap3A_703 = tpu.vector_load %arg21[%swap3A_702] {strides = array<i32>} : memref<128xi32, #tpu.memory_space<vmem>>, vector<16xi32>,
      %swap3A_704 = vector.shape_cast %swap3A_703 : vector<16xi32> to vector<16xi32>
      %swap3A_705 = vector.shape_cast %add3A_701 : vector<16xi32> to vector<16xi32>
      tpu.vector_store %arg21[%swap3A_702], %swap3A_705 {strides = array<i32>} : memref<128xi32, #tpu.memory_space<vmem>>, vector<16xi32>,
      %reshape3A_706 = vector.shape_cast %broadcast_in_dim3A_32 : vector<16xi32> to vector<16x1xi32>
      %gather3A_707 = vector.shape_cast %reshape3A_706 : vector<16x1xi32> to vector<16xi32>
      %gather3A_708 = tpu.dynamic_gather %add3A_690[%gather3A_707] in [0] : vector<16xi32>, vector<16xi32> -> vector<16xi32>
      %add3A_709 = arith.addi %add3A_584, %gather3A_708 : vector<16xi32>
      %get3A_710 = arith.constant 80 : index
      %get3A_711 = tpu.vector_load %arg17[%get3A_710] {strides = array<i32>} : memref<128xi32, #tpu.memory_space<vmem>>, vector<16xi32>,
      %get3A_712 = vector.shape_cast %get3A_711 : vector<16xi32> to vector<16xi32>
      %get3A_713 = arith.constant 80 : index
      %get3A_714 = tpu.vector_load %arg18[%get3A_713] {strides = array<i32>} : memref<128xi32, #tpu.memory_space<vmem>>, vector<16xi32>,
      %get3A_715 = vector.shape_cast %get3A_714 : vector<16xi32> to vector<16xi32>
      %mul3A_716 = arith.constant 1024 : i32
      %mul3A_717 = vector.broadcast %mul3A_716 : i32 to vector<16xi32>
      %mul3A_718 = arith.muli %get3A_715, %mul3A_717 : vector<16xi32>
      %add3A_719 = arith.addi %get3A_712, %mul3A_718 : vector<16xi32>
      %swap3A_720 = arith.constant 80 : index
      %swap3A_721 = tpu.vector_load %arg19[%swap3A_720] {strides = array<i32>} : memref<128xi32, #tpu.memory_space<vmem>>, vector<16xi32>,
      %swap3A_722 = vector.shape_cast %swap3A_721 : vector<16xi32> to vector<16xi32>
      %swap3A_723 = vector.shape_cast %add3A_719 : vector<16xi32> to vector<16xi32>
      tpu.vector_store %arg19[%swap3A_720], %swap3A_723 {strides = array<i32>} : memref<128xi32, #tpu.memory_space<vmem>>, vector<16xi32>,
      %mul3A_724 = arith.muli %get3A_712, %get3A_715 : vector<16xi32>
      %sub3A_725 = arith.constant 1 : i32
      %sub3A_726 = vector.broadcast %sub3A_725 : i32 to vector<16xi32>
      %sub3A_727 = arith.subi %sub3A_726, %get3A_715 : vector<16xi32>
      %mul3A_728 = arith.constant 1024 : i32
      %mul3A_729 = vector.broadcast %mul3A_728 : i32 to vector<16xi32>
      %mul3A_730 = arith.muli %sub3A_727, %mul3A_729 : vector<16xi32>
      %add3A_731 = arith.addi %mul3A_724, %mul3A_730 : vector<16xi32>
      %swap3A_732 = arith.constant 80 : index
      %swap3A_733 = tpu.vector_load %arg20[%swap3A_732] {strides = array<i32>} : memref<128xi32, #tpu.memory_space<vmem>>, vector<16xi32>,
      %swap3A_734 = vector.shape_cast %swap3A_733 : vector<16xi32> to vector<16xi32>
      %swap3A_735 = vector.shape_cast %add3A_731 : vector<16xi32> to vector<16xi32>
      tpu.vector_store %arg20[%swap3A_732], %swap3A_735 {strides = array<i32>} : memref<128xi32, #tpu.memory_space<vmem>>, vector<16xi32>,
      %sub3A_736 = arith.constant 1 : i32
      %sub3A_737 = vector.broadcast %sub3A_736 : i32 to vector<16xi32>
      %sub3A_738 = arith.subi %iota3A, %sub3A_737 : vector<16xi32>
      %max3A_739 = arith.constant 0 : i32
      %max3A_740 = vector.broadcast %max3A_739 : i32 to vector<16xi32>
      %max3A_741 = arith.maxsi %sub3A_738, %max3A_740 : vector<16xi32>
      %reshape3A_742 = vector.shape_cast %max3A_741 : vector<16xi32> to vector<16x1xi32>
      %gather3A_743 = vector.shape_cast %reshape3A_742 : vector<16x1xi32> to vector<16xi32>
      %gather3A_744 = tpu.dynamic_gather %get3A_715[%gather3A_743] in [0] : vector<16xi32>, vector<16xi32> -> vector<16xi32>
      %sub3A_745 = arith.constant 0 : i32
      %sub3A_746 = vector.broadcast %sub3A_745 : i32 to vector<16xi32>
      %sub3A_747 = arith.subi %iota3A, %sub3A_746 : vector<16xi32>
      %max3A_748 = arith.constant 0 : i32
      %max3A_749 = vector.broadcast %max3A_748 : i32 to vector<16xi32>
      %max3A_750 = arith.maxsi %sub3A_747, %max3A_749 : vector<16xi32>
      %min3A_751 = arith.constant 1 : i32
      %min3A_752 = vector.broadcast %min3A_751 : i32 to vector<16xi32>
      %min3A_753 = arith.minsi %max3A_750, %min3A_752 : vector<16xi32>
      %mul3A_754 = arith.muli %gather3A_744, %min3A_753 : vector<16xi32>
      %add3A_755 = arith.addi %get3A_715, %mul3A_754 : vector<16xi32>
      %sub3A_756 = arith.constant 2 : i32
      %sub3A_757 = vector.broadcast %sub3A_756 : i32 to vector<16xi32>
      %sub3A_758 = arith.subi %iota3A, %sub3A_757 : vector<16xi32>
      %max3A_759 = arith.constant 0 : i32
      %max3A_760 = vector.broadcast %max3A_759 : i32 to vector<16xi32>
      %max3A_761 = arith.maxsi %sub3A_758, %max3A_760 : vector<16xi32>
      %reshape3A_762 = vector.shape_cast %max3A_761 : vector<16xi32> to vector<16x1xi32>
      %gather3A_763 = vector.shape_cast %reshape3A_762 : vector<16x1xi32> to vector<16xi32>
      %gather3A_764 = tpu.dynamic_gather %add3A_755[%gather3A_763] in [0] : vector<16xi32>, vector<16xi32> -> vector<16xi32>
      %sub3A_765 = arith.constant 1 : i32
      %sub3A_766 = vector.broadcast %sub3A_765 : i32 to vector<16xi32>
      %sub3A_767 = arith.subi %iota3A, %sub3A_766 : vector<16xi32>
      %max3A_768 = arith.constant 0 : i32
      %max3A_769 = vector.broadcast %max3A_768 : i32 to vector<16xi32>
      %max3A_770 = arith.maxsi %sub3A_767, %max3A_769 : vector<16xi32>
      %min3A_771 = arith.constant 1 : i32
      %min3A_772 = vector.broadcast %min3A_771 : i32 to vector<16xi32>
      %min3A_773 = arith.minsi %max3A_770, %min3A_772 : vector<16xi32>
      %mul3A_774 = arith.muli %gather3A_764, %min3A_773 : vector<16xi32>
      %add3A_775 = arith.addi %add3A_755, %mul3A_774 : vector<16xi32>
      %sub3A_776 = arith.constant 4 : i32
      %sub3A_777 = vector.broadcast %sub3A_776 : i32 to vector<16xi32>
      %sub3A_778 = arith.subi %iota3A, %sub3A_777 : vector<16xi32>
      %max3A_779 = arith.constant 0 : i32
      %max3A_780 = vector.broadcast %max3A_779 : i32 to vector<16xi32>
      %max3A_781 = arith.maxsi %sub3A_778, %max3A_780 : vector<16xi32>
      %reshape3A_782 = vector.shape_cast %max3A_781 : vector<16xi32> to vector<16x1xi32>
      %gather3A_783 = vector.shape_cast %reshape3A_782 : vector<16x1xi32> to vector<16xi32>
      %gather3A_784 = tpu.dynamic_gather %add3A_775[%gather3A_783] in [0] : vector<16xi32>, vector<16xi32> -> vector<16xi32>
      %sub3A_785 = arith.constant 3 : i32
      %sub3A_786 = vector.broadcast %sub3A_785 : i32 to vector<16xi32>
      %sub3A_787 = arith.subi %iota3A, %sub3A_786 : vector<16xi32>
      %max3A_788 = arith.constant 0 : i32
      %max3A_789 = vector.broadcast %max3A_788 : i32 to vector<16xi32>
      %max3A_790 = arith.maxsi %sub3A_787, %max3A_789 : vector<16xi32>
      %min3A_791 = arith.constant 1 : i32
      %min3A_792 = vector.broadcast %min3A_791 : i32 to vector<16xi32>
      %min3A_793 = arith.minsi %max3A_790, %min3A_792 : vector<16xi32>
      %mul3A_794 = arith.muli %gather3A_784, %min3A_793 : vector<16xi32>
      %add3A_795 = arith.addi %add3A_775, %mul3A_794 : vector<16xi32>
      %sub3A_796 = arith.constant 8 : i32
      %sub3A_797 = vector.broadcast %sub3A_796 : i32 to vector<16xi32>
      %sub3A_798 = arith.subi %iota3A, %sub3A_797 : vector<16xi32>
      %max3A_799 = arith.constant 0 : i32
      %max3A_800 = vector.broadcast %max3A_799 : i32 to vector<16xi32>
      %max3A_801 = arith.maxsi %sub3A_798, %max3A_800 : vector<16xi32>
      %reshape3A_802 = vector.shape_cast %max3A_801 : vector<16xi32> to vector<16x1xi32>
      %gather3A_803 = vector.shape_cast %reshape3A_802 : vector<16x1xi32> to vector<16xi32>
      %gather3A_804 = tpu.dynamic_gather %add3A_795[%gather3A_803] in [0] : vector<16xi32>, vector<16xi32> -> vector<16xi32>
      %sub3A_805 = arith.constant 7 : i32
      %sub3A_806 = vector.broadcast %sub3A_805 : i32 to vector<16xi32>
      %sub3A_807 = arith.subi %iota3A, %sub3A_806 : vector<16xi32>
      %max3A_808 = arith.constant 0 : i32
      %max3A_809 = vector.broadcast %max3A_808 : i32 to vector<16xi32>
      %max3A_810 = arith.maxsi %sub3A_807, %max3A_809 : vector<16xi32>
      %min3A_811 = arith.constant 1 : i32
      %min3A_812 = vector.broadcast %min3A_811 : i32 to vector<16xi32>
      %min3A_813 = arith.minsi %max3A_810, %min3A_812 : vector<16xi32>
      %mul3A_814 = arith.muli %gather3A_804, %min3A_813 : vector<16xi32>
      %add3A_815 = arith.addi %add3A_795, %mul3A_814 : vector<16xi32>
      %add3A_816 = arith.addi %while3A_61, %add3A_709 : vector<16xi32>
      %add3A_817 = arith.addi %add3A_816, %add3A_815 : vector<16xi32>
      %sub3A_818 = arith.subi %add3A_817, %get3A_715 : vector<16xi32>
      %mul3A_819 = arith.muli %sub3A_818, %get3A_715 : vector<16xi32>
      %sub3A_820 = arith.constant 1 : i32
      %sub3A_821 = vector.broadcast %sub3A_820 : i32 to vector<16xi32>
      %sub3A_822 = arith.subi %sub3A_821, %get3A_715 : vector<16xi32>
      %mul3A_823 = arith.constant 160000 : i32
      %mul3A_824 = vector.broadcast %mul3A_823 : i32 to vector<16xi32>
      %mul3A_825 = arith.muli %sub3A_822, %mul3A_824 : vector<16xi32>
      %add3A_826 = arith.addi %mul3A_819, %mul3A_825 : vector<16xi32>
      %swap3A_827 = arith.constant 80 : index
      %swap3A_828 = tpu.vector_load %arg21[%swap3A_827] {strides = array<i32>} : memref<128xi32, #tpu.memory_space<vmem>>, vector<16xi32>,
      %swap3A_829 = vector.shape_cast %swap3A_828 : vector<16xi32> to vector<16xi32>
      %swap3A_830 = vector.shape_cast %add3A_826 : vector<16xi32> to vector<16xi32>
      tpu.vector_store %arg21[%swap3A_827], %swap3A_830 {strides = array<i32>} : memref<128xi32, #tpu.memory_space<vmem>>, vector<16xi32>,
      %reshape3A_831 = vector.shape_cast %broadcast_in_dim3A_32 : vector<16xi32> to vector<16x1xi32>
      %gather3A_832 = vector.shape_cast %reshape3A_831 : vector<16x1xi32> to vector<16xi32>
      %gather3A_833 = tpu.dynamic_gather %add3A_815[%gather3A_832] in [0] : vector<16xi32>, vector<16xi32> -> vector<16xi32>
      %add3A_834 = arith.addi %add3A_709, %gather3A_833 : vector<16xi32>
      %get3A_835 = arith.constant 96 : index
      %get3A_836 = tpu.vector_load %arg17[%get3A_835] {strides = array<i32>} : memref<128xi32, #tpu.memory_space<vmem>>, vector<16xi32>,
      %get3A_837 = vector.shape_cast %get3A_836 : vector<16xi32> to vector<16xi32>
      %get3A_838 = arith.constant 96 : index
      %get3A_839 = tpu.vector_load %arg18[%get3A_838] {strides = array<i32>} : memref<128xi32, #tpu.memory_space<vmem>>, vector<16xi32>,
      %get3A_840 = vector.shape_cast %get3A_839 : vector<16xi32> to vector<16xi32>
      %mul3A_841 = arith.constant 1024 : i32
      %mul3A_842 = vector.broadcast %mul3A_841 : i32 to vector<16xi32>
      %mul3A_843 = arith.muli %get3A_840, %mul3A_842 : vector<16xi32>
      %add3A_844 = arith.addi %get3A_837, %mul3A_843 : vector<16xi32>
      %swap3A_845 = arith.constant 96 : index
      %swap3A_846 = tpu.vector_load %arg19[%swap3A_845] {strides = array<i32>} : memref<128xi32, #tpu.memory_space<vmem>>, vector<16xi32>,
      %swap3A_847 = vector.shape_cast %swap3A_846 : vector<16xi32> to vector<16xi32>
      %swap3A_848 = vector.shape_cast %add3A_844 : vector<16xi32> to vector<16xi32>
      tpu.vector_store %arg19[%swap3A_845], %swap3A_848 {strides = array<i32>} : memref<128xi32, #tpu.memory_space<vmem>>, vector<16xi32>,
      %mul3A_849 = arith.muli %get3A_837, %get3A_840 : vector<16xi32>
      %sub3A_850 = arith.constant 1 : i32
      %sub3A_851 = vector.broadcast %sub3A_850 : i32 to vector<16xi32>
      %sub3A_852 = arith.subi %sub3A_851, %get3A_840 : vector<16xi32>
      %mul3A_853 = arith.constant 1024 : i32
      %mul3A_854 = vector.broadcast %mul3A_853 : i32 to vector<16xi32>
      %mul3A_855 = arith.muli %sub3A_852, %mul3A_854 : vector<16xi32>
      %add3A_856 = arith.addi %mul3A_849, %mul3A_855 : vector<16xi32>
      %swap3A_857 = arith.constant 96 : index
      %swap3A_858 = tpu.vector_load %arg20[%swap3A_857] {strides = array<i32>} : memref<128xi32, #tpu.memory_space<vmem>>, vector<16xi32>,
      %swap3A_859 = vector.shape_cast %swap3A_858 : vector<16xi32> to vector<16xi32>
      %swap3A_860 = vector.shape_cast %add3A_856 : vector<16xi32> to vector<16xi32>
      tpu.vector_store %arg20[%swap3A_857], %swap3A_860 {strides = array<i32>} : memref<128xi32, #tpu.memory_space<vmem>>, vector<16xi32>,
      %sub3A_861 = arith.constant 1 : i32
      %sub3A_862 = vector.broadcast %sub3A_861 : i32 to vector<16xi32>
      %sub3A_863 = arith.subi %iota3A, %sub3A_862 : vector<16xi32>
      %max3A_864 = arith.constant 0 : i32
      %max3A_865 = vector.broadcast %max3A_864 : i32 to vector<16xi32>
      %max3A_866 = arith.maxsi %sub3A_863, %max3A_865 : vector<16xi32>
      %reshape3A_867 = vector.shape_cast %max3A_866 : vector<16xi32> to vector<16x1xi32>
      %gather3A_868 = vector.shape_cast %reshape3A_867 : vector<16x1xi32> to vector<16xi32>
      %gather3A_869 = tpu.dynamic_gather %get3A_840[%gather3A_868] in [0] : vector<16xi32>, vector<16xi32> -> vector<16xi32>
      %sub3A_870 = arith.constant 0 : i32
      %sub3A_871 = vector.broadcast %sub3A_870 : i32 to vector<16xi32>
      %sub3A_872 = arith.subi %iota3A, %sub3A_871 : vector<16xi32>
      %max3A_873 = arith.constant 0 : i32
      %max3A_874 = vector.broadcast %max3A_873 : i32 to vector<16xi32>
      %max3A_875 = arith.maxsi %sub3A_872, %max3A_874 : vector<16xi32>
      %min3A_876 = arith.constant 1 : i32
      %min3A_877 = vector.broadcast %min3A_876 : i32 to vector<16xi32>
      %min3A_878 = arith.minsi %max3A_875, %min3A_877 : vector<16xi32>
      %mul3A_879 = arith.muli %gather3A_869, %min3A_878 : vector<16xi32>
      %add3A_880 = arith.addi %get3A_840, %mul3A_879 : vector<16xi32>
      %sub3A_881 = arith.constant 2 : i32
      %sub3A_882 = vector.broadcast %sub3A_881 : i32 to vector<16xi32>
      %sub3A_883 = arith.subi %iota3A, %sub3A_882 : vector<16xi32>
      %max3A_884 = arith.constant 0 : i32
      %max3A_885 = vector.broadcast %max3A_884 : i32 to vector<16xi32>
      %max3A_886 = arith.maxsi %sub3A_883, %max3A_885 : vector<16xi32>
      %reshape3A_887 = vector.shape_cast %max3A_886 : vector<16xi32> to vector<16x1xi32>
      %gather3A_888 = vector.shape_cast %reshape3A_887 : vector<16x1xi32> to vector<16xi32>
      %gather3A_889 = tpu.dynamic_gather %add3A_880[%gather3A_888] in [0] : vector<16xi32>, vector<16xi32> -> vector<16xi32>
      %sub3A_890 = arith.constant 1 : i32
      %sub3A_891 = vector.broadcast %sub3A_890 : i32 to vector<16xi32>
      %sub3A_892 = arith.subi %iota3A, %sub3A_891 : vector<16xi32>
      %max3A_893 = arith.constant 0 : i32
      %max3A_894 = vector.broadcast %max3A_893 : i32 to vector<16xi32>
      %max3A_895 = arith.maxsi %sub3A_892, %max3A_894 : vector<16xi32>
      %min3A_896 = arith.constant 1 : i32
      %min3A_897 = vector.broadcast %min3A_896 : i32 to vector<16xi32>
      %min3A_898 = arith.minsi %max3A_895, %min3A_897 : vector<16xi32>
      %mul3A_899 = arith.muli %gather3A_889, %min3A_898 : vector<16xi32>
      %add3A_900 = arith.addi %add3A_880, %mul3A_899 : vector<16xi32>
      %sub3A_901 = arith.constant 4 : i32
      %sub3A_902 = vector.broadcast %sub3A_901 : i32 to vector<16xi32>
      %sub3A_903 = arith.subi %iota3A, %sub3A_902 : vector<16xi32>
      %max3A_904 = arith.constant 0 : i32
      %max3A_905 = vector.broadcast %max3A_904 : i32 to vector<16xi32>
      %max3A_906 = arith.maxsi %sub3A_903, %max3A_905 : vector<16xi32>
      %reshape3A_907 = vector.shape_cast %max3A_906 : vector<16xi32> to vector<16x1xi32>
      %gather3A_908 = vector.shape_cast %reshape3A_907 : vector<16x1xi32> to vector<16xi32>
      %gather3A_909 = tpu.dynamic_gather %add3A_900[%gather3A_908] in [0] : vector<16xi32>, vector<16xi32> -> vector<16xi32>
      %sub3A_910 = arith.constant 3 : i32
      %sub3A_911 = vector.broadcast %sub3A_910 : i32 to vector<16xi32>
      %sub3A_912 = arith.subi %iota3A, %sub3A_911 : vector<16xi32>
      %max3A_913 = arith.constant 0 : i32
      %max3A_914 = vector.broadcast %max3A_913 : i32 to vector<16xi32>
      %max3A_915 = arith.maxsi %sub3A_912, %max3A_914 : vector<16xi32>
      %min3A_916 = arith.constant 1 : i32
      %min3A_917 = vector.broadcast %min3A_916 : i32 to vector<16xi32>
      %min3A_918 = arith.minsi %max3A_915, %min3A_917 : vector<16xi32>
      %mul3A_919 = arith.muli %gather3A_909, %min3A_918 : vector<16xi32>
      %add3A_920 = arith.addi %add3A_900, %mul3A_919 : vector<16xi32>
      %sub3A_921 = arith.constant 8 : i32
      %sub3A_922 = vector.broadcast %sub3A_921 : i32 to vector<16xi32>
      %sub3A_923 = arith.subi %iota3A, %sub3A_922 : vector<16xi32>
      %max3A_924 = arith.constant 0 : i32
      %max3A_925 = vector.broadcast %max3A_924 : i32 to vector<16xi32>
      %max3A_926 = arith.maxsi %sub3A_923, %max3A_925 : vector<16xi32>
      %reshape3A_927 = vector.shape_cast %max3A_926 : vector<16xi32> to vector<16x1xi32>
      %gather3A_928 = vector.shape_cast %reshape3A_927 : vector<16x1xi32> to vector<16xi32>
      %gather3A_929 = tpu.dynamic_gather %add3A_920[%gather3A_928] in [0] : vector<16xi32>, vector<16xi32> -> vector<16xi32>
      %sub3A_930 = arith.constant 7 : i32
      %sub3A_931 = vector.broadcast %sub3A_930 : i32 to vector<16xi32>
      %sub3A_932 = arith.subi %iota3A, %sub3A_931 : vector<16xi32>
      %max3A_933 = arith.constant 0 : i32
      %max3A_934 = vector.broadcast %max3A_933 : i32 to vector<16xi32>
      %max3A_935 = arith.maxsi %sub3A_932, %max3A_934 : vector<16xi32>
      %min3A_936 = arith.constant 1 : i32
      %min3A_937 = vector.broadcast %min3A_936 : i32 to vector<16xi32>
      %min3A_938 = arith.minsi %max3A_935, %min3A_937 : vector<16xi32>
      %mul3A_939 = arith.muli %gather3A_929, %min3A_938 : vector<16xi32>
      %add3A_940 = arith.addi %add3A_920, %mul3A_939 : vector<16xi32>
      %add3A_941 = arith.addi %while3A_61, %add3A_834 : vector<16xi32>
      %add3A_942 = arith.addi %add3A_941, %add3A_940 : vector<16xi32>
      %sub3A_943 = arith.subi %add3A_942, %get3A_840 : vector<16xi32>
      %mul3A_944 = arith.muli %sub3A_943, %get3A_840 : vector<16xi32>
      %sub3A_945 = arith.constant 1 : i32
      %sub3A_946 = vector.broadcast %sub3A_945 : i32 to vector<16xi32>
      %sub3A_947 = arith.subi %sub3A_946, %get3A_840 : vector<16xi32>
      %mul3A_948 = arith.constant 160000 : i32
      %mul3A_949 = vector.broadcast %mul3A_948 : i32 to vector<16xi32>
      %mul3A_950 = arith.muli %sub3A_947, %mul3A_949 : vector<16xi32>
      %add3A_951 = arith.addi %mul3A_944, %mul3A_950 : vector<16xi32>
      %swap3A_952 = arith.constant 96 : index
      %swap3A_953 = tpu.vector_load %arg21[%swap3A_952] {strides = array<i32>} : memref<128xi32, #tpu.memory_space<vmem>>, vector<16xi32>,
      %swap3A_954 = vector.shape_cast %swap3A_953 : vector<16xi32> to vector<16xi32>
      %swap3A_955 = vector.shape_cast %add3A_951 : vector<16xi32> to vector<16xi32>
      tpu.vector_store %arg21[%swap3A_952], %swap3A_955 {strides = array<i32>} : memref<128xi32, #tpu.memory_space<vmem>>, vector<16xi32>,
      %reshape3A_956 = vector.shape_cast %broadcast_in_dim3A_32 : vector<16xi32> to vector<16x1xi32>
      %gather3A_957 = vector.shape_cast %reshape3A_956 : vector<16x1xi32> to vector<16xi32>
      %gather3A_958 = tpu.dynamic_gather %add3A_940[%gather3A_957] in [0] : vector<16xi32>, vector<16xi32> -> vector<16xi32>
      %add3A_959 = arith.addi %add3A_834, %gather3A_958 : vector<16xi32>
      %get3A_960 = arith.constant 112 : index
      %get3A_961 = tpu.vector_load %arg17[%get3A_960] {strides = array<i32>} : memref<128xi32, #tpu.memory_space<vmem>>, vector<16xi32>,
      %get3A_962 = vector.shape_cast %get3A_961 : vector<16xi32> to vector<16xi32>
      %get3A_963 = arith.constant 112 : index
      %get3A_964 = tpu.vector_load %arg18[%get3A_963] {strides = array<i32>} : memref<128xi32, #tpu.memory_space<vmem>>, vector<16xi32>,
      %get3A_965 = vector.shape_cast %get3A_964 : vector<16xi32> to vector<16xi32>
      %mul3A_966 = arith.constant 1024 : i32
      %mul3A_967 = vector.broadcast %mul3A_966 : i32 to vector<16xi32>
      %mul3A_968 = arith.muli %get3A_965, %mul3A_967 : vector<16xi32>
      %add3A_969 = arith.addi %get3A_962, %mul3A_968 : vector<16xi32>
      %swap3A_970 = arith.constant 112 : index
      %swap3A_971 = tpu.vector_load %arg19[%swap3A_970] {strides = array<i32>} : memref<128xi32, #tpu.memory_space<vmem>>, vector<16xi32>,
      %swap3A_972 = vector.shape_cast %swap3A_971 : vector<16xi32> to vector<16xi32>
      %swap3A_973 = vector.shape_cast %add3A_969 : vector<16xi32> to vector<16xi32>
      tpu.vector_store %arg19[%swap3A_970], %swap3A_973 {strides = array<i32>} : memref<128xi32, #tpu.memory_space<vmem>>, vector<16xi32>,
      %mul3A_974 = arith.muli %get3A_962, %get3A_965 : vector<16xi32>
      %sub3A_975 = arith.constant 1 : i32
      %sub3A_976 = vector.broadcast %sub3A_975 : i32 to vector<16xi32>
      %sub3A_977 = arith.subi %sub3A_976, %get3A_965 : vector<16xi32>
      %mul3A_978 = arith.constant 1024 : i32
      %mul3A_979 = vector.broadcast %mul3A_978 : i32 to vector<16xi32>
      %mul3A_980 = arith.muli %sub3A_977, %mul3A_979 : vector<16xi32>
      %add3A_981 = arith.addi %mul3A_974, %mul3A_980 : vector<16xi32>
      %swap3A_982 = arith.constant 112 : index
      %swap3A_983 = tpu.vector_load %arg20[%swap3A_982] {strides = array<i32>} : memref<128xi32, #tpu.memory_space<vmem>>, vector<16xi32>,
      %swap3A_984 = vector.shape_cast %swap3A_983 : vector<16xi32> to vector<16xi32>
      %swap3A_985 = vector.shape_cast %add3A_981 : vector<16xi32> to vector<16xi32>
      tpu.vector_store %arg20[%swap3A_982], %swap3A_985 {strides = array<i32>} : memref<128xi32, #tpu.memory_space<vmem>>, vector<16xi32>,
      %sub3A_986 = arith.constant 1 : i32
      %sub3A_987 = vector.broadcast %sub3A_986 : i32 to vector<16xi32>
      %sub3A_988 = arith.subi %iota3A, %sub3A_987 : vector<16xi32>
      %max3A_989 = arith.constant 0 : i32
      %max3A_990 = vector.broadcast %max3A_989 : i32 to vector<16xi32>
      %max3A_991 = arith.maxsi %sub3A_988, %max3A_990 : vector<16xi32>
      %reshape3A_992 = vector.shape_cast %max3A_991 : vector<16xi32> to vector<16x1xi32>
      %gather3A_993 = vector.shape_cast %reshape3A_992 : vector<16x1xi32> to vector<16xi32>
      %gather3A_994 = tpu.dynamic_gather %get3A_965[%gather3A_993] in [0] : vector<16xi32>, vector<16xi32> -> vector<16xi32>
      %sub3A_995 = arith.constant 0 : i32
      %sub3A_996 = vector.broadcast %sub3A_995 : i32 to vector<16xi32>
      %sub3A_997 = arith.subi %iota3A, %sub3A_996 : vector<16xi32>
      %max3A_998 = arith.constant 0 : i32
      %max3A_999 = vector.broadcast %max3A_998 : i32 to vector<16xi32>
      %max3A_1000 = arith.maxsi %sub3A_997, %max3A_999 : vector<16xi32>
      %min3A_1001 = arith.constant 1 : i32
      %min3A_1002 = vector.broadcast %min3A_1001 : i32 to vector<16xi32>
      %min3A_1003 = arith.minsi %max3A_1000, %min3A_1002 : vector<16xi32>
      %mul3A_1004 = arith.muli %gather3A_994, %min3A_1003 : vector<16xi32>
      %add3A_1005 = arith.addi %get3A_965, %mul3A_1004 : vector<16xi32>
      %sub3A_1006 = arith.constant 2 : i32
      %sub3A_1007 = vector.broadcast %sub3A_1006 : i32 to vector<16xi32>
      %sub3A_1008 = arith.subi %iota3A, %sub3A_1007 : vector<16xi32>
      %max3A_1009 = arith.constant 0 : i32
      %max3A_1010 = vector.broadcast %max3A_1009 : i32 to vector<16xi32>
      %max3A_1011 = arith.maxsi %sub3A_1008, %max3A_1010 : vector<16xi32>
      %reshape3A_1012 = vector.shape_cast %max3A_1011 : vector<16xi32> to vector<16x1xi32>
      %gather3A_1013 = vector.shape_cast %reshape3A_1012 : vector<16x1xi32> to vector<16xi32>
      %gather3A_1014 = tpu.dynamic_gather %add3A_1005[%gather3A_1013] in [0] : vector<16xi32>, vector<16xi32> -> vector<16xi32>
      %sub3A_1015 = arith.constant 1 : i32
      %sub3A_1016 = vector.broadcast %sub3A_1015 : i32 to vector<16xi32>
      %sub3A_1017 = arith.subi %iota3A, %sub3A_1016 : vector<16xi32>
      %max3A_1018 = arith.constant 0 : i32
      %max3A_1019 = vector.broadcast %max3A_1018 : i32 to vector<16xi32>
      %max3A_1020 = arith.maxsi %sub3A_1017, %max3A_1019 : vector<16xi32>
      %min3A_1021 = arith.constant 1 : i32
      %min3A_1022 = vector.broadcast %min3A_1021 : i32 to vector<16xi32>
      %min3A_1023 = arith.minsi %max3A_1020, %min3A_1022 : vector<16xi32>
      %mul3A_1024 = arith.muli %gather3A_1014, %min3A_1023 : vector<16xi32>
      %add3A_1025 = arith.addi %add3A_1005, %mul3A_1024 : vector<16xi32>
      %sub3A_1026 = arith.constant 4 : i32
      %sub3A_1027 = vector.broadcast %sub3A_1026 : i32 to vector<16xi32>
      %sub3A_1028 = arith.subi %iota3A, %sub3A_1027 : vector<16xi32>
      %max3A_1029 = arith.constant 0 : i32
      %max3A_1030 = vector.broadcast %max3A_1029 : i32 to vector<16xi32>
      %max3A_1031 = arith.maxsi %sub3A_1028, %max3A_1030 : vector<16xi32>
      %reshape3A_1032 = vector.shape_cast %max3A_1031 : vector<16xi32> to vector<16x1xi32>
      %gather3A_1033 = vector.shape_cast %reshape3A_1032 : vector<16x1xi32> to vector<16xi32>
      %gather3A_1034 = tpu.dynamic_gather %add3A_1025[%gather3A_1033] in [0] : vector<16xi32>, vector<16xi32> -> vector<16xi32>
      %sub3A_1035 = arith.constant 3 : i32
      %sub3A_1036 = vector.broadcast %sub3A_1035 : i32 to vector<16xi32>
      %sub3A_1037 = arith.subi %iota3A, %sub3A_1036 : vector<16xi32>
      %max3A_1038 = arith.constant 0 : i32
      %max3A_1039 = vector.broadcast %max3A_1038 : i32 to vector<16xi32>
      %max3A_1040 = arith.maxsi %sub3A_1037, %max3A_1039 : vector<16xi32>
      %min3A_1041 = arith.constant 1 : i32
      %min3A_1042 = vector.broadcast %min3A_1041 : i32 to vector<16xi32>
      %min3A_1043 = arith.minsi %max3A_1040, %min3A_1042 : vector<16xi32>
      %mul3A_1044 = arith.muli %gather3A_1034, %min3A_1043 : vector<16xi32>
      %add3A_1045 = arith.addi %add3A_1025, %mul3A_1044 : vector<16xi32>
      %sub3A_1046 = arith.constant 8 : i32
      %sub3A_1047 = vector.broadcast %sub3A_1046 : i32 to vector<16xi32>
      %sub3A_1048 = arith.subi %iota3A, %sub3A_1047 : vector<16xi32>
      %max3A_1049 = arith.constant 0 : i32
      %max3A_1050 = vector.broadcast %max3A_1049 : i32 to vector<16xi32>
      %max3A_1051 = arith.maxsi %sub3A_1048, %max3A_1050 : vector<16xi32>
      %reshape3A_1052 = vector.shape_cast %max3A_1051 : vector<16xi32> to vector<16x1xi32>
      %gather3A_1053 = vector.shape_cast %reshape3A_1052 : vector<16x1xi32> to vector<16xi32>
      %gather3A_1054 = tpu.dynamic_gather %add3A_1045[%gather3A_1053] in [0] : vector<16xi32>, vector<16xi32> -> vector<16xi32>
      %sub3A_1055 = arith.constant 7 : i32
      %sub3A_1056 = vector.broadcast %sub3A_1055 : i32 to vector<16xi32>
      %sub3A_1057 = arith.subi %iota3A, %sub3A_1056 : vector<16xi32>
      %max3A_1058 = arith.constant 0 : i32
      %max3A_1059 = vector.broadcast %max3A_1058 : i32 to vector<16xi32>
      %max3A_1060 = arith.maxsi %sub3A_1057, %max3A_1059 : vector<16xi32>
      %min3A_1061 = arith.constant 1 : i32
      %min3A_1062 = vector.broadcast %min3A_1061 : i32 to vector<16xi32>
      %min3A_1063 = arith.minsi %max3A_1060, %min3A_1062 : vector<16xi32>
      %mul3A_1064 = arith.muli %gather3A_1054, %min3A_1063 : vector<16xi32>
      %add3A_1065 = arith.addi %add3A_1045, %mul3A_1064 : vector<16xi32>
      %add3A_1066 = arith.addi %while3A_61, %add3A_959 : vector<16xi32>
      %add3A_1067 = arith.addi %add3A_1066, %add3A_1065 : vector<16xi32>
      %sub3A_1068 = arith.subi %add3A_1067, %get3A_965 : vector<16xi32>
      %mul3A_1069 = arith.muli %sub3A_1068, %get3A_965 : vector<16xi32>
      %sub3A_1070 = arith.constant 1 : i32
      %sub3A_1071 = vector.broadcast %sub3A_1070 : i32 to vector<16xi32>
      %sub3A_1072 = arith.subi %sub3A_1071, %get3A_965 : vector<16xi32>
      %mul3A_1073 = arith.constant 160000 : i32
      %mul3A_1074 = vector.broadcast %mul3A_1073 : i32 to vector<16xi32>
      %mul3A_1075 = arith.muli %sub3A_1072, %mul3A_1074 : vector<16xi32>
      %add3A_1076 = arith.addi %mul3A_1069, %mul3A_1075 : vector<16xi32>
      %swap3A_1077 = arith.constant 112 : index
      %swap3A_1078 = tpu.vector_load %arg21[%swap3A_1077] {strides = array<i32>} : memref<128xi32, #tpu.memory_space<vmem>>, vector<16xi32>,
      %swap3A_1079 = vector.shape_cast %swap3A_1078 : vector<16xi32> to vector<16xi32>
      %swap3A_1080 = vector.shape_cast %add3A_1076 : vector<16xi32> to vector<16xi32>
      tpu.vector_store %arg21[%swap3A_1077], %swap3A_1080 {strides = array<i32>} : memref<128xi32, #tpu.memory_space<vmem>>, vector<16xi32>,
      %reshape3A_1081 = vector.shape_cast %broadcast_in_dim3A_32 : vector<16xi32> to vector<16x1xi32>
      %gather3A_1082 = vector.shape_cast %reshape3A_1081 : vector<16x1xi32> to vector<16xi32>
      %gather3A_1083 = tpu.dynamic_gather %add3A_1065[%gather3A_1082] in [0] : vector<16xi32>, vector<16xi32> -> vector<16xi32>
      %add3A_1084 = arith.addi %add3A_959, %gather3A_1083 : vector<16xi32>
      %dma_start3A_1085 = arith.constant 0 : i32
      %dma_start3A_1086 = arith.constant 0 : i32
      %dma_start3A_1087 = tpu.memref_slice %arg8[%dma_start3A_1085, %dma_start3A_1086] : memref<160000x128xf32, #tpu.memory_space<hbm>> -> memref<160000x128xf32, #tpu.memory_space<hbm>>
      %dma_start3A_1088 = arith.constant 160000 : i32
      tpu.enqueue_indirect_dma source(%dma_start3A_1087 : memref<160000x128xf32, #tpu.memory_space<hbm>>) target(%arg16 : memref<128x128xf32, #tpu.memory_space<vmem>>) offsets(%arg21 : memref<128xi32, #tpu.memory_space<vmem>>) offset_filter(%dma_start3A_1088) semaphore(%arg30 : memref<!tpu.dma_semaphore, #tpu.memory_space<semaphore_mem>>)
      %dma_wait3A_1089 = arith.constant 0 : i32
      %dma_wait3A_1090 = tpu.memref_slice %arg5[%multiple_of3A_65, %dma_wait3A_1089] : memref<80000x256xf32, #tpu.memory_space<hbm>> -> memref<128x128xf32, #tpu.memory_space<hbm>>
      %dma_wait3A_1091 = arith.constant 0 : i32
      %dma_wait3A_1092 = tpu.memref_slice %arg5[%multiple_of3A_65, %dma_wait3A_1091] : memref<80000x256xf32, #tpu.memory_space<hbm>> -> memref<128x128xf32, #tpu.memory_space<hbm>>
      tpu.wait_dma2 semaphore(%arg28 : memref<!tpu.dma_semaphore, #tpu.memory_space<semaphore_mem>>) src(%dma_wait3A_1092 : memref<128x128xf32, #tpu.memory_space<hbm>>) dst(%arg14 : memref<128x128xf32, #tpu.memory_space<vmem>>)
      %dma_start3A_1093 = arith.constant 0 : i32
      %dma_start3A_1094 = arith.constant 0 : i32
      %dma_start3A_1095 = tpu.memref_slice %arg24[%dma_start3A_1093, %dma_start3A_1094] : memref<2048x128xf32, #tpu.memory_space<vmem_shared>> -> memref<2048x128xf32, #tpu.memory_space<vmem_shared>>
      tpu.enqueue_indirect_dma source(%arg14 : memref<128x128xf32, #tpu.memory_space<vmem>>) target(%dma_start3A_1095 : memref<2048x128xf32, #tpu.memory_space<vmem_shared>>) offsets(%arg19 : memref<128xi32, #tpu.memory_space<vmem>>) semaphore(%arg34 : memref<!tpu.dma_semaphore, #tpu.memory_space<semaphore_mem>>) {add = true}
      %dma_wait3A_1096 = arith.constant 128 : i32
      %dma_wait3A_1097 = tpu.memref_slice %arg5[%multiple_of3A_65, %dma_wait3A_1096] : memref<80000x256xf32, #tpu.memory_space<hbm>> -> memref<128x128xf32, #tpu.memory_space<hbm>>
      %dma_wait3A_1098 = arith.constant 128 : i32
      %dma_wait3A_1099 = tpu.memref_slice %arg5[%multiple_of3A_65, %dma_wait3A_1098] : memref<80000x256xf32, #tpu.memory_space<hbm>> -> memref<128x128xf32, #tpu.memory_space<hbm>>
      tpu.wait_dma2 semaphore(%arg29 : memref<!tpu.dma_semaphore, #tpu.memory_space<semaphore_mem>>) src(%dma_wait3A_1099 : memref<128x128xf32, #tpu.memory_space<hbm>>) dst(%arg15 : memref<128x128xf32, #tpu.memory_space<vmem>>)
      %dma_start3A_1100 = arith.constant 0 : i32
      %dma_start3A_1101 = arith.constant 0 : i32
      %dma_start3A_1102 = tpu.memref_slice %arg25[%dma_start3A_1100, %dma_start3A_1101] : memref<2048x128xf32, #tpu.memory_space<vmem_shared>> -> memref<2048x128xf32, #tpu.memory_space<vmem_shared>>
      tpu.enqueue_indirect_dma source(%arg15 : memref<128x128xf32, #tpu.memory_space<vmem>>) target(%dma_start3A_1102 : memref<2048x128xf32, #tpu.memory_space<vmem_shared>>) offsets(%arg19 : memref<128xi32, #tpu.memory_space<vmem>>) semaphore(%arg35 : memref<!tpu.dma_semaphore, #tpu.memory_space<semaphore_mem>>) {add = true}
      %dma_start3A_1103 = arith.constant 0 : i32
      %dma_start3A_1104 = arith.constant 0 : i32
      %dma_start3A_1105 = tpu.memref_slice %arg27[%dma_start3A_1103, %dma_start3A_1104] : memref<2048x16xf32, #tpu.memory_space<vmem_shared>> -> memref<2048x16xf32, #tpu.memory_space<vmem_shared>>
      tpu.enqueue_indirect_dma source(%arg23 : memref<128x16xf32, #tpu.memory_space<vmem>>) target(%dma_start3A_1105 : memref<2048x16xf32, #tpu.memory_space<vmem_shared>>) offsets(%arg19 : memref<128xi32, #tpu.memory_space<vmem>>) semaphore(%arg36 : memref<!tpu.dma_semaphore, #tpu.memory_space<semaphore_mem>>) {add = true}
      %dma_wait3A_1106 = arith.constant 0 : i32
      %dma_wait3A_1107 = arith.constant 0 : i32
      %dma_wait3A_1108 = tpu.memref_slice %arg8[%dma_wait3A_1106, %dma_wait3A_1107] : memref<160000x128xf32, #tpu.memory_space<hbm>> -> memref<160000x128xf32, #tpu.memory_space<hbm>>
      tpu.wait_indirect_dma semaphore(%arg30 : memref<!tpu.dma_semaphore, #tpu.memory_space<semaphore_mem>>) src(%dma_wait3A_1108 : memref<160000x128xf32, #tpu.memory_space<hbm>>) dst(%arg16 : memref<128x128xf32, #tpu.memory_space<vmem>>)
      %dma_start3A_1109 = arith.constant 0 : i32
      %dma_start3A_1110 = arith.constant 0 : i32
      %dma_start3A_1111 = tpu.memref_slice %arg26[%dma_start3A_1109, %dma_start3A_1110] : memref<1152x128xf32, #tpu.memory_space<vmem_shared>> -> memref<1152x128xf32, #tpu.memory_space<vmem_shared>>
      %dma_start3A_1112 = arith.constant 1024 : i32
      tpu.enqueue_indirect_dma source(%arg16 : memref<128x128xf32, #tpu.memory_space<vmem>>) target(%dma_start3A_1111 : memref<1152x128xf32, #tpu.memory_space<vmem_shared>>) offsets(%arg20 : memref<128xi32, #tpu.memory_space<vmem>>) offset_filter(%dma_start3A_1112) semaphore(%arg37 : memref<!tpu.dma_semaphore, #tpu.memory_space<semaphore_mem>>) {add = true}
      %dma_wait3A_1113 = arith.constant 0 : i32
      %dma_wait3A_1114 = arith.constant 0 : i32
      %dma_wait3A_1115 = tpu.memref_slice %arg24[%dma_wait3A_1113, %dma_wait3A_1114] : memref<2048x128xf32, #tpu.memory_space<vmem_shared>> -> memref<2048x128xf32, #tpu.memory_space<vmem_shared>>
      tpu.wait_indirect_dma semaphore(%arg34 : memref<!tpu.dma_semaphore, #tpu.memory_space<semaphore_mem>>) src(%arg14 : memref<128x128xf32, #tpu.memory_space<vmem>>) dst(%dma_wait3A_1115 : memref<2048x128xf32, #tpu.memory_space<vmem_shared>>)
      %dma_wait3A_1116 = arith.constant 0 : i32
      %dma_wait3A_1117 = arith.constant 0 : i32
      %dma_wait3A_1118 = tpu.memref_slice %arg25[%dma_wait3A_1116, %dma_wait3A_1117] : memref<2048x128xf32, #tpu.memory_space<vmem_shared>> -> memref<2048x128xf32, #tpu.memory_space<vmem_shared>>
      tpu.wait_indirect_dma semaphore(%arg35 : memref<!tpu.dma_semaphore, #tpu.memory_space<semaphore_mem>>) src(%arg15 : memref<128x128xf32, #tpu.memory_space<vmem>>) dst(%dma_wait3A_1118 : memref<2048x128xf32, #tpu.memory_space<vmem_shared>>)
      %dma_wait3A_1119 = arith.constant 0 : i32
      %dma_wait3A_1120 = arith.constant 0 : i32
      %dma_wait3A_1121 = tpu.memref_slice %arg27[%dma_wait3A_1119, %dma_wait3A_1120] : memref<2048x16xf32, #tpu.memory_space<vmem_shared>> -> memref<2048x16xf32, #tpu.memory_space<vmem_shared>>
      tpu.wait_indirect_dma semaphore(%arg36 : memref<!tpu.dma_semaphore, #tpu.memory_space<semaphore_mem>>) src(%arg23 : memref<128x16xf32, #tpu.memory_space<vmem>>) dst(%dma_wait3A_1121 : memref<2048x16xf32, #tpu.memory_space<vmem_shared>>)
      %dma_wait3A_1122 = arith.constant 0 : i32
      %dma_wait3A_1123 = arith.constant 0 : i32
      %dma_wait3A_1124 = tpu.memref_slice %arg26[%dma_wait3A_1122, %dma_wait3A_1123] : memref<1152x128xf32, #tpu.memory_space<vmem_shared>> -> memref<1152x128xf32, #tpu.memory_space<vmem_shared>>
      tpu.wait_indirect_dma semaphore(%arg37 : memref<!tpu.dma_semaphore, #tpu.memory_space<semaphore_mem>>) src(%arg16 : memref<128x128xf32, #tpu.memory_space<vmem>>) dst(%dma_wait3A_1124 : memref<1152x128xf32, #tpu.memory_space<vmem_shared>>)
      %add3A_1125 = arith.addi %while3A_61, %add3A_1084 : vector<16xi32>
      scf.yield %add3A_1125 : vector<16xi32>
    }
    %barrier3A_43 = arith.constant 0 : index
    tpu.barrier barrier_id(%barrier3A_43)
    %mul3A_44 = arith.constant 128 : i32
    %mul3A_45 = arith.muli %arg1, %mul3A_44 : i32
    %mul3A_46 = arith.constant 128 : i32
    %mul3A_47 = arith.muli %arg1, %mul3A_46 : i32
    "tpu.region"() ({
      %run_scoped3A = tpu.sem_alloc : memref<!tpu.dma_semaphore, #tpu.memory_space<semaphore_mem>>
      %dma_start3A_60 = arith.constant 0 : i32
      %dma_start3A_61 = tpu.memref_slice %arg10[%arg0, %mul3A_47, %dma_start3A_60] : memref<2x2048x128xf32, #tpu.memory_space<hbm>> -> memref<1x128x128xf32, #tpu.memory_space<hbm>>
      %dma_start3A_62 = tpu.memref_squeeze %dma_start3A_61 : memref<1x128x128xf32, #tpu.memory_space<hbm>> -> memref<128x128xf32, #tpu.memory_space<hbm>>
      %dma_start3A_63 = arith.constant 0 : i32
      %dma_start3A_64 = tpu.memref_slice %arg24[%mul3A_45, %dma_start3A_63] : memref<2048x128xf32, #tpu.memory_space<vmem_shared>> -> memref<128x128xf32, #tpu.memory_space<vmem_shared>>
      tpu.enqueue_dma source(%dma_start3A_64 : memref<128x128xf32, #tpu.memory_space<vmem_shared>>) target(%dma_start3A_62 : memref<128x128xf32, #tpu.memory_space<hbm>>) target_semaphore(%run_scoped3A : memref<!tpu.dma_semaphore, #tpu.memory_space<semaphore_mem>>)
      %dma_wait3A_65 = arith.constant 0 : i32
      %dma_wait3A_66 = tpu.memref_slice %arg10[%arg0, %mul3A_47, %dma_wait3A_65] : memref<2x2048x128xf32, #tpu.memory_space<hbm>> -> memref<1x128x128xf32, #tpu.memory_space<hbm>>
      %dma_wait3A_67 = tpu.memref_squeeze %dma_wait3A_66 : memref<1x128x128xf32, #tpu.memory_space<hbm>> -> memref<128x128xf32, #tpu.memory_space<hbm>>
      %dma_wait3A_68 = arith.constant 0 : i32
      %dma_wait3A_69 = tpu.memref_slice %arg24[%mul3A_45, %dma_wait3A_68] : memref<2048x128xf32, #tpu.memory_space<vmem_shared>> -> memref<128x128xf32, #tpu.memory_space<vmem_shared>>
      tpu.wait_dma2 semaphore(%run_scoped3A : memref<!tpu.dma_semaphore, #tpu.memory_space<semaphore_mem>>) src(%dma_wait3A_69 : memref<128x128xf32, #tpu.memory_space<vmem_shared>>) dst(%dma_wait3A_67 : memref<128x128xf32, #tpu.memory_space<hbm>>)
      tpu.yield
    }) : () -> ()
    %mul3A_48 = arith.constant 128 : i32
    %mul3A_49 = arith.muli %arg1, %mul3A_48 : i32
    %mul3A_50 = arith.constant 128 : i32
    %mul3A_51 = arith.muli %arg1, %mul3A_50 : i32
    "tpu.region"() ({
      %run_scoped3A = tpu.sem_alloc : memref<!tpu.dma_semaphore, #tpu.memory_space<semaphore_mem>>
      %dma_start3A_60 = arith.constant 0 : i32
      %dma_start3A_61 = tpu.memref_slice %arg11[%arg0, %mul3A_51, %dma_start3A_60] : memref<2x2048x128xf32, #tpu.memory_space<hbm>> -> memref<1x128x128xf32, #tpu.memory_space<hbm>>
      %dma_start3A_62 = tpu.memref_squeeze %dma_start3A_61 : memref<1x128x128xf32, #tpu.memory_space<hbm>> -> memref<128x128xf32, #tpu.memory_space<hbm>>
      %dma_start3A_63 = arith.constant 0 : i32
      %dma_start3A_64 = tpu.memref_slice %arg25[%mul3A_49, %dma_start3A_63] : memref<2048x128xf32, #tpu.memory_space<vmem_shared>> -> memref<128x128xf32, #tpu.memory_space<vmem_shared>>
      tpu.enqueue_dma source(%dma_start3A_64 : memref<128x128xf32, #tpu.memory_space<vmem_shared>>) target(%dma_start3A_62 : memref<128x128xf32, #tpu.memory_space<hbm>>) target_semaphore(%run_scoped3A : memref<!tpu.dma_semaphore, #tpu.memory_space<semaphore_mem>>)
      %dma_wait3A_65 = arith.constant 0 : i32
      %dma_wait3A_66 = tpu.memref_slice %arg11[%arg0, %mul3A_51, %dma_wait3A_65] : memref<2x2048x128xf32, #tpu.memory_space<hbm>> -> memref<1x128x128xf32, #tpu.memory_space<hbm>>
      %dma_wait3A_67 = tpu.memref_squeeze %dma_wait3A_66 : memref<1x128x128xf32, #tpu.memory_space<hbm>> -> memref<128x128xf32, #tpu.memory_space<hbm>>
      %dma_wait3A_68 = arith.constant 0 : i32
      %dma_wait3A_69 = tpu.memref_slice %arg25[%mul3A_49, %dma_wait3A_68] : memref<2048x128xf32, #tpu.memory_space<vmem_shared>> -> memref<128x128xf32, #tpu.memory_space<vmem_shared>>
      tpu.wait_dma2 semaphore(%run_scoped3A : memref<!tpu.dma_semaphore, #tpu.memory_space<semaphore_mem>>) src(%dma_wait3A_69 : memref<128x128xf32, #tpu.memory_space<vmem_shared>>) dst(%dma_wait3A_67 : memref<128x128xf32, #tpu.memory_space<hbm>>)
      tpu.yield
    }) : () -> ()
    %mul3A_52 = arith.constant 72 : i32
    %mul3A_53 = arith.muli %arg1, %mul3A_52 : i32
    %mul3A_54 = arith.constant 72 : i32
    %mul3A_55 = arith.muli %arg1, %mul3A_54 : i32
    "tpu.region"() ({
      %run_scoped3A = tpu.sem_alloc : memref<!tpu.dma_semaphore, #tpu.memory_space<semaphore_mem>>
      %dma_start3A_60 = arith.constant 0 : i32
      %dma_start3A_61 = tpu.memref_slice %arg12[%arg0, %mul3A_55, %dma_start3A_60] : memref<2x1152x128xf32, #tpu.memory_space<hbm>> -> memref<1x72x128xf32, #tpu.memory_space<hbm>>
      %dma_start3A_62 = tpu.memref_squeeze %dma_start3A_61 : memref<1x72x128xf32, #tpu.memory_space<hbm>> -> memref<72x128xf32, #tpu.memory_space<hbm>>
      %dma_start3A_63 = arith.constant 0 : i32
      %dma_start3A_64 = tpu.memref_slice %arg26[%mul3A_53, %dma_start3A_63] : memref<1152x128xf32, #tpu.memory_space<vmem_shared>> -> memref<72x128xf32, #tpu.memory_space<vmem_shared>>
      tpu.enqueue_dma source(%dma_start3A_64 : memref<72x128xf32, #tpu.memory_space<vmem_shared>>) target(%dma_start3A_62 : memref<72x128xf32, #tpu.memory_space<hbm>>) target_semaphore(%run_scoped3A : memref<!tpu.dma_semaphore, #tpu.memory_space<semaphore_mem>>)
      %dma_wait3A_65 = arith.constant 0 : i32
      %dma_wait3A_66 = tpu.memref_slice %arg12[%arg0, %mul3A_55, %dma_wait3A_65] : memref<2x1152x128xf32, #tpu.memory_space<hbm>> -> memref<1x72x128xf32, #tpu.memory_space<hbm>>
      %dma_wait3A_67 = tpu.memref_squeeze %dma_wait3A_66 : memref<1x72x128xf32, #tpu.memory_space<hbm>> -> memref<72x128xf32, #tpu.memory_space<hbm>>
      %dma_wait3A_68 = arith.constant 0 : i32
      %dma_wait3A_69 = tpu.memref_slice %arg26[%mul3A_53, %dma_wait3A_68] : memref<1152x128xf32, #tpu.memory_space<vmem_shared>> -> memref<72x128xf32, #tpu.memory_space<vmem_shared>>
      tpu.wait_dma2 semaphore(%run_scoped3A : memref<!tpu.dma_semaphore, #tpu.memory_space<semaphore_mem>>) src(%dma_wait3A_69 : memref<72x128xf32, #tpu.memory_space<vmem_shared>>) dst(%dma_wait3A_67 : memref<72x128xf32, #tpu.memory_space<hbm>>)
      tpu.yield
    }) : () -> ()
    %mul3A_56 = arith.constant 128 : i32
    %mul3A_57 = arith.muli %arg1, %mul3A_56 : i32
    %mul3A_58 = arith.constant 128 : i32
    %mul3A_59 = arith.muli %arg1, %mul3A_58 : i32
    "tpu.region"() ({
      %run_scoped3A = tpu.sem_alloc : memref<!tpu.dma_semaphore, #tpu.memory_space<semaphore_mem>>
      %dma_start3A_60 = arith.constant 0 : i32
      %dma_start3A_61 = tpu.memref_slice %arg13[%arg0, %mul3A_59, %dma_start3A_60] : memref<2x2048x16xf32, #tpu.memory_space<hbm>> -> memref<1x128x16xf32, #tpu.memory_space<hbm>>
      %dma_start3A_62 = tpu.memref_squeeze %dma_start3A_61 : memref<1x128x16xf32, #tpu.memory_space<hbm>> -> memref<128x16xf32, #tpu.memory_space<hbm>>
      %dma_start3A_63 = arith.constant 0 : i32
      %dma_start3A_64 = tpu.memref_slice %arg27[%mul3A_57, %dma_start3A_63] : memref<2048x16xf32, #tpu.memory_space<vmem_shared>> -> memref<128x16xf32, #tpu.memory_space<vmem_shared>>
      tpu.enqueue_dma source(%dma_start3A_64 : memref<128x16xf32, #tpu.memory_space<vmem_shared>>) target(%dma_start3A_62 : memref<128x16xf32, #tpu.memory_space<hbm>>) target_semaphore(%run_scoped3A : memref<!tpu.dma_semaphore, #tpu.memory_space<semaphore_mem>>)
      %dma_wait3A_65 = arith.constant 0 : i32
      %dma_wait3A_66 = tpu.memref_slice %arg13[%arg0, %mul3A_59, %dma_wait3A_65] : memref<2x2048x16xf32, #tpu.memory_space<hbm>> -> memref<1x128x16xf32, #tpu.memory_space<hbm>>
      %dma_wait3A_67 = tpu.memref_squeeze %dma_wait3A_66 : memref<1x128x16xf32, #tpu.memory_space<hbm>> -> memref<128x16xf32, #tpu.memory_space<hbm>>
      %dma_wait3A_68 = arith.constant 0 : i32
      %dma_wait3A_69 = tpu.memref_slice %arg27[%mul3A_57, %dma_wait3A_68] : memref<2048x16xf32, #tpu.memory_space<vmem_shared>> -> memref<128x16xf32, #tpu.memory_space<vmem_shared>>
      tpu.wait_dma2 semaphore(%run_scoped3A : memref<!tpu.dma_semaphore, #tpu.memory_space<semaphore_mem>>) src(%dma_wait3A_69 : memref<128x16xf32, #tpu.memory_space<vmem_shared>>) dst(%dma_wait3A_67 : memref<128x16xf32, #tpu.memory_space<hbm>>)
      tpu.yield
    }) : () -> ()
    return
  }
}

module attributes {stable_mosaic.version = 14 : i64} {
  func.func @_stage1(%arg0: i32, %arg1: memref<3200x256xf32, #tpu.memory_space<vmem>>, %arg2: memref<1x25x128xi32, #tpu.memory_space<vmem>>, %arg3: memref<1x256xf32, #tpu.memory_space<vmem>>, %arg4: memref<1x256xf32, #tpu.memory_space<vmem>>, %arg5: memref<256x1xf32, #tpu.memory_space<vmem>>, %arg6: memref<1x1xf32, #tpu.memory_space<vmem>>, %arg7: memref<1x1xi32, #tpu.memory_space<vmem>>, %arg8: memref<3200x256xf32, #tpu.memory_space<vmem>>, %arg9: memref<1x25x1xi32, #tpu.memory_space<vmem>>, %arg10: memref<1x1xi32, #tpu.memory_space<vmem>>, %arg11: memref<1xi32, #tpu.memory_space<smem>>) attributes {dimension_semantics = [#tpu.dimension_semantics<arbitrary>], iteration_bounds = array<i64: 25>, scalar_prefetch = 0 : i64, scratch_operands = 1 : i64, tpu.core_type = #tpu.core_type<tc>, window_params = [{transform_indices = @transform_0, window_bounds = array<i64: 3200, 256>}, {transform_indices = @transform_1, window_bounds = array<i64: 1, 25, 128>}, {pipeline_mode = #tpu.pipeline_mode<synchronous>, transform_indices = @transform_2, window_bounds = array<i64: 1, 256>}, {pipeline_mode = #tpu.pipeline_mode<synchronous>, transform_indices = @transform_3, window_bounds = array<i64: 1, 256>}, {pipeline_mode = #tpu.pipeline_mode<synchronous>, transform_indices = @transform_4, window_bounds = array<i64: 256, 1>}, {pipeline_mode = #tpu.pipeline_mode<synchronous>, transform_indices = @transform_5, window_bounds = array<i64: 1, 1>}, {pipeline_mode = #tpu.pipeline_mode<synchronous>, transform_indices = @transform_6, window_bounds = array<i64: 1, 1>}, {transform_indices = @transform_7, window_bounds = array<i64: 3200, 256>}, {transform_indices = @transform_8, window_bounds = array<i64: 1, 25, 1>}, {pipeline_mode = #tpu.pipeline_mode<synchronous>, transform_indices = @transform_9, window_bounds = array<i64: 1, 1>}]} {
    %eq3A = arith.constant 0 : i32
    %eq3A_0 = arith.cmpi eq, %arg0, %eq3A : i32
    %convert_element_type3A = arith.extui %eq3A_0 : i1 to i32
    %cond3A = arith.constant 0 : i32
    %cond3A_1 = arith.cmpi ne, %convert_element_type3A, %cond3A : i32
    scf.if %cond3A_1 {
      %get3A_86 = arith.constant 0 : index
      %get3A_87 = arith.constant 0 : index
      %get3A_88 = vector.load %arg7[%get3A_86, %get3A_87] : memref<1x1xi32, #tpu.memory_space<vmem>>, vector<1x1xi32>
      %get3A_89 = vector.extract %get3A_88[0, 0] : i32 from vector<1x1xi32>
      %swap3A_90 = arith.constant 0 : index
      %swap3A_91 = memref.load %arg11[%swap3A_90] : memref<1xi32, #tpu.memory_space<smem>>
      memref.store %get3A_89, %arg11[%swap3A_90] : memref<1xi32, #tpu.memory_space<smem>>
    } else {
    }
    %get3A = arith.constant 0 : index
    %get3A_2 = arith.constant 0 : index
    %get3A_3 = vector.load %arg1[%get3A, %get3A_2] : memref<3200x256xf32, #tpu.memory_space<vmem>>, vector<3200x256xf32>
    %reduce_sum3A = arith.constant dense<0.000000e+00> : vector<3200xf32>
    %reduce_sum3A_4 = vector.multi_reduction <add>, %get3A_3, %reduce_sum3A [1] : vector<3200x256xf32> to vector<3200xf32>
    %broadcast_in_dim3A = vector.shape_cast %reduce_sum3A_4 : vector<3200xf32> to vector<3200x1xf32>
    %div3A = arith.constant 2.560000e+02 : f32
    %div3A_5 = vector.broadcast %div3A : f32 to vector<3200x1xf32>
    %div3A_6 = arith.divf %broadcast_in_dim3A, %div3A_5 : vector<3200x1xf32>
    %sub3A = vector.broadcast %div3A_6 : vector<3200x1xf32> to vector<3200x256xf32>
    %sub3A_7 = arith.subf %get3A_3, %sub3A : vector<3200x256xf32>
    %sub3A_8 = vector.broadcast %div3A_6 : vector<3200x1xf32> to vector<3200x256xf32>
    %sub3A_9 = arith.subf %get3A_3, %sub3A_8 : vector<3200x256xf32>
    %mul3A = arith.mulf %sub3A_7, %sub3A_9 : vector<3200x256xf32>
    %reduce_sum3A_10 = arith.constant dense<0.000000e+00> : vector<3200xf32>
    %reduce_sum3A_11 = vector.multi_reduction <add>, %mul3A, %reduce_sum3A_10 [1] : vector<3200x256xf32> to vector<3200xf32>
    %broadcast_in_dim3A_12 = vector.shape_cast %reduce_sum3A_11 : vector<3200xf32> to vector<3200x1xf32>
    %div3A_13 = arith.constant 2.560000e+02 : f32
    %div3A_14 = vector.broadcast %div3A_13 : f32 to vector<3200x1xf32>
    %div3A_15 = arith.divf %broadcast_in_dim3A_12, %div3A_14 : vector<3200x1xf32>
    %sub3A_16 = vector.broadcast %div3A_6 : vector<3200x1xf32> to vector<3200x256xf32>
    %sub3A_17 = arith.subf %get3A_3, %sub3A_16 : vector<3200x256xf32>
    %add3A = arith.constant 9.99999974E-6 : f32
    %add3A_18 = vector.broadcast %add3A : f32 to vector<3200x1xf32>
    %add3A_19 = arith.addf %div3A_15, %add3A_18 : vector<3200x1xf32>
    %rsqrt3A = math.rsqrt %add3A_19 : vector<3200x1xf32>
    %mul3A_20 = vector.broadcast %rsqrt3A : vector<3200x1xf32> to vector<3200x256xf32>
    %mul3A_21 = arith.mulf %sub3A_17, %mul3A_20 : vector<3200x256xf32>
    %get3A_22 = arith.constant 0 : index
    %get3A_23 = arith.constant 0 : index
    %get3A_24 = vector.load %arg3[%get3A_22, %get3A_23] : memref<1x256xf32, #tpu.memory_space<vmem>>, vector<1x256xf32>
    %mul3A_25 = vector.broadcast %get3A_24 : vector<1x256xf32> to vector<3200x256xf32>
    %mul3A_26 = arith.mulf %mul3A_21, %mul3A_25 : vector<3200x256xf32>
    %get3A_27 = arith.constant 0 : index
    %get3A_28 = arith.constant 0 : index
    %get3A_29 = vector.load %arg4[%get3A_27, %get3A_28] : memref<1x256xf32, #tpu.memory_space<vmem>>, vector<1x256xf32>
    %add3A_30 = vector.broadcast %get3A_29 : vector<1x256xf32> to vector<3200x256xf32>
    %add3A_31 = arith.addf %mul3A_26, %add3A_30 : vector<3200x256xf32>
    %get3A_32 = arith.constant 0 : index
    %get3A_33 = arith.constant 0 : index
    %get3A_34 = vector.load %arg5[%get3A_32, %get3A_33] : memref<256x1xf32, #tpu.memory_space<vmem>>, vector<256x1xf32>
    %dot_general3A = arith.constant dense<0.000000e+00> : vector<3200x1xf32>
    %dot_general3A_35 = tpu.matmul %add3A_31, %get3A_34, %dot_general3A {dimension_numbers = #tpu.dot_dimension_numbers<[1], [0], [0], [1], [0, 0, 1, 1], [], []>, transpose_lhs_hint = false} : vector<3200x256xf32>, vector<256x1xf32>, vector<3200x1xf32> -> vector<3200x1xf32>
    %get3A_36 = arith.constant 0 : index
    %get3A_37 = arith.constant 0 : index
    %get3A_38 = vector.load %arg6[%get3A_36, %get3A_37] : memref<1x1xf32, #tpu.memory_space<vmem>>, vector<1x1xf32>
    %add3A_39 = vector.broadcast %get3A_38 : vector<1x1xf32> to vector<3200x1xf32>
    %add3A_40 = arith.addf %dot_general3A_35, %add3A_39 : vector<3200x1xf32>
    %logistic3A = arith.negf %add3A_40 : vector<3200x1xf32>
    %logistic3A_41 = math.exp %logistic3A : vector<3200x1xf32>
    %logistic3A_42 = arith.constant 1.000000e+00 : f32
    %logistic3A_43 = vector.broadcast %logistic3A_42 : f32 to vector<3200x1xf32>
    %logistic3A_44 = arith.addf %logistic3A_43, %logistic3A_41 : vector<3200x1xf32>
    %logistic3A_45 = arith.divf %logistic3A_43, %logistic3A_44 : vector<3200x1xf32>
    %mul3A_46 = vector.broadcast %logistic3A_45 : vector<3200x1xf32> to vector<3200x256xf32>
    %mul3A_47 = arith.mulf %mul3A_46, %add3A_31 : vector<3200x256xf32>
    %swap3A = arith.constant 0 : index
    %swap3A_48 = arith.constant 0 : index
    %swap3A_49 = vector.load %arg8[%swap3A, %swap3A_48] : memref<3200x256xf32, #tpu.memory_space<vmem>>, vector<3200x256xf32>
    tpu.vector_store %arg8[%swap3A, %swap3A_48], %mul3A_47 {strides = array<i32>} : memref<3200x256xf32, #tpu.memory_space<vmem>>, vector<3200x256xf32>,
    %get3A_50 = arith.constant 0 : index
    %get3A_51 = arith.constant 0 : index
    %get3A_52 = arith.constant 0 : index
    %get3A_53 = vector.load %arg2[%get3A_50, %get3A_51, %get3A_52] : memref<1x25x128xi32, #tpu.memory_space<vmem>>, vector<1x25x128xi32>
    %get3A_54 = vector.shape_cast %get3A_53 : vector<1x25x128xi32> to vector<25x128xi32>
    %reduce_sum3A_55 = arith.constant dense<0> : vector<25xi32>
    %reduce_sum3A_56 = vector.multi_reduction <add>, %get3A_54, %reduce_sum3A_55 [1] : vector<25x128xi32> to vector<25xi32>
    %broadcast_in_dim3A_57 = vector.shape_cast %reduce_sum3A_56 : vector<25xi32> to vector<25x1xi32>
    %convert_element_type3A_58 = arith.sitofp %broadcast_in_dim3A_57 : vector<25x1xi32> to vector<25x1xf32>
    %iota3A = tpu.iota {dimensions = array<i32: 0>} : vector<25x25xi32>
    %iota3A_59 = tpu.iota {dimensions = array<i32: 1>} : vector<25x25xi32>
    %lt3A = arith.cmpi slt, %iota3A_59, %iota3A : vector<25x25xi32>
    %convert_element_type3A_60 = arith.extui %lt3A : vector<25x25xi1> to vector<25x25xi32>
    %convert_element_type3A_61 = arith.sitofp %convert_element_type3A_60 : vector<25x25xi32> to vector<25x25xf32>
    %dot_general3A_62 = arith.constant dense<0.000000e+00> : vector<25x1xf32>
    %dot_general3A_63 = tpu.matmul %convert_element_type3A_61, %convert_element_type3A_58, %dot_general3A_62 {dimension_numbers = #tpu.dot_dimension_numbers<[1], [0], [0], [1], [0, 0, 1, 1], [], []>, transpose_lhs_hint = false} : vector<25x25xf32>, vector<25x1xf32>, vector<25x1xf32> -> vector<25x1xf32>
    %get3A_64 = arith.constant 0 : index
    %get3A_65 = memref.load %arg11[%get3A_64] : memref<1xi32, #tpu.memory_space<smem>>
    %convert_element_type3A_66 = arith.fptosi %dot_general3A_63 : vector<25x1xf32> to vector<25x1xi32>
    %add3A_67 = vector.broadcast %get3A_65 : i32 to vector<25x1xi32>
    %add3A_68 = arith.addi %add3A_67, %convert_element_type3A_66 : vector<25x1xi32>
    %reshape3A = vector.shape_cast %add3A_68 : vector<25x1xi32> to vector<1x25x1xi32>
    %swap3A_69 = arith.constant 0 : index
    %swap3A_70 = arith.constant 0 : index
    %swap3A_71 = arith.constant 0 : index
    %swap3A_72 = vector.load %arg9[%swap3A_69, %swap3A_70, %swap3A_71] : memref<1x25x1xi32, #tpu.memory_space<vmem>>, vector<1x25x1xi32>
    tpu.vector_store %arg9[%swap3A_69, %swap3A_70, %swap3A_71], %reshape3A {strides = array<i32>} : memref<1x25x1xi32, #tpu.memory_space<vmem>>, vector<1x25x1xi32>,
    %reduce_sum3A_73 = vector.shape_cast %get3A_54 : vector<25x128xi32> to vector<1x25x128xi32>
    %reduce_sum3A_74 = arith.constant dense<0> : vector<1xi32>
    %reduce_sum3A_75 = vector.multi_reduction <add>, %reduce_sum3A_73, %reduce_sum3A_74 [1, 2] : vector<1x25x128xi32> to vector<1xi32>
    %reduce_sum3A_76 = vector.shape_cast %reduce_sum3A_75 : vector<1xi32> to vector<1x1x1xi32>
    %reduce_sum3A_77 = vector.extract %reduce_sum3A_76[0, 0, 0] : i32 from vector<1x1x1xi32>
    %add3A_78 = arith.addi %get3A_65, %reduce_sum3A_77 : i32
    %swap3A_79 = arith.constant 0 : index
    %swap3A_80 = memref.load %arg11[%swap3A_79] : memref<1xi32, #tpu.memory_space<smem>>
    memref.store %add3A_78, %arg11[%swap3A_79] : memref<1xi32, #tpu.memory_space<smem>>
    %eq3A_81 = arith.constant 24 : i32
    %eq3A_82 = arith.cmpi eq, %arg0, %eq3A_81 : i32
    %convert_element_type3A_83 = arith.extui %eq3A_82 : i1 to i32
    %cond3A_84 = arith.constant 0 : i32
    %cond3A_85 = arith.cmpi ne, %convert_element_type3A_83, %cond3A_84 : i32
    scf.if %cond3A_85 {
      %get3A_86 = arith.constant 0 : index
      %get3A_87 = memref.load %arg11[%get3A_86] : memref<1xi32, #tpu.memory_space<smem>>
      %broadcast_in_dim3A_88 = arith.constant 1 : i32
      %broadcast_in_dim3A_89 = vector.broadcast %broadcast_in_dim3A_88 : i32 to vector<1x1xi32>
      %mul3A_90 = vector.broadcast %get3A_87 : i32 to vector<1x1xi32>
      %mul3A_91 = arith.muli %mul3A_90, %broadcast_in_dim3A_89 : vector<1x1xi32>
      %swap3A_92 = arith.constant 0 : index
      %swap3A_93 = arith.constant 0 : index
      %swap3A_94 = vector.load %arg10[%swap3A_92, %swap3A_93] : memref<1x1xi32, #tpu.memory_space<vmem>>, vector<1x1xi32>
      tpu.vector_store %arg10[%swap3A_92, %swap3A_93], %mul3A_91 {strides = array<i32>} : memref<1x1xi32, #tpu.memory_space<vmem>>, vector<1x1xi32>,
    } else {
    }
    return
  }
  func.func @transform_0(%arg0: i32) -> (i32, i32) {
    %add3A = arith.constant 0 : i32
    %add3A_0 = arith.addi %arg0, %add3A : i32
    %c0_i32 = arith.constant 0 : i32
    %c0_i32_1 = arith.constant 0 : i32
    return %add3A_0, %c0_i32 : i32, i32
  }
  func.func @transform_1(%arg0: i32) -> (i32, i32, i32) {
    %add3A = arith.constant 0 : i32
    %add3A_0 = arith.addi %arg0, %add3A : i32
    %c0_i32 = arith.constant 0 : i32
    %c0_i32_1 = arith.constant 0 : i32
    %c0_i32_2 = arith.constant 0 : i32
    return %add3A_0, %c0_i32, %c0_i32_1 : i32, i32, i32
  }
  func.func @transform_2(%arg0: i32) -> (i32, i32) {
    %c0_i32 = arith.constant 0 : i32
    %c0_i32_0 = arith.constant 0 : i32
    %c0_i32_1 = arith.constant 0 : i32
    return %c0_i32, %c0_i32_0 : i32, i32
  }
  func.func @transform_3(%arg0: i32) -> (i32, i32) {
    %c0_i32 = arith.constant 0 : i32
    %c0_i32_0 = arith.constant 0 : i32
    %c0_i32_1 = arith.constant 0 : i32
    return %c0_i32, %c0_i32_0 : i32, i32
  }
  func.func @transform_4(%arg0: i32) -> (i32, i32) {
    %c0_i32 = arith.constant 0 : i32
    %c0_i32_0 = arith.constant 0 : i32
    %c0_i32_1 = arith.constant 0 : i32
    return %c0_i32, %c0_i32_0 : i32, i32
  }
  func.func @transform_5(%arg0: i32) -> (i32, i32) {
    %c0_i32 = arith.constant 0 : i32
    %c0_i32_0 = arith.constant 0 : i32
    %c0_i32_1 = arith.constant 0 : i32
    return %c0_i32, %c0_i32_0 : i32, i32
  }
  func.func @transform_6(%arg0: i32) -> (i32, i32) {
    %c0_i32 = arith.constant 0 : i32
    %c0_i32_0 = arith.constant 0 : i32
    %c0_i32_1 = arith.constant 0 : i32
    return %c0_i32, %c0_i32_0 : i32, i32
  }
  func.func @transform_7(%arg0: i32) -> (i32, i32) {
    %c0_i32 = arith.constant 0 : i32
    %c0_i32_0 = arith.constant 0 : i32
    return %arg0, %c0_i32 : i32, i32
  }
  func.func @transform_8(%arg0: i32) -> (i32, i32, i32) {
    %c0_i32 = arith.constant 0 : i32
    %c0_i32_0 = arith.constant 0 : i32
    %c0_i32_1 = arith.constant 0 : i32
    return %arg0, %c0_i32, %c0_i32_0 : i32, i32, i32
  }
  func.func @transform_9(%arg0: i32) -> (i32, i32) {
    %c0_i32 = arith.constant 0 : i32
    %c0_i32_0 = arith.constant 0 : i32
    %c0_i32_1 = arith.constant 0 : i32
    return %c0_i32, %c0_i32_0 : i32, i32
  }
}

module attributes {stable_mosaic.version = 14 : i64} {
  func.func @_stage1(%arg0: i32, %arg1: memref<3200x256xf32, #tpu.memory_space<vmem>>, %arg2: memref<1x25x128xi32, #tpu.memory_space<vmem>>, %arg3: memref<1x256xf32, #tpu.memory_space<vmem>>, %arg4: memref<1x256xf32, #tpu.memory_space<vmem>>, %arg5: memref<256x1xf32, #tpu.memory_space<vmem>>, %arg6: memref<1x1xf32, #tpu.memory_space<vmem>>, %arg7: memref<1x1xi32, #tpu.memory_space<vmem>>, %arg8: memref<3200x256xf32, #tpu.memory_space<vmem>>, %arg9: memref<1x25x1xi32, #tpu.memory_space<vmem>>, %arg10: memref<1x1xi32, #tpu.memory_space<vmem>>, %arg11: memref<1xi32, #tpu.memory_space<smem>>) attributes {dimension_semantics = [#tpu.dimension_semantics<arbitrary>], iteration_bounds = array<i64: 25>, scalar_prefetch = 0 : i64, scratch_operands = 1 : i64, tpu.core_type = #tpu.core_type<tc>, window_params = [{transform_indices = @transform_0, window_bounds = array<i64: 3200, 256>}, {transform_indices = @transform_1, window_bounds = array<i64: 1, 25, 128>}, {pipeline_mode = #tpu.pipeline_mode<synchronous>, transform_indices = @transform_2, window_bounds = array<i64: 1, 256>}, {pipeline_mode = #tpu.pipeline_mode<synchronous>, transform_indices = @transform_3, window_bounds = array<i64: 1, 256>}, {pipeline_mode = #tpu.pipeline_mode<synchronous>, transform_indices = @transform_4, window_bounds = array<i64: 256, 1>}, {pipeline_mode = #tpu.pipeline_mode<synchronous>, transform_indices = @transform_5, window_bounds = array<i64: 1, 1>}, {pipeline_mode = #tpu.pipeline_mode<synchronous>, transform_indices = @transform_6, window_bounds = array<i64: 1, 1>}, {transform_indices = @transform_7, window_bounds = array<i64: 3200, 256>}, {transform_indices = @transform_8, window_bounds = array<i64: 1, 25, 1>}, {pipeline_mode = #tpu.pipeline_mode<synchronous>, transform_indices = @transform_9, window_bounds = array<i64: 1, 1>}]} {
    %eq3A = arith.constant 0 : i32
    %eq3A_0 = arith.cmpi eq, %arg0, %eq3A : i32
    %convert_element_type3A = arith.extui %eq3A_0 : i1 to i32
    %cond3A = arith.constant 0 : i32
    %cond3A_1 = arith.cmpi ne, %convert_element_type3A, %cond3A : i32
    scf.if %cond3A_1 {
      %get3A_86 = arith.constant 0 : index
      %get3A_87 = arith.constant 0 : index
      %get3A_88 = vector.load %arg7[%get3A_86, %get3A_87] : memref<1x1xi32, #tpu.memory_space<vmem>>, vector<1x1xi32>
      %get3A_89 = vector.extract %get3A_88[0, 0] : i32 from vector<1x1xi32>
      %swap3A_90 = arith.constant 0 : index
      %swap3A_91 = memref.load %arg11[%swap3A_90] : memref<1xi32, #tpu.memory_space<smem>>
      memref.store %get3A_89, %arg11[%swap3A_90] : memref<1xi32, #tpu.memory_space<smem>>
    } else {
    }
    %get3A = arith.constant 0 : index
    %get3A_2 = arith.constant 0 : index
    %get3A_3 = vector.load %arg1[%get3A, %get3A_2] : memref<3200x256xf32, #tpu.memory_space<vmem>>, vector<3200x256xf32>
    %reduce_sum3A = arith.constant dense<0.000000e+00> : vector<3200xf32>
    %reduce_sum3A_4 = vector.multi_reduction <add>, %get3A_3, %reduce_sum3A [1] : vector<3200x256xf32> to vector<3200xf32>
    %broadcast_in_dim3A = vector.shape_cast %reduce_sum3A_4 : vector<3200xf32> to vector<3200x1xf32>
    %div3A = arith.constant 2.560000e+02 : f32
    %div3A_5 = vector.broadcast %div3A : f32 to vector<3200x1xf32>
    %div3A_6 = arith.divf %broadcast_in_dim3A, %div3A_5 : vector<3200x1xf32>
    %sub3A = vector.broadcast %div3A_6 : vector<3200x1xf32> to vector<3200x256xf32>
    %sub3A_7 = arith.subf %get3A_3, %sub3A : vector<3200x256xf32>
    %sub3A_8 = vector.broadcast %div3A_6 : vector<3200x1xf32> to vector<3200x256xf32>
    %sub3A_9 = arith.subf %get3A_3, %sub3A_8 : vector<3200x256xf32>
    %mul3A = arith.mulf %sub3A_7, %sub3A_9 : vector<3200x256xf32>
    %reduce_sum3A_10 = arith.constant dense<0.000000e+00> : vector<3200xf32>
    %reduce_sum3A_11 = vector.multi_reduction <add>, %mul3A, %reduce_sum3A_10 [1] : vector<3200x256xf32> to vector<3200xf32>
    %broadcast_in_dim3A_12 = vector.shape_cast %reduce_sum3A_11 : vector<3200xf32> to vector<3200x1xf32>
    %div3A_13 = arith.constant 2.560000e+02 : f32
    %div3A_14 = vector.broadcast %div3A_13 : f32 to vector<3200x1xf32>
    %div3A_15 = arith.divf %broadcast_in_dim3A_12, %div3A_14 : vector<3200x1xf32>
    %sub3A_16 = vector.broadcast %div3A_6 : vector<3200x1xf32> to vector<3200x256xf32>
    %sub3A_17 = arith.subf %get3A_3, %sub3A_16 : vector<3200x256xf32>
    %add3A = arith.constant 9.99999974E-6 : f32
    %add3A_18 = vector.broadcast %add3A : f32 to vector<3200x1xf32>
    %add3A_19 = arith.addf %div3A_15, %add3A_18 : vector<3200x1xf32>
    %rsqrt3A = math.rsqrt %add3A_19 : vector<3200x1xf32>
    %mul3A_20 = vector.broadcast %rsqrt3A : vector<3200x1xf32> to vector<3200x256xf32>
    %mul3A_21 = arith.mulf %sub3A_17, %mul3A_20 : vector<3200x256xf32>
    %get3A_22 = arith.constant 0 : index
    %get3A_23 = arith.constant 0 : index
    %get3A_24 = vector.load %arg3[%get3A_22, %get3A_23] : memref<1x256xf32, #tpu.memory_space<vmem>>, vector<1x256xf32>
    %mul3A_25 = vector.broadcast %get3A_24 : vector<1x256xf32> to vector<3200x256xf32>
    %mul3A_26 = arith.mulf %mul3A_21, %mul3A_25 : vector<3200x256xf32>
    %get3A_27 = arith.constant 0 : index
    %get3A_28 = arith.constant 0 : index
    %get3A_29 = vector.load %arg4[%get3A_27, %get3A_28] : memref<1x256xf32, #tpu.memory_space<vmem>>, vector<1x256xf32>
    %add3A_30 = vector.broadcast %get3A_29 : vector<1x256xf32> to vector<3200x256xf32>
    %add3A_31 = arith.addf %mul3A_26, %add3A_30 : vector<3200x256xf32>
    %get3A_32 = arith.constant 0 : index
    %get3A_33 = arith.constant 0 : index
    %get3A_34 = vector.load %arg5[%get3A_32, %get3A_33] : memref<256x1xf32, #tpu.memory_space<vmem>>, vector<256x1xf32>
    %dot_general3A = arith.constant dense<0.000000e+00> : vector<3200x1xf32>
    %dot_general3A_35 = tpu.matmul %add3A_31, %get3A_34, %dot_general3A {dimension_numbers = #tpu.dot_dimension_numbers<[1], [0], [0], [1], [0, 0, 1, 1], [], []>, transpose_lhs_hint = false} : vector<3200x256xf32>, vector<256x1xf32>, vector<3200x1xf32> -> vector<3200x1xf32>
    %get3A_36 = arith.constant 0 : index
    %get3A_37 = arith.constant 0 : index
    %get3A_38 = vector.load %arg6[%get3A_36, %get3A_37] : memref<1x1xf32, #tpu.memory_space<vmem>>, vector<1x1xf32>
    %add3A_39 = vector.broadcast %get3A_38 : vector<1x1xf32> to vector<3200x1xf32>
    %add3A_40 = arith.addf %dot_general3A_35, %add3A_39 : vector<3200x1xf32>
    %logistic3A = arith.negf %add3A_40 : vector<3200x1xf32>
    %logistic3A_41 = math.exp %logistic3A : vector<3200x1xf32>
    %logistic3A_42 = arith.constant 1.000000e+00 : f32
    %logistic3A_43 = vector.broadcast %logistic3A_42 : f32 to vector<3200x1xf32>
    %logistic3A_44 = arith.addf %logistic3A_43, %logistic3A_41 : vector<3200x1xf32>
    %logistic3A_45 = arith.divf %logistic3A_43, %logistic3A_44 : vector<3200x1xf32>
    %mul3A_46 = vector.broadcast %logistic3A_45 : vector<3200x1xf32> to vector<3200x256xf32>
    %mul3A_47 = arith.mulf %mul3A_46, %add3A_31 : vector<3200x256xf32>
    %swap3A = arith.constant 0 : index
    %swap3A_48 = arith.constant 0 : index
    %swap3A_49 = vector.load %arg8[%swap3A, %swap3A_48] : memref<3200x256xf32, #tpu.memory_space<vmem>>, vector<3200x256xf32>
    tpu.vector_store %arg8[%swap3A, %swap3A_48], %mul3A_47 {strides = array<i32>} : memref<3200x256xf32, #tpu.memory_space<vmem>>, vector<3200x256xf32>,
    %get3A_50 = arith.constant 0 : index
    %get3A_51 = arith.constant 0 : index
    %get3A_52 = arith.constant 0 : index
    %get3A_53 = vector.load %arg2[%get3A_50, %get3A_51, %get3A_52] : memref<1x25x128xi32, #tpu.memory_space<vmem>>, vector<1x25x128xi32>
    %get3A_54 = vector.shape_cast %get3A_53 : vector<1x25x128xi32> to vector<25x128xi32>
    %reduce_sum3A_55 = arith.constant dense<0> : vector<25xi32>
    %reduce_sum3A_56 = vector.multi_reduction <add>, %get3A_54, %reduce_sum3A_55 [1] : vector<25x128xi32> to vector<25xi32>
    %broadcast_in_dim3A_57 = vector.shape_cast %reduce_sum3A_56 : vector<25xi32> to vector<25x1xi32>
    %convert_element_type3A_58 = arith.sitofp %broadcast_in_dim3A_57 : vector<25x1xi32> to vector<25x1xf32>
    %iota3A = tpu.iota {dimensions = array<i32: 0>} : vector<25x25xi32>
    %iota3A_59 = tpu.iota {dimensions = array<i32: 1>} : vector<25x25xi32>
    %lt3A = arith.cmpi slt, %iota3A_59, %iota3A : vector<25x25xi32>
    %convert_element_type3A_60 = arith.extui %lt3A : vector<25x25xi1> to vector<25x25xi32>
    %convert_element_type3A_61 = arith.sitofp %convert_element_type3A_60 : vector<25x25xi32> to vector<25x25xf32>
    %dot_general3A_62 = arith.constant dense<0.000000e+00> : vector<25x1xf32>
    %dot_general3A_63 = tpu.matmul %convert_element_type3A_61, %convert_element_type3A_58, %dot_general3A_62 {dimension_numbers = #tpu.dot_dimension_numbers<[1], [0], [0], [1], [0, 0, 1, 1], [], []>, transpose_lhs_hint = false} : vector<25x25xf32>, vector<25x1xf32>, vector<25x1xf32> -> vector<25x1xf32>
    %get3A_64 = arith.constant 0 : index
    %get3A_65 = memref.load %arg11[%get3A_64] : memref<1xi32, #tpu.memory_space<smem>>
    %convert_element_type3A_66 = arith.fptosi %dot_general3A_63 : vector<25x1xf32> to vector<25x1xi32>
    %add3A_67 = vector.broadcast %get3A_65 : i32 to vector<25x1xi32>
    %add3A_68 = arith.addi %add3A_67, %convert_element_type3A_66 : vector<25x1xi32>
    %reshape3A = vector.shape_cast %add3A_68 : vector<25x1xi32> to vector<1x25x1xi32>
    %swap3A_69 = arith.constant 0 : index
    %swap3A_70 = arith.constant 0 : index
    %swap3A_71 = arith.constant 0 : index
    %swap3A_72 = vector.load %arg9[%swap3A_69, %swap3A_70, %swap3A_71] : memref<1x25x1xi32, #tpu.memory_space<vmem>>, vector<1x25x1xi32>
    tpu.vector_store %arg9[%swap3A_69, %swap3A_70, %swap3A_71], %reshape3A {strides = array<i32>} : memref<1x25x1xi32, #tpu.memory_space<vmem>>, vector<1x25x1xi32>,
    %reduce_sum3A_73 = vector.shape_cast %get3A_54 : vector<25x128xi32> to vector<1x25x128xi32>
    %reduce_sum3A_74 = arith.constant dense<0> : vector<1xi32>
    %reduce_sum3A_75 = vector.multi_reduction <add>, %reduce_sum3A_73, %reduce_sum3A_74 [1, 2] : vector<1x25x128xi32> to vector<1xi32>
    %reduce_sum3A_76 = vector.shape_cast %reduce_sum3A_75 : vector<1xi32> to vector<1x1x1xi32>
    %reduce_sum3A_77 = vector.extract %reduce_sum3A_76[0, 0, 0] : i32 from vector<1x1x1xi32>
    %add3A_78 = arith.addi %get3A_65, %reduce_sum3A_77 : i32
    %swap3A_79 = arith.constant 0 : index
    %swap3A_80 = memref.load %arg11[%swap3A_79] : memref<1xi32, #tpu.memory_space<smem>>
    memref.store %add3A_78, %arg11[%swap3A_79] : memref<1xi32, #tpu.memory_space<smem>>
    %eq3A_81 = arith.constant 24 : i32
    %eq3A_82 = arith.cmpi eq, %arg0, %eq3A_81 : i32
    %convert_element_type3A_83 = arith.extui %eq3A_82 : i1 to i32
    %cond3A_84 = arith.constant 0 : i32
    %cond3A_85 = arith.cmpi ne, %convert_element_type3A_83, %cond3A_84 : i32
    scf.if %cond3A_85 {
      %get3A_86 = arith.constant 0 : index
      %get3A_87 = memref.load %arg11[%get3A_86] : memref<1xi32, #tpu.memory_space<smem>>
      %broadcast_in_dim3A_88 = arith.constant 1 : i32
      %broadcast_in_dim3A_89 = vector.broadcast %broadcast_in_dim3A_88 : i32 to vector<1x1xi32>
      %mul3A_90 = vector.broadcast %get3A_87 : i32 to vector<1x1xi32>
      %mul3A_91 = arith.muli %mul3A_90, %broadcast_in_dim3A_89 : vector<1x1xi32>
      %swap3A_92 = arith.constant 0 : index
      %swap3A_93 = arith.constant 0 : index
      %swap3A_94 = vector.load %arg10[%swap3A_92, %swap3A_93] : memref<1x1xi32, #tpu.memory_space<vmem>>, vector<1x1xi32>
      tpu.vector_store %arg10[%swap3A_92, %swap3A_93], %mul3A_91 {strides = array<i32>} : memref<1x1xi32, #tpu.memory_space<vmem>>, vector<1x1xi32>,
    } else {
    }
    return
  }
  func.func @transform_0(%arg0: i32) -> (i32, i32) {
    %add3A = arith.constant 25 : i32
    %add3A_0 = arith.addi %arg0, %add3A : i32
    %c0_i32 = arith.constant 0 : i32
    %c0_i32_1 = arith.constant 0 : i32
    return %add3A_0, %c0_i32 : i32, i32
  }
  func.func @transform_1(%arg0: i32) -> (i32, i32, i32) {
    %add3A = arith.constant 25 : i32
    %add3A_0 = arith.addi %arg0, %add3A : i32
    %c0_i32 = arith.constant 0 : i32
    %c0_i32_1 = arith.constant 0 : i32
    %c0_i32_2 = arith.constant 0 : i32
    return %add3A_0, %c0_i32, %c0_i32_1 : i32, i32, i32
  }
  func.func @transform_2(%arg0: i32) -> (i32, i32) {
    %c0_i32 = arith.constant 0 : i32
    %c0_i32_0 = arith.constant 0 : i32
    %c0_i32_1 = arith.constant 0 : i32
    return %c0_i32, %c0_i32_0 : i32, i32
  }
  func.func @transform_3(%arg0: i32) -> (i32, i32) {
    %c0_i32 = arith.constant 0 : i32
    %c0_i32_0 = arith.constant 0 : i32
    %c0_i32_1 = arith.constant 0 : i32
    return %c0_i32, %c0_i32_0 : i32, i32
  }
  func.func @transform_4(%arg0: i32) -> (i32, i32) {
    %c0_i32 = arith.constant 0 : i32
    %c0_i32_0 = arith.constant 0 : i32
    %c0_i32_1 = arith.constant 0 : i32
    return %c0_i32, %c0_i32_0 : i32, i32
  }
  func.func @transform_5(%arg0: i32) -> (i32, i32) {
    %c0_i32 = arith.constant 0 : i32
    %c0_i32_0 = arith.constant 0 : i32
    %c0_i32_1 = arith.constant 0 : i32
    return %c0_i32, %c0_i32_0 : i32, i32
  }
  func.func @transform_6(%arg0: i32) -> (i32, i32) {
    %c0_i32 = arith.constant 0 : i32
    %c0_i32_0 = arith.constant 0 : i32
    %c0_i32_1 = arith.constant 0 : i32
    return %c0_i32, %c0_i32_0 : i32, i32
  }
  func.func @transform_7(%arg0: i32) -> (i32, i32) {
    %c0_i32 = arith.constant 0 : i32
    %c0_i32_0 = arith.constant 0 : i32
    return %arg0, %c0_i32 : i32, i32
  }
  func.func @transform_8(%arg0: i32) -> (i32, i32, i32) {
    %c0_i32 = arith.constant 0 : i32
    %c0_i32_0 = arith.constant 0 : i32
    %c0_i32_1 = arith.constant 0 : i32
    return %arg0, %c0_i32, %c0_i32_0 : i32, i32, i32
  }
  func.func @transform_9(%arg0: i32) -> (i32, i32) {
    %c0_i32 = arith.constant 0 : i32
    %c0_i32_0 = arith.constant 0 : i32
    %c0_i32_1 = arith.constant 0 : i32
    return %c0_i32, %c0_i32_0 : i32, i32
  }
}

module attributes {stable_mosaic.version = 14 : i64} {
  func.func @_stage3(%arg0: memref<4096x128xf32, #tpu.memory_space<vmem>>, %arg1: memref<4096x128xf32, #tpu.memory_space<vmem>>, %arg2: memref<4096x128xf32, #tpu.memory_space<vmem>>, %arg3: memref<4096x128xf32, #tpu.memory_space<vmem>>, %arg4: memref<2304x128xf32, #tpu.memory_space<vmem>>, %arg5: memref<2304x128xf32, #tpu.memory_space<vmem>>, %arg6: memref<4096x16xf32, #tpu.memory_space<vmem>>, %arg7: memref<4096x16xf32, #tpu.memory_space<vmem>>, %arg8: memref<256x128xf32, #tpu.memory_space<vmem>>, %arg9: memref<1x128xf32, #tpu.memory_space<vmem>>, %arg10: memref<1x1xf32, #tpu.memory_space<vmem>>) attributes {dimension_semantics = [], scalar_prefetch = 0 : i64, scratch_operands = 0 : i64, tpu.core_type = #tpu.core_type<tc>} {
    %get3A = arith.constant 0 : index
    %get3A_0 = arith.constant 0 : index
    %get3A_1 = vector.load %arg0[%get3A, %get3A_0] : memref<4096x128xf32, #tpu.memory_space<vmem>>, vector<2048x128xf32>
    %get3A_2 = arith.constant 2048 : index
    %get3A_3 = arith.constant 0 : index
    %get3A_4 = vector.load %arg0[%get3A_2, %get3A_3] : memref<4096x128xf32, #tpu.memory_space<vmem>>, vector<2048x128xf32>
    %add3A = arith.addf %get3A_1, %get3A_4 : vector<2048x128xf32>
    %get3A_5 = arith.constant 0 : index
    %get3A_6 = arith.constant 0 : index
    %get3A_7 = vector.load %arg1[%get3A_5, %get3A_6] : memref<4096x128xf32, #tpu.memory_space<vmem>>, vector<2048x128xf32>
    %add3A_8 = arith.addf %add3A, %get3A_7 : vector<2048x128xf32>
    %get3A_9 = arith.constant 2048 : index
    %get3A_10 = arith.constant 0 : index
    %get3A_11 = vector.load %arg1[%get3A_9, %get3A_10] : memref<4096x128xf32, #tpu.memory_space<vmem>>, vector<2048x128xf32>
    %add3A_12 = arith.addf %add3A_8, %get3A_11 : vector<2048x128xf32>
    %get3A_13 = arith.constant 0 : index
    %get3A_14 = arith.constant 0 : index
    %get3A_15 = vector.load %arg2[%get3A_13, %get3A_14] : memref<4096x128xf32, #tpu.memory_space<vmem>>, vector<2048x128xf32>
    %get3A_16 = arith.constant 2048 : index
    %get3A_17 = arith.constant 0 : index
    %get3A_18 = vector.load %arg2[%get3A_16, %get3A_17] : memref<4096x128xf32, #tpu.memory_space<vmem>>, vector<2048x128xf32>
    %add3A_19 = arith.addf %get3A_15, %get3A_18 : vector<2048x128xf32>
    %get3A_20 = arith.constant 0 : index
    %get3A_21 = arith.constant 0 : index
    %get3A_22 = vector.load %arg3[%get3A_20, %get3A_21] : memref<4096x128xf32, #tpu.memory_space<vmem>>, vector<2048x128xf32>
    %add3A_23 = arith.addf %add3A_19, %get3A_22 : vector<2048x128xf32>
    %get3A_24 = arith.constant 2048 : index
    %get3A_25 = arith.constant 0 : index
    %get3A_26 = vector.load %arg3[%get3A_24, %get3A_25] : memref<4096x128xf32, #tpu.memory_space<vmem>>, vector<2048x128xf32>
    %add3A_27 = arith.addf %add3A_23, %get3A_26 : vector<2048x128xf32>
    %get3A_28 = arith.constant 0 : index
    %get3A_29 = arith.constant 0 : index
    %get3A_30 = vector.load %arg6[%get3A_28, %get3A_29] : memref<4096x16xf32, #tpu.memory_space<vmem>>, vector<2048x1xf32>
    %get3A_31 = arith.constant 2048 : index
    %get3A_32 = arith.constant 0 : index
    %get3A_33 = vector.load %arg6[%get3A_31, %get3A_32] : memref<4096x16xf32, #tpu.memory_space<vmem>>, vector<2048x1xf32>
    %add3A_34 = arith.addf %get3A_30, %get3A_33 : vector<2048x1xf32>
    %get3A_35 = arith.constant 0 : index
    %get3A_36 = arith.constant 0 : index
    %get3A_37 = vector.load %arg7[%get3A_35, %get3A_36] : memref<4096x16xf32, #tpu.memory_space<vmem>>, vector<2048x1xf32>
    %add3A_38 = arith.addf %add3A_34, %get3A_37 : vector<2048x1xf32>
    %get3A_39 = arith.constant 2048 : index
    %get3A_40 = arith.constant 0 : index
    %get3A_41 = vector.load %arg7[%get3A_39, %get3A_40] : memref<4096x16xf32, #tpu.memory_space<vmem>>, vector<2048x1xf32>
    %add3A_42 = arith.addf %add3A_38, %get3A_41 : vector<2048x1xf32>
    %slice3A = vector.extract_strided_slice %add3A_42 {offsets = [0, 0], sizes = [1024, 1], strides = [1, 1]} : vector<2048x1xf32> to vector<1024x1xf32>
    %slice3A_43 = vector.extract_strided_slice %add3A_42 {offsets = [1024, 0], sizes = [1024, 1], strides = [1, 1]} : vector<2048x1xf32> to vector<1024x1xf32>
    %slice3A_44 = vector.extract_strided_slice %add3A_12 {offsets = [1024, 0], sizes = [1024, 128], strides = [1, 1]} : vector<2048x128xf32> to vector<1024x128xf32>
    %div3A = vector.broadcast %slice3A_43 : vector<1024x1xf32> to vector<1024x128xf32>
    %div3A_45 = arith.divf %slice3A_44, %div3A : vector<1024x128xf32>
    %slice3A_46 = vector.extract_strided_slice %add3A_12 {offsets = [0, 0], sizes = [1024, 128], strides = [1, 1]} : vector<2048x128xf32> to vector<1024x128xf32>
    %div3A_47 = vector.broadcast %slice3A : vector<1024x1xf32> to vector<1024x128xf32>
    %div3A_48 = arith.divf %slice3A_46, %div3A_47 : vector<1024x128xf32>
    %sub3A = arith.subf %div3A_45, %div3A_48 : vector<1024x128xf32>
    %slice3A_49 = vector.extract_strided_slice %add3A_27 {offsets = [1024, 0], sizes = [1024, 128], strides = [1, 1]} : vector<2048x128xf32> to vector<1024x128xf32>
    %div3A_50 = vector.broadcast %slice3A_43 : vector<1024x1xf32> to vector<1024x128xf32>
    %div3A_51 = arith.divf %slice3A_49, %div3A_50 : vector<1024x128xf32>
    %slice3A_52 = vector.extract_strided_slice %add3A_27 {offsets = [0, 0], sizes = [1024, 128], strides = [1, 1]} : vector<2048x128xf32> to vector<1024x128xf32>
    %div3A_53 = vector.broadcast %slice3A : vector<1024x1xf32> to vector<1024x128xf32>
    %div3A_54 = arith.divf %slice3A_52, %div3A_53 : vector<1024x128xf32>
    %sub3A_55 = arith.subf %div3A_51, %div3A_54 : vector<1024x128xf32>
    %get3A_56 = arith.constant 0 : index
    %get3A_57 = arith.constant 0 : index
    %get3A_58 = vector.load %arg8[%get3A_56, %get3A_57] : memref<256x128xf32, #tpu.memory_space<vmem>>, vector<128x128xf32>
    %dot_general3A = arith.constant dense<0.000000e+00> : vector<1024x128xf32>
    %dot_general3A_59 = tpu.matmul %sub3A, %get3A_58, %dot_general3A {dimension_numbers = #tpu.dot_dimension_numbers<[1], [0], [0], [1], [0, 0, 1, 1], [], []>, transpose_lhs_hint = false} : vector<1024x128xf32>, vector<128x128xf32>, vector<1024x128xf32> -> vector<1024x128xf32>
    %get3A_60 = arith.constant 128 : index
    %get3A_61 = arith.constant 0 : index
    %get3A_62 = vector.load %arg8[%get3A_60, %get3A_61] : memref<256x128xf32, #tpu.memory_space<vmem>>, vector<128x128xf32>
    %dot_general3A_63 = arith.constant dense<0.000000e+00> : vector<1024x128xf32>
    %dot_general3A_64 = tpu.matmul %sub3A_55, %get3A_62, %dot_general3A_63 {dimension_numbers = #tpu.dot_dimension_numbers<[1], [0], [0], [1], [0, 0, 1, 1], [], []>, transpose_lhs_hint = false} : vector<1024x128xf32>, vector<128x128xf32>, vector<1024x128xf32> -> vector<1024x128xf32>
    %add3A_65 = arith.addf %dot_general3A_59, %dot_general3A_64 : vector<1024x128xf32>
    %get3A_66 = arith.constant 0 : index
    %get3A_67 = arith.constant 0 : index
    %get3A_68 = vector.load %arg9[%get3A_66, %get3A_67] : memref<1x128xf32, #tpu.memory_space<vmem>>, vector<1x128xf32>
    %add3A_69 = vector.broadcast %get3A_68 : vector<1x128xf32> to vector<1024x128xf32>
    %add3A_70 = arith.addf %add3A_65, %add3A_69 : vector<1024x128xf32>
    %reduce_max3A = arith.constant dense<0xFF800000> : vector<1024xf32>
    %reduce_max3A_71 = vector.multi_reduction <maximumf>, %add3A_70, %reduce_max3A [1] : vector<1024x128xf32> to vector<1024xf32>
    %broadcast_in_dim3A = vector.shape_cast %reduce_max3A_71 : vector<1024xf32> to vector<1024x1xf32>
    %sub3A_72 = vector.broadcast %broadcast_in_dim3A : vector<1024x1xf32> to vector<1024x128xf32>
    %sub3A_73 = arith.subf %add3A_70, %sub3A_72 : vector<1024x128xf32>
    %exp3A = math.exp %sub3A_73 : vector<1024x128xf32>
    %reduce_sum3A = arith.constant dense<0.000000e+00> : vector<1024xf32>
    %reduce_sum3A_74 = vector.multi_reduction <add>, %exp3A, %reduce_sum3A [1] : vector<1024x128xf32> to vector<1024xf32>
    %broadcast_in_dim3A_75 = vector.shape_cast %reduce_sum3A_74 : vector<1024xf32> to vector<1024x1xf32>
    %div3A_76 = vector.broadcast %broadcast_in_dim3A_75 : vector<1024x1xf32> to vector<1024x128xf32>
    %div3A_77 = arith.divf %exp3A, %div3A_76 : vector<1024x128xf32>
    %exp3A_78 = math.exp %div3A_77 : vector<1024x128xf32>
    %reduce_sum3A_79 = arith.constant dense<0.000000e+00> : vector<1024xf32>
    %reduce_sum3A_80 = vector.multi_reduction <add>, %exp3A_78, %reduce_sum3A_79 [1] : vector<1024x128xf32> to vector<1024xf32>
    %broadcast_in_dim3A_81 = vector.shape_cast %reduce_sum3A_80 : vector<1024xf32> to vector<1024x1xf32>
    %log3A = math.log %broadcast_in_dim3A_81 : vector<1024x1xf32>
    %sub3A_82 = vector.broadcast %log3A : vector<1024x1xf32> to vector<1024x128xf32>
    %sub3A_83 = arith.subf %div3A_77, %sub3A_82 : vector<1024x128xf32>
    %get3A_84 = arith.constant 0 : index
    %get3A_85 = arith.constant 0 : index
    %get3A_86 = vector.load %arg4[%get3A_84, %get3A_85] : memref<2304x128xf32, #tpu.memory_space<vmem>>, vector<1024x128xf32>
    %get3A_87 = arith.constant 1152 : index
    %get3A_88 = arith.constant 0 : index
    %get3A_89 = vector.load %arg4[%get3A_87, %get3A_88] : memref<2304x128xf32, #tpu.memory_space<vmem>>, vector<1024x128xf32>
    %add3A_90 = arith.addf %get3A_86, %get3A_89 : vector<1024x128xf32>
    %get3A_91 = arith.constant 0 : index
    %get3A_92 = arith.constant 0 : index
    %get3A_93 = vector.load %arg5[%get3A_91, %get3A_92] : memref<2304x128xf32, #tpu.memory_space<vmem>>, vector<1024x128xf32>
    %add3A_94 = arith.addf %add3A_90, %get3A_93 : vector<1024x128xf32>
    %get3A_95 = arith.constant 1152 : index
    %get3A_96 = arith.constant 0 : index
    %get3A_97 = vector.load %arg5[%get3A_95, %get3A_96] : memref<2304x128xf32, #tpu.memory_space<vmem>>, vector<1024x128xf32>
    %add3A_98 = arith.addf %add3A_94, %get3A_97 : vector<1024x128xf32>
    %div3A_99 = vector.broadcast %slice3A_43 : vector<1024x1xf32> to vector<1024x128xf32>
    %div3A_100 = arith.divf %add3A_98, %div3A_99 : vector<1024x128xf32>
    %mul3A = arith.mulf %div3A_100, %sub3A_83 : vector<1024x128xf32>
    %reduce_sum3A_101 = vector.shape_cast %mul3A : vector<1024x128xf32> to vector<1x1024x128xf32>
    %reduce_sum3A_102 = arith.constant dense<0.000000e+00> : vector<1xf32>
    %reduce_sum3A_103 = vector.multi_reduction <add>, %reduce_sum3A_101, %reduce_sum3A_102 [1, 2] : vector<1x1024x128xf32> to vector<1xf32>
    %reduce_sum3A_104 = vector.shape_cast %reduce_sum3A_103 : vector<1xf32> to vector<1x1x1xf32>
    %reduce_sum3A_105 = vector.extract %reduce_sum3A_104[0, 0, 0] : f32 from vector<1x1x1xf32>
    %neg3A = arith.constant 0.000000e+00 : f32
    %neg3A_106 = arith.subf %neg3A, %reduce_sum3A_105 : f32
    %div3A_107 = arith.constant 1.024000e+03 : f32
    %div3A_108 = arith.divf %neg3A_106, %div3A_107 : f32
    %broadcast_in_dim3A_109 = arith.constant 1.000000e+00 : f32
    %broadcast_in_dim3A_110 = vector.broadcast %broadcast_in_dim3A_109 : f32 to vector<1x1xf32>
    %mul3A_111 = vector.broadcast %div3A_108 : f32 to vector<1x1xf32>
    %mul3A_112 = arith.mulf %mul3A_111, %broadcast_in_dim3A_110 : vector<1x1xf32>
    %swap3A = arith.constant 0 : index
    %swap3A_113 = arith.constant 0 : index
    %swap3A_114 = vector.load %arg10[%swap3A, %swap3A_113] : memref<1x1xf32, #tpu.memory_space<vmem>>, vector<1x1xf32>
    tpu.vector_store %arg10[%swap3A, %swap3A_113], %mul3A_112 {strides = array<i32>} : memref<1x1xf32, #tpu.memory_space<vmem>>, vector<1x1xf32>,
    return
  }
}

</mosaic_0001>

<sc_bundles>
// kernel: kernel.10.cloned.1.call-start
scs
__scs_entry_jumppad:
0x0: {  	(pc) =	sbr.rel $0x88, $3  }
0x1: {  	(tag) =	ssettag $0x0;
	lr =	simm.s32 $0x1  }
0x2: {  	[smem:$0x3F97] =	sst lr;
	_ =	strace $0xD0000000  }
0x3: {  	_ = 	snop  }
0x4: {  	_ = 	snop  }
0x5: {  	_ = 	snop  }
0x6: {  	_ = 	snop  }
0x7: {  	_ = 	snop  }
__scs_overlays_trampoline_lowered:
0x8: {  	[smem:$0x3FA6] =	sst s0  }
0x9: {  	[smem:$0x3FA7] =	sst s1  }
0xa: {  	[smem:$0x3FA8] =	sst s2  }
0xb: {  	[smem:$0x3FA9] =	sst s3  }
0xc: {  	[smem:$0x3FAA] =	sst s4  }
0xd: {  	[smem:$0x3FAB] =	sst s5  }
0xe: {  	[smem:$0x3FAC] =	sst s6  }
0xf: {  	[smem:$0x3FAD] =	sst s7  }
0x10: {  	[smem:$0x3FAE] =	sst s8  }
0x11: {  	[smem:$0x3FAF] =	sst s9;
	s0 =	simm.s32 @!p0 $0x0  }
0x12: {  	s1 =	sld [smem:$0x3F95];
	s0 =	simm.s32 @p0 $0x1  }
0x13: {  	[smem:$0x3FB0] =	sst s0;
	s0 =	simm.s32 @!p1 $0x0  }
0x14: {  	s2 =	sld [smem:$0x3F94];
	s0 =	simm.s32 @p1 $0x1  }
0x15: {  	[smem:$0x3FB1] =	sst s0;
	s0 =	simm.s32 @!p2 $0x0  }
0x16: {  	s3 =	sld [smem:$0x3FDB];
	s0 =	simm.s32 @p2 $0x1  }
0x17: {  	s4 =	simm.s32 $0x1BF5;
	[smem:$0x3FB3] =	sst s0  }
0x18: {  	s0 =	sld [smem:$0x3F96];
	_ =	swait.ge [sflag:s4], $0x0  }
0x19: {  	s7 =	sld [smem:$0x3F97]  }
0x1a: {  	s8 =	sadd.s32 $0xFFFFE003, lr  }
0x1b: {  	s9 =	sadd.s32 $0xFFFFFEF7, lr;
	s5 =	simm.s32 $0xFFFFFFFF;
	p2 =	slt.u32 s8, $0xFFFFF086  }
0x1c: {  	p1 =	slt.u32 s9, $0xF7A;
	s5 =	simm.s32 @!p2 $0x0  }
0x1d: {  	s5 =	simm.s32 @p1 $0x1;
	p0 =	seq.s32 s7, s2  }
0x1e: {  	s7 =	smul.u32 @!p0 $0xF7A, s2;
	p2 =	seq.s32 @!p0 s5, $0x0  }
0x1f: {  	s9 =	smul.u32 $0xF7A, s1;
	s8 =	simm.s32 @!p0 $0x1BF5;
	p2 =	por !p2, p0  }
0x20: {  	[sflag:s8] =	ssyncset.s32 @!p0 $0xFFFFF086;
	s6 =	sadd.s32 @!p0 s3, s7;
	s7 =	simm.s32 @!p0 $0x108  }
0x21: {  	s3 =	sadd.s32 s3, s9;
	s6 =	sadd.s32 @!p0 $0x88, s6;
	s7 =	simm.s32 @p2 $0x1082  }
0x22: {  	[simem:s7], [sflag:s8] =	dma.local @!p0 [hbm:s6], $0xF7A  }
0x23: {  	s9 =	sor.u32 $0xD0000000, s2;
	s6 =	simm.s32 $0x108;
	_ =	swait.ge @!p0 [sflag:s8], $0x0  }
0x24: {  	s3 =	sadd.s32 $0x88, s3;
	s6 =	simm.s32 @!p1 $0x1082;
	[sflag:s4] =	ssyncset.s32 $0xFFFFF086  }
0x25: {  	[simem:s6], [sflag:s4] =	dma.local [hbm:s3], $0xF7A  }
0x26: {  	[smem:$0x3F97] =	sst s1;
	(tag) =	ssettag s2;
	_ =	strace s9  }
0x27: {  	s1 =	sld [smem:$0x3FA7]  }
0x28: {  	s2 =	sld [smem:$0x3FA8]  }
0x29: {  	s4 =	sld [smem:$0x3FAA]  }
0x2a: {  	p0 =	seq.s32 s5, $0x0;
	s5 =	sld [smem:$0x3FAB]  }
0x2b: {  	s6 =	sld [smem:$0x3FAC]  }
0x2c: {  	s7 =	sld [smem:$0x3FAD]  }
0x2d: {  	s3 =	simm.s32 $0x108;
	s8 =	sld [smem:$0x3FAE]  }
0x2e: {  	s3 =	simm.s32 @!p0 $0x1082;
	s9 =	sld [smem:$0x3FAF]  }
0x2f: {  	lr =	sadd.s32 s0, s3;
	s0 =	sld [smem:$0x3FA6]  }
0x30: {  	s3 =	sld [smem:$0x3FA9]  }
0x31: {  	[smem:$0x3FB2] =	sst s10  }
0x32: {  	s10 =	sld [smem:$0x3FB0];
	_ =	sdelay $0x3  }
0x33: {  	p0 =	seq.s32 s10, $0x1;
	s10 =	sld [smem:$0x3FB2];
	_ =	sdelay $0x3  }
0x34: {  	[smem:$0x3FB2] =	sst s10  }
0x35: {  	s10 =	sld [smem:$0x3FB1];
	_ =	sdelay $0x3  }
0x36: {  	p1 =	seq.s32 s10, $0x1;
	s10 =	sld [smem:$0x3FB2];
	_ =	sdelay $0x3  }
0x37: {  	[smem:$0x3FB2] =	sst s10  }
0x38: {  	s10 =	sld [smem:$0x3FB3]  }
0x39: {  	_ = 	snop;
	(pc) =	sbr.ind lr, $3  }
0x3a: {  	_ = 	snop  }
0x3b: {  	_ = 	snop  }
0x3c: {  	p2 =	seq.s32 s10, $0x1;
	s10 =	sld [smem:$0x3FB2]  }
0x3d: {  	_ =	shalt  }
0x3e: {  	_ =	shalt  }
0x3f: {  	_ =	shalt  }
0x40: {  	_ =	shalt  }
0x41: {  	_ =	shalt  }
0x42: {  	_ =	shalt  }
0x43: {  	_ =	shalt  }
0x44: {  	_ =	shalt  }
0x45: {  	_ =	shalt  }
0x46: {  	_ =	shalt  }
0x47: {  	_ =	shalt  }
0x48: {  	_ =	shalt  }
0x49: {  	_ =	shalt  }
0x4a: {  	_ =	shalt  }
0x4b: {  	_ =	shalt  }
0x4c: {  	_ =	shalt  }
0x4d: {  	_ =	shalt  }
0x4e: {  	_ =	shalt  }
0x4f: {  	_ =	shalt  }
0x50: {  	_ =	shalt  }
0x51: {  	_ =	shalt  }
0x52: {  	_ =	shalt  }
0x53: {  	_ =	shalt  }
0x54: {  	_ =	shalt  }
0x55: {  	_ =	shalt  }
0x56: {  	_ =	shalt  }
0x57: {  	_ =	shalt  }
0x58: {  	_ =	shalt  }
0x59: {  	_ =	shalt  }
0x5a: {  	_ =	shalt  }
0x5b: {  	_ =	shalt  }
0x5c: {  	_ =	shalt  }
0x5d: {  	_ =	shalt  }
0x5e: {  	_ =	shalt  }
0x5f: {  	_ =	shalt  }
0x60: {  	_ =	shalt  }
0x61: {  	_ =	shalt  }
0x62: {  	_ =	shalt  }
0x63: {  	_ =	shalt  }
0x64: {  	_ =	shalt  }
0x65: {  	_ =	shalt  }
0x66: {  	_ =	shalt  }
0x67: {  	_ =	shalt  }
0x68: {  	_ =	shalt  }
0x69: {  	_ =	shalt  }
0x6a: {  	_ =	shalt  }
0x6b: {  	_ =	shalt  }
0x6c: {  	_ =	shalt  }
0x6d: {  	_ =	shalt  }
0x6e: {  	_ =	shalt  }
0x6f: {  	_ =	shalt  }
0x70: {  	_ =	shalt  }
0x71: {  	_ =	shalt  }
0x72: {  	_ =	shalt  }
0x73: {  	_ =	shalt  }
0x74: {  	_ =	shalt  }
0x75: {  	_ =	shalt  }
0x76: {  	_ =	shalt  }
0x77: {  	_ =	shalt  }
0x78: {  	_ =	shalt  }
0x79: {  	_ =	shalt  }
0x7a: {  	_ =	shalt  }
0x7b: {  	_ =	shalt  }
0x7c: {  	_ =	shalt  }
0x7d: {  	_ =	shalt  }
0x7e: {  	_ =	shalt  }
0x7f: {  	_ =	shalt  }
0x80: {  	_ =	shalt  }
0x81: {  	_ =	shalt  }
0x82: {  	_ =	shalt  }
0x83: {  	_ =	shalt  }
0x84: {  	_ =	shalt  }
0x85: {  	_ =	shalt  }
0x86: {  	_ =	shalt  }
0x87: {  	_ =	shalt  }
.Lfunc_end0:
.L_simem_size_0:
called_computation.1_lowered:
.L_overlay_start_0:
0x88: {  	s2 =	sld [smem:$0x3FD9]  }
0x89: {  	s3 =	sld [smem:$0x3FFE];
	_ =	sdelay $0x1  }
0x8a: {  	s1 =	srdreg.scid  }
0x8b: {  	s0 =	sand.u32 $0x1, s1  }
0x8c: {  	s17 =	sshll.u32 s0, $0xA;
	s2 =	sadd.s32 s3, s2  }
0x8d: {  	s2 =	sadd.s32 s2, s17  }
0x8e: {  	[smem:$0x3FBE] =	sst s2  }
0x8f: {  	_ = 	snop  }
0x90: {  	s18 =	sld [smem:$0x3FC8]  }
0x91: {  	s4 =	sld [smem:$0x3FC7]  }
0x92: {  	s5 =	sld [smem:$0x3FC6];
	(tm) =	ssettm $0x1  }
0x93: {  	s19 =	sld [smem:$0x3FFB];
	_ =	sdelay $0x3  }
0x94: {  	_ =	strace s19  }
0x95: {  	s2 =	sld [smem:$0x3FFC];
	_ =	sdelay $0x3  }
0x96: {  	_ =	strace s2  }
0x97: {  	s2 =	sld [smem:$0x3FFD];
	_ =	sdelay $0x3  }
0x98: {  	_ =	strace s2  }
0x99: {  	_ =	strace $0x8FFFFFFF  }
0x9a: {  	s20 =	sld [smem:$0x3FDB];
	_ =	sdelay $0x1  }
0x9b: {  	s6 =	simm.s32 $_scs_section_size  }
0x9c: {  	s7 =	simm.s32 $_size__tile_overlayer_lowered;
	s8 =	simm.s32 $_tile_overlayer_lowered  }
0x9d: {  	s9 =	simm.s32 $0x1BFF;
	s21 =	sshll.u32 s8, $0x1;
	s6 =	sadd.s32 s6, s20  }
0x9e: {  	s22 =	simm.s32 $0x0;
	s7 =	sshll.u32 s7, $0x1;
	s8 =	sadd.s32 s21, s6  }
0x9f: {  	[timem:s22], [sflag:s9] =	dma.local [hbm:s8], s7  }
0xa0: {  	_ =	swait.ge [sflag:s9], s7  }
0xa1: {  	s7 =	ssub.s32 $0x0, s7;
	[sflag:s9] =	ssyncset.done $0x0  }
0xa2: {  	[sflag:s9] =	ssyncadd.s32 s7;
	_ =	sdelay $0x1  }
0xa3: {  	s23 =	simm.s32 $0x1B8B  }
0xa4: {  	_ =	swait.ge [sflag:s23], $0x1  }
0xa5: {  	[sflag:s23] =	ssyncset.done $0x0  }
0xa6: {  	[sflag:s23] =	ssyncadd.s32 $0xFFFFFFFF  }
0xa7: {  	s7 =	sld [smem:$0x0]  }
0xa8: {  	s8 =	sand.u32 $0xFFFFFFFE, s1  }
0xa9: {  	p0 =	sne.s32 s1, s8  }
0xaa: {  	s8 =	sshll.u32 @p0 s8, $0xE  }
0xab: {  	s8 =	sadd.s32 @p0 $0x11B8D, s8;
	s9 =	sshll.u32 @p0 s7, $0x11  }
0xac: {  	s8 =	sor.u32 @p0 s9, s8  }
0xad: {  	[sflag:s8] =	ssyncadd.remote.s32 @p0 $0x1;
	_ =	sdelay $0x1  }
0xae: {  	s8 =	simm.s32 @p0 $0x1B8D  }
0xaf: {  	_ =	swait.eq @p0 [sflag:s8], $0x1  }
0xb0: {  	[sflag:s8] =	ssyncadd.s32 @p0 $0xFFFFFFFF  }
0xb1: {  	s9 =	sshll.u32 @!p0 s1, $0xE  }
0xb2: {  	s9 =	sor.u32 @!p0 $0x4000, s9;
	s8 =	simm.s32 @!p0 $0x1B8D  }
0xb3: {  	s7 =	sshll.u32 @!p0 s7, $0x11;
	s9 =	sadd.s32 @!p0 $0x11B8D, s9;
	_ =	swait.eq @!p0 [sflag:s8], $0x1  }
0xb4: {  	s7 =	sor.u32 @!p0 s7, s9;
	[sflag:s8] =	ssyncadd.s32 @!p0 $0xFFFFFFFF  }
0xb5: {  	s25 =	simm.s32 $0x1B8E;
	s24 =	sld [smem:$0x3FFE];
	[sflag:s7] =	ssyncadd.remote.s32 @!p0 $0x1  }
0xb6: {  	s26 =	simm.s32 $execute0_lowered;
	[smem:$0x3FD2] =	sst s25  }
0xb7: {  	s8 =	sshll.u32 s26, $0x1;
	_ =	strace $0x80000049;
	[dreg:$0x1] =	wrdreg $0xFFFFFFFF  }
0xb8: {  	s28 =	simm.s32 $_size_execute0_lowered;
	s6 =	sadd.s32 s6, s8;
	[dreg:$0x0] =	wrdreg $0x0  }
0xb9: {  	s8 =	sshll.u32 s28, $0x1;
	[dreg:$0x2] =	wrdreg s6  }
0xba: {  	[dreg:$0x3] =	wrdreg s8  }
0xbb: {  	[dreg:$0x4] =	wrdreg $0xC0  }
0xbc: {  	_ =	task [dreg:s22], $0x5FFFF  }
0xbd: {  	[dreg:$0x1] =	wrdreg $0xFFFFFFFF  }
0xbe: {  	[dreg:$0x0] =	wrdreg $0x60  }
0xbf: {  	[dreg:$0x2] =	wrdreg s24  }
0xc0: {  	[dreg:$0x3] =	wrdreg s18  }
0xc1: {  	[dreg:$0x4] =	wrdreg s4  }
0xc2: {  	[dreg:$0x5] =	wrdreg s5  }
0xc3: {  	[dreg:$0x6] =	wrdreg $0x103000  }
0xc4: {  	[dreg:$0x7] =	wrdreg $0x143000  }
0xc5: {  	[dreg:$0x8] =	wrdreg $0x183000  }
0xc6: {  	[dreg:$0x9] =	wrdreg $0x1A7000  }
0xc7: {  	[dreg:$0xa] =	wrdreg $0xA  }
0xc8: {  	_ =	task.clear_ibuf [dreg:s22], $0xBFFFF;
	_ =	strace $0x90000049  }
0xc9: {  	s29 =	simm.s32 $0xA;
	_ =	strace $0x8000004B  }
0xca: {  	_ =	swait.ge [sflag:s29], $0x1  }
0xcb: {  	[sflag:s29] =	ssyncadd.s32 $0xFFFFFFFF  }
0xcc: {  	_ =	strace $0x9000004B  }
0xcd: {  	_ =	sfence  }
0xce: {  	s30 =	sld [smem:$0x0];
	_ =	sdelay $0x2  }
0xcf: {  	s31 =	sshll.u32 s1, $0xD;
	s1 =	sshrl.u32 s1, $0x2  }
0xd0: {  	s4 =	sand.u32 $0x4000, s31;
	s1 =	sadd.s32 s1, s30  }
0xd1: {  	s0 =	sor.u32 s4, s0;
	s1 =	sshll.u32 s1, $0x11  }
0xd2: {  	s0 =	sor.u32 s1, s0  }
0xd3: {  	s0 =	sadd.s32 $0x8F2B, s0  }
0xd4: {  	[sflag:s0] =	ssyncadd.remote.s32 $0x1  }
0xd5: {  	_ =	sfence.sel $0xFFFF  }
0xd6: {  	[dreg:$0x0] =	wrdreg $0xFFFFFFFF;
	(pc) =	sbr.abs _section_cstart, $3  }
0xd7: {  	[dreg:$0x1] =	wrdreg $0xFFFFFFFF  }
0xd8: {  	_ =	task.clear_ibuf [dreg:s22], $0x2FFFF;
	_ =	strace $0x9FFFFFFF  }
0xd9: {  	(tm) =	ssettm $0x7FFFFFFF  }
tec
execute0_lowered:
.L_overlay_start_1:
0x0: {  	(tag) =	ssettag $0x1  }
0x1: {  	s8 =	rddreg [dreg:$0x0]  }
0x2: {  	s0 =	rddreg [dreg:$0x1]  }
0x3: {  	s7 =	rddreg [dreg:$0x2]  }
0x4: {  	s1 =	rddreg [dreg:$0x3]  }
0x5: {  	s2 =	rddreg [dreg:$0x5]  }
0x6: {  	s3 =	rddreg [dreg:$0x6]  }
0x7: {  	s4 =	rddreg [dreg:$0x7];
	s5 =	srdreg.scid  }
0x8: {  	s6 =	simm.s32 $0x0;
	s24 =	stileid.u32;
	s28 =	simm.s32 $0xC300  }
0x9: {  	s31 =	simm.s32 $0x400;
	s29 =	simm.s32 $0x4;
	[dreg:$0x9] =	wrdreg s1  }
0xa: {  	s1 =	rddreg [dreg:$0x4];
	s9 =	sand.u32 $0x1, s5;
	s12 =	smul.u32 $0x13, s24  }
0xb: {  	[smem:$0x7FF] =	sst s6;
	s13 =	sadd.s32 $0x273E00, s8;
	s18 =	smul.u32 $0x2400, s24  }
0xc: {  	s15 =	sshll.u32 s24, $0xB;
	s21 =	sshll.u32 s24, $0xE;
	s26 =	smul.u32 $0x9000, s24  }
0xd: {  	s10 =	smul.u32 $0x130, s9;
	s5 =	sshll.u32 s9, $0x4;
	_ =	strace $0x8000004A  }
0xe: {  	s17 =	sadd.s32 s15, s8;
	s19 =	smul.u32 $0x24000, s9;
	s22 =	sshll.u32 s9, $0x12  }
0xf: {  	s9 =	ssub.s32 $0x2, s9;
	s30 =	sadd.s32 s13, s15;
	s15 =	sshll.u32 s24, $0x6  }
0x10: {  	s11 =	sor.u32 s24, s5;
	s22 =	sor.u32 s21, s22;
	s23 =	sshrl.u32 s9, $0x1  }
0x11: {  	[dreg:$0xf] =	wrdreg s30;
	s14 =	smin.u32 s11, $0x11;
	s25 =	sadd.s32 s12, s10  }
0x12: {  	s16 =	smul.u32 $0x13, s11;
	s19 =	sadd.s32 s18, s19;
	s22 =	sshrl.u32 s22, $0x3  }
0x13: {  	s9 =	ssub.s32 s9, s23;
	s18 =	sshrl.u32 s18, $0x3;
	p0 =	slt.u32 s11, $0x11  }
0x14: {  	s23 =	sadd.s32 s21, s1;
	s11 =	sor.u32 $0x1C0B, s15;
	s5 =	sadd.s32 s14, s25  }
0x15: {  	s19 =	sshrl.u32 s19, $0x3;
	s22 =	sadd.s32 s22, s8;
	s13 =	sadd.s32 s13, s18  }
0x16: {  	s18 =	sshrl.u32 s26, $0x2;
	[dreg:$0x11] =	wrdreg s23;
	s25 =	sadd.s32 s21, s2  }
0x17: {  	s26 =	sadd.s32 s21, s4;
	s5 =	sshll.u32 s5, $0xC;
	[dreg:$0x10] =	wrdreg s13  }
0x18: {  	s16 =	sadd.s32 s14, s16;
	s19 =	sadd.s32 s19, s8;
	[dreg:$0x13] =	wrdreg s25  }
0x19: {  	s24 =	sadd.s32 s18, s3;
	[dreg:$0x14] =	wrdreg s26;
	s13 =	sadd.s32 $0x27BE00, s17  }
0x1a: {  	s14 =	sadd.s32 s10, s14;
	s17 =	simm.s32 $0xC080;
	[dreg:$0x12] =	wrdreg s24  }
0x1b: {  	s18 =	simm.s32 $0xC200;
	s21 =	sadd.s32 $0x52E200, s22;
	[dreg:$0x15] =	wrdreg s13  }
0x1c: {  	s23 =	sadd.s32 $0x53E200, s22;
	s25 =	sadd.s32 $0x54E200, s22;
	[dreg:$0xb] =	wrdreg s17  }
0x1d: {  	v0 =	vimm.s32 $0xEDCBA987;
	s26 =	smax.u32 s9, $0x1;
	s9 =	simm.s32 $0x80;
	[dreg:$0xc] =	wrdreg s18  }
0x1e: {  	v1 =	vimm.s32 $0x65432100;
	v4 =	vimm.s32 $0x54321000;
	v5 =	vimm.s32 $0xE40000;
	s10 =	simm.s32 $0x8000;
	s5 =	sadd.s32 s5, s8;
	[dreg:$0x18] =	wrdreg s21  }
0x1f: {  	vm0 =	vcmask $0x300;
	v6 =	vimm.s32 $0x32100000;
	v0 =	vunpack.c.l.s4.s8 v0;
	s20 =	sshrl.u32 s16, $0x3;
	s30 =	sand.u32 $0x7, s16;
	[dreg:$0x19] =	wrdreg s23  }
0x20: {  	v7 =	vimm.s32 $0xFFFFFFFF;
	v8 =	vimm.s32 $0xBA987654;
	v9 =	vimm.s32 $0x7060504;
	s13 =	simm.s32 $0x14;
	s16 =	simm.s32 $0xC000;
	[dreg:$0x1b] =	wrdreg s25  }
0x21: {  	vm13 =	vcmask $0x3F30;
	vm14 =	vcmask $0x700;
	v3 =	vunpack.c.0.s8.s32 v0;
	s24 =	sadd.s32 $0x55E200, s19;
	[dreg:$0x1c] =	wrdreg s26;
	s26 =	simm.s32 $0xB  }
0x22: {  	v5 =	vunpack.c.l.s2.s4 v5;
	v8 =	vunpack.c.l.s4.s8 v8;
	s17 =	simm.s32 $0x7;
	s18 =	simm.s32 $0x8;
	s19 =	simm.s32 $0x9;
	v2 =	vmov s30  }
0x23: {  	s20 =	sadd.s32 s20, s8;
	s8 =	sadd.s32 $0x273600, s8;
	[dreg:$0xa] =	wrdreg s16;
	v0 =	vbroadcast v2, $0x0;
	v2 =	vand.u32 $0xF, v3;
	v3 =	vimm.s32 $0xDCBA9876  }
0x24: {  	vm15 =	vcmask $0xF00;
	v6 =	vunpack.c.l.s4.s8 v6;
	s13 =	simm.s32 @!p0 $0x13;
	[dreg:$0x1a] =	wrdreg s24;
	s30 =	sadd.s32 $0x2BD080, s5;
	v3 =	vunpack.c.l.s4.s8 v3  }
0x25: {  	v4 =	vunpack.c.l.s4.s8 v4;
	v5 =	vunpack.c.l.s4.s8 v5;
	v8 =	vunpack.c.0.s8.s32 v8;
	s5 =	simm.s32 $0x4000;
	s16 =	simm.s32 $0xA;
	[dreg:$0xe] =	wrdreg s8  }
0x26: {  	v1 =	vunpack.c.l.s4.s8 v1;
	v6 =	vunpack.c.0.s8.s32 v6;
	s15 =	sadd.s32 $0x52E000, s20;
	s8 =	sadd.s32 s12, s14;
	[dreg:$0x16] =	wrdreg s13;
	v3 =	vunpack.c.0.s8.s32 v3  }
0x27: {  	v4 =	vunpack.c.0.s8.s32 v4;
	v5 =	vunpack.c.0.s8.s32 v5;
	v8 =	vand.u32 $0xF, v8;
	s20 =	simm.s32 $0xC180;
	[dreg:$0x1f] =	wrdreg s30;
	s12 =	simm.s32 $0x1  }
0x28: {  	v1 =	vunpack.c.0.s8.s32 v1;
	v6 =	vcombine.low v6, v8;
	s13 =	simm.s32 $0xC100;
	[dreg:$0x17] =	wrdreg s15;
	s8 =	sshll.u32 s8, $0x4;
	v3 =	vand.u32 $0xF, v3  }
0x29: {  	v5 =	vand.u32 $0x3, v5;
	s14 =	simm.s32 $0x2;
	[dreg:$0xd] =	wrdreg s20;
	s7 =	sadd.s32 s8, s7;
	v3 =	vcombine.low v4, v3;
	v4 =	vunpack.c.0.s8.s32 v9  }
0x2a: {  	v1 =	vcombine.low v1, v2;
	v2 =	vsel vm0, $0x0, v7;
	s15 =	simm.s32 $0x3;
	s0 =	sadd.s32 s8, s0;
	s7 =	sadd.s32 $0x2710, s7;
	v9 =	vlaneseq.u32  }
0x2b: {  	s20 =	simm.s32 $0x0;
	s0 =	sadd.s32 $0x2710, s0;
	[dreg:$0x1d] =	wrdreg s7;
	v8 =	vshrl.u32 v9, $0x3;
	v9 =	vimm.s32 $0xF;
	v4 =	vsel vm13, v4, v5  }
0x2c: {  	[dreg:$0x1e] =	wrdreg s0;
	s0 =	simm.s32 $0x800;
	s7 =	simm.s32 $0x5;
	v5 =	vsel vm14, $0x0, v7;
	v7 =	vsel vm15, $0x0, v7;
	v8 =	vmul.u32 $0xFFFFFFFF, v8  }
.LBB2_1:
0x2d: {  	s8 =	rddreg [dreg:$0x11]  }
0x2e: {  	s24 =	rddreg [dreg:$0xf];
	s21 =	sshrl.u32 s8, $0x3  }
0x2f: {  	[smem:$0x7FB] =	sst s21  }
0x30: {  	[spmem:s21], [sflag:s11] =	dma.local [hbm:s24], $0x800  }
0x31: {  	_ =	swait.ge [sflag:s26], $0x800  }
0x32: {  	s25 =	rddreg [dreg:$0x13]  }
0x33: {  	[sflag:s26] =	ssyncset.done $0x0;
	s21 =	sshrl.u32 s25, $0x3  }
0x34: {  	[sflag:s26] =	ssyncadd.s32 $0xFFFFF800;
	[smem:$0x7FC] =	sst s21  }
0x35: {  	[spmem:s21], [sflag:s11] =	dma.local [hbm:s24], $0x800  }
0x36: {  	_ =	swait.ge [sflag:s26], $0x800  }
0x37: {  	s21 =	rddreg [dreg:$0x12]  }
0x38: {  	[sflag:s26] =	ssyncset.done $0x0;
	s23 =	rddreg [dreg:$0x10];
	s22 =	sshrl.u32 s21, $0x3  }
0x39: {  	[sflag:s26] =	ssyncadd.s32 $0xFFFFF800;
	[smem:$0x7FD] =	sst s22  }
0x3a: {  	[spmem:s22], [sflag:s11] =	dma.local [hbm:s23], $0x480  }
0x3b: {  	_ =	swait.ge [sflag:s26], $0x480  }
0x3c: {  	[sflag:s26] =	ssyncset.done $0x0;
	s24 =	rddreg [dreg:$0x14]  }
0x3d: {  	s25 =	rddreg [dreg:$0x15];
	[sflag:s26] =	ssyncadd.s32 $0xFFFFFB80;
	s24 =	sshrl.u32 s24, $0x3  }
0x3e: {  	[spmem:s24], [sflag:s11] =	dma.local [hbm:s25], $0x800  }
0x3f: {  	_ =	swait.ge [sflag:s26], $0x800  }
0x40: {  	[sflag:s26] =	ssyncset.done $0x0  }
0x41: {  	s21 =	rddreg [dreg:$0xe];
	[sflag:s26] =	ssyncadd.s32 $0xFFFFF800  }
0x42: {  	[tilespmem:s28], [sflag:$0xB] =	stream.linear.gather [hbm4b:s21+s6], $0x4000, $0x38;
	[tilespmem:$0x1AF00] =	vst v63  }
0x43: {  	_ =	swait.ge [sflag:s26], $0x4000  }
0x44: {  	s23 =	simm.s32 $0xC280;
	[sflag:s26] =	ssyncset.done $0x0  }
0x45: {  	s25 =	simm.s32 $0x6;
	s22 =	rddreg [dreg:$0x17];
	[sflag:s26] =	ssyncadd.s32 $0xFFFFC000  }
0x46: {  	[tilespmem:s23], [sflag:$0x6] =	stream.linear.gather [hbm4b:s22+s6], $0x10, $0x38;
	[tilespmem:$0x1AF00] =	vst v63  }
0x47: {  	_ =	swait.ge [sflag:s25], $0x10  }
0x48: {  	[sflag:s25] =	ssyncset.done $0x0  }
0x49: {  	[sflag:s25] =	ssyncadd.s32 $0xFFFFFFF0  }
0x4a: {  	v10 =	vld [tilespmem:$0xC280]  }
0x4b: {  	[bflag:$0x0] =	sbarrier.arrive $0xFFFF  }
0x4c: {  	s25 =	rddreg [dreg:$0x1f]  }
0x4d: {  	s30 =	rddreg [dreg:$0x1e]  }
0x4e: {  	s8 =	rddreg [dreg:$0x1d]  }
0x4f: {  	s21 =	rddreg [dreg:$0x16];
	v10 =	vperm.xlane v10, v0  }
.LBB2_2:
0x50: {  	s22 =	sadd.s32 $0xFFFFFF80, s25  }
0x51: {  	[tilespmem:s6], [sflag:$0x1] =	stream.strided.gather [hbm4b:s22+s31], $0x4000, s0, s31, $0x38;
	[tilespmem:$0x1AF00] =	vst v63  }
0x52: {  	_ = 	snop  }
0x53: {  	[tilespmem:s5], [sflag:$0x2] =	stream.strided.gather [hbm4b:s25+s31], $0x4000, s0, s31, $0x38;
	[tilespmem:$0x1AF00] =	vst v63  }
0x54: {  	s22 =	rddreg [dreg:$0xa]  }
0x55: {  	[tilespmem:s22], [sflag:$0x4] =	stream.linear.gather [hbm4b:s30+s6], $0x80, $0x38;
	[tilespmem:$0x1AF00] =	vst v63  }
0x56: {  	s23 =	rddreg [dreg:$0xb]  }
0x57: {  	[tilespmem:s23], [sflag:$0x5] =	stream.linear.gather [hbm4b:s8+s6], $0x80, $0x38;
	[tilespmem:$0x1AF00] =	vst v63  }
0x58: {  	_ =	swait.ge [sflag:s29], $0x80  }
0x59: {  	[sflag:s29] =	ssyncset.done $0x0  }
0x5a: {  	[sflag:s29] =	ssyncadd.s32 $0xFFFFFF80  }
0x5b: {  	_ =	swait.ge [sflag:s7], $0x80  }
0x5c: {  	[sflag:s7] =	ssyncset.done $0x0  }
0x5d: {  	[sflag:s7] =	ssyncadd.s32 $0xFFFFFF80  }
0x5e: {  	v11 =	vld [tilespmem:$0xC080]  }
0x5f: {  	v13 =	vld [tilespmem:$0xC090]  }
0x60: {  	v41 =	vld [tilespmem:$0xC0A0]  }
0x61: {  	v22 =	vld [tilespmem:$0xC010]  }
0x62: {  	v47 =	vld [tilespmem:$0xC0B0];
	_ =	sdelay $0x1  }
0x63: {  	v51 =	vld [tilespmem:$0xC020];
	v12 =	vperm.xlane v11, v1  }
0x64: {  	v40 =	vld [tilespmem:$0xC000];
	v15 =	vperm.xlane v13, v1;
	v18 =	vshll.u32 v11, $0xA;
	v42 =	vsub.s32 $0x1, v11  }
0x65: {  	v43 =	vsub.s32 v10, v11;
	v23 =	vperm.xlane v41, v1;
	v46 =	vshll.u32 v13, $0xA  }
0x66: {  	v24 =	vmul.u32 v22, v13;
	v25 =	vsub.s32 $0x1, v13;
	v27 =	vperm.xlane v47, v1  }
0x67: {  	v56 =	vsub.s32 $0x1, v41;
	v59 =	vshll.u32 v41, $0xA;
	v12 =	vand.u32 v2, v12  }
0x68: {  	v28 =	vmul.u32 v51, v41;
	v31 =	vsub.s32 $0x1, v47;
	v12 =	vadd.s32 v11, v12  }
0x69: {  	v18 =	vadd.s32 v40, v18;
	v21 =	vshll.u32 v42, $0xA;
	v14 =	vperm.xlane v12, v3  }
0x6a: {  	v26 =	vshll.u32 v25, $0xA;
	v50 =	vmul.u32 $0x27100, v25;
	v15 =	vand.u32 v2, v15  }
0x6b: {  	v29 =	vshll.u32 v56, $0xA;
	v15 =	vadd.s32 v13, v15;
	v14 =	vand.u32 v5, v14  }
0x6c: {  	v63 =	vld [tilespmem:$0xC030];
	v54 =	vand.u32 v2, v27;
	v17 =	vperm.xlane v15, v3;
	v12 =	vadd.s32 v14, v12  }
0x6d: {  	v27 =	vadd.s32 v28, v29;
	v29 =	vld [tilespmem:$0xC0E0];
	v55 =	vadd.s32 v47, v54;
	v16 =	vperm.xlane v12, v6  }
0x6e: {  	v36 =	vmul.u32 $0x27100, v56;
	v58 =	vperm.xlane v55, v3;
	v17 =	vand.u32 v5, v17  }
0x6f: {  	v45 =	vand.u32 v2, v23;
	v15 =	vadd.s32 v17, v15;
	v16 =	vand.u32 v7, v16  }
0x70: {  	v60 =	vand.u32 v5, v58;
	v20 =	vperm.xlane v15, v6;
	v12 =	vadd.s32 v16, v12  }
0x71: {  	v14 =	vmul.u32 v40, v11;
	v17 =	vmul.u32 $0x27100, v42;
	v19 =	vperm.xlane v12, v4  }
0x72: {  	v42 =	vmul.u32 v63, v47;
	v56 =	vperm.xlane v29, v1;
	v20 =	vand.u32 v7, v20  }
0x73: {  	v14 =	vadd.s32 v14, v21;
	v15 =	vadd.s32 v20, v15;
	v19 =	vand.u32 v8, v19  }
0x74: {  	v20 =	vadd.s32 v41, v45;
	v45 =	vshll.u32 v31, $0xA;
	v12 =	vadd.s32 v19, v12  }
0x75: {  	v44 =	vperm.xlane v15, v4;
	v19 =	vadd.s32 v12, v43;
	v12 =	vperm.xlane v12, v9  }
0x76: {  	v28 =	vld [tilespmem:$0xC0D0];
	v21 =	vadd.s32 v24, v26;
	v48 =	vperm.xlane v20, v3;
	v24 =	vadd.s32 v42, v45  }
0x77: {  	v11 =	vmul.u32 v11, v19;
	v19 =	vand.u32 v8, v44;
	v10 =	vadd.s32 v10, v12  }
0x78: {  	v15 =	vadd.s32 v19, v15;
	v12 =	vand.u32 v5, v48;
	v49 =	vsub.s32 v10, v13  }
0x79: {  	v12 =	vadd.s32 v12, v20;
	v11 =	vadd.s32 v17, v11;
	v17 =	vadd.s32 v22, v46  }
0x7a: {  	v22 =	vld [tilespmem:$0xC0C0];
	v19 =	vadd.s32 v15, v49;
	v52 =	vperm.xlane v12, v6;
	v15 =	vperm.xlane v15, v9  }
0x7b: {  	v48 =	vperm.xlane v28, v1;
	v20 =	vadd.s32 v51, v59;
	v13 =	vmul.u32 v13, v19  }
0x7c: {  	v53 =	vand.u32 v7, v52;
	v10 =	vadd.s32 v15, v10;
	v15 =	vadd.s32 v60, v55  }
0x7d: {  	v46 =	vld [tilespmem:$0xC040];
	v13 =	vadd.s32 v50, v13;
	v12 =	vadd.s32 v53, v12;
	v61 =	vsub.s32 v10, v41  }
0x7e: {  	v35 =	vperm.xlane v15, v6;
	v50 =	vand.u32 v2, v48;
	v57 =	vperm.xlane v12, v4  }
0x7f: {  	v30 =	vperm.xlane v22, v1;
	v51 =	vshll.u32 v22, $0xA;
	v23 =	vadd.s32 v28, v50  }
0x80: {  	v45 =	vld [tilespmem:$0xC060];
	v33 =	vsub.s32 $0x1, v22;
	v50 =	vshll.u32 v29, $0xA;
	v37 =	vand.u32 v7, v35  }
0x81: {  	v53 =	vperm.xlane v23, v3;
	v58 =	vmul.u32 $0x27100, v33;
	v25 =	vand.u32 v8, v57  }
0x82: {  	v38 =	vand.u32 v2, v30;
	v15 =	vadd.s32 v37, v15;
	v30 =	vadd.s32 v46, v51  }
0x83: {  	v57 =	vshll.u32 v33, $0xA;
	v51 =	vsub.s32 $0x1, v29;
	v12 =	vadd.s32 v25, v12  }
0x84: {  	v34 =	vld [tilespmem:$0xC050];
	v39 =	vadd.s32 v22, v38;
	v40 =	vperm.xlane v15, v4;
	v54 =	vand.u32 v5, v53  }
0x85: {  	v53 =	vmul.u32 v45, v29;
	v62 =	vadd.s32 v12, v61;
	v12 =	vperm.xlane v12, v9  }
0x86: {  	v33 =	vld [tilespmem:$0xC0F0];
	v26 =	vperm.xlane v39, v3;
	v16 =	vmul.u32 v41, v62;
	v41 =	vshll.u32 v47, $0xA  }
0x87: {  	v19 =	vand.u32 v8, v40;
	v62 =	vshll.u32 v28, $0xA;
	v10 =	vadd.s32 v12, v10  }
0x88: {  	v43 =	vand.u32 v5, v26;
	v15 =	vadd.s32 v19, v15;
	v25 =	vadd.s32 v63, v41  }
0x89: {  	[tilespmem:$0xC200] =	vst v11;
	v26 =	vmul.u32 v46, v22;
	v11 =	vadd.s32 v34, v62;
	v12 =	vadd.s32 v43, v39  }
0x8a: {  	v16 =	vadd.s32 v36, v16;
	v44 =	vsub.s32 v10, v47;
	v32 =	vperm.xlane v12, v6  }
0x8b: {  	v36 =	vsub.s32 $0x1, v28;
	[tilespmem:$0xC150] =	vst v11;
	v11 =	vshll.u32 v51, $0xA;
	v62 =	vsub.s32 $0x1, v33  }
0x8c: {  	v19 =	vadd.s32 v15, v44;
	v15 =	vperm.xlane v15, v9;
	v49 =	vand.u32 v7, v32  }
0x8d: {  	v26 =	vadd.s32 v26, v57;
	v38 =	vshll.u32 v36, $0xA;
	v12 =	vadd.s32 v49, v12  }
0x8e: {  	v11 =	vadd.s32 v53, v11;
	v19 =	vmul.u32 v47, v19;
	v52 =	vperm.xlane v12, v4  }
0x8f: {  	v47 =	vmul.u32 $0x27100, v31;
	v10 =	vadd.s32 v15, v10;
	v15 =	vadd.s32 v54, v23  }
0x90: {  	v23 =	vand.u32 v2, v56;
	v35 =	vperm.xlane v15, v6;
	v31 =	vand.u32 v8, v52  }
0x91: {  	v55 =	vsub.s32 v10, v22;
	v23 =	vadd.s32 v29, v23;
	v12 =	vadd.s32 v31, v12  }
0x92: {  	[tilespmem:$0xC100] =	vst v18;
	v61 =	vperm.xlane v23, v3;
	v59 =	vand.u32 v7, v35;
	v31 =	vadd.s32 v12, v55  }
0x93: {  	[tilespmem:$0xC1A0] =	vst v27;
	v35 =	vperm.xlane v33, v1;
	v15 =	vadd.s32 v59, v15;
	v22 =	vmul.u32 v22, v31  }
0x94: {  	[tilespmem:$0xC180] =	vst v14;
	v32 =	vmul.u32 v34, v28;
	v54 =	vmul.u32 $0x27100, v51;
	v63 =	vperm.xlane v15, v4  }
0x95: {  	[tilespmem:$0xC190] =	vst v21;
	v39 =	vand.u32 v2, v35;
	v60 =	vadd.s32 v58, v22;
	v22 =	vand.u32 v5, v61  }
0x96: {  	[tilespmem:$0xC210] =	vst v13;
	v12 =	vperm.xlane v12, v9;
	v13 =	vadd.s32 v33, v39;
	v22 =	vadd.s32 v22, v23  }
0x97: {  	[tilespmem:$0xC1B0] =	vst v24;
	v34 =	vand.u32 v8, v63;
	v42 =	vperm.xlane v13, v3;
	v37 =	vperm.xlane v22, v6  }
0x98: {  	[tilespmem:$0xC110] =	vst v17;
	v56 =	vadd.s32 v45, v50;
	v19 =	vadd.s32 v47, v19;
	v15 =	vadd.s32 v34, v15  }
0x99: {  	[tilespmem:$0xC120] =	vst v20;
	v10 =	vadd.s32 v12, v10;
	v46 =	vand.u32 v5, v42;
	v17 =	vand.u32 v7, v37  }
0x9a: {  	[tilespmem:$0xC140] =	vst v30;
	v41 =	vperm.xlane v15, v9;
	v13 =	vadd.s32 v46, v13;
	v17 =	vadd.s32 v17, v22  }
0x9b: {  	[tilespmem:$0xC130] =	vst v25;
	v40 =	vsub.s32 v10, v28;
	v49 =	vperm.xlane v13, v6;
	v44 =	vperm.xlane v17, v4  }
0x9c: {  	[tilespmem:$0xC220] =	vst v16;
	v47 =	vmul.u32 $0x27100, v36;
	v52 =	vld [tilespmem:$0xC070];
	v63 =	vshll.u32 v62, $0xA;
	v43 =	vadd.s32 v15, v40  }
0x9d: {  	[tilespmem:$0xC230] =	vst v19;
	v10 =	vadd.s32 v41, v10;
	v19 =	vand.u32 v7, v49;
	v15 =	vand.u32 v8, v44  }
0x9e: {  	[tilespmem:$0xC1C0] =	vst v26;
	v48 =	vsub.s32 v10, v29;
	v13 =	vadd.s32 v19, v13;
	v15 =	vadd.s32 v15, v17  }
0x9f: {  	[tilespmem:$0xC1E0] =	vst v11;
	v55 =	vperm.xlane v13, v4;
	v17 =	vadd.s32 v15, v48;
	v15 =	vperm.xlane v15, v9  }
0xa0: {  	[tilespmem:$0xC160] =	vst v56;
	v12 =	vadd.s32 v32, v38;
	v58 =	vshll.u32 v33, $0xA;
	v14 =	vmul.u32 v28, v43  }
0xa1: {  	[tilespmem:$0xC1D0] =	vst v12;
	v11 =	vmul.u32 v52, v33;
	v59 =	vand.u32 v8, v55;
	v10 =	vadd.s32 v15, v10  }
0xa2: {  	[tilespmem:$0xC240] =	vst v60;
	v14 =	vadd.s32 v47, v14;
	v13 =	vadd.s32 v59, v13;
	v61 =	vsub.s32 v10, v33  }
0xa3: {  	v60 =	vadd.s32 v52, v58;
	[tilespmem:$0xC250] =	vst v14;
	v17 =	vmul.u32 v29, v17;
	v14 =	vadd.s32 v13, v61  }
0xa4: {  	[tilespmem:$0xC170] =	vst v60;
	v11 =	vadd.s32 v11, v63;
	v15 =	vmul.u32 $0x27100, v62;
	v14 =	vmul.u32 v33, v14  }
0xa5: {  	[tilespmem:$0xC1F0] =	vst v11;
	v57 =	vadd.s32 v54, v17  }
0xa6: {  	[tilespmem:$0xC260] =	vst v57;
	v11 =	vadd.s32 v15, v14  }
0xa7: {  	[tilespmem:$0xC270] =	vst v11;
	(ifvalue) =	ssetifvalue $0x27100  }
0xa8: {  	(ifvalue) =	ssetifvalue $0x27100;
	s22 =	rddreg [dreg:$0x9]  }
0xa9: {  	s23 =	rddreg [dreg:$0xc]  }
0xaa: {  	[tilespmem:s10], [sflag:$0x3] =	stream.indirect.gather [hbm4b:s22+s9], $0x80, s23, s9, $0x40b8;
	[tilespmem:$0x1AF00] =	vst v63  }
0xab: {  	_ =	swait.ge [sflag:s12], $0x4000  }
0xac: {  	[sflag:s12] =	ssyncset.done $0x0  }
0xad: {  	[sflag:s12] =	ssyncadd.s32 $0xFFFFC000  }
0xae: {  	[spmem:s1] =	stream.indirect.scatter.add.f32 [tilespmem:s6], [sflag:$0x7], $0x80, s13, s9, $0xb8;
	[tilespmem:$0x1AF00] =	vst v63  }
0xaf: {  	_ =	swait.ge [sflag:s14], $0x4000  }
0xb0: {  	[sflag:s14] =	ssyncset.done $0x0  }
0xb1: {  	[sflag:s14] =	ssyncadd.s32 $0xFFFFC000  }
0xb2: {  	[spmem:s2] =	stream.indirect.scatter.add.f32 [tilespmem:s5], [sflag:$0x8], $0x80, s13, s9, $0xb8;
	[tilespmem:$0x1AF00] =	vst v63  }
0xb3: {  	_ = 	snop  }
0xb4: {  	[spmem:s4] =	stream.indirect.scatter.add.f32 [tilespmem:s28], [sflag:$0x9], $0x10, s13, s9, $0xb8;
	[tilespmem:$0x1AF00] =	vst v63  }
0xb5: {  	_ =	swait.ge [sflag:s15], $0x4000  }
0xb6: {  	[sflag:s15] =	ssyncset.done $0x0  }
0xb7: {  	[sflag:s15] =	ssyncadd.s32 $0xFFFFC000;
	(ifvalue) =	ssetifvalue $0x400;
	s23 =	rddreg [dreg:$0xd]  }
0xb8: {  	[spmem:s3] =	stream.indirect.scatter.add.f32 [tilespmem:s10], [sflag:$0xA], $0x80, s23, s9, $0x40b8;
	[tilespmem:$0x1AF00] =	vst v63  }
0xb9: {  	_ =	swait.ge [sflag:s17], $0x4000  }
0xba: {  	[sflag:s17] =	ssyncset.done $0x0  }
0xbb: {  	[sflag:s17] =	ssyncadd.s32 $0xFFFFC000  }
0xbc: {  	_ =	swait.ge [sflag:s18], $0x4000  }
0xbd: {  	[sflag:s18] =	ssyncset.done $0x0  }
0xbe: {  	[sflag:s18] =	ssyncadd.s32 $0xFFFFC000  }
0xbf: {  	p0 =	sne.s32 s21, $0x1;
	_ =	swait.ge [sflag:s19], $0x800  }
.Ltmp0:
0xc0: {  	[sflag:s19] =	ssyncset.done $0x0;
	(pc) =	sbr.rel @p0 .LBB2_2-.Ltmp0, $4  }
0xc1: {  	[sflag:s19] =	ssyncadd.s32 $0xFFFFF800  }
0xc2: {  	v11 =	vperm.xlane v13, v9;
	_ =	swait.ge [sflag:s16], $0x4000  }
0xc3: {  	s21 =	sadd.s32 $0xFFFFFFFF, s21;
	s25 =	sadd.s32 $0x1000, s25;
	[sflag:s16] =	ssyncset.done $0x0  }
0xc4: {  	s30 =	sadd.s32 $0x10, s30;
	s8 =	sadd.s32 $0x10, s8;
	v10 =	vadd.s32 v11, v10;
	[sflag:s16] =	ssyncadd.s32 $0xFFFFC000  }
0xc5: {  	[bflag:$0x0] =	sbarrier.arrive $0xFFFF  }
0xc6: {  	s21 =	sld [smem:$0x7FB];
	_ =	sdelay $0x1  }
0xc7: {  	s8 =	rddreg [dreg:$0x18]  }
0xc8: {  	[hbm:s8], [sflag:s11] =	dma.local [spmem:s21], $0x800  }
0xc9: {  	_ =	swait.ge [sflag:s26], $0x800  }
0xca: {  	s30 =	sld [smem:$0x7FC]  }
0xcb: {  	[sflag:s26] =	ssyncset.done $0x0  }
0xcc: {  	s25 =	rddreg [dreg:$0x19];
	[sflag:s26] =	ssyncadd.s32 $0xFFFFF800  }
0xcd: {  	[hbm:s25], [sflag:s11] =	dma.local [spmem:s30], $0x800  }
0xce: {  	_ =	swait.ge [sflag:s26], $0x800  }
0xcf: {  	s23 =	sld [smem:$0x7FD]  }
0xd0: {  	[sflag:s26] =	ssyncset.done $0x0  }
0xd1: {  	s22 =	rddreg [dreg:$0x1a];
	[sflag:s26] =	ssyncadd.s32 $0xFFFFF800  }
0xd2: {  	[hbm:s22], [sflag:s11] =	dma.local [spmem:s23], $0x480  }
0xd3: {  	_ =	swait.ge [sflag:s26], $0x480  }
0xd4: {  	[sflag:s26] =	ssyncset.done $0x0  }
0xd5: {  	s25 =	rddreg [dreg:$0x1b];
	[sflag:s26] =	ssyncadd.s32 $0xFFFFFB80  }
0xd6: {  	[hbm:s25], [sflag:s11] =	dma.local [spmem:s24], $0x800  }
0xd7: {  	_ =	swait.ge [sflag:s26], $0x800  }
0xd8: {  	s20 =	sadd.s32 $0x1, s20;
	s30 =	rddreg [dreg:$0x1c]  }
0xd9: {  	p0 =	sne.s32 s20, s30  }
.Ltmp1:
0xda: {  	_ = 	snop;
	(pc) =	sbr.rel @p0 .LBB2_1-.Ltmp1, $3  }
0xdb: {  	_ =	sdelay $0x1  }
0xdc: {  	[sflag:s26] =	ssyncset.done $0x0  }
0xdd: {  	[sflag:s26] =	ssyncadd.s32 $0xFFFFF800  }
0xde: {  	_ =	sfence.sel $0x180000  }
0xdf: {  	[bflag:$0x0] =	sbarrier.arrive $0xFFFF  }
0xe0: {  	_ =	strace $0x9000004A  }
0xe1: {  	s0 =	stileid.u32;
	[bflag:$0x2] =	sbarrier.arrive $0xFFFF  }
0xe2: {  	p0 =	sne.s32 s0, $0x0;
	s0 =	rddreg [dreg:$0x8]  }
0xe3: {  	s0 =	sadd.s32 @!p0 $0x100000, s0  }
0xe4: {  	[sflag:s0] =	ssyncadd.tile.s32 @!p0 $0x1;
	_ =	shalt  }
.Lfunc_end2:
_tile_overlayer_lowered:
.L_overlay_start_2:
0xe5: {  	(tag) =	ssettag $0x2  }
0xe6: {  	s0 =	rddreg [dreg:$0x0];
	s2 =	stileid.u32  }
0xe7: {  	s1 =	rddreg [dreg:$0x1];
	p0 =	sne.s32 s2, $0x0  }
0xe8: {  	s3 =	rddreg [dreg:$0x2];
	[bflag:$0x3] =	sbarrier.arrive $0xFFFF;
	s2 =	simm.s32 @!p0 $0x1C0B  }
0xe9: {  	[timem:s3], [sflag:s2] =	dma.local @!p0 [hbm:s0], s1  }
0xea: {  	s0 =	simm.s32 @!p0 $0xB  }
0xeb: {  	_ =	swait.ge @!p0 [sflag:s0], s1  }
0xec: {  	s1 =	ssub.s32 @!p0 $0x0, s1;
	[sflag:s0] =	ssyncset.done @!p0 $0x0  }
0xed: {  	[sflag:s0] =	ssyncadd.s32 @!p0 s1  }
0xee: {  	[bflag:$0x3] =	sbarrier.arrive $0xFFFF  }
0xef: {  	_ =	shalt  }

// kernel: kernel.7.cloned.1.call-start
scs
__scs_entry_jumppad:
0x0: {  	(pc) =	sbr.rel $0x88, $3  }
0x1: {  	(tag) =	ssettag $0x0;
	lr =	simm.s32 $0x1  }
0x2: {  	[smem:$0x3F97] =	sst lr;
	_ =	strace $0xD0000000  }
0x3: {  	_ = 	snop  }
0x4: {  	_ = 	snop  }
0x5: {  	_ = 	snop  }
0x6: {  	_ = 	snop  }
0x7: {  	_ = 	snop  }
__scs_overlays_trampoline_lowered:
0x8: {  	[smem:$0x3FA6] =	sst s0  }
0x9: {  	[smem:$0x3FA7] =	sst s1  }
0xa: {  	[smem:$0x3FA8] =	sst s2  }
0xb: {  	[smem:$0x3FA9] =	sst s3  }
0xc: {  	[smem:$0x3FAA] =	sst s4  }
0xd: {  	[smem:$0x3FAB] =	sst s5  }
0xe: {  	[smem:$0x3FAC] =	sst s6  }
0xf: {  	[smem:$0x3FAD] =	sst s7  }
0x10: {  	[smem:$0x3FAE] =	sst s8  }
0x11: {  	[smem:$0x3FAF] =	sst s9;
	s0 =	simm.s32 @!p0 $0x0  }
0x12: {  	s1 =	sld [smem:$0x3F95];
	s0 =	simm.s32 @p0 $0x1  }
0x13: {  	[smem:$0x3FB0] =	sst s0;
	s0 =	simm.s32 @!p1 $0x0  }
0x14: {  	s2 =	sld [smem:$0x3F94];
	s0 =	simm.s32 @p1 $0x1  }
0x15: {  	[smem:$0x3FB1] =	sst s0;
	s0 =	simm.s32 @!p2 $0x0  }
0x16: {  	s3 =	sld [smem:$0x3FDB];
	s0 =	simm.s32 @p2 $0x1  }
0x17: {  	s4 =	simm.s32 $0x1BF5;
	[smem:$0x3FB3] =	sst s0  }
0x18: {  	s0 =	sld [smem:$0x3F96];
	_ =	swait.ge [sflag:s4], $0x0  }
0x19: {  	s7 =	sld [smem:$0x3F97]  }
0x1a: {  	s8 =	sadd.s32 $0xFFFFE003, lr  }
0x1b: {  	s9 =	sadd.s32 $0xFFFFFEF7, lr;
	s5 =	simm.s32 $0xFFFFFFFF;
	p2 =	slt.u32 s8, $0xFFFFF086  }
0x1c: {  	p1 =	slt.u32 s9, $0xF7A;
	s5 =	simm.s32 @!p2 $0x0  }
0x1d: {  	s5 =	simm.s32 @p1 $0x1;
	p0 =	seq.s32 s7, s2  }
0x1e: {  	s7 =	smul.u32 @!p0 $0xF7A, s2;
	p2 =	seq.s32 @!p0 s5, $0x0  }
0x1f: {  	s9 =	smul.u32 $0xF7A, s1;
	s8 =	simm.s32 @!p0 $0x1BF5;
	p2 =	por !p2, p0  }
0x20: {  	[sflag:s8] =	ssyncset.s32 @!p0 $0xFFFFF086;
	s6 =	sadd.s32 @!p0 s3, s7;
	s7 =	simm.s32 @!p0 $0x108  }
0x21: {  	s3 =	sadd.s32 s3, s9;
	s6 =	sadd.s32 @!p0 $0x88, s6;
	s7 =	simm.s32 @p2 $0x1082  }
0x22: {  	[simem:s7], [sflag:s8] =	dma.local @!p0 [hbm:s6], $0xF7A  }
0x23: {  	s9 =	sor.u32 $0xD0000000, s2;
	s6 =	simm.s32 $0x108;
	_ =	swait.ge @!p0 [sflag:s8], $0x0  }
0x24: {  	s3 =	sadd.s32 $0x88, s3;
	s6 =	simm.s32 @!p1 $0x1082;
	[sflag:s4] =	ssyncset.s32 $0xFFFFF086  }
0x25: {  	[simem:s6], [sflag:s4] =	dma.local [hbm:s3], $0xF7A  }
0x26: {  	[smem:$0x3F97] =	sst s1;
	(tag) =	ssettag s2;
	_ =	strace s9  }
0x27: {  	s1 =	sld [smem:$0x3FA7]  }
0x28: {  	s2 =	sld [smem:$0x3FA8]  }
0x29: {  	s4 =	sld [smem:$0x3FAA]  }
0x2a: {  	p0 =	seq.s32 s5, $0x0;
	s5 =	sld [smem:$0x3FAB]  }
0x2b: {  	s6 =	sld [smem:$0x3FAC]  }
0x2c: {  	s7 =	sld [smem:$0x3FAD]  }
0x2d: {  	s3 =	simm.s32 $0x108;
	s8 =	sld [smem:$0x3FAE]  }
0x2e: {  	s3 =	simm.s32 @!p0 $0x1082;
	s9 =	sld [smem:$0x3FAF]  }
0x2f: {  	lr =	sadd.s32 s0, s3;
	s0 =	sld [smem:$0x3FA6]  }
0x30: {  	s3 =	sld [smem:$0x3FA9]  }
0x31: {  	[smem:$0x3FB2] =	sst s10  }
0x32: {  	s10 =	sld [smem:$0x3FB0];
	_ =	sdelay $0x3  }
0x33: {  	p0 =	seq.s32 s10, $0x1;
	s10 =	sld [smem:$0x3FB2];
	_ =	sdelay $0x3  }
0x34: {  	[smem:$0x3FB2] =	sst s10  }
0x35: {  	s10 =	sld [smem:$0x3FB1];
	_ =	sdelay $0x3  }
0x36: {  	p1 =	seq.s32 s10, $0x1;
	s10 =	sld [smem:$0x3FB2];
	_ =	sdelay $0x3  }
0x37: {  	[smem:$0x3FB2] =	sst s10  }
0x38: {  	s10 =	sld [smem:$0x3FB3]  }
0x39: {  	_ = 	snop;
	(pc) =	sbr.ind lr, $3  }
0x3a: {  	_ = 	snop  }
0x3b: {  	_ = 	snop  }
0x3c: {  	p2 =	seq.s32 s10, $0x1;
	s10 =	sld [smem:$0x3FB2]  }
0x3d: {  	_ =	shalt  }
0x3e: {  	_ =	shalt  }
0x3f: {  	_ =	shalt  }
0x40: {  	_ =	shalt  }
0x41: {  	_ =	shalt  }
0x42: {  	_ =	shalt  }
0x43: {  	_ =	shalt  }
0x44: {  	_ =	shalt  }
0x45: {  	_ =	shalt  }
0x46: {  	_ =	shalt  }
0x47: {  	_ =	shalt  }
0x48: {  	_ =	shalt  }
0x49: {  	_ =	shalt  }
0x4a: {  	_ =	shalt  }
0x4b: {  	_ =	shalt  }
0x4c: {  	_ =	shalt  }
0x4d: {  	_ =	shalt  }
0x4e: {  	_ =	shalt  }
0x4f: {  	_ =	shalt  }
0x50: {  	_ =	shalt  }
0x51: {  	_ =	shalt  }
0x52: {  	_ =	shalt  }
0x53: {  	_ =	shalt  }
0x54: {  	_ =	shalt  }
0x55: {  	_ =	shalt  }
0x56: {  	_ =	shalt  }
0x57: {  	_ =	shalt  }
0x58: {  	_ =	shalt  }
0x59: {  	_ =	shalt  }
0x5a: {  	_ =	shalt  }
0x5b: {  	_ =	shalt  }
0x5c: {  	_ =	shalt  }
0x5d: {  	_ =	shalt  }
0x5e: {  	_ =	shalt  }
0x5f: {  	_ =	shalt  }
0x60: {  	_ =	shalt  }
0x61: {  	_ =	shalt  }
0x62: {  	_ =	shalt  }
0x63: {  	_ =	shalt  }
0x64: {  	_ =	shalt  }
0x65: {  	_ =	shalt  }
0x66: {  	_ =	shalt  }
0x67: {  	_ =	shalt  }
0x68: {  	_ =	shalt  }
0x69: {  	_ =	shalt  }
0x6a: {  	_ =	shalt  }
0x6b: {  	_ =	shalt  }
0x6c: {  	_ =	shalt  }
0x6d: {  	_ =	shalt  }
0x6e: {  	_ =	shalt  }
0x6f: {  	_ =	shalt  }
0x70: {  	_ =	shalt  }
0x71: {  	_ =	shalt  }
0x72: {  	_ =	shalt  }
0x73: {  	_ =	shalt  }
0x74: {  	_ =	shalt  }
0x75: {  	_ =	shalt  }
0x76: {  	_ =	shalt  }
0x77: {  	_ =	shalt  }
0x78: {  	_ =	shalt  }
0x79: {  	_ =	shalt  }
0x7a: {  	_ =	shalt  }
0x7b: {  	_ =	shalt  }
0x7c: {  	_ =	shalt  }
0x7d: {  	_ =	shalt  }
0x7e: {  	_ =	shalt  }
0x7f: {  	_ =	shalt  }
0x80: {  	_ =	shalt  }
0x81: {  	_ =	shalt  }
0x82: {  	_ =	shalt  }
0x83: {  	_ =	shalt  }
0x84: {  	_ =	shalt  }
0x85: {  	_ =	shalt  }
0x86: {  	_ =	shalt  }
0x87: {  	_ =	shalt  }
.Lfunc_end0:
.L_simem_size_0:
called_computation_lowered:
.L_overlay_start_0:
0x88: {  	s2 =	sld [smem:$0x3FD9]  }
0x89: {  	s3 =	sld [smem:$0x3FFE];
	_ =	sdelay $0x1  }
0x8a: {  	s1 =	srdreg.scid  }
0x8b: {  	s0 =	sand.u32 $0x1, s1  }
0x8c: {  	s17 =	sshll.u32 s0, $0xA;
	s2 =	sadd.s32 s3, s2  }
0x8d: {  	s2 =	sadd.s32 s2, s17  }
0x8e: {  	[smem:$0x3FBE] =	sst s2  }
0x8f: {  	_ = 	snop  }
0x90: {  	s2 =	sld [smem:$0x3FC8]  }
0x91: {  	s18 =	sld [smem:$0x3FC7]  }
0x92: {  	s4 =	sld [smem:$0x3FC6];
	(tm) =	ssettm $0x1  }
0x93: {  	s5 =	sld [smem:$0x3FFB];
	_ =	sdelay $0x3  }
0x94: {  	_ =	strace s5  }
0x95: {  	s5 =	sld [smem:$0x3FFC];
	_ =	sdelay $0x3  }
0x96: {  	_ =	strace s5  }
0x97: {  	s5 =	sld [smem:$0x3FFD];
	_ =	sdelay $0x3  }
0x98: {  	_ =	strace s5  }
0x99: {  	_ =	strace $0x8FFFFFFF  }
0x9a: {  	s19 =	sld [smem:$0x3FDB];
	_ =	sdelay $0x1  }
0x9b: {  	s6 =	simm.s32 $_scs_section_size  }
0x9c: {  	s7 =	simm.s32 $_size__tile_overlayer_lowered;
	s8 =	simm.s32 $_tile_overlayer_lowered  }
0x9d: {  	s22 =	simm.s32 $0x1BFF;
	s21 =	sshll.u32 s8, $0x1;
	s5 =	sadd.s32 s6, s19  }
0x9e: {  	s9 =	simm.s32 $0x0;
	s20 =	sshll.u32 s7, $0x1;
	s7 =	sadd.s32 s21, s5  }
0x9f: {  	[timem:s9], [sflag:s22] =	dma.local [hbm:s7], s20  }
0xa0: {  	_ =	swait.ge [sflag:s22], s20  }
0xa1: {  	s6 =	ssub.s32 $0x0, s20;
	[sflag:s22] =	ssyncset.done $0x0  }
0xa2: {  	[sflag:s22] =	ssyncadd.s32 s6;
	_ =	sdelay $0x1  }
0xa3: {  	s23 =	simm.s32 $0x1B8B  }
0xa4: {  	_ =	swait.ge [sflag:s23], $0x1  }
0xa5: {  	[sflag:s23] =	ssyncset.done $0x0  }
0xa6: {  	s25 =	simm.s32 $0x1B8E;
	s24 =	sld [smem:$0x3FFE];
	[sflag:s23] =	ssyncadd.s32 $0xFFFFFFFF  }
0xa7: {  	s26 =	simm.s32 $execute0_lowered;
	[smem:$0x3FD2] =	sst s25  }
0xa8: {  	s7 =	sshll.u32 s26, $0x1;
	_ =	strace $0x80000046;
	[dreg:$0x1] =	wrdreg $0xFFFFFFFF  }
0xa9: {  	s28 =	simm.s32 $_size_execute0_lowered;
	s5 =	sadd.s32 s5, s7;
	[dreg:$0x0] =	wrdreg $0x0  }
0xaa: {  	s7 =	sshll.u32 s28, $0x1;
	[dreg:$0x2] =	wrdreg s5  }
0xab: {  	[dreg:$0x3] =	wrdreg s7  }
0xac: {  	[dreg:$0x4] =	wrdreg $0xC0  }
0xad: {  	_ =	task [dreg:s9], $0x5FFFF  }
0xae: {  	[dreg:$0x1] =	wrdreg $0xFFFFFFFF  }
0xaf: {  	[dreg:$0x0] =	wrdreg $0x60  }
0xb0: {  	[dreg:$0x2] =	wrdreg s24  }
0xb1: {  	[dreg:$0x3] =	wrdreg s2  }
0xb2: {  	[dreg:$0x4] =	wrdreg s18  }
0xb3: {  	[dreg:$0x5] =	wrdreg s4  }
0xb4: {  	[dreg:$0x6] =	wrdreg $0x103000  }
0xb5: {  	[dreg:$0x7] =	wrdreg $0x143000  }
0xb6: {  	[dreg:$0x8] =	wrdreg $0x183000  }
0xb7: {  	[dreg:$0x9] =	wrdreg $0x1A7000  }
0xb8: {  	[dreg:$0xa] =	wrdreg $0x9  }
0xb9: {  	_ =	task.clear_ibuf [dreg:s9], $0xBFFFF;
	_ =	strace $0x90000046  }
0xba: {  	s29 =	simm.s32 $0x9;
	_ =	strace $0x80000048  }
0xbb: {  	_ =	swait.ge [sflag:s29], $0x1  }
0xbc: {  	[sflag:s29] =	ssyncadd.s32 $0xFFFFFFFF  }
0xbd: {  	_ =	strace $0x90000048  }
0xbe: {  	_ =	sfence  }
0xbf: {  	s30 =	sld [smem:$0x0];
	_ =	sdelay $0x2  }
0xc0: {  	s31 =	sshll.u32 s1, $0xD;
	s1 =	sshrl.u32 s1, $0x2  }
0xc1: {  	s3 =	sand.u32 $0x4000, s31;
	s1 =	sadd.s32 s1, s30  }
0xc2: {  	s0 =	sor.u32 s3, s0;
	s1 =	sshll.u32 s1, $0x11  }
0xc3: {  	s0 =	sor.u32 s1, s0  }
0xc4: {  	s0 =	sadd.s32 $0x8F2B, s0  }
0xc5: {  	[sflag:s0] =	ssyncadd.remote.s32 $0x1  }
0xc6: {  	_ =	sfence.sel $0xFFFF  }
0xc7: {  	[dreg:$0x0] =	wrdreg $0xFFFFFFFF;
	(pc) =	sbr.abs _section_cstart, $3  }
0xc8: {  	[dreg:$0x1] =	wrdreg $0xFFFFFFFF  }
0xc9: {  	_ =	task.clear_ibuf [dreg:s9], $0x2FFFF;
	_ =	strace $0x9FFFFFFF  }
0xca: {  	(tm) =	ssettm $0x7FFFFFFF  }
0xcb: {  	_ =	shalt  }
tec
execute0_lowered:
.L_overlay_start_1:
0x0: {  	(tag) =	ssettag $0x1  }
0x1: {  	s8 =	rddreg [dreg:$0x0]  }
0x2: {  	s3 =	rddreg [dreg:$0x1]  }
0x3: {  	s0 =	rddreg [dreg:$0x2]  }
0x4: {  	s1 =	rddreg [dreg:$0x3]  }
0x5: {  	s2 =	rddreg [dreg:$0x5]  }
0x6: {  	s4 =	rddreg [dreg:$0x6]  }
0x7: {  	s5 =	rddreg [dreg:$0x7]  }
0x8: {  	s6 =	simm.s32 $0x0;
	s22 =	stileid.u32;
	[dreg:$0x9] =	wrdreg s1  }
0x9: {  	s7 =	srdreg.scid;
	s28 =	simm.s32 $0xC300;
	s1 =	rddreg [dreg:$0x4]  }
0xa: {  	s31 =	simm.s32 $0x400;
	s29 =	simm.s32 $0x4;
	[smem:$0x7FF] =	sst s6  }
0xb: {  	s9 =	sand.u32 $0x1, s7;
	s24 =	smul.u32 $0x13, s22;
	s12 =	sadd.s32 $0x273E00, s8  }
0xc: {  	s13 =	sshll.u32 s22, $0xB;
	s16 =	sadd.s32 $0x273600, s8;
	s17 =	smul.u32 $0x2400, s22  }
0xd: {  	s20 =	sshll.u32 s22, $0xE;
	_ =	strace $0x80000047;
	s10 =	sshll.u32 s9, $0x4  }
0xe: {  	s11 =	smul.u32 $0x130, s9;
	s15 =	sadd.s32 s13, s8;
	[dreg:$0xe] =	wrdreg s16  }
0xf: {  	s18 =	smul.u32 $0x24000, s9;
	s26 =	sshll.u32 s9, $0x12;
	s30 =	sadd.s32 s20, s1  }
0x10: {  	s9 =	ssub.s32 $0x2, s9;
	s13 =	sadd.s32 s12, s13;
	[dreg:$0xf] =	wrdreg s30  }
0x11: {  	s14 =	sor.u32 s22, s10;
	s21 =	sshrl.u32 s9, $0x1;
	[dreg:$0x10] =	wrdreg s13  }
0x12: {  	s23 =	sshrl.u32 s17, $0x3;
	s30 =	sadd.s32 s20, s5;
	s13 =	sadd.s32 $0x27BE00, s15  }
0x13: {  	s10 =	smin.u32 s14, $0x11;
	s7 =	sadd.s32 s24, s11;
	s25 =	smul.u32 $0x13, s14  }
0x14: {  	s18 =	sadd.s32 s17, s18;
	s9 =	ssub.s32 s9, s21;
	s21 =	sshll.u32 s22, $0x6  }
0x15: {  	s22 =	smul.u32 $0x9000, s22;
	s12 =	sadd.s32 s12, s23;
	[dreg:$0x14] =	wrdreg s30  }
0x16: {  	[dreg:$0x15] =	wrdreg s13;
	p0 =	slt.u32 s14, $0x11;
	s13 =	simm.s32 $0x14  }
0x17: {  	s17 =	simm.s32 $0xC000;
	s14 =	simm.s32 $0x2;
	[dreg:$0x11] =	wrdreg s12  }
0x18: {  	s16 =	sadd.s32 s10, s7;
	s18 =	sshrl.u32 s18, $0x3;
	[dreg:$0xa] =	wrdreg s17  }
0x19: {  	s13 =	simm.s32 @!p0 $0x13;
	s12 =	simm.s32 $0x1;
	s17 =	simm.s32 $0x7  }
0x1a: {  	s7 =	sshll.u32 s16, $0xC;
	s11 =	sadd.s32 s10, s25;
	s18 =	sadd.s32 s18, s8  }
0x1b: {  	s24 =	sshrl.u32 s22, $0x2;
	s25 =	sadd.s32 s20, s2;
	s16 =	sshll.u32 s16, $0x4  }
0x1c: {  	v0 =	vimm.s32 $0xEDCBA987;
	s22 =	simm.s32 $0xC180;
	[dreg:$0x16] =	wrdreg s13;
	s13 =	simm.s32 $0xC100  }
0x1d: {  	v1 =	vimm.s32 $0x65432100;
	v4 =	vimm.s32 $0x54321000;
	v5 =	vimm.s32 $0xE40000;
	s7 =	sadd.s32 s7, s8;
	s10 =	sshrl.u32 s11, $0x3;
	[dreg:$0x12] =	wrdreg s25  }
0x1e: {  	vm0 =	vcmask $0x300;
	v7 =	vimm.s32 $0xFFFFFFFF;
	v0 =	vunpack.c.l.s4.s8 v0;
	s11 =	sand.u32 $0x7, s11;
	s3 =	sadd.s32 s16, s3;
	[dreg:$0xd] =	wrdreg s22  }
0x1f: {  	v6 =	vimm.s32 $0x32100000;
	v8 =	vimm.s32 $0xBA987654;
	v9 =	vimm.s32 $0x7060504;
	s0 =	sadd.s32 s16, s0;
	s19 =	sadd.s32 s10, s8;
	[dreg:$0x18] =	wrdreg s3  }
0x20: {  	vm13 =	vcmask $0x3F30;
	vm14 =	vcmask $0x700;
	v3 =	vunpack.c.0.s8.s32 v0;
	s10 =	sor.u32 s20, s26;
	s26 =	sadd.s32 s24, s4;
	[dreg:$0x19] =	wrdreg s0  }
0x21: {  	v5 =	vunpack.c.l.s2.s4 v5;
	v8 =	vunpack.c.l.s4.s8 v8;
	v2 =	vmov s11;
	s20 =	simm.s32 $0xC200;
	s24 =	sadd.s32 $0x2B3E00, s18;
	s30 =	sadd.s32 $0x2480, s7  }
0x22: {  	s0 =	simm.s32 $0x800;
	s3 =	simm.s32 $0x4000;
	[dreg:$0x13] =	wrdreg s26;
	v0 =	vbroadcast v2, $0x0;
	v2 =	vand.u32 $0xF, v3;
	v3 =	vimm.s32 $0xDCBA9876  }
0x23: {  	vm15 =	vcmask $0xF00;
	v6 =	vunpack.c.l.s4.s8 v6;
	s7 =	simm.s32 $0x5;
	s11 =	simm.s32 $0x8000;
	[dreg:$0xc] =	wrdreg s20;
	v3 =	vunpack.c.l.s4.s8 v3  }
0x24: {  	v4 =	vunpack.c.l.s4.s8 v4;
	v5 =	vunpack.c.l.s4.s8 v5;
	v8 =	vunpack.c.0.s8.s32 v8;
	s18 =	simm.s32 $0x8;
	s10 =	sshrl.u32 s10, $0x3;
	[dreg:$0x1c] =	wrdreg s24  }
0x25: {  	v1 =	vunpack.c.l.s4.s8 v1;
	v6 =	vunpack.c.0.s8.s32 v6;
	s15 =	sadd.s32 $0x273400, s19;
	s19 =	simm.s32 $0xC080;
	[dreg:$0x1f] =	wrdreg s30;
	v3 =	vunpack.c.0.s8.s32 v3  }
0x26: {  	v4 =	vunpack.c.0.s8.s32 v4;
	v5 =	vunpack.c.0.s8.s32 v5;
	v8 =	vand.u32 $0xF, v8;
	s26 =	smax.u32 s9, $0x1;
	s20 =	simm.s32 $0xA;
	[dreg:$0x17] =	wrdreg s15  }
0x27: {  	v1 =	vunpack.c.0.s8.s32 v1;
	v6 =	vcombine.low v6, v8;
	s8 =	sadd.s32 s10, s8;
	s10 =	sor.u32 $0x1C0B, s21;
	[dreg:$0xb] =	wrdreg s19;
	v3 =	vand.u32 $0xF, v3  }
0x28: {  	v5 =	vand.u32 $0x3, v5;
	[dreg:$0x1e] =	wrdreg s26;
	s26 =	simm.s32 $0xB;
	s21 =	sadd.s32 $0x283E00, s8;
	v3 =	vcombine.low v4, v3;
	v4 =	vunpack.c.0.s8.s32 v9  }
0x29: {  	v1 =	vcombine.low v1, v2;
	v2 =	vsel vm0, $0x0, v7;
	s15 =	simm.s32 $0x3;
	s23 =	sadd.s32 $0x293E00, s8;
	[dreg:$0x1a] =	wrdreg s21;
	v9 =	vlaneseq.u32  }
0x2a: {  	s19 =	simm.s32 $0x9;
	s25 =	sadd.s32 $0x2A3E00, s8;
	[dreg:$0x1b] =	wrdreg s23;
	v8 =	vshrl.u32 v9, $0x3;
	v9 =	vimm.s32 $0xF;
	v4 =	vsel vm13, v4, v5  }
0x2b: {  	s8 =	simm.s32 $0x80;
	[dreg:$0x1d] =	wrdreg s25;
	s21 =	simm.s32 $0x0;
	v5 =	vsel vm14, $0x0, v7;
	v7 =	vsel vm15, $0x0, v7;
	v8 =	vmul.u32 $0xFFFFFFFF, v8  }
.LBB2_1:
0x2c: {  	s9 =	rddreg [dreg:$0xf]  }
0x2d: {  	s24 =	rddreg [dreg:$0x10];
	s16 =	sshrl.u32 s9, $0x3  }
0x2e: {  	[smem:$0x7FB] =	sst s16  }
0x2f: {  	[spmem:s16], [sflag:s10] =	dma.local [hbm:s24], $0x800  }
0x30: {  	_ =	swait.ge [sflag:s26], $0x800  }
0x31: {  	s25 =	rddreg [dreg:$0x12]  }
0x32: {  	[sflag:s26] =	ssyncset.done $0x0;
	s16 =	sshrl.u32 s25, $0x3  }
0x33: {  	[sflag:s26] =	ssyncadd.s32 $0xFFFFF800;
	[smem:$0x7FC] =	sst s16  }
0x34: {  	[spmem:s16], [sflag:s10] =	dma.local [hbm:s24], $0x800  }
0x35: {  	_ =	swait.ge [sflag:s26], $0x800  }
0x36: {  	s16 =	rddreg [dreg:$0x13]  }
0x37: {  	[sflag:s26] =	ssyncset.done $0x0;
	s23 =	rddreg [dreg:$0x11];
	s22 =	sshrl.u32 s16, $0x3  }
0x38: {  	[sflag:s26] =	ssyncadd.s32 $0xFFFFF800;
	[smem:$0x7FD] =	sst s22  }
0x39: {  	[spmem:s22], [sflag:s10] =	dma.local [hbm:s23], $0x480  }
0x3a: {  	_ =	swait.ge [sflag:s26], $0x480  }
0x3b: {  	[sflag:s26] =	ssyncset.done $0x0;
	s24 =	rddreg [dreg:$0x14]  }
0x3c: {  	s25 =	rddreg [dreg:$0x15];
	[sflag:s26] =	ssyncadd.s32 $0xFFFFFB80;
	s24 =	sshrl.u32 s24, $0x3  }
0x3d: {  	[spmem:s24], [sflag:s10] =	dma.local [hbm:s25], $0x800  }
0x3e: {  	_ =	swait.ge [sflag:s26], $0x800  }
0x3f: {  	[sflag:s26] =	ssyncset.done $0x0  }
0x40: {  	s16 =	rddreg [dreg:$0xe];
	[sflag:s26] =	ssyncadd.s32 $0xFFFFF800  }
0x41: {  	[tilespmem:s28], [sflag:$0xB] =	stream.linear.gather [hbm4b:s16+s6], $0x4000, $0x38;
	[tilespmem:$0x1AF00] =	vst v63  }
0x42: {  	_ =	swait.ge [sflag:s26], $0x4000  }
0x43: {  	s23 =	simm.s32 $0xC280;
	[sflag:s26] =	ssyncset.done $0x0  }
0x44: {  	s25 =	simm.s32 $0x6;
	s22 =	rddreg [dreg:$0x17];
	[sflag:s26] =	ssyncadd.s32 $0xFFFFC000  }
0x45: {  	[tilespmem:s23], [sflag:$0x6] =	stream.linear.gather [hbm4b:s22+s6], $0x10, $0x38;
	[tilespmem:$0x1AF00] =	vst v63  }
0x46: {  	_ =	swait.ge [sflag:s25], $0x10  }
0x47: {  	[sflag:s25] =	ssyncset.done $0x0  }
0x48: {  	[sflag:s25] =	ssyncadd.s32 $0xFFFFFFF0  }
0x49: {  	v10 =	vld [tilespmem:$0xC280]  }
0x4a: {  	[bflag:$0x0] =	sbarrier.arrive $0xFFFF  }
0x4b: {  	s25 =	rddreg [dreg:$0x19]  }
0x4c: {  	s30 =	rddreg [dreg:$0x18]  }
0x4d: {  	s9 =	rddreg [dreg:$0x1f]  }
0x4e: {  	s22 =	rddreg [dreg:$0x16];
	v10 =	vperm.xlane v10, v0  }
.LBB2_2:
0x4f: {  	s16 =	sadd.s32 $0xFFFFFF80, s9  }
0x50: {  	[tilespmem:s6], [sflag:$0x1] =	stream.strided.gather [hbm4b:s16+s31], $0x4000, s0, s31, $0x38;
	[tilespmem:$0x1AF00] =	vst v63  }
0x51: {  	_ = 	snop  }
0x52: {  	[tilespmem:s3], [sflag:$0x2] =	stream.strided.gather [hbm4b:s9+s31], $0x4000, s0, s31, $0x38;
	[tilespmem:$0x1AF00] =	vst v63  }
0x53: {  	s16 =	rddreg [dreg:$0xa]  }
0x54: {  	[tilespmem:s16], [sflag:$0x4] =	stream.linear.gather [hbm4b:s30+s6], $0x80, $0x38;
	[tilespmem:$0x1AF00] =	vst v63  }
0x55: {  	s23 =	rddreg [dreg:$0xb]  }
0x56: {  	[tilespmem:s23], [sflag:$0x5] =	stream.linear.gather [hbm4b:s25+s6], $0x80, $0x38;
	[tilespmem:$0x1AF00] =	vst v63  }
0x57: {  	_ =	swait.ge [sflag:s29], $0x80  }
0x58: {  	[sflag:s29] =	ssyncset.done $0x0  }
0x59: {  	[sflag:s29] =	ssyncadd.s32 $0xFFFFFF80  }
0x5a: {  	_ =	swait.ge [sflag:s7], $0x80  }
0x5b: {  	[sflag:s7] =	ssyncset.done $0x0  }
0x5c: {  	[sflag:s7] =	ssyncadd.s32 $0xFFFFFF80  }
0x5d: {  	v11 =	vld [tilespmem:$0xC080]  }
0x5e: {  	v13 =	vld [tilespmem:$0xC090]  }
0x5f: {  	v41 =	vld [tilespmem:$0xC0A0]  }
0x60: {  	v22 =	vld [tilespmem:$0xC010]  }
0x61: {  	v47 =	vld [tilespmem:$0xC0B0];
	_ =	sdelay $0x1  }
0x62: {  	v51 =	vld [tilespmem:$0xC020];
	v12 =	vperm.xlane v11, v1  }
0x63: {  	v40 =	vld [tilespmem:$0xC000];
	v15 =	vperm.xlane v13, v1;
	v18 =	vshll.u32 v11, $0xA;
	v42 =	vsub.s32 $0x1, v11  }
0x64: {  	v43 =	vsub.s32 v10, v11;
	v23 =	vperm.xlane v41, v1;
	v46 =	vshll.u32 v13, $0xA  }
0x65: {  	v24 =	vmul.u32 v22, v13;
	v25 =	vsub.s32 $0x1, v13;
	v27 =	vperm.xlane v47, v1  }
0x66: {  	v56 =	vsub.s32 $0x1, v41;
	v59 =	vshll.u32 v41, $0xA;
	v12 =	vand.u32 v2, v12  }
0x67: {  	v28 =	vmul.u32 v51, v41;
	v31 =	vsub.s32 $0x1, v47;
	v12 =	vadd.s32 v11, v12  }
0x68: {  	v18 =	vadd.s32 v40, v18;
	v21 =	vshll.u32 v42, $0xA;
	v14 =	vperm.xlane v12, v3  }
0x69: {  	v26 =	vshll.u32 v25, $0xA;
	v50 =	vmul.u32 $0x27100, v25;
	v15 =	vand.u32 v2, v15  }
0x6a: {  	v29 =	vshll.u32 v56, $0xA;
	v15 =	vadd.s32 v13, v15;
	v14 =	vand.u32 v5, v14  }
0x6b: {  	v63 =	vld [tilespmem:$0xC030];
	v54 =	vand.u32 v2, v27;
	v17 =	vperm.xlane v15, v3;
	v12 =	vadd.s32 v14, v12  }
0x6c: {  	v27 =	vadd.s32 v28, v29;
	v29 =	vld [tilespmem:$0xC0E0];
	v55 =	vadd.s32 v47, v54;
	v16 =	vperm.xlane v12, v6  }
0x6d: {  	v36 =	vmul.u32 $0x27100, v56;
	v58 =	vperm.xlane v55, v3;
	v17 =	vand.u32 v5, v17  }
0x6e: {  	v45 =	vand.u32 v2, v23;
	v15 =	vadd.s32 v17, v15;
	v16 =	vand.u32 v7, v16  }
0x6f: {  	v60 =	vand.u32 v5, v58;
	v20 =	vperm.xlane v15, v6;
	v12 =	vadd.s32 v16, v12  }
0x70: {  	v14 =	vmul.u32 v40, v11;
	v17 =	vmul.u32 $0x27100, v42;
	v19 =	vperm.xlane v12, v4  }
0x71: {  	v42 =	vmul.u32 v63, v47;
	v56 =	vperm.xlane v29, v1;
	v20 =	vand.u32 v7, v20  }
0x72: {  	v14 =	vadd.s32 v14, v21;
	v15 =	vadd.s32 v20, v15;
	v19 =	vand.u32 v8, v19  }
0x73: {  	v20 =	vadd.s32 v41, v45;
	v45 =	vshll.u32 v31, $0xA;
	v12 =	vadd.s32 v19, v12  }
0x74: {  	v44 =	vperm.xlane v15, v4;
	v19 =	vadd.s32 v12, v43;
	v12 =	vperm.xlane v12, v9  }
0x75: {  	v28 =	vld [tilespmem:$0xC0D0];
	v21 =	vadd.s32 v24, v26;
	v48 =	vperm.xlane v20, v3;
	v24 =	vadd.s32 v42, v45  }
0x76: {  	v11 =	vmul.u32 v11, v19;
	v19 =	vand.u32 v8, v44;
	v10 =	vadd.s32 v10, v12  }
0x77: {  	v15 =	vadd.s32 v19, v15;
	v12 =	vand.u32 v5, v48;
	v49 =	vsub.s32 v10, v13  }
0x78: {  	v12 =	vadd.s32 v12, v20;
	v11 =	vadd.s32 v17, v11;
	v17 =	vadd.s32 v22, v46  }
0x79: {  	v22 =	vld [tilespmem:$0xC0C0];
	v19 =	vadd.s32 v15, v49;
	v52 =	vperm.xlane v12, v6;
	v15 =	vperm.xlane v15, v9  }
0x7a: {  	v48 =	vperm.xlane v28, v1;
	v20 =	vadd.s32 v51, v59;
	v13 =	vmul.u32 v13, v19  }
0x7b: {  	v53 =	vand.u32 v7, v52;
	v10 =	vadd.s32 v15, v10;
	v15 =	vadd.s32 v60, v55  }
0x7c: {  	v46 =	vld [tilespmem:$0xC040];
	v13 =	vadd.s32 v50, v13;
	v12 =	vadd.s32 v53, v12;
	v61 =	vsub.s32 v10, v41  }
0x7d: {  	v35 =	vperm.xlane v15, v6;
	v50 =	vand.u32 v2, v48;
	v57 =	vperm.xlane v12, v4  }
0x7e: {  	v30 =	vperm.xlane v22, v1;
	v51 =	vshll.u32 v22, $0xA;
	v23 =	vadd.s32 v28, v50  }
0x7f: {  	v45 =	vld [tilespmem:$0xC060];
	v33 =	vsub.s32 $0x1, v22;
	v50 =	vshll.u32 v29, $0xA;
	v37 =	vand.u32 v7, v35  }
0x80: {  	v53 =	vperm.xlane v23, v3;
	v58 =	vmul.u32 $0x27100, v33;
	v25 =	vand.u32 v8, v57  }
0x81: {  	v38 =	vand.u32 v2, v30;
	v15 =	vadd.s32 v37, v15;
	v30 =	vadd.s32 v46, v51  }
0x82: {  	v57 =	vshll.u32 v33, $0xA;
	v51 =	vsub.s32 $0x1, v29;
	v12 =	vadd.s32 v25, v12  }
0x83: {  	v34 =	vld [tilespmem:$0xC050];
	v39 =	vadd.s32 v22, v38;
	v40 =	vperm.xlane v15, v4;
	v54 =	vand.u32 v5, v53  }
0x84: {  	v53 =	vmul.u32 v45, v29;
	v62 =	vadd.s32 v12, v61;
	v12 =	vperm.xlane v12, v9  }
0x85: {  	v33 =	vld [tilespmem:$0xC0F0];
	v26 =	vperm.xlane v39, v3;
	v16 =	vmul.u32 v41, v62;
	v41 =	vshll.u32 v47, $0xA  }
0x86: {  	v19 =	vand.u32 v8, v40;
	v62 =	vshll.u32 v28, $0xA;
	v10 =	vadd.s32 v12, v10  }
0x87: {  	v43 =	vand.u32 v5, v26;
	v15 =	vadd.s32 v19, v15;
	v25 =	vadd.s32 v63, v41  }
0x88: {  	[tilespmem:$0xC200] =	vst v11;
	v26 =	vmul.u32 v46, v22;
	v11 =	vadd.s32 v34, v62;
	v12 =	vadd.s32 v43, v39  }
0x89: {  	v16 =	vadd.s32 v36, v16;
	v44 =	vsub.s32 v10, v47;
	v32 =	vperm.xlane v12, v6  }
0x8a: {  	v36 =	vsub.s32 $0x1, v28;
	[tilespmem:$0xC150] =	vst v11;
	v11 =	vshll.u32 v51, $0xA;
	v62 =	vsub.s32 $0x1, v33  }
0x8b: {  	v19 =	vadd.s32 v15, v44;
	v15 =	vperm.xlane v15, v9;
	v49 =	vand.u32 v7, v32  }
0x8c: {  	v26 =	vadd.s32 v26, v57;
	v38 =	vshll.u32 v36, $0xA;
	v12 =	vadd.s32 v49, v12  }
0x8d: {  	v11 =	vadd.s32 v53, v11;
	v19 =	vmul.u32 v47, v19;
	v52 =	vperm.xlane v12, v4  }
0x8e: {  	v47 =	vmul.u32 $0x27100, v31;
	v10 =	vadd.s32 v15, v10;
	v15 =	vadd.s32 v54, v23  }
0x8f: {  	v23 =	vand.u32 v2, v56;
	v35 =	vperm.xlane v15, v6;
	v31 =	vand.u32 v8, v52  }
0x90: {  	v55 =	vsub.s32 v10, v22;
	v23 =	vadd.s32 v29, v23;
	v12 =	vadd.s32 v31, v12  }
0x91: {  	[tilespmem:$0xC100] =	vst v18;
	v61 =	vperm.xlane v23, v3;
	v59 =	vand.u32 v7, v35;
	v31 =	vadd.s32 v12, v55  }
0x92: {  	[tilespmem:$0xC1A0] =	vst v27;
	v35 =	vperm.xlane v33, v1;
	v15 =	vadd.s32 v59, v15;
	v22 =	vmul.u32 v22, v31  }
0x93: {  	[tilespmem:$0xC180] =	vst v14;
	v32 =	vmul.u32 v34, v28;
	v54 =	vmul.u32 $0x27100, v51;
	v63 =	vperm.xlane v15, v4  }
0x94: {  	[tilespmem:$0xC190] =	vst v21;
	v39 =	vand.u32 v2, v35;
	v60 =	vadd.s32 v58, v22;
	v22 =	vand.u32 v5, v61  }
0x95: {  	[tilespmem:$0xC210] =	vst v13;
	v12 =	vperm.xlane v12, v9;
	v13 =	vadd.s32 v33, v39;
	v22 =	vadd.s32 v22, v23  }
0x96: {  	[tilespmem:$0xC1B0] =	vst v24;
	v34 =	vand.u32 v8, v63;
	v42 =	vperm.xlane v13, v3;
	v37 =	vperm.xlane v22, v6  }
0x97: {  	[tilespmem:$0xC110] =	vst v17;
	v56 =	vadd.s32 v45, v50;
	v19 =	vadd.s32 v47, v19;
	v15 =	vadd.s32 v34, v15  }
0x98: {  	[tilespmem:$0xC120] =	vst v20;
	v10 =	vadd.s32 v12, v10;
	v46 =	vand.u32 v5, v42;
	v17 =	vand.u32 v7, v37  }
0x99: {  	[tilespmem:$0xC140] =	vst v30;
	v41 =	vperm.xlane v15, v9;
	v13 =	vadd.s32 v46, v13;
	v17 =	vadd.s32 v17, v22  }
0x9a: {  	[tilespmem:$0xC130] =	vst v25;
	v40 =	vsub.s32 v10, v28;
	v49 =	vperm.xlane v13, v6;
	v44 =	vperm.xlane v17, v4  }
0x9b: {  	[tilespmem:$0xC220] =	vst v16;
	v47 =	vmul.u32 $0x27100, v36;
	v52 =	vld [tilespmem:$0xC070];
	v63 =	vshll.u32 v62, $0xA;
	v43 =	vadd.s32 v15, v40  }
0x9c: {  	[tilespmem:$0xC230] =	vst v19;
	v10 =	vadd.s32 v41, v10;
	v19 =	vand.u32 v7, v49;
	v15 =	vand.u32 v8, v44  }
0x9d: {  	[tilespmem:$0xC1C0] =	vst v26;
	v48 =	vsub.s32 v10, v29;
	v13 =	vadd.s32 v19, v13;
	v15 =	vadd.s32 v15, v17  }
0x9e: {  	[tilespmem:$0xC1E0] =	vst v11;
	v55 =	vperm.xlane v13, v4;
	v17 =	vadd.s32 v15, v48;
	v15 =	vperm.xlane v15, v9  }
0x9f: {  	[tilespmem:$0xC160] =	vst v56;
	v12 =	vadd.s32 v32, v38;
	v58 =	vshll.u32 v33, $0xA;
	v14 =	vmul.u32 v28, v43  }
0xa0: {  	[tilespmem:$0xC1D0] =	vst v12;
	v11 =	vmul.u32 v52, v33;
	v59 =	vand.u32 v8, v55;
	v10 =	vadd.s32 v15, v10  }
0xa1: {  	[tilespmem:$0xC240] =	vst v60;
	v14 =	vadd.s32 v47, v14;
	v13 =	vadd.s32 v59, v13;
	v61 =	vsub.s32 v10, v33  }
0xa2: {  	v60 =	vadd.s32 v52, v58;
	[tilespmem:$0xC250] =	vst v14;
	v17 =	vmul.u32 v29, v17;
	v14 =	vadd.s32 v13, v61  }
0xa3: {  	[tilespmem:$0xC170] =	vst v60;
	v11 =	vadd.s32 v11, v63;
	v15 =	vmul.u32 $0x27100, v62;
	v14 =	vmul.u32 v33, v14  }
0xa4: {  	[tilespmem:$0xC1F0] =	vst v11;
	v57 =	vadd.s32 v54, v17  }
0xa5: {  	[tilespmem:$0xC260] =	vst v57;
	v11 =	vadd.s32 v15, v14  }
0xa6: {  	[tilespmem:$0xC270] =	vst v11;
	(ifvalue) =	ssetifvalue $0x27100  }
0xa7: {  	(ifvalue) =	ssetifvalue $0x27100;
	s16 =	rddreg [dreg:$0x9]  }
0xa8: {  	s23 =	rddreg [dreg:$0xc]  }
0xa9: {  	[tilespmem:s11], [sflag:$0x3] =	stream.indirect.gather [hbm4b:s16+s8], $0x80, s23, s8, $0x40b8;
	[tilespmem:$0x1AF00] =	vst v63  }
0xaa: {  	_ =	swait.ge [sflag:s12], $0x4000  }
0xab: {  	[sflag:s12] =	ssyncset.done $0x0  }
0xac: {  	[sflag:s12] =	ssyncadd.s32 $0xFFFFC000  }
0xad: {  	[spmem:s1] =	stream.indirect.scatter.add.f32 [tilespmem:s6], [sflag:$0x7], $0x80, s13, s8, $0xb8;
	[tilespmem:$0x1AF00] =	vst v63  }
0xae: {  	_ =	swait.ge [sflag:s14], $0x4000  }
0xaf: {  	[sflag:s14] =	ssyncset.done $0x0  }
0xb0: {  	[sflag:s14] =	ssyncadd.s32 $0xFFFFC000  }
0xb1: {  	[spmem:s2] =	stream.indirect.scatter.add.f32 [tilespmem:s3], [sflag:$0x8], $0x80, s13, s8, $0xb8;
	[tilespmem:$0x1AF00] =	vst v63  }
0xb2: {  	_ = 	snop  }
0xb3: {  	[spmem:s5] =	stream.indirect.scatter.add.f32 [tilespmem:s28], [sflag:$0x9], $0x10, s13, s8, $0xb8;
	[tilespmem:$0x1AF00] =	vst v63  }
0xb4: {  	_ =	swait.ge [sflag:s15], $0x4000  }
0xb5: {  	[sflag:s15] =	ssyncset.done $0x0  }
0xb6: {  	[sflag:s15] =	ssyncadd.s32 $0xFFFFC000;
	(ifvalue) =	ssetifvalue $0x400;
	s23 =	rddreg [dreg:$0xd]  }
0xb7: {  	[spmem:s4] =	stream.indirect.scatter.add.f32 [tilespmem:s11], [sflag:$0xA], $0x80, s23, s8, $0x40b8;
	[tilespmem:$0x1AF00] =	vst v63  }
0xb8: {  	_ =	swait.ge [sflag:s17], $0x4000  }
0xb9: {  	[sflag:s17] =	ssyncset.done $0x0  }
0xba: {  	[sflag:s17] =	ssyncadd.s32 $0xFFFFC000  }
0xbb: {  	_ =	swait.ge [sflag:s18], $0x4000  }
0xbc: {  	[sflag:s18] =	ssyncset.done $0x0  }
0xbd: {  	[sflag:s18] =	ssyncadd.s32 $0xFFFFC000  }
0xbe: {  	p0 =	sne.s32 s22, $0x1;
	_ =	swait.ge [sflag:s19], $0x800  }
.Ltmp0:
0xbf: {  	[sflag:s19] =	ssyncset.done $0x0;
	(pc) =	sbr.rel @p0 .LBB2_2-.Ltmp0, $4  }
0xc0: {  	[sflag:s19] =	ssyncadd.s32 $0xFFFFF800  }
0xc1: {  	v11 =	vperm.xlane v13, v9;
	_ =	swait.ge [sflag:s20], $0x4000  }
0xc2: {  	s22 =	sadd.s32 $0xFFFFFFFF, s22;
	s9 =	sadd.s32 $0x1000, s9;
	[sflag:s20] =	ssyncset.done $0x0  }
0xc3: {  	s30 =	sadd.s32 $0x10, s30;
	s25 =	sadd.s32 $0x10, s25;
	v10 =	vadd.s32 v11, v10;
	[sflag:s20] =	ssyncadd.s32 $0xFFFFC000  }
0xc4: {  	[bflag:$0x0] =	sbarrier.arrive $0xFFFF  }
0xc5: {  	s16 =	sld [smem:$0x7FB];
	_ =	sdelay $0x1  }
0xc6: {  	s9 =	rddreg [dreg:$0x1a]  }
0xc7: {  	[hbm:s9], [sflag:s10] =	dma.local [spmem:s16], $0x800  }
0xc8: {  	_ =	swait.ge [sflag:s26], $0x800  }
0xc9: {  	s30 =	sld [smem:$0x7FC]  }
0xca: {  	[sflag:s26] =	ssyncset.done $0x0  }
0xcb: {  	s25 =	rddreg [dreg:$0x1b];
	[sflag:s26] =	ssyncadd.s32 $0xFFFFF800  }
0xcc: {  	[hbm:s25], [sflag:s10] =	dma.local [spmem:s30], $0x800  }
0xcd: {  	_ =	swait.ge [sflag:s26], $0x800  }
0xce: {  	s23 =	sld [smem:$0x7FD]  }
0xcf: {  	[sflag:s26] =	ssyncset.done $0x0  }
0xd0: {  	s22 =	rddreg [dreg:$0x1c];
	[sflag:s26] =	ssyncadd.s32 $0xFFFFF800  }
0xd1: {  	[hbm:s22], [sflag:s10] =	dma.local [spmem:s23], $0x480  }
0xd2: {  	_ =	swait.ge [sflag:s26], $0x480  }
0xd3: {  	[sflag:s26] =	ssyncset.done $0x0  }
0xd4: {  	s25 =	rddreg [dreg:$0x1d];
	[sflag:s26] =	ssyncadd.s32 $0xFFFFFB80  }
0xd5: {  	[hbm:s25], [sflag:s10] =	dma.local [spmem:s24], $0x800  }
0xd6: {  	_ =	swait.ge [sflag:s26], $0x800  }
0xd7: {  	s21 =	sadd.s32 $0x1, s21;
	s30 =	rddreg [dreg:$0x1e]  }
0xd8: {  	p0 =	sne.s32 s21, s30  }
.Ltmp1:
0xd9: {  	_ = 	snop;
	(pc) =	sbr.rel @p0 .LBB2_1-.Ltmp1, $3  }
0xda: {  	_ =	sdelay $0x1  }
0xdb: {  	[sflag:s26] =	ssyncset.done $0x0  }
0xdc: {  	[sflag:s26] =	ssyncadd.s32 $0xFFFFF800  }
0xdd: {  	_ =	sfence.sel $0x180000  }
0xde: {  	[bflag:$0x0] =	sbarrier.arrive $0xFFFF  }
0xdf: {  	_ =	strace $0x90000047  }
0xe0: {  	s0 =	stileid.u32;
	[bflag:$0x2] =	sbarrier.arrive $0xFFFF  }
0xe1: {  	p0 =	sne.s32 s0, $0x0;
	s0 =	rddreg [dreg:$0x8]  }
0xe2: {  	s0 =	sadd.s32 @!p0 $0x100000, s0  }
0xe3: {  	[sflag:s0] =	ssyncadd.tile.s32 @!p0 $0x1;
	_ =	shalt  }
.Lfunc_end2:
_tile_overlayer_lowered:
.L_overlay_start_2:
0xe4: {  	(tag) =	ssettag $0x2  }
0xe5: {  	s0 =	rddreg [dreg:$0x0];
	s2 =	stileid.u32  }
0xe6: {  	s1 =	rddreg [dreg:$0x1];
	p0 =	sne.s32 s2, $0x0  }
0xe7: {  	s3 =	rddreg [dreg:$0x2];
	[bflag:$0x3] =	sbarrier.arrive $0xFFFF;
	s2 =	simm.s32 @!p0 $0x1C0B  }
0xe8: {  	[timem:s3], [sflag:s2] =	dma.local @!p0 [hbm:s0], s1  }
0xe9: {  	s0 =	simm.s32 @!p0 $0xB  }
0xea: {  	_ =	swait.ge @!p0 [sflag:s0], s1  }
0xeb: {  	s1 =	ssub.s32 @!p0 $0x0, s1;
	[sflag:s0] =	ssyncset.done @!p0 $0x0  }
0xec: {  	[sflag:s0] =	ssyncadd.s32 @!p0 s1  }
0xed: {  	[bflag:$0x3] =	sbarrier.arrive $0xFFFF  }
0xee: {  	_ =	shalt  }

</sc_bundles>
